<compile_context>
chip_gen: v7x
topology: tpu7x:2x2x1
jax: 0.10.2.dev20260603
libtpu: 0.0.44.dev20260713+nightly
codegen_flags: <defaults>
</compile_context>

<pallas_src>
import jax
import jax.numpy as jnp
from jax import lax
from jax.experimental import pallas as pl
from jax.experimental.pallas import tpu as pltpu
from jax.experimental.pallas import tpu_sc as plsc

N = 10000
E = 320000
D = 128
NCLS = 10

_BN_N = 2000
_BN_E = 3200

_B = 80
_NSUB = 16
_EPW = E // _NSUB
_NHALF = N // 2
_ACC = _NHALF + 8
_SPT = 312
_ZR = 104



def _mm_call(x, w, b, bn):
    m = x.shape[0]
    k = w.shape[1]

    def body(x_ref, w_ref, b_ref, o_ref):
        acc = jnp.dot(x_ref[...], w_ref[...],
                      preferred_element_type=jnp.float32)
        o_ref[...] = acc + b_ref[...]

    return pl.pallas_call(
        body,
        grid=(m // bn,),
        in_specs=[
            pl.BlockSpec((bn, 128), lambda i: (i, 0)),
            pl.BlockSpec((128, k), lambda i: (0, 0)),
            pl.BlockSpec((1, k), lambda i: (0, 0)),
        ],
        out_specs=pl.BlockSpec((bn, k), lambda i: (i, 0)),
        out_shape=jax.ShapeDtypeStruct((m, k), jnp.float32),
    )(x, w, b)


def _mm4_call(x, w, b, bn):
    m = x.shape[0]

    def body(x_ref, w_ref, b_ref, o0, o1, o2, o3):
        acc = jnp.dot(x_ref[...], w_ref[...],
                      preferred_element_type=jnp.float32)
        acc = acc + b_ref[...]
        o0[...] = acc[:, 0:128]
        o1[...] = acc[:, 128:256]
        o2[...] = acc[:, 256:384]
        o3[...] = acc[:, 384:512]

    blk = pl.BlockSpec((bn, 128), lambda i: (i, 0))
    return pl.pallas_call(
        body,
        grid=(m // bn,),
        in_specs=[
            pl.BlockSpec((bn, 128), lambda i: (i, 0)),
            pl.BlockSpec((128, 512), lambda i: (0, 0)),
            pl.BlockSpec((1, 512), lambda i: (0, 0)),
        ],
        out_specs=[blk] * 4,
        out_shape=[jax.ShapeDtypeStruct((m, 128), jnp.float32)] * 4,
    )(x, w, b)



def _edge_body(ce_hbm, src_hbm, dst_hbm, dh_hbm, eh_hbm, bh_hbm,
               enew_hbm, num_hbm, den_hbm,
               sidx, didx, dloc, ce_v, dh_v, eh_v, bh_v, enew_v, msg_v,
               zbuf, sg_sem, acc):
    c = lax.axis_index("c")
    s = lax.axis_index("s")
    lo = c * _NHALF

    def zinit(i, carry):
        zbuf[i // 8, pl.ds((i % 8) * 16, 16)] = jnp.zeros((16,), jnp.float32)
        return carry

    lax.fori_loop(0, _ZR * 8, zinit, 0)

    def zero_acc():
        for r in range(_SPT // _ZR):
            pltpu.sync_copy(zbuf, acc.at[pl.ds(s * _SPT + r * _ZR, _ZR)])

        @pl.when(s == _NSUB - 1)
        def _():
            tail = _ACC - _NSUB * _SPT
            pltpu.sync_copy(zbuf.at[pl.ds(0, tail)],
                            acc.at[pl.ds(_NSUB * _SPT, tail)])

    def flush_acc(out_hbm):
        pltpu.sync_copy(acc.at[pl.ds(s * _SPT, _SPT)],
                        out_hbm.at[pl.ds(lo + s * _SPT, _SPT)])

        @pl.when(s == _NSUB - 1)
        def _():
            tail = _NHALF - _NSUB * _SPT
            pltpu.sync_copy(acc.at[pl.ds(_NSUB * _SPT, tail)],
                            out_hbm.at[pl.ds(lo + _NSUB * _SPT, tail)])

    def make_dloc():
        def adj(i, cy):
            sl = pl.ds(i * 16, 16)
            d = didx[sl]
            inr = (d >= lo) & (d < lo + _NHALF)
            dloc[sl] = jnp.where(inr, d - lo, _NHALF)
            return cy

        lax.fori_loop(0, _B // 16, adj, 0)

    zero_acc()
    plsc.subcore_barrier()

    def chunk1(k, carry):
        base = s * _EPW + k * _B
        pltpu.sync_copy(src_hbm.at[pl.ds(base, _B)], sidx)
        pltpu.sync_copy(dst_hbm.at[pl.ds(base, _B)], didx)
        pltpu.async_copy(dh_hbm.at[sidx], dh_v, sg_sem)
        pltpu.async_copy(eh_hbm.at[didx], eh_v, sg_sem)
        pltpu.async_copy(bh_hbm.at[sidx], bh_v, sg_sem)
        pltpu.sync_copy(ce_hbm.at[pl.ds(base, _B)], ce_v)
        make_dloc()
        pltpu.make_async_copy(dh_hbm.at[sidx], dh_v, sg_sem).wait()
        pltpu.make_async_copy(eh_hbm.at[didx], eh_v, sg_sem).wait()
        pltpu.make_async_copy(bh_hbm.at[sidx], bh_v, sg_sem).wait()

        def ew(r_, cy):
            for f in range(8):
                sl = pl.ds(f * 16, 16)
                x = ce_v[r_, sl] + dh_v[r_, sl] + eh_v[r_, sl]
                sg = 1.0 / (1.0 + jnp.exp(-x))
                enew_v[r_, sl] = x
                msg_v[r_, sl] = sg * bh_v[r_, sl]
            return cy

        lax.fori_loop(0, _B, ew, 0)
        pltpu.sync_copy(enew_v, enew_hbm.at[pl.ds(base, _B)])
        pltpu.sync_copy(msg_v, acc.at[dloc], add=True)
        return carry

    lax.fori_loop(0, _EPW // _B, chunk1, 0)
    plsc.subcore_barrier()
    flush_acc(num_hbm)
    zero_acc()
    plsc.subcore_barrier()

    def chunk2(k, carry):
        base = s * _EPW + k * _B
        pltpu.sync_copy(dst_hbm.at[pl.ds(base, _B)], didx)
        make_dloc()
        pltpu.sync_copy(enew_hbm.at[pl.ds(base, _B)], enew_v)

        def ew(i, cy):
            r_ = i // 8
            sl = pl.ds((i % 8) * 16, 16)
            msg_v[r_, sl] = 1.0 / (1.0 + jnp.exp(-enew_v[r_, sl]))
            return cy

        lax.fori_loop(0, _B * 8, ew, 0)
        pltpu.sync_copy(msg_v, acc.at[dloc], add=True)
        return carry

    lax.fori_loop(0, _EPW // _B, chunk2, 0)
    plsc.subcore_barrier()
    flush_acc(den_hbm)


def _edge_call(ce, src, dst, dh, eh, bh):
    f32 = jnp.float32
    mesh = plsc.VectorSubcoreMesh(core_axis_name="c", subcore_axis_name="s")
    kern = pl.kernel(
        _edge_body,
        out_type=[
            jax.ShapeDtypeStruct((E, 128), f32),
            jax.ShapeDtypeStruct((N, 128), f32),
            jax.ShapeDtypeStruct((N, 128), f32),
        ],
        scratch_types=[
            pltpu.VMEM((_B,), jnp.int32),
            pltpu.VMEM((_B,), jnp.int32),
            pltpu.VMEM((_B,), jnp.int32),
            pltpu.VMEM((_B, 128), f32),
            pltpu.VMEM((_B, 128), f32),
            pltpu.VMEM((_B, 128), f32),
            pltpu.VMEM((_B, 128), f32),
            pltpu.VMEM((_B, 128), f32),
            pltpu.VMEM((_B, 128), f32),
            pltpu.VMEM((_ZR, 128), f32),
            pltpu.SemaphoreType.DMA,
            pltpu.VMEM_SHARED((_ACC, 128), f32),
        ],
        mesh=mesh,
    )
    return kern(ce, src, dst, dh, eh, bh)



def _estats_call(enew, snorm_e):
    nb = E // _BN_E

    def body(y_ref, sn_ref, s_ref, q_ref):
        i = pl.program_id(0)
        y = y_ref[...] * sn_ref[...]

        @pl.when(i == 0)
        def _():
            s_ref[...] = jnp.zeros_like(s_ref)
            q_ref[...] = jnp.zeros_like(q_ref)

        s_ref[...] += jnp.sum(y, axis=0, keepdims=True)
        q_ref[...] += jnp.sum(y * y, axis=0, keepdims=True)

    return pl.pallas_call(
        body,
        grid=(nb,),
        in_specs=[
            pl.BlockSpec((_BN_E, 128), lambda i: (i, 0)),
            pl.BlockSpec((_BN_E, 1), lambda i: (i, 0)),
        ],
        out_specs=[pl.BlockSpec((1, 128), lambda i: (0, 0))] * 2,
        out_shape=[jax.ShapeDtypeStruct((1, 128), jnp.float32)] * 2,
    )(enew, snorm_e)


def _eapply_call(enew, snorm_e, e_in, s, q, gg, bb):
    nb = E // _BN_E

    def body(y_ref, sn_ref, ein_ref, s_ref, q_ref, g_ref, b_ref, o_ref):
        y = y_ref[...] * sn_ref[...]
        mu = s_ref[...] / E
        var = q_ref[...] / E - mu * mu
        xb = g_ref[...] * (y - mu) / jnp.sqrt(var + 1e-5) + b_ref[...]
        o_ref[...] = ein_ref[...] + jnp.maximum(xb, 0.0)

    return pl.pallas_call(
        body,
        grid=(nb,),
        in_specs=[
            pl.BlockSpec((_BN_E, 128), lambda i: (i, 0)),
            pl.BlockSpec((_BN_E, 1), lambda i: (i, 0)),
            pl.BlockSpec((_BN_E, 128), lambda i: (i, 0)),
            pl.BlockSpec((1, 128), lambda i: (0, 0)),
            pl.BlockSpec((1, 128), lambda i: (0, 0)),
            pl.BlockSpec((1, 128), lambda i: (0, 0)),
            pl.BlockSpec((1, 128), lambda i: (0, 0)),
        ],
        out_specs=pl.BlockSpec((_BN_E, 128), lambda i: (i, 0)),
        out_shape=jax.ShapeDtypeStruct((E, 128), jnp.float32),
    )(enew, snorm_e, e_in, s, q, gg, bb)


def _hnew_call(ah, num, den, snorm_n):
    nb = N // _BN_N

    def body(a_ref, n_ref, d_ref, sn_ref, hs_ref, s_ref, q_ref):
        i = pl.program_id(0)
        hs = (a_ref[...] + n_ref[...] / (d_ref[...] + 1e-6)) * sn_ref[...]
        hs_ref[...] = hs

        @pl.when(i == 0)
        def _():
            s_ref[...] = jnp.zeros_like(s_ref)
            q_ref[...] = jnp.zeros_like(q_ref)

        s_ref[...] += jnp.sum(hs, axis=0, keepdims=True)
        q_ref[...] += jnp.sum(hs * hs, axis=0, keepdims=True)

    blk = pl.BlockSpec((_BN_N, 128), lambda i: (i, 0))
    return pl.pallas_call(
        body,
        grid=(nb,),
        in_specs=[blk, blk, blk, pl.BlockSpec((_BN_N, 1), lambda i: (i, 0))],
        out_specs=[blk,
                   pl.BlockSpec((1, 128), lambda i: (0, 0)),
                   pl.BlockSpec((1, 128), lambda i: (0, 0))],
        out_shape=[jax.ShapeDtypeStruct((N, 128), jnp.float32),
                   jax.ShapeDtypeStruct((1, 128), jnp.float32),
                   jax.ShapeDtypeStruct((1, 128), jnp.float32)],
    )(ah, num, den, snorm_n)


def _happly_call(hs, h_in, s, q, gg, bb):
    nb = N // _BN_N

    def body(hs_ref, hin_ref, s_ref, q_ref, g_ref, b_ref, o_ref, cs_ref):
        i = pl.program_id(0)
        mu = s_ref[...] / N
        var = q_ref[...] / N - mu * mu
        xb = g_ref[...] * (hs_ref[...] - mu) / jnp.sqrt(var + 1e-5) + b_ref[...]
        out = hin_ref[...] + jnp.maximum(xb, 0.0)
        o_ref[...] = out

        @pl.when(i == 0)
        def _():
            cs_ref[...] = jnp.zeros_like(cs_ref)

        cs_ref[...] += jnp.sum(out, axis=0, keepdims=True)

    blk = pl.BlockSpec((_BN_N, 128), lambda i: (i, 0))
    one = pl.BlockSpec((1, 128), lambda i: (0, 0))
    return pl.pallas_call(
        body,
        grid=(nb,),
        in_specs=[blk, blk, one, one, one, one],
        out_specs=[blk, one],
        out_shape=[jax.ShapeDtypeStruct((N, 128), jnp.float32),
                   jax.ShapeDtypeStruct((1, 128), jnp.float32)],
    )(hs, h_in, s, q, gg, bb)


def _readout_call(hcolsum, w, b):
    def body(cs_ref, w_ref, b_ref, o_ref):
        hg = cs_ref[...] / N
        o_ref[...] = jnp.dot(hg, w_ref[...],
                             preferred_element_type=jnp.float32) + b_ref[...]

    return pl.pallas_call(
        body,
        out_shape=jax.ShapeDtypeStruct((1, NCLS), jnp.float32),
    )(hcolsum, w, b)



def kernel(h, e, edge_index, snorm_n, snorm_e, params, masks):
    src = edge_index[0]
    dst = edge_index[1]

    h = _mm_call(h, params["emb_h"]["W"] * masks["emb_h"],
                 params["emb_h"]["b"].reshape(1, 128), _BN_N)
    e = _mm_call(e, params["emb_e"]["W"] * masks["emb_e"],
                 params["emb_e"]["b"].reshape(1, 128), _BN_E)

    hcs = None
    for lp, lm in zip(params["layers"], masks["layers"]):
        w4 = jnp.concatenate([lp[k]["W"] * lm[k] for k in ("A", "B", "D", "E")],
                             axis=1)
        b4 = jnp.concatenate([lp[k]["b"] for k in ("A", "B", "D", "E")])
        ah, bht, dht, eht = _mm4_call(h, w4, b4.reshape(1, 512), _BN_N)

        ce = _mm_call(e, lp["C"]["W"] * lm["C"],
                      lp["C"]["b"].reshape(1, 128), _BN_E)

        enew, num, den = _edge_call(ce, src, dst, dht, eht, bht)

        es, eq = _estats_call(enew, snorm_e)
        e = _eapply_call(enew, snorm_e, e, es, eq,
                         lp["ge"].reshape(1, 128), lp["be"].reshape(1, 128))

        hs, hsum, hsq = _hnew_call(ah, num, den, snorm_n)
        h, hcs = _happly_call(hs, h, hsum, hsq,
                              lp["gh"].reshape(1, 128), lp["bh"].reshape(1, 128))

    return _readout_call(hcs, params["readout"]["W"],
                         params["readout"]["b"].reshape(1, NCLS))

# --- scband reference (transcript-rebuilt; emitter-appended) ---
"""Pipeline reference for scband-expander-gated-gcnnet-81149112091153 (READ-ONLY COPY).

The authoritative reference and input builder live on the scoring server;
editing this copy changes nothing except your own understanding.
"""

import jax, jax.numpy as jnp
import numpy as np

N = 10000
E = 320000
D = 128
NC = 10
L = 2


def _elin(x, p, m):
    # ExpanderLinearLayer: dense linear with a fixed binary sparsity mask on weights
    return x @ (p["W"] * m) + p["b"]


def _bn(x, g, b, eps=1e-5):
    mu = jnp.mean(x, axis=0)
    var = jnp.var(x, axis=0)
    return g * (x - mu) / jnp.sqrt(var + eps) + b


def _forward(h, e, snorm_n, snorm_e, params, edge_index, masks):
    src = edge_index[0]
    dst = edge_index[1]
    h = _elin(h, params["emb_h"], masks["emb_h"])
    e = _elin(e, params["emb_e"], masks["emb_e"])
    for lp, lm in zip(params["layers"], masks["layers"]):
        h_in = h
        e_in = e
        Ah = _elin(h, lp["A"], lm["A"])
        Bh = _elin(h, lp["B"], lm["B"])
        Dh = _elin(h, lp["D"], lm["D"])
        Eh = _elin(h, lp["E"], lm["E"])
        Ce = _elin(e, lp["C"], lm["C"])
        # message: e_ij = Ce + Dh_src + Eh_dst
        e = Ce + Dh[src] + Eh[dst]
        sigma = jax.nn.sigmoid(e)
        # reduce: h_i = Ah_i + sum_j sigma_ij * Bh_j / (sum_j sigma_ij + 1e-6)
        num = jax.ops.segment_sum(sigma * Bh[src], dst, num_segments=h.shape[0])
        den = jax.ops.segment_sum(sigma, dst, num_segments=h.shape[0]) + 1e-6
        h = Ah + num / den
        # graph norm
        h = h * snorm_n
        e = e * snorm_e
        # batch norm (training-mode statistics)
        h = _bn(h, lp["gh"], lp["bh"])
        e = _bn(e, lp["ge"], lp["be"])
        h = jax.nn.relu(h)
        e = jax.nn.relu(e)
        # residual
        h = h_in + h
        e = e_in + e
        # dropout p=0.0 -> no-op
    # mean_nodes readout (single graph) then linear classifier
    hg = jnp.mean(h, axis=0, keepdims=True)
    return hg @ params["readout"]["W"] + params["readout"]["b"]


def setup_inputs(seed: int = 0):
    key = jax.random.key(seed)
    ks = jax.random.split(key, 40)
    h = jax.random.normal(ks[0], (N, D), dtype=jnp.float32)
    e = jax.random.normal(ks[1], (E, D), dtype=jnp.float32)
    edge_index = jax.random.randint(ks[2], (2, E), 0, N, dtype=jnp.int32)
    snorm_n = jax.random.uniform(ks[3], (N, 1), dtype=jnp.float32)
    snorm_e = jax.random.uniform(ks[4], (E, 1), dtype=jnp.float32)

    def lin(k):
        return {"W": jax.random.normal(k, (D, D), dtype=jnp.float32) * 0.05,
                "b": jnp.zeros((D,), dtype=jnp.float32)}

    def mask(k):
        return jax.random.bernoulli(k, 0.5, (D, D))

    params = {"emb_h": lin(ks[5]), "emb_e": lin(ks[6]), "layers": [],
              "readout": {"W": jax.random.normal(ks[7], (D, NC), dtype=jnp.float32) * 0.05,
                          "b": jnp.zeros((NC,), dtype=jnp.float32)}}
    masks = {"emb_h": mask(ks[8]), "emb_e": mask(ks[9]), "layers": []}
    idx = 10
    for _ in range(L):
        lp = {}
        lm = {}
        for name in ["A", "B", "C", "D", "E"]:
            lp[name] = lin(ks[idx])
            lm[name] = mask(ks[idx + 1])
            idx += 2
        lp["gh"] = jnp.ones((D,), dtype=jnp.float32)
        lp["bh"] = jnp.zeros((D,), dtype=jnp.float32)
        lp["ge"] = jnp.ones((D,), dtype=jnp.float32)
        lp["be"] = jnp.zeros((D,), dtype=jnp.float32)
        params["layers"].append(lp)
        masks["layers"].append(lm)
    return {"h": h, "e": e, "edge_index": edge_index, "snorm_n": snorm_n,
            "snorm_e": snorm_e, "params": params, "masks": masks}


def reference(h, e, edge_index, snorm_n, snorm_e, params, masks):
    return _forward(h, e, snorm_n, snorm_e, params, edge_index, masks)

if __name__ == "__main__":
    import jax
    _d = setup_inputs()
    print(jax.jit(kernel)(*tuple(_d.values())))

</pallas_src>

<mosaic_0001>
#map = affine_map<(d0, d1) -> (0, 0)>
#map1 = affine_map<(d0, d1) -> (0)>
module attributes {stable_mosaic.version = 14 : i64} {
  func.func @_edge_body(%arg0: i32, %arg1: i32, %arg2: memref<320000x128xf32, #tpu.memory_space<hbm>>, %arg3: memref<320000xi32, #tpu.memory_space<hbm>>, %arg4: memref<320000xi32, #tpu.memory_space<hbm>>, %arg5: memref<10000x128xf32, #tpu.memory_space<hbm>>, %arg6: memref<10000x128xf32, #tpu.memory_space<hbm>>, %arg7: memref<10000x128xf32, #tpu.memory_space<hbm>>, %arg8: memref<320000x128xf32, #tpu.memory_space<hbm>>, %arg9: memref<10000x128xf32, #tpu.memory_space<hbm>>, %arg10: memref<10000x128xf32, #tpu.memory_space<hbm>>, %arg11: memref<80xi32, #tpu.memory_space<vmem>>, %arg12: memref<80xi32, #tpu.memory_space<vmem>>, %arg13: memref<80xi32, #tpu.memory_space<vmem>>, %arg14: memref<80x128xf32, #tpu.memory_space<vmem>>, %arg15: memref<80x128xf32, #tpu.memory_space<vmem>>, %arg16: memref<80x128xf32, #tpu.memory_space<vmem>>, %arg17: memref<80x128xf32, #tpu.memory_space<vmem>>, %arg18: memref<80x128xf32, #tpu.memory_space<vmem>>, %arg19: memref<80x128xf32, #tpu.memory_space<vmem>>, %arg20: memref<104x128xf32, #tpu.memory_space<vmem>>, %arg21: memref<!tpu.dma_semaphore, #tpu.memory_space<semaphore_mem>>, %arg22: memref<5008x128xf32, #tpu.memory_space<vmem_shared>>) attributes {dimension_semantics = [#tpu.dimension_semantics<core_parallel>, #tpu.dimension_semantics<subcore_parallel>], iteration_bounds = array<i64: 2, 16>, scalar_prefetch = 0 : i64, scratch_operands = 12 : i64, tpu.core_type = #tpu.core_type<sc_vector_subcore>, window_params = [{transform_indices = #map}, {transform_indices = #map1}, {transform_indices = #map1}, {transform_indices = #map}, {transform_indices = #map}, {transform_indices = #map}, {transform_indices = #map}, {transform_indices = #map}, {transform_indices = #map}]} {
    %mul3A = arith.constant 5000 : i32
    %mul3A_0 = arith.muli %arg0, %mul3A : i32
    %scan3A = arith.constant 0 : i32
    %scan3A_1 = arith.constant 0 : i32
    %scan3A_2 = arith.constant 832 : i32
    %scan3A_3 = arith.addi %scan3A_1, %scan3A_2 : i32
    %scan3A_4 = arith.constant 1 : i32
    scf.for %scan3A_71 = %scan3A_1 to %scan3A_3 step %scan3A_4  : i32 {
      %broadcast_in_dim3A = arith.constant 0.000000e+00 : f32
      %broadcast_in_dim3A_72 = vector.broadcast %broadcast_in_dim3A : f32 to vector<16xf32>
      %jit3A = arith.constant 8 : i32
      %div3A = arith.divsi %scan3A_71, %jit3A : i32
      %sign3A = arith.constant 0 : i32
      %sign3A_73 = arith.cmpi sgt, %scan3A_71, %sign3A : i32
      %sign3A_74 = arith.extui %sign3A_73 : i1 to i32
      %sign3A_75 = arith.constant 0 : i32
      %sign3A_76 = arith.cmpi slt, %scan3A_71, %sign3A_75 : i32
      %sign3A_77 = arith.extui %sign3A_76 : i1 to i32
      %sign3A_78 = arith.subi %sign3A_74, %sign3A_77 : i32
      %sign3A_79 = arith.constant 0 : i32
      %sign3A_80 = arith.cmpi sgt, %jit3A, %sign3A_79 : i32
      %sign3A_81 = arith.extui %sign3A_80 : i1 to i32
      %sign3A_82 = arith.constant 0 : i32
      %sign3A_83 = arith.cmpi slt, %jit3A, %sign3A_82 : i32
      %sign3A_84 = arith.extui %sign3A_83 : i1 to i32
      %sign3A_85 = arith.subi %sign3A_81, %sign3A_84 : i32
      %ne3A = arith.cmpi ne, %sign3A_78, %sign3A_85 : i32
      %rem3A = arith.remsi %scan3A_71, %jit3A : i32
      %ne3A_86 = arith.constant 0 : i32
      %ne3A_87 = arith.cmpi ne, %rem3A, %ne3A_86 : i32
      %and3A = arith.andi %ne3A, %ne3A_87 : i1
      %sub3A = arith.constant 1 : i32
      %sub3A_88 = arith.subi %div3A, %sub3A : i32
      %select_n3A = arith.select %and3A, %sub3A_88, %div3A : i32
      %jit3A_89 = arith.constant 8 : i32
      %eq3A_90 = arith.constant 0 : i32
      %eq3A_91 = arith.cmpi eq, %jit3A_89, %eq3A_90 : i32
      %jit3A_92 = arith.constant 1 : i32
      %select_n3A_93 = arith.select %eq3A_91, %jit3A_92, %jit3A_89 : i32
      %rem3A_94 = arith.remsi %scan3A_71, %select_n3A_93 : i32
      %ne3A_95 = arith.constant 0 : i32
      %ne3A_96 = arith.cmpi ne, %rem3A_94, %ne3A_95 : i32
      %lt3A = arith.constant 0 : i32
      %lt3A_97 = arith.cmpi slt, %rem3A_94, %lt3A : i32
      %lt3A_98 = arith.constant 0 : i32
      %lt3A_99 = arith.cmpi slt, %select_n3A_93, %lt3A_98 : i32
      %ne3A_100 = arith.xori %lt3A_97, %lt3A_99 : i1
      %and3A_101 = arith.andi %ne3A_100, %ne3A_96 : i1
      %add3A_102 = arith.addi %rem3A_94, %select_n3A_93 : i32
      %select_n3A_103 = arith.select %and3A_101, %add3A_102, %rem3A_94 : i32
      %mul3A_104 = arith.constant 16 : i32
      %mul3A_105 = arith.muli %select_n3A_103, %mul3A_104 : i32
      %swap3A = arith.index_cast %select_n3A : i32 to index
      %swap3A_106 = arith.index_cast %mul3A_105 : i32 to index
      %swap3A_107 = tpu.vector_load %arg20[%swap3A, %swap3A_106] {strides = array<i32>} : memref<104x128xf32, #tpu.memory_space<vmem>>, vector<1x16xf32>,
      %swap3A_108 = vector.shape_cast %swap3A_107 : vector<1x16xf32> to vector<16xf32>
      %swap3A_109 = vector.shape_cast %broadcast_in_dim3A_72 : vector<16xf32> to vector<1x16xf32>
      tpu.vector_store %arg20[%swap3A, %swap3A_106], %swap3A_109 {strides = array<i32>} : memref<104x128xf32, #tpu.memory_space<vmem>>, vector<1x16xf32>,
    }
    %scan3A_5 = arith.constant 832 : i32
    %mul3A_6 = arith.constant 312 : i32
    %mul3A_7 = arith.muli %arg1, %mul3A_6 : i32
    %add3A = arith.constant 0 : i32
    %add3A_8 = arith.addi %mul3A_7, %add3A : i32
    "tpu.region"() ({
      %run_scoped3A = tpu.sem_alloc : memref<!tpu.dma_semaphore, #tpu.memory_space<semaphore_mem>>
      %dma_start3A = arith.constant 0 : i32
      %dma_start3A_71 = tpu.memref_slice %arg22[%add3A_8, %dma_start3A] : memref<5008x128xf32, #tpu.memory_space<vmem_shared>> -> memref<104x128xf32, #tpu.memory_space<vmem_shared>>
      %dma_start3A_72 = arith.constant 0 : i32
      %dma_start3A_73 = tpu.memref_slice %arg22[%add3A_8, %dma_start3A_72] : memref<5008x128xf32, #tpu.memory_space<vmem_shared>> -> memref<104x128xf32, #tpu.memory_space<vmem_shared>>
      tpu.enqueue_dma source(%arg20 : memref<104x128xf32, #tpu.memory_space<vmem>>) target(%dma_start3A_73 : memref<104x128xf32, #tpu.memory_space<vmem_shared>>) target_semaphore(%run_scoped3A : memref<!tpu.dma_semaphore, #tpu.memory_space<semaphore_mem>>)
      %dma_wait3A = arith.constant 0 : i32
      %dma_wait3A_74 = tpu.memref_slice %arg22[%add3A_8, %dma_wait3A] : memref<5008x128xf32, #tpu.memory_space<vmem_shared>> -> memref<104x128xf32, #tpu.memory_space<vmem_shared>>
      %dma_wait3A_75 = arith.constant 0 : i32
      %dma_wait3A_76 = tpu.memref_slice %arg22[%add3A_8, %dma_wait3A_75] : memref<5008x128xf32, #tpu.memory_space<vmem_shared>> -> memref<104x128xf32, #tpu.memory_space<vmem_shared>>
      tpu.wait_dma2 semaphore(%run_scoped3A : memref<!tpu.dma_semaphore, #tpu.memory_space<semaphore_mem>>) src(%arg20 : memref<104x128xf32, #tpu.memory_space<vmem>>) dst(%dma_wait3A_76 : memref<104x128xf32, #tpu.memory_space<vmem_shared>>)
      tpu.yield
    }) : () -> ()
    %mul3A_9 = arith.constant 312 : i32
    %mul3A_10 = arith.muli %arg1, %mul3A_9 : i32
    %add3A_11 = arith.constant 104 : i32
    %add3A_12 = arith.addi %mul3A_10, %add3A_11 : i32
    "tpu.region"() ({
      %run_scoped3A = tpu.sem_alloc : memref<!tpu.dma_semaphore, #tpu.memory_space<semaphore_mem>>
      %dma_start3A = arith.constant 0 : i32
      %dma_start3A_71 = tpu.memref_slice %arg22[%add3A_12, %dma_start3A] : memref<5008x128xf32, #tpu.memory_space<vmem_shared>> -> memref<104x128xf32, #tpu.memory_space<vmem_shared>>
      %dma_start3A_72 = arith.constant 0 : i32
      %dma_start3A_73 = tpu.memref_slice %arg22[%add3A_12, %dma_start3A_72] : memref<5008x128xf32, #tpu.memory_space<vmem_shared>> -> memref<104x128xf32, #tpu.memory_space<vmem_shared>>
      tpu.enqueue_dma source(%arg20 : memref<104x128xf32, #tpu.memory_space<vmem>>) target(%dma_start3A_73 : memref<104x128xf32, #tpu.memory_space<vmem_shared>>) target_semaphore(%run_scoped3A : memref<!tpu.dma_semaphore, #tpu.memory_space<semaphore_mem>>)
      %dma_wait3A = arith.constant 0 : i32
      %dma_wait3A_74 = tpu.memref_slice %arg22[%add3A_12, %dma_wait3A] : memref<5008x128xf32, #tpu.memory_space<vmem_shared>> -> memref<104x128xf32, #tpu.memory_space<vmem_shared>>
      %dma_wait3A_75 = arith.constant 0 : i32
      %dma_wait3A_76 = tpu.memref_slice %arg22[%add3A_12, %dma_wait3A_75] : memref<5008x128xf32, #tpu.memory_space<vmem_shared>> -> memref<104x128xf32, #tpu.memory_space<vmem_shared>>
      tpu.wait_dma2 semaphore(%run_scoped3A : memref<!tpu.dma_semaphore, #tpu.memory_space<semaphore_mem>>) src(%arg20 : memref<104x128xf32, #tpu.memory_space<vmem>>) dst(%dma_wait3A_76 : memref<104x128xf32, #tpu.memory_space<vmem_shared>>)
      tpu.yield
    }) : () -> ()
    %mul3A_13 = arith.constant 312 : i32
    %mul3A_14 = arith.muli %arg1, %mul3A_13 : i32
    %add3A_15 = arith.constant 208 : i32
    %add3A_16 = arith.addi %mul3A_14, %add3A_15 : i32
    "tpu.region"() ({
      %run_scoped3A = tpu.sem_alloc : memref<!tpu.dma_semaphore, #tpu.memory_space<semaphore_mem>>
      %dma_start3A = arith.constant 0 : i32
      %dma_start3A_71 = tpu.memref_slice %arg22[%add3A_16, %dma_start3A] : memref<5008x128xf32, #tpu.memory_space<vmem_shared>> -> memref<104x128xf32, #tpu.memory_space<vmem_shared>>
      %dma_start3A_72 = arith.constant 0 : i32
      %dma_start3A_73 = tpu.memref_slice %arg22[%add3A_16, %dma_start3A_72] : memref<5008x128xf32, #tpu.memory_space<vmem_shared>> -> memref<104x128xf32, #tpu.memory_space<vmem_shared>>
      tpu.enqueue_dma source(%arg20 : memref<104x128xf32, #tpu.memory_space<vmem>>) target(%dma_start3A_73 : memref<104x128xf32, #tpu.memory_space<vmem_shared>>) target_semaphore(%run_scoped3A : memref<!tpu.dma_semaphore, #tpu.memory_space<semaphore_mem>>)
      %dma_wait3A = arith.constant 0 : i32
      %dma_wait3A_74 = tpu.memref_slice %arg22[%add3A_16, %dma_wait3A] : memref<5008x128xf32, #tpu.memory_space<vmem_shared>> -> memref<104x128xf32, #tpu.memory_space<vmem_shared>>
      %dma_wait3A_75 = arith.constant 0 : i32
      %dma_wait3A_76 = tpu.memref_slice %arg22[%add3A_16, %dma_wait3A_75] : memref<5008x128xf32, #tpu.memory_space<vmem_shared>> -> memref<104x128xf32, #tpu.memory_space<vmem_shared>>
      tpu.wait_dma2 semaphore(%run_scoped3A : memref<!tpu.dma_semaphore, #tpu.memory_space<semaphore_mem>>) src(%arg20 : memref<104x128xf32, #tpu.memory_space<vmem>>) dst(%dma_wait3A_76 : memref<104x128xf32, #tpu.memory_space<vmem_shared>>)
      tpu.yield
    }) : () -> ()
    %eq3A = arith.constant 15 : i32
    %eq3A_17 = arith.cmpi eq, %arg1, %eq3A : i32
    %convert_element_type3A = arith.extui %eq3A_17 : i1 to i32
    %cond3A = arith.constant 0 : i32
    %cond3A_18 = arith.cmpi ne, %convert_element_type3A, %cond3A : i32
    scf.if %cond3A_18 {
      "tpu.region"() ({
        %run_scoped3A = tpu.sem_alloc : memref<!tpu.dma_semaphore, #tpu.memory_space<semaphore_mem>>
        %dma_start3A = arith.constant 0 : i32
        %dma_start3A_71 = arith.constant 0 : i32
        %dma_start3A_72 = tpu.memref_slice %arg20[%dma_start3A, %dma_start3A_71] : memref<104x128xf32, #tpu.memory_space<vmem>> -> memref<16x128xf32, #tpu.memory_space<vmem>>
        %dma_start3A_73 = arith.constant 4992 : i32
        %dma_start3A_74 = arith.constant 0 : i32
        %dma_start3A_75 = tpu.memref_slice %arg22[%dma_start3A_73, %dma_start3A_74] : memref<5008x128xf32, #tpu.memory_space<vmem_shared>> -> memref<16x128xf32, #tpu.memory_space<vmem_shared>>
        %dma_start3A_76 = arith.constant 4992 : i32
        %dma_start3A_77 = arith.constant 0 : i32
        %dma_start3A_78 = tpu.memref_slice %arg22[%dma_start3A_76, %dma_start3A_77] : memref<5008x128xf32, #tpu.memory_space<vmem_shared>> -> memref<16x128xf32, #tpu.memory_space<vmem_shared>>
        %dma_start3A_79 = arith.constant 0 : i32
        %dma_start3A_80 = arith.constant 0 : i32
        %dma_start3A_81 = tpu.memref_slice %arg20[%dma_start3A_79, %dma_start3A_80] : memref<104x128xf32, #tpu.memory_space<vmem>> -> memref<16x128xf32, #tpu.memory_space<vmem>>
        tpu.enqueue_dma source(%dma_start3A_81 : memref<16x128xf32, #tpu.memory_space<vmem>>) target(%dma_start3A_78 : memref<16x128xf32, #tpu.memory_space<vmem_shared>>) target_semaphore(%run_scoped3A : memref<!tpu.dma_semaphore, #tpu.memory_space<semaphore_mem>>)
        %dma_wait3A = arith.constant 0 : i32
        %dma_wait3A_82 = arith.constant 0 : i32
        %dma_wait3A_83 = tpu.memref_slice %arg20[%dma_wait3A, %dma_wait3A_82] : memref<104x128xf32, #tpu.memory_space<vmem>> -> memref<16x128xf32, #tpu.memory_space<vmem>>
        %dma_wait3A_84 = arith.constant 4992 : i32
        %dma_wait3A_85 = arith.constant 0 : i32
        %dma_wait3A_86 = tpu.memref_slice %arg22[%dma_wait3A_84, %dma_wait3A_85] : memref<5008x128xf32, #tpu.memory_space<vmem_shared>> -> memref<16x128xf32, #tpu.memory_space<vmem_shared>>
        %dma_wait3A_87 = arith.constant 4992 : i32
        %dma_wait3A_88 = arith.constant 0 : i32
        %dma_wait3A_89 = tpu.memref_slice %arg22[%dma_wait3A_87, %dma_wait3A_88] : memref<5008x128xf32, #tpu.memory_space<vmem_shared>> -> memref<16x128xf32, #tpu.memory_space<vmem_shared>>
        %dma_wait3A_90 = arith.constant 0 : i32
        %dma_wait3A_91 = arith.constant 0 : i32
        %dma_wait3A_92 = tpu.memref_slice %arg20[%dma_wait3A_90, %dma_wait3A_91] : memref<104x128xf32, #tpu.memory_space<vmem>> -> memref<16x128xf32, #tpu.memory_space<vmem>>
        tpu.wait_dma2 semaphore(%run_scoped3A : memref<!tpu.dma_semaphore, #tpu.memory_space<semaphore_mem>>) src(%dma_wait3A_92 : memref<16x128xf32, #tpu.memory_space<vmem>>) dst(%dma_wait3A_89 : memref<16x128xf32, #tpu.memory_space<vmem_shared>>)
        tpu.yield
      }) : () -> ()
    } else {
    }
    %barrier3A = arith.constant 0 : index
    tpu.barrier barrier_id(%barrier3A)
    %scan3A_19 = arith.constant 0 : i32
    %scan3A_20 = arith.constant 0 : i32
    %scan3A_21 = arith.constant 250 : i32
    %scan3A_22 = arith.addi %scan3A_20, %scan3A_21 : i32
    %scan3A_23 = arith.constant 1 : i32
    scf.for %scan3A_71 = %scan3A_20 to %scan3A_22 step %scan3A_23  : i32 {
      %mul3A_72 = arith.constant 20000 : i32
      %mul3A_73 = arith.muli %arg1, %mul3A_72 : i32
      %mul3A_74 = arith.constant 80 : i32
      %mul3A_75 = arith.muli %scan3A_71, %mul3A_74 : i32
      %add3A_76 = arith.addi %mul3A_73, %mul3A_75 : i32
      "tpu.region"() ({
        %run_scoped3A = tpu.sem_alloc : memref<!tpu.dma_semaphore, #tpu.memory_space<semaphore_mem>>
        %dma_start3A_105 = tpu.memref_slice %arg3[%add3A_76] : memref<320000xi32, #tpu.memory_space<hbm>> -> memref<80xi32, #tpu.memory_space<hbm>>
        %dma_start3A_106 = tpu.memref_slice %arg3[%add3A_76] : memref<320000xi32, #tpu.memory_space<hbm>> -> memref<80xi32, #tpu.memory_space<hbm>>
        tpu.enqueue_dma source(%dma_start3A_106 : memref<80xi32, #tpu.memory_space<hbm>>) target(%arg11 : memref<80xi32, #tpu.memory_space<vmem>>) target_semaphore(%run_scoped3A : memref<!tpu.dma_semaphore, #tpu.memory_space<semaphore_mem>>)
        %dma_wait3A_107 = tpu.memref_slice %arg3[%add3A_76] : memref<320000xi32, #tpu.memory_space<hbm>> -> memref<80xi32, #tpu.memory_space<hbm>>
        %dma_wait3A_108 = tpu.memref_slice %arg3[%add3A_76] : memref<320000xi32, #tpu.memory_space<hbm>> -> memref<80xi32, #tpu.memory_space<hbm>>
        tpu.wait_dma2 semaphore(%run_scoped3A : memref<!tpu.dma_semaphore, #tpu.memory_space<semaphore_mem>>) src(%dma_wait3A_108 : memref<80xi32, #tpu.memory_space<hbm>>) dst(%arg11 : memref<80xi32, #tpu.memory_space<vmem>>)
        tpu.yield
      }) : () -> ()
      "tpu.region"() ({
        %run_scoped3A = tpu.sem_alloc : memref<!tpu.dma_semaphore, #tpu.memory_space<semaphore_mem>>
        %dma_start3A_105 = tpu.memref_slice %arg4[%add3A_76] : memref<320000xi32, #tpu.memory_space<hbm>> -> memref<80xi32, #tpu.memory_space<hbm>>
        %dma_start3A_106 = tpu.memref_slice %arg4[%add3A_76] : memref<320000xi32, #tpu.memory_space<hbm>> -> memref<80xi32, #tpu.memory_space<hbm>>
        tpu.enqueue_dma source(%dma_start3A_106 : memref<80xi32, #tpu.memory_space<hbm>>) target(%arg12 : memref<80xi32, #tpu.memory_space<vmem>>) target_semaphore(%run_scoped3A : memref<!tpu.dma_semaphore, #tpu.memory_space<semaphore_mem>>)
        %dma_wait3A_107 = tpu.memref_slice %arg4[%add3A_76] : memref<320000xi32, #tpu.memory_space<hbm>> -> memref<80xi32, #tpu.memory_space<hbm>>
        %dma_wait3A_108 = tpu.memref_slice %arg4[%add3A_76] : memref<320000xi32, #tpu.memory_space<hbm>> -> memref<80xi32, #tpu.memory_space<hbm>>
        tpu.wait_dma2 semaphore(%run_scoped3A : memref<!tpu.dma_semaphore, #tpu.memory_space<semaphore_mem>>) src(%dma_wait3A_108 : memref<80xi32, #tpu.memory_space<hbm>>) dst(%arg12 : memref<80xi32, #tpu.memory_space<vmem>>)
        tpu.yield
      }) : () -> ()
      %dma_start3A = arith.constant 0 : i32
      %dma_start3A_77 = arith.constant 0 : i32
      %dma_start3A_78 = tpu.memref_slice %arg5[%dma_start3A, %dma_start3A_77] : memref<10000x128xf32, #tpu.memory_space<hbm>> -> memref<10000x128xf32, #tpu.memory_space<hbm>>
      tpu.enqueue_indirect_dma source(%dma_start3A_78 : memref<10000x128xf32, #tpu.memory_space<hbm>>) target(%arg15 : memref<80x128xf32, #tpu.memory_space<vmem>>) offsets(%arg11 : memref<80xi32, #tpu.memory_space<vmem>>) semaphore(%arg21 : memref<!tpu.dma_semaphore, #tpu.memory_space<semaphore_mem>>)
      %dma_start3A_79 = arith.constant 0 : i32
      %dma_start3A_80 = arith.constant 0 : i32
      %dma_start3A_81 = tpu.memref_slice %arg6[%dma_start3A_79, %dma_start3A_80] : memref<10000x128xf32, #tpu.memory_space<hbm>> -> memref<10000x128xf32, #tpu.memory_space<hbm>>
      tpu.enqueue_indirect_dma source(%dma_start3A_81 : memref<10000x128xf32, #tpu.memory_space<hbm>>) target(%arg16 : memref<80x128xf32, #tpu.memory_space<vmem>>) offsets(%arg12 : memref<80xi32, #tpu.memory_space<vmem>>) semaphore(%arg21 : memref<!tpu.dma_semaphore, #tpu.memory_space<semaphore_mem>>)
      %dma_start3A_82 = arith.constant 0 : i32
      %dma_start3A_83 = arith.constant 0 : i32
      %dma_start3A_84 = tpu.memref_slice %arg7[%dma_start3A_82, %dma_start3A_83] : memref<10000x128xf32, #tpu.memory_space<hbm>> -> memref<10000x128xf32, #tpu.memory_space<hbm>>
      tpu.enqueue_indirect_dma source(%dma_start3A_84 : memref<10000x128xf32, #tpu.memory_space<hbm>>) target(%arg17 : memref<80x128xf32, #tpu.memory_space<vmem>>) offsets(%arg11 : memref<80xi32, #tpu.memory_space<vmem>>) semaphore(%arg21 : memref<!tpu.dma_semaphore, #tpu.memory_space<semaphore_mem>>)
      "tpu.region"() ({
        %run_scoped3A = tpu.sem_alloc : memref<!tpu.dma_semaphore, #tpu.memory_space<semaphore_mem>>
        %dma_start3A_105 = arith.constant 0 : i32
        %dma_start3A_106 = tpu.memref_slice %arg2[%add3A_76, %dma_start3A_105] : memref<320000x128xf32, #tpu.memory_space<hbm>> -> memref<80x128xf32, #tpu.memory_space<hbm>>
        %dma_start3A_107 = arith.constant 0 : i32
        %dma_start3A_108 = tpu.memref_slice %arg2[%add3A_76, %dma_start3A_107] : memref<320000x128xf32, #tpu.memory_space<hbm>> -> memref<80x128xf32, #tpu.memory_space<hbm>>
        tpu.enqueue_dma source(%dma_start3A_108 : memref<80x128xf32, #tpu.memory_space<hbm>>) target(%arg14 : memref<80x128xf32, #tpu.memory_space<vmem>>) target_semaphore(%run_scoped3A : memref<!tpu.dma_semaphore, #tpu.memory_space<semaphore_mem>>)
        %dma_wait3A_109 = arith.constant 0 : i32
        %dma_wait3A_110 = tpu.memref_slice %arg2[%add3A_76, %dma_wait3A_109] : memref<320000x128xf32, #tpu.memory_space<hbm>> -> memref<80x128xf32, #tpu.memory_space<hbm>>
        %dma_wait3A_111 = arith.constant 0 : i32
        %dma_wait3A_112 = tpu.memref_slice %arg2[%add3A_76, %dma_wait3A_111] : memref<320000x128xf32, #tpu.memory_space<hbm>> -> memref<80x128xf32, #tpu.memory_space<hbm>>
        tpu.wait_dma2 semaphore(%run_scoped3A : memref<!tpu.dma_semaphore, #tpu.memory_space<semaphore_mem>>) src(%dma_wait3A_112 : memref<80x128xf32, #tpu.memory_space<hbm>>) dst(%arg14 : memref<80x128xf32, #tpu.memory_space<vmem>>)
        tpu.yield
      }) : () -> ()
      %scan3A_85 = arith.constant 0 : i32
      %scan3A_86 = arith.constant 0 : i32
      %scan3A_87 = arith.constant 5 : i32
      %scan3A_88 = arith.addi %scan3A_86, %scan3A_87 : i32
      %scan3A_89 = arith.constant 1 : i32
      scf.for %scan3A_105 = %scan3A_86 to %scan3A_88 step %scan3A_89  : i32 {
        %mul3A_106 = arith.constant 16 : i32
        %mul3A_107 = arith.muli %scan3A_105, %mul3A_106 : i32
        %get3A = arith.index_cast %mul3A_107 : i32 to index
        %get3A_108 = tpu.vector_load %arg12[%get3A] {strides = array<i32>} : memref<80xi32, #tpu.memory_space<vmem>>, vector<16xi32>,
        %get3A_109 = vector.shape_cast %get3A_108 : vector<16xi32> to vector<16xi32>
        %ge3A = vector.broadcast %mul3A_0 : i32 to vector<16xi32>
        %ge3A_110 = arith.cmpi sge, %get3A_109, %ge3A : vector<16xi32>
        %add3A_111 = arith.constant 5000 : i32
        %add3A_112 = arith.addi %mul3A_0, %add3A_111 : i32
        %lt3A = vector.broadcast %add3A_112 : i32 to vector<16xi32>
        %lt3A_113 = arith.cmpi slt, %get3A_109, %lt3A : vector<16xi32>
        %and3A = arith.andi %ge3A_110, %lt3A_113 : vector<16xi1>
        %sub3A = vector.broadcast %mul3A_0 : i32 to vector<16xi32>
        %sub3A_114 = arith.subi %get3A_109, %sub3A : vector<16xi32>
        %jit3A = arith.constant 5000 : i32
        %broadcast_in_dim3A = vector.broadcast %jit3A : i32 to vector<16xi32>
        %select_n3A = arith.select %and3A, %sub3A_114, %broadcast_in_dim3A : vector<16xi1>, vector<16xi32>
        %swap3A = arith.index_cast %mul3A_107 : i32 to index
        %swap3A_115 = tpu.vector_load %arg13[%swap3A] {strides = array<i32>} : memref<80xi32, #tpu.memory_space<vmem>>, vector<16xi32>,
        %swap3A_116 = vector.shape_cast %swap3A_115 : vector<16xi32> to vector<16xi32>
        %swap3A_117 = vector.shape_cast %select_n3A : vector<16xi32> to vector<16xi32>
        tpu.vector_store %arg13[%swap3A], %swap3A_117 {strides = array<i32>} : memref<80xi32, #tpu.memory_space<vmem>>, vector<16xi32>,
      }
      %scan3A_90 = arith.constant 5 : i32
      %dma_wait3A = arith.constant 0 : i32
      %dma_wait3A_91 = arith.constant 0 : i32
      %dma_wait3A_92 = tpu.memref_slice %arg5[%dma_wait3A, %dma_wait3A_91] : memref<10000x128xf32, #tpu.memory_space<hbm>> -> memref<10000x128xf32, #tpu.memory_space<hbm>>
      tpu.wait_indirect_dma semaphore(%arg21 : memref<!tpu.dma_semaphore, #tpu.memory_space<semaphore_mem>>) src(%dma_wait3A_92 : memref<10000x128xf32, #tpu.memory_space<hbm>>) dst(%arg15 : memref<80x128xf32, #tpu.memory_space<vmem>>)
      %dma_wait3A_93 = arith.constant 0 : i32
      %dma_wait3A_94 = arith.constant 0 : i32
      %dma_wait3A_95 = tpu.memref_slice %arg6[%dma_wait3A_93, %dma_wait3A_94] : memref<10000x128xf32, #tpu.memory_space<hbm>> -> memref<10000x128xf32, #tpu.memory_space<hbm>>
      tpu.wait_indirect_dma semaphore(%arg21 : memref<!tpu.dma_semaphore, #tpu.memory_space<semaphore_mem>>) src(%dma_wait3A_95 : memref<10000x128xf32, #tpu.memory_space<hbm>>) dst(%arg16 : memref<80x128xf32, #tpu.memory_space<vmem>>)
      %dma_wait3A_96 = arith.constant 0 : i32
      %dma_wait3A_97 = arith.constant 0 : i32
      %dma_wait3A_98 = tpu.memref_slice %arg7[%dma_wait3A_96, %dma_wait3A_97] : memref<10000x128xf32, #tpu.memory_space<hbm>> -> memref<10000x128xf32, #tpu.memory_space<hbm>>
      tpu.wait_indirect_dma semaphore(%arg21 : memref<!tpu.dma_semaphore, #tpu.memory_space<semaphore_mem>>) src(%dma_wait3A_98 : memref<10000x128xf32, #tpu.memory_space<hbm>>) dst(%arg17 : memref<80x128xf32, #tpu.memory_space<vmem>>)
      %scan3A_99 = arith.constant 0 : i32
      %scan3A_100 = arith.constant 0 : i32
      %scan3A_101 = arith.constant 80 : i32
      %scan3A_102 = arith.addi %scan3A_100, %scan3A_101 : i32
      %scan3A_103 = arith.constant 1 : i32
      scf.for %scan3A_105 = %scan3A_100 to %scan3A_102 step %scan3A_103  : i32 {
        %get3A = arith.index_cast %scan3A_105 : i32 to index
        %get3A_106 = arith.constant 0 : index
        %get3A_107 = tpu.vector_load %arg14[%get3A, %get3A_106] {strides = array<i32>} : memref<80x128xf32, #tpu.memory_space<vmem>>, vector<1x16xf32>,
        %get3A_108 = vector.shape_cast %get3A_107 : vector<1x16xf32> to vector<16xf32>
        %get3A_109 = arith.index_cast %scan3A_105 : i32 to index
        %get3A_110 = arith.constant 0 : index
        %get3A_111 = tpu.vector_load %arg15[%get3A_109, %get3A_110] {strides = array<i32>} : memref<80x128xf32, #tpu.memory_space<vmem>>, vector<1x16xf32>,
        %get3A_112 = vector.shape_cast %get3A_111 : vector<1x16xf32> to vector<16xf32>
        %add3A_113 = arith.addf %get3A_108, %get3A_112 : vector<16xf32>
        %get3A_114 = arith.index_cast %scan3A_105 : i32 to index
        %get3A_115 = arith.constant 0 : index
        %get3A_116 = tpu.vector_load %arg16[%get3A_114, %get3A_115] {strides = array<i32>} : memref<80x128xf32, #tpu.memory_space<vmem>>, vector<1x16xf32>,
        %get3A_117 = vector.shape_cast %get3A_116 : vector<1x16xf32> to vector<16xf32>
        %add3A_118 = arith.addf %add3A_113, %get3A_117 : vector<16xf32>
        %neg3A = arith.constant 0.000000e+00 : f32
        %neg3A_119 = vector.broadcast %neg3A : f32 to vector<16xf32>
        %neg3A_120 = arith.subf %neg3A_119, %add3A_118 : vector<16xf32>
        %exp3A = math.exp %neg3A_120 : vector<16xf32>
        %add3A_121 = arith.constant 1.000000e+00 : f32
        %add3A_122 = vector.broadcast %add3A_121 : f32 to vector<16xf32>
        %add3A_123 = arith.addf %add3A_122, %exp3A : vector<16xf32>
        %div3A = arith.constant 1.000000e+00 : f32
        %div3A_124 = vector.broadcast %div3A : f32 to vector<16xf32>
        %div3A_125 = arith.divf %div3A_124, %add3A_123 : vector<16xf32>
        %swap3A = arith.index_cast %scan3A_105 : i32 to index
        %swap3A_126 = arith.constant 0 : index
        %swap3A_127 = tpu.vector_load %arg18[%swap3A, %swap3A_126] {strides = array<i32>} : memref<80x128xf32, #tpu.memory_space<vmem>>, vector<1x16xf32>,
        %swap3A_128 = vector.shape_cast %swap3A_127 : vector<1x16xf32> to vector<16xf32>
        %swap3A_129 = vector.shape_cast %add3A_118 : vector<16xf32> to vector<1x16xf32>
        tpu.vector_store %arg18[%swap3A, %swap3A_126], %swap3A_129 {strides = array<i32>} : memref<80x128xf32, #tpu.memory_space<vmem>>, vector<1x16xf32>,
        %get3A_130 = arith.index_cast %scan3A_105 : i32 to index
        %get3A_131 = arith.constant 0 : index
        %get3A_132 = tpu.vector_load %arg17[%get3A_130, %get3A_131] {strides = array<i32>} : memref<80x128xf32, #tpu.memory_space<vmem>>, vector<1x16xf32>,
        %get3A_133 = vector.shape_cast %get3A_132 : vector<1x16xf32> to vector<16xf32>
        %mul3A_134 = arith.mulf %div3A_125, %get3A_133 : vector<16xf32>
        %swap3A_135 = arith.index_cast %scan3A_105 : i32 to index
        %swap3A_136 = arith.constant 0 : index
        %swap3A_137 = tpu.vector_load %arg19[%swap3A_135, %swap3A_136] {strides = array<i32>} : memref<80x128xf32, #tpu.memory_space<vmem>>, vector<1x16xf32>,
        %swap3A_138 = vector.shape_cast %swap3A_137 : vector<1x16xf32> to vector<16xf32>
        %swap3A_139 = vector.shape_cast %mul3A_134 : vector<16xf32> to vector<1x16xf32>
        tpu.vector_store %arg19[%swap3A_135, %swap3A_136], %swap3A_139 {strides = array<i32>} : memref<80x128xf32, #tpu.memory_space<vmem>>, vector<1x16xf32>,
        %get3A_140 = arith.index_cast %scan3A_105 : i32 to index
        %get3A_141 = arith.constant 16 : index
        %get3A_142 = tpu.vector_load %arg14[%get3A_140, %get3A_141] {strides = array<i32>} : memref<80x128xf32, #tpu.memory_space<vmem>>, vector<1x16xf32>,
        %get3A_143 = vector.shape_cast %get3A_142 : vector<1x16xf32> to vector<16xf32>
        %get3A_144 = arith.index_cast %scan3A_105 : i32 to index
        %get3A_145 = arith.constant 16 : index
        %get3A_146 = tpu.vector_load %arg15[%get3A_144, %get3A_145] {strides = array<i32>} : memref<80x128xf32, #tpu.memory_space<vmem>>, vector<1x16xf32>,
        %get3A_147 = vector.shape_cast %get3A_146 : vector<1x16xf32> to vector<16xf32>
        %add3A_148 = arith.addf %get3A_143, %get3A_147 : vector<16xf32>
        %get3A_149 = arith.index_cast %scan3A_105 : i32 to index
        %get3A_150 = arith.constant 16 : index
        %get3A_151 = tpu.vector_load %arg16[%get3A_149, %get3A_150] {strides = array<i32>} : memref<80x128xf32, #tpu.memory_space<vmem>>, vector<1x16xf32>,
        %get3A_152 = vector.shape_cast %get3A_151 : vector<1x16xf32> to vector<16xf32>
        %add3A_153 = arith.addf %add3A_148, %get3A_152 : vector<16xf32>
        %neg3A_154 = arith.constant 0.000000e+00 : f32
        %neg3A_155 = vector.broadcast %neg3A_154 : f32 to vector<16xf32>
        %neg3A_156 = arith.subf %neg3A_155, %add3A_153 : vector<16xf32>
        %exp3A_157 = math.exp %neg3A_156 : vector<16xf32>
        %add3A_158 = arith.constant 1.000000e+00 : f32
        %add3A_159 = vector.broadcast %add3A_158 : f32 to vector<16xf32>
        %add3A_160 = arith.addf %add3A_159, %exp3A_157 : vector<16xf32>
        %div3A_161 = arith.constant 1.000000e+00 : f32
        %div3A_162 = vector.broadcast %div3A_161 : f32 to vector<16xf32>
        %div3A_163 = arith.divf %div3A_162, %add3A_160 : vector<16xf32>
        %swap3A_164 = arith.index_cast %scan3A_105 : i32 to index
        %swap3A_165 = arith.constant 16 : index
        %swap3A_166 = tpu.vector_load %arg18[%swap3A_164, %swap3A_165] {strides = array<i32>} : memref<80x128xf32, #tpu.memory_space<vmem>>, vector<1x16xf32>,
        %swap3A_167 = vector.shape_cast %swap3A_166 : vector<1x16xf32> to vector<16xf32>
        %swap3A_168 = vector.shape_cast %add3A_153 : vector<16xf32> to vector<1x16xf32>
        tpu.vector_store %arg18[%swap3A_164, %swap3A_165], %swap3A_168 {strides = array<i32>} : memref<80x128xf32, #tpu.memory_space<vmem>>, vector<1x16xf32>,
        %get3A_169 = arith.index_cast %scan3A_105 : i32 to index
        %get3A_170 = arith.constant 16 : index
        %get3A_171 = tpu.vector_load %arg17[%get3A_169, %get3A_170] {strides = array<i32>} : memref<80x128xf32, #tpu.memory_space<vmem>>, vector<1x16xf32>,
        %get3A_172 = vector.shape_cast %get3A_171 : vector<1x16xf32> to vector<16xf32>
        %mul3A_173 = arith.mulf %div3A_163, %get3A_172 : vector<16xf32>
        %swap3A_174 = arith.index_cast %scan3A_105 : i32 to index
        %swap3A_175 = arith.constant 16 : index
        %swap3A_176 = tpu.vector_load %arg19[%swap3A_174, %swap3A_175] {strides = array<i32>} : memref<80x128xf32, #tpu.memory_space<vmem>>, vector<1x16xf32>,
        %swap3A_177 = vector.shape_cast %swap3A_176 : vector<1x16xf32> to vector<16xf32>
        %swap3A_178 = vector.shape_cast %mul3A_173 : vector<16xf32> to vector<1x16xf32>
        tpu.vector_store %arg19[%swap3A_174, %swap3A_175], %swap3A_178 {strides = array<i32>} : memref<80x128xf32, #tpu.memory_space<vmem>>, vector<1x16xf32>,
        %get3A_179 = arith.index_cast %scan3A_105 : i32 to index
        %get3A_180 = arith.constant 32 : index
        %get3A_181 = tpu.vector_load %arg14[%get3A_179, %get3A_180] {strides = array<i32>} : memref<80x128xf32, #tpu.memory_space<vmem>>, vector<1x16xf32>,
        %get3A_182 = vector.shape_cast %get3A_181 : vector<1x16xf32> to vector<16xf32>
        %get3A_183 = arith.index_cast %scan3A_105 : i32 to index
        %get3A_184 = arith.constant 32 : index
        %get3A_185 = tpu.vector_load %arg15[%get3A_183, %get3A_184] {strides = array<i32>} : memref<80x128xf32, #tpu.memory_space<vmem>>, vector<1x16xf32>,
        %get3A_186 = vector.shape_cast %get3A_185 : vector<1x16xf32> to vector<16xf32>
        %add3A_187 = arith.addf %get3A_182, %get3A_186 : vector<16xf32>
        %get3A_188 = arith.index_cast %scan3A_105 : i32 to index
        %get3A_189 = arith.constant 32 : index
        %get3A_190 = tpu.vector_load %arg16[%get3A_188, %get3A_189] {strides = array<i32>} : memref<80x128xf32, #tpu.memory_space<vmem>>, vector<1x16xf32>,
        %get3A_191 = vector.shape_cast %get3A_190 : vector<1x16xf32> to vector<16xf32>
        %add3A_192 = arith.addf %add3A_187, %get3A_191 : vector<16xf32>
        %neg3A_193 = arith.constant 0.000000e+00 : f32
        %neg3A_194 = vector.broadcast %neg3A_193 : f32 to vector<16xf32>
        %neg3A_195 = arith.subf %neg3A_194, %add3A_192 : vector<16xf32>
        %exp3A_196 = math.exp %neg3A_195 : vector<16xf32>
        %add3A_197 = arith.constant 1.000000e+00 : f32
        %add3A_198 = vector.broadcast %add3A_197 : f32 to vector<16xf32>
        %add3A_199 = arith.addf %add3A_198, %exp3A_196 : vector<16xf32>
        %div3A_200 = arith.constant 1.000000e+00 : f32
        %div3A_201 = vector.broadcast %div3A_200 : f32 to vector<16xf32>
        %div3A_202 = arith.divf %div3A_201, %add3A_199 : vector<16xf32>
        %swap3A_203 = arith.index_cast %scan3A_105 : i32 to index
        %swap3A_204 = arith.constant 32 : index
        %swap3A_205 = tpu.vector_load %arg18[%swap3A_203, %swap3A_204] {strides = array<i32>} : memref<80x128xf32, #tpu.memory_space<vmem>>, vector<1x16xf32>,
        %swap3A_206 = vector.shape_cast %swap3A_205 : vector<1x16xf32> to vector<16xf32>
        %swap3A_207 = vector.shape_cast %add3A_192 : vector<16xf32> to vector<1x16xf32>
        tpu.vector_store %arg18[%swap3A_203, %swap3A_204], %swap3A_207 {strides = array<i32>} : memref<80x128xf32, #tpu.memory_space<vmem>>, vector<1x16xf32>,
        %get3A_208 = arith.index_cast %scan3A_105 : i32 to index
        %get3A_209 = arith.constant 32 : index
        %get3A_210 = tpu.vector_load %arg17[%get3A_208, %get3A_209] {strides = array<i32>} : memref<80x128xf32, #tpu.memory_space<vmem>>, vector<1x16xf32>,
        %get3A_211 = vector.shape_cast %get3A_210 : vector<1x16xf32> to vector<16xf32>
        %mul3A_212 = arith.mulf %div3A_202, %get3A_211 : vector<16xf32>
        %swap3A_213 = arith.index_cast %scan3A_105 : i32 to index
        %swap3A_214 = arith.constant 32 : index
        %swap3A_215 = tpu.vector_load %arg19[%swap3A_213, %swap3A_214] {strides = array<i32>} : memref<80x128xf32, #tpu.memory_space<vmem>>, vector<1x16xf32>,
        %swap3A_216 = vector.shape_cast %swap3A_215 : vector<1x16xf32> to vector<16xf32>
        %swap3A_217 = vector.shape_cast %mul3A_212 : vector<16xf32> to vector<1x16xf32>
        tpu.vector_store %arg19[%swap3A_213, %swap3A_214], %swap3A_217 {strides = array<i32>} : memref<80x128xf32, #tpu.memory_space<vmem>>, vector<1x16xf32>,
        %get3A_218 = arith.index_cast %scan3A_105 : i32 to index
        %get3A_219 = arith.constant 48 : index
        %get3A_220 = tpu.vector_load %arg14[%get3A_218, %get3A_219] {strides = array<i32>} : memref<80x128xf32, #tpu.memory_space<vmem>>, vector<1x16xf32>,
        %get3A_221 = vector.shape_cast %get3A_220 : vector<1x16xf32> to vector<16xf32>
        %get3A_222 = arith.index_cast %scan3A_105 : i32 to index
        %get3A_223 = arith.constant 48 : index
        %get3A_224 = tpu.vector_load %arg15[%get3A_222, %get3A_223] {strides = array<i32>} : memref<80x128xf32, #tpu.memory_space<vmem>>, vector<1x16xf32>,
        %get3A_225 = vector.shape_cast %get3A_224 : vector<1x16xf32> to vector<16xf32>
        %add3A_226 = arith.addf %get3A_221, %get3A_225 : vector<16xf32>
        %get3A_227 = arith.index_cast %scan3A_105 : i32 to index
        %get3A_228 = arith.constant 48 : index
        %get3A_229 = tpu.vector_load %arg16[%get3A_227, %get3A_228] {strides = array<i32>} : memref<80x128xf32, #tpu.memory_space<vmem>>, vector<1x16xf32>,
        %get3A_230 = vector.shape_cast %get3A_229 : vector<1x16xf32> to vector<16xf32>
        %add3A_231 = arith.addf %add3A_226, %get3A_230 : vector<16xf32>
        %neg3A_232 = arith.constant 0.000000e+00 : f32
        %neg3A_233 = vector.broadcast %neg3A_232 : f32 to vector<16xf32>
        %neg3A_234 = arith.subf %neg3A_233, %add3A_231 : vector<16xf32>
        %exp3A_235 = math.exp %neg3A_234 : vector<16xf32>
        %add3A_236 = arith.constant 1.000000e+00 : f32
        %add3A_237 = vector.broadcast %add3A_236 : f32 to vector<16xf32>
        %add3A_238 = arith.addf %add3A_237, %exp3A_235 : vector<16xf32>
        %div3A_239 = arith.constant 1.000000e+00 : f32
        %div3A_240 = vector.broadcast %div3A_239 : f32 to vector<16xf32>
        %div3A_241 = arith.divf %div3A_240, %add3A_238 : vector<16xf32>
        %swap3A_242 = arith.index_cast %scan3A_105 : i32 to index
        %swap3A_243 = arith.constant 48 : index
        %swap3A_244 = tpu.vector_load %arg18[%swap3A_242, %swap3A_243] {strides = array<i32>} : memref<80x128xf32, #tpu.memory_space<vmem>>, vector<1x16xf32>,
        %swap3A_245 = vector.shape_cast %swap3A_244 : vector<1x16xf32> to vector<16xf32>
        %swap3A_246 = vector.shape_cast %add3A_231 : vector<16xf32> to vector<1x16xf32>
        tpu.vector_store %arg18[%swap3A_242, %swap3A_243], %swap3A_246 {strides = array<i32>} : memref<80x128xf32, #tpu.memory_space<vmem>>, vector<1x16xf32>,
        %get3A_247 = arith.index_cast %scan3A_105 : i32 to index
        %get3A_248 = arith.constant 48 : index
        %get3A_249 = tpu.vector_load %arg17[%get3A_247, %get3A_248] {strides = array<i32>} : memref<80x128xf32, #tpu.memory_space<vmem>>, vector<1x16xf32>,
        %get3A_250 = vector.shape_cast %get3A_249 : vector<1x16xf32> to vector<16xf32>
        %mul3A_251 = arith.mulf %div3A_241, %get3A_250 : vector<16xf32>
        %swap3A_252 = arith.index_cast %scan3A_105 : i32 to index
        %swap3A_253 = arith.constant 48 : index
        %swap3A_254 = tpu.vector_load %arg19[%swap3A_252, %swap3A_253] {strides = array<i32>} : memref<80x128xf32, #tpu.memory_space<vmem>>, vector<1x16xf32>,
        %swap3A_255 = vector.shape_cast %swap3A_254 : vector<1x16xf32> to vector<16xf32>
        %swap3A_256 = vector.shape_cast %mul3A_251 : vector<16xf32> to vector<1x16xf32>
        tpu.vector_store %arg19[%swap3A_252, %swap3A_253], %swap3A_256 {strides = array<i32>} : memref<80x128xf32, #tpu.memory_space<vmem>>, vector<1x16xf32>,
        %get3A_257 = arith.index_cast %scan3A_105 : i32 to index
        %get3A_258 = arith.constant 64 : index
        %get3A_259 = tpu.vector_load %arg14[%get3A_257, %get3A_258] {strides = array<i32>} : memref<80x128xf32, #tpu.memory_space<vmem>>, vector<1x16xf32>,
        %get3A_260 = vector.shape_cast %get3A_259 : vector<1x16xf32> to vector<16xf32>
        %get3A_261 = arith.index_cast %scan3A_105 : i32 to index
        %get3A_262 = arith.constant 64 : index
        %get3A_263 = tpu.vector_load %arg15[%get3A_261, %get3A_262] {strides = array<i32>} : memref<80x128xf32, #tpu.memory_space<vmem>>, vector<1x16xf32>,
        %get3A_264 = vector.shape_cast %get3A_263 : vector<1x16xf32> to vector<16xf32>
        %add3A_265 = arith.addf %get3A_260, %get3A_264 : vector<16xf32>
        %get3A_266 = arith.index_cast %scan3A_105 : i32 to index
        %get3A_267 = arith.constant 64 : index
        %get3A_268 = tpu.vector_load %arg16[%get3A_266, %get3A_267] {strides = array<i32>} : memref<80x128xf32, #tpu.memory_space<vmem>>, vector<1x16xf32>,
        %get3A_269 = vector.shape_cast %get3A_268 : vector<1x16xf32> to vector<16xf32>
        %add3A_270 = arith.addf %add3A_265, %get3A_269 : vector<16xf32>
        %neg3A_271 = arith.constant 0.000000e+00 : f32
        %neg3A_272 = vector.broadcast %neg3A_271 : f32 to vector<16xf32>
        %neg3A_273 = arith.subf %neg3A_272, %add3A_270 : vector<16xf32>
        %exp3A_274 = math.exp %neg3A_273 : vector<16xf32>
        %add3A_275 = arith.constant 1.000000e+00 : f32
        %add3A_276 = vector.broadcast %add3A_275 : f32 to vector<16xf32>
        %add3A_277 = arith.addf %add3A_276, %exp3A_274 : vector<16xf32>
        %div3A_278 = arith.constant 1.000000e+00 : f32
        %div3A_279 = vector.broadcast %div3A_278 : f32 to vector<16xf32>
        %div3A_280 = arith.divf %div3A_279, %add3A_277 : vector<16xf32>
        %swap3A_281 = arith.index_cast %scan3A_105 : i32 to index
        %swap3A_282 = arith.constant 64 : index
        %swap3A_283 = tpu.vector_load %arg18[%swap3A_281, %swap3A_282] {strides = array<i32>} : memref<80x128xf32, #tpu.memory_space<vmem>>, vector<1x16xf32>,
        %swap3A_284 = vector.shape_cast %swap3A_283 : vector<1x16xf32> to vector<16xf32>
        %swap3A_285 = vector.shape_cast %add3A_270 : vector<16xf32> to vector<1x16xf32>
        tpu.vector_store %arg18[%swap3A_281, %swap3A_282], %swap3A_285 {strides = array<i32>} : memref<80x128xf32, #tpu.memory_space<vmem>>, vector<1x16xf32>,
        %get3A_286 = arith.index_cast %scan3A_105 : i32 to index
        %get3A_287 = arith.constant 64 : index
        %get3A_288 = tpu.vector_load %arg17[%get3A_286, %get3A_287] {strides = array<i32>} : memref<80x128xf32, #tpu.memory_space<vmem>>, vector<1x16xf32>,
        %get3A_289 = vector.shape_cast %get3A_288 : vector<1x16xf32> to vector<16xf32>
        %mul3A_290 = arith.mulf %div3A_280, %get3A_289 : vector<16xf32>
        %swap3A_291 = arith.index_cast %scan3A_105 : i32 to index
        %swap3A_292 = arith.constant 64 : index
        %swap3A_293 = tpu.vector_load %arg19[%swap3A_291, %swap3A_292] {strides = array<i32>} : memref<80x128xf32, #tpu.memory_space<vmem>>, vector<1x16xf32>,
        %swap3A_294 = vector.shape_cast %swap3A_293 : vector<1x16xf32> to vector<16xf32>
        %swap3A_295 = vector.shape_cast %mul3A_290 : vector<16xf32> to vector<1x16xf32>
        tpu.vector_store %arg19[%swap3A_291, %swap3A_292], %swap3A_295 {strides = array<i32>} : memref<80x128xf32, #tpu.memory_space<vmem>>, vector<1x16xf32>,
        %get3A_296 = arith.index_cast %scan3A_105 : i32 to index
        %get3A_297 = arith.constant 80 : index
        %get3A_298 = tpu.vector_load %arg14[%get3A_296, %get3A_297] {strides = array<i32>} : memref<80x128xf32, #tpu.memory_space<vmem>>, vector<1x16xf32>,
        %get3A_299 = vector.shape_cast %get3A_298 : vector<1x16xf32> to vector<16xf32>
        %get3A_300 = arith.index_cast %scan3A_105 : i32 to index
        %get3A_301 = arith.constant 80 : index
        %get3A_302 = tpu.vector_load %arg15[%get3A_300, %get3A_301] {strides = array<i32>} : memref<80x128xf32, #tpu.memory_space<vmem>>, vector<1x16xf32>,
        %get3A_303 = vector.shape_cast %get3A_302 : vector<1x16xf32> to vector<16xf32>
        %add3A_304 = arith.addf %get3A_299, %get3A_303 : vector<16xf32>
        %get3A_305 = arith.index_cast %scan3A_105 : i32 to index
        %get3A_306 = arith.constant 80 : index
        %get3A_307 = tpu.vector_load %arg16[%get3A_305, %get3A_306] {strides = array<i32>} : memref<80x128xf32, #tpu.memory_space<vmem>>, vector<1x16xf32>,
        %get3A_308 = vector.shape_cast %get3A_307 : vector<1x16xf32> to vector<16xf32>
        %add3A_309 = arith.addf %add3A_304, %get3A_308 : vector<16xf32>
        %neg3A_310 = arith.constant 0.000000e+00 : f32
        %neg3A_311 = vector.broadcast %neg3A_310 : f32 to vector<16xf32>
        %neg3A_312 = arith.subf %neg3A_311, %add3A_309 : vector<16xf32>
        %exp3A_313 = math.exp %neg3A_312 : vector<16xf32>
        %add3A_314 = arith.constant 1.000000e+00 : f32
        %add3A_315 = vector.broadcast %add3A_314 : f32 to vector<16xf32>
        %add3A_316 = arith.addf %add3A_315, %exp3A_313 : vector<16xf32>
        %div3A_317 = arith.constant 1.000000e+00 : f32
        %div3A_318 = vector.broadcast %div3A_317 : f32 to vector<16xf32>
        %div3A_319 = arith.divf %div3A_318, %add3A_316 : vector<16xf32>
        %swap3A_320 = arith.index_cast %scan3A_105 : i32 to index
        %swap3A_321 = arith.constant 80 : index
        %swap3A_322 = tpu.vector_load %arg18[%swap3A_320, %swap3A_321] {strides = array<i32>} : memref<80x128xf32, #tpu.memory_space<vmem>>, vector<1x16xf32>,
        %swap3A_323 = vector.shape_cast %swap3A_322 : vector<1x16xf32> to vector<16xf32>
        %swap3A_324 = vector.shape_cast %add3A_309 : vector<16xf32> to vector<1x16xf32>
        tpu.vector_store %arg18[%swap3A_320, %swap3A_321], %swap3A_324 {strides = array<i32>} : memref<80x128xf32, #tpu.memory_space<vmem>>, vector<1x16xf32>,
        %get3A_325 = arith.index_cast %scan3A_105 : i32 to index
        %get3A_326 = arith.constant 80 : index
        %get3A_327 = tpu.vector_load %arg17[%get3A_325, %get3A_326] {strides = array<i32>} : memref<80x128xf32, #tpu.memory_space<vmem>>, vector<1x16xf32>,
        %get3A_328 = vector.shape_cast %get3A_327 : vector<1x16xf32> to vector<16xf32>
        %mul3A_329 = arith.mulf %div3A_319, %get3A_328 : vector<16xf32>
        %swap3A_330 = arith.index_cast %scan3A_105 : i32 to index
        %swap3A_331 = arith.constant 80 : index
        %swap3A_332 = tpu.vector_load %arg19[%swap3A_330, %swap3A_331] {strides = array<i32>} : memref<80x128xf32, #tpu.memory_space<vmem>>, vector<1x16xf32>,
        %swap3A_333 = vector.shape_cast %swap3A_332 : vector<1x16xf32> to vector<16xf32>
        %swap3A_334 = vector.shape_cast %mul3A_329 : vector<16xf32> to vector<1x16xf32>
        tpu.vector_store %arg19[%swap3A_330, %swap3A_331], %swap3A_334 {strides = array<i32>} : memref<80x128xf32, #tpu.memory_space<vmem>>, vector<1x16xf32>,
        %get3A_335 = arith.index_cast %scan3A_105 : i32 to index
        %get3A_336 = arith.constant 96 : index
        %get3A_337 = tpu.vector_load %arg14[%get3A_335, %get3A_336] {strides = array<i32>} : memref<80x128xf32, #tpu.memory_space<vmem>>, vector<1x16xf32>,
        %get3A_338 = vector.shape_cast %get3A_337 : vector<1x16xf32> to vector<16xf32>
        %get3A_339 = arith.index_cast %scan3A_105 : i32 to index
        %get3A_340 = arith.constant 96 : index
        %get3A_341 = tpu.vector_load %arg15[%get3A_339, %get3A_340] {strides = array<i32>} : memref<80x128xf32, #tpu.memory_space<vmem>>, vector<1x16xf32>,
        %get3A_342 = vector.shape_cast %get3A_341 : vector<1x16xf32> to vector<16xf32>
        %add3A_343 = arith.addf %get3A_338, %get3A_342 : vector<16xf32>
        %get3A_344 = arith.index_cast %scan3A_105 : i32 to index
        %get3A_345 = arith.constant 96 : index
        %get3A_346 = tpu.vector_load %arg16[%get3A_344, %get3A_345] {strides = array<i32>} : memref<80x128xf32, #tpu.memory_space<vmem>>, vector<1x16xf32>,
        %get3A_347 = vector.shape_cast %get3A_346 : vector<1x16xf32> to vector<16xf32>
        %add3A_348 = arith.addf %add3A_343, %get3A_347 : vector<16xf32>
        %neg3A_349 = arith.constant 0.000000e+00 : f32
        %neg3A_350 = vector.broadcast %neg3A_349 : f32 to vector<16xf32>
        %neg3A_351 = arith.subf %neg3A_350, %add3A_348 : vector<16xf32>
        %exp3A_352 = math.exp %neg3A_351 : vector<16xf32>
        %add3A_353 = arith.constant 1.000000e+00 : f32
        %add3A_354 = vector.broadcast %add3A_353 : f32 to vector<16xf32>
        %add3A_355 = arith.addf %add3A_354, %exp3A_352 : vector<16xf32>
        %div3A_356 = arith.constant 1.000000e+00 : f32
        %div3A_357 = vector.broadcast %div3A_356 : f32 to vector<16xf32>
        %div3A_358 = arith.divf %div3A_357, %add3A_355 : vector<16xf32>
        %swap3A_359 = arith.index_cast %scan3A_105 : i32 to index
        %swap3A_360 = arith.constant 96 : index
        %swap3A_361 = tpu.vector_load %arg18[%swap3A_359, %swap3A_360] {strides = array<i32>} : memref<80x128xf32, #tpu.memory_space<vmem>>, vector<1x16xf32>,
        %swap3A_362 = vector.shape_cast %swap3A_361 : vector<1x16xf32> to vector<16xf32>
        %swap3A_363 = vector.shape_cast %add3A_348 : vector<16xf32> to vector<1x16xf32>
        tpu.vector_store %arg18[%swap3A_359, %swap3A_360], %swap3A_363 {strides = array<i32>} : memref<80x128xf32, #tpu.memory_space<vmem>>, vector<1x16xf32>,
        %get3A_364 = arith.index_cast %scan3A_105 : i32 to index
        %get3A_365 = arith.constant 96 : index
        %get3A_366 = tpu.vector_load %arg17[%get3A_364, %get3A_365] {strides = array<i32>} : memref<80x128xf32, #tpu.memory_space<vmem>>, vector<1x16xf32>,
        %get3A_367 = vector.shape_cast %get3A_366 : vector<1x16xf32> to vector<16xf32>
        %mul3A_368 = arith.mulf %div3A_358, %get3A_367 : vector<16xf32>
        %swap3A_369 = arith.index_cast %scan3A_105 : i32 to index
        %swap3A_370 = arith.constant 96 : index
        %swap3A_371 = tpu.vector_load %arg19[%swap3A_369, %swap3A_370] {strides = array<i32>} : memref<80x128xf32, #tpu.memory_space<vmem>>, vector<1x16xf32>,
        %swap3A_372 = vector.shape_cast %swap3A_371 : vector<1x16xf32> to vector<16xf32>
        %swap3A_373 = vector.shape_cast %mul3A_368 : vector<16xf32> to vector<1x16xf32>
        tpu.vector_store %arg19[%swap3A_369, %swap3A_370], %swap3A_373 {strides = array<i32>} : memref<80x128xf32, #tpu.memory_space<vmem>>, vector<1x16xf32>,
        %get3A_374 = arith.index_cast %scan3A_105 : i32 to index
        %get3A_375 = arith.constant 112 : index
        %get3A_376 = tpu.vector_load %arg14[%get3A_374, %get3A_375] {strides = array<i32>} : memref<80x128xf32, #tpu.memory_space<vmem>>, vector<1x16xf32>,
        %get3A_377 = vector.shape_cast %get3A_376 : vector<1x16xf32> to vector<16xf32>
        %get3A_378 = arith.index_cast %scan3A_105 : i32 to index
        %get3A_379 = arith.constant 112 : index
        %get3A_380 = tpu.vector_load %arg15[%get3A_378, %get3A_379] {strides = array<i32>} : memref<80x128xf32, #tpu.memory_space<vmem>>, vector<1x16xf32>,
        %get3A_381 = vector.shape_cast %get3A_380 : vector<1x16xf32> to vector<16xf32>
        %add3A_382 = arith.addf %get3A_377, %get3A_381 : vector<16xf32>
        %get3A_383 = arith.index_cast %scan3A_105 : i32 to index
        %get3A_384 = arith.constant 112 : index
        %get3A_385 = tpu.vector_load %arg16[%get3A_383, %get3A_384] {strides = array<i32>} : memref<80x128xf32, #tpu.memory_space<vmem>>, vector<1x16xf32>,
        %get3A_386 = vector.shape_cast %get3A_385 : vector<1x16xf32> to vector<16xf32>
        %add3A_387 = arith.addf %add3A_382, %get3A_386 : vector<16xf32>
        %neg3A_388 = arith.constant 0.000000e+00 : f32
        %neg3A_389 = vector.broadcast %neg3A_388 : f32 to vector<16xf32>
        %neg3A_390 = arith.subf %neg3A_389, %add3A_387 : vector<16xf32>
        %exp3A_391 = math.exp %neg3A_390 : vector<16xf32>
        %add3A_392 = arith.constant 1.000000e+00 : f32
        %add3A_393 = vector.broadcast %add3A_392 : f32 to vector<16xf32>
        %add3A_394 = arith.addf %add3A_393, %exp3A_391 : vector<16xf32>
        %div3A_395 = arith.constant 1.000000e+00 : f32
        %div3A_396 = vector.broadcast %div3A_395 : f32 to vector<16xf32>
        %div3A_397 = arith.divf %div3A_396, %add3A_394 : vector<16xf32>
        %swap3A_398 = arith.index_cast %scan3A_105 : i32 to index
        %swap3A_399 = arith.constant 112 : index
        %swap3A_400 = tpu.vector_load %arg18[%swap3A_398, %swap3A_399] {strides = array<i32>} : memref<80x128xf32, #tpu.memory_space<vmem>>, vector<1x16xf32>,
        %swap3A_401 = vector.shape_cast %swap3A_400 : vector<1x16xf32> to vector<16xf32>
        %swap3A_402 = vector.shape_cast %add3A_387 : vector<16xf32> to vector<1x16xf32>
        tpu.vector_store %arg18[%swap3A_398, %swap3A_399], %swap3A_402 {strides = array<i32>} : memref<80x128xf32, #tpu.memory_space<vmem>>, vector<1x16xf32>,
        %get3A_403 = arith.index_cast %scan3A_105 : i32 to index
        %get3A_404 = arith.constant 112 : index
        %get3A_405 = tpu.vector_load %arg17[%get3A_403, %get3A_404] {strides = array<i32>} : memref<80x128xf32, #tpu.memory_space<vmem>>, vector<1x16xf32>,
        %get3A_406 = vector.shape_cast %get3A_405 : vector<1x16xf32> to vector<16xf32>
        %mul3A_407 = arith.mulf %div3A_397, %get3A_406 : vector<16xf32>
        %swap3A_408 = arith.index_cast %scan3A_105 : i32 to index
        %swap3A_409 = arith.constant 112 : index
        %swap3A_410 = tpu.vector_load %arg19[%swap3A_408, %swap3A_409] {strides = array<i32>} : memref<80x128xf32, #tpu.memory_space<vmem>>, vector<1x16xf32>,
        %swap3A_411 = vector.shape_cast %swap3A_410 : vector<1x16xf32> to vector<16xf32>
        %swap3A_412 = vector.shape_cast %mul3A_407 : vector<16xf32> to vector<1x16xf32>
        tpu.vector_store %arg19[%swap3A_408, %swap3A_409], %swap3A_412 {strides = array<i32>} : memref<80x128xf32, #tpu.memory_space<vmem>>, vector<1x16xf32>,
      }
      %scan3A_104 = arith.constant 80 : i32
      "tpu.region"() ({
        %run_scoped3A = tpu.sem_alloc : memref<!tpu.dma_semaphore, #tpu.memory_space<semaphore_mem>>
        %dma_start3A_105 = arith.constant 0 : i32
        %dma_start3A_106 = tpu.memref_slice %arg8[%add3A_76, %dma_start3A_105] : memref<320000x128xf32, #tpu.memory_space<hbm>> -> memref<80x128xf32, #tpu.memory_space<hbm>>
        %dma_start3A_107 = arith.constant 0 : i32
        %dma_start3A_108 = tpu.memref_slice %arg8[%add3A_76, %dma_start3A_107] : memref<320000x128xf32, #tpu.memory_space<hbm>> -> memref<80x128xf32, #tpu.memory_space<hbm>>
        tpu.enqueue_dma source(%arg18 : memref<80x128xf32, #tpu.memory_space<vmem>>) target(%dma_start3A_108 : memref<80x128xf32, #tpu.memory_space<hbm>>) target_semaphore(%run_scoped3A : memref<!tpu.dma_semaphore, #tpu.memory_space<semaphore_mem>>)
        %dma_wait3A_109 = arith.constant 0 : i32
        %dma_wait3A_110 = tpu.memref_slice %arg8[%add3A_76, %dma_wait3A_109] : memref<320000x128xf32, #tpu.memory_space<hbm>> -> memref<80x128xf32, #tpu.memory_space<hbm>>
        %dma_wait3A_111 = arith.constant 0 : i32
        %dma_wait3A_112 = tpu.memref_slice %arg8[%add3A_76, %dma_wait3A_111] : memref<320000x128xf32, #tpu.memory_space<hbm>> -> memref<80x128xf32, #tpu.memory_space<hbm>>
        tpu.wait_dma2 semaphore(%run_scoped3A : memref<!tpu.dma_semaphore, #tpu.memory_space<semaphore_mem>>) src(%arg18 : memref<80x128xf32, #tpu.memory_space<vmem>>) dst(%dma_wait3A_112 : memref<80x128xf32, #tpu.memory_space<hbm>>)
        tpu.yield
      }) : () -> ()
      "tpu.region"() ({
        %run_scoped3A = tpu.sem_alloc : memref<!tpu.dma_semaphore, #tpu.memory_space<semaphore_mem>>
        %dma_start3A_105 = arith.constant 0 : i32
        %dma_start3A_106 = arith.constant 0 : i32
        %dma_start3A_107 = tpu.memref_slice %arg22[%dma_start3A_105, %dma_start3A_106] : memref<5008x128xf32, #tpu.memory_space<vmem_shared>> -> memref<5008x128xf32, #tpu.memory_space<vmem_shared>>
        tpu.enqueue_indirect_dma source(%arg19 : memref<80x128xf32, #tpu.memory_space<vmem>>) target(%dma_start3A_107 : memref<5008x128xf32, #tpu.memory_space<vmem_shared>>) offsets(%arg13 : memref<80xi32, #tpu.memory_space<vmem>>) semaphore(%run_scoped3A : memref<!tpu.dma_semaphore, #tpu.memory_space<semaphore_mem>>) {add = true}
        %dma_wait3A_108 = arith.constant 0 : i32
        %dma_wait3A_109 = arith.constant 0 : i32
        %dma_wait3A_110 = tpu.memref_slice %arg22[%dma_wait3A_108, %dma_wait3A_109] : memref<5008x128xf32, #tpu.memory_space<vmem_shared>> -> memref<5008x128xf32, #tpu.memory_space<vmem_shared>>
        tpu.wait_indirect_dma semaphore(%run_scoped3A : memref<!tpu.dma_semaphore, #tpu.memory_space<semaphore_mem>>) src(%arg19 : memref<80x128xf32, #tpu.memory_space<vmem>>) dst(%dma_wait3A_110 : memref<5008x128xf32, #tpu.memory_space<vmem_shared>>)
        tpu.yield
      }) : () -> ()
    }
    %scan3A_24 = arith.constant 250 : i32
    %barrier3A_25 = arith.constant 0 : index
    tpu.barrier barrier_id(%barrier3A_25)
    %mul3A_26 = arith.constant 312 : i32
    %mul3A_27 = arith.muli %arg1, %mul3A_26 : i32
    %mul3A_28 = arith.constant 312 : i32
    %mul3A_29 = arith.muli %arg1, %mul3A_28 : i32
    %add3A_30 = arith.addi %mul3A_0, %mul3A_29 : i32
    "tpu.region"() ({
      %run_scoped3A = tpu.sem_alloc : memref<!tpu.dma_semaphore, #tpu.memory_space<semaphore_mem>>
      %dma_start3A = arith.constant 0 : i32
      %dma_start3A_71 = tpu.memref_slice %arg9[%add3A_30, %dma_start3A] : memref<10000x128xf32, #tpu.memory_space<hbm>> -> memref<312x128xf32, #tpu.memory_space<hbm>>
      %dma_start3A_72 = arith.constant 0 : i32
      %dma_start3A_73 = tpu.memref_slice %arg22[%mul3A_27, %dma_start3A_72] : memref<5008x128xf32, #tpu.memory_space<vmem_shared>> -> memref<312x128xf32, #tpu.memory_space<vmem_shared>>
      tpu.enqueue_dma source(%dma_start3A_73 : memref<312x128xf32, #tpu.memory_space<vmem_shared>>) target(%dma_start3A_71 : memref<312x128xf32, #tpu.memory_space<hbm>>) target_semaphore(%run_scoped3A : memref<!tpu.dma_semaphore, #tpu.memory_space<semaphore_mem>>)
      %dma_wait3A = arith.constant 0 : i32
      %dma_wait3A_74 = tpu.memref_slice %arg9[%add3A_30, %dma_wait3A] : memref<10000x128xf32, #tpu.memory_space<hbm>> -> memref<312x128xf32, #tpu.memory_space<hbm>>
      %dma_wait3A_75 = arith.constant 0 : i32
      %dma_wait3A_76 = tpu.memref_slice %arg22[%mul3A_27, %dma_wait3A_75] : memref<5008x128xf32, #tpu.memory_space<vmem_shared>> -> memref<312x128xf32, #tpu.memory_space<vmem_shared>>
      tpu.wait_dma2 semaphore(%run_scoped3A : memref<!tpu.dma_semaphore, #tpu.memory_space<semaphore_mem>>) src(%dma_wait3A_76 : memref<312x128xf32, #tpu.memory_space<vmem_shared>>) dst(%dma_wait3A_74 : memref<312x128xf32, #tpu.memory_space<hbm>>)
      tpu.yield
    }) : () -> ()
    %eq3A_31 = arith.constant 15 : i32
    %eq3A_32 = arith.cmpi eq, %arg1, %eq3A_31 : i32
    %convert_element_type3A_33 = arith.extui %eq3A_32 : i1 to i32
    %cond3A_34 = arith.constant 0 : i32
    %cond3A_35 = arith.cmpi ne, %convert_element_type3A_33, %cond3A_34 : i32
    scf.if %cond3A_35 {
      %add3A_71 = arith.constant 4992 : i32
      %add3A_72 = arith.addi %mul3A_0, %add3A_71 : i32
      "tpu.region"() ({
        %run_scoped3A = tpu.sem_alloc : memref<!tpu.dma_semaphore, #tpu.memory_space<semaphore_mem>>
        %dma_start3A = arith.constant 0 : i32
        %dma_start3A_73 = tpu.memref_slice %arg9[%add3A_72, %dma_start3A] : memref<10000x128xf32, #tpu.memory_space<hbm>> -> memref<8x128xf32, #tpu.memory_space<hbm>>
        %dma_start3A_74 = arith.constant 4992 : i32
        %dma_start3A_75 = arith.constant 0 : i32
        %dma_start3A_76 = tpu.memref_slice %arg22[%dma_start3A_74, %dma_start3A_75] : memref<5008x128xf32, #tpu.memory_space<vmem_shared>> -> memref<8x128xf32, #tpu.memory_space<vmem_shared>>
        tpu.enqueue_dma source(%dma_start3A_76 : memref<8x128xf32, #tpu.memory_space<vmem_shared>>) target(%dma_start3A_73 : memref<8x128xf32, #tpu.memory_space<hbm>>) target_semaphore(%run_scoped3A : memref<!tpu.dma_semaphore, #tpu.memory_space<semaphore_mem>>)
        %dma_wait3A = arith.constant 0 : i32
        %dma_wait3A_77 = tpu.memref_slice %arg9[%add3A_72, %dma_wait3A] : memref<10000x128xf32, #tpu.memory_space<hbm>> -> memref<8x128xf32, #tpu.memory_space<hbm>>
        %dma_wait3A_78 = arith.constant 4992 : i32
        %dma_wait3A_79 = arith.constant 0 : i32
        %dma_wait3A_80 = tpu.memref_slice %arg22[%dma_wait3A_78, %dma_wait3A_79] : memref<5008x128xf32, #tpu.memory_space<vmem_shared>> -> memref<8x128xf32, #tpu.memory_space<vmem_shared>>
        tpu.wait_dma2 semaphore(%run_scoped3A : memref<!tpu.dma_semaphore, #tpu.memory_space<semaphore_mem>>) src(%dma_wait3A_80 : memref<8x128xf32, #tpu.memory_space<vmem_shared>>) dst(%dma_wait3A_77 : memref<8x128xf32, #tpu.memory_space<hbm>>)
        tpu.yield
      }) : () -> ()
    } else {
    }
    %mul3A_36 = arith.constant 312 : i32
    %mul3A_37 = arith.muli %arg1, %mul3A_36 : i32
    %add3A_38 = arith.constant 0 : i32
    %add3A_39 = arith.addi %mul3A_37, %add3A_38 : i32
    "tpu.region"() ({
      %run_scoped3A = tpu.sem_alloc : memref<!tpu.dma_semaphore, #tpu.memory_space<semaphore_mem>>
      %dma_start3A = arith.constant 0 : i32
      %dma_start3A_71 = tpu.memref_slice %arg22[%add3A_39, %dma_start3A] : memref<5008x128xf32, #tpu.memory_space<vmem_shared>> -> memref<104x128xf32, #tpu.memory_space<vmem_shared>>
      %dma_start3A_72 = arith.constant 0 : i32
      %dma_start3A_73 = tpu.memref_slice %arg22[%add3A_39, %dma_start3A_72] : memref<5008x128xf32, #tpu.memory_space<vmem_shared>> -> memref<104x128xf32, #tpu.memory_space<vmem_shared>>
      tpu.enqueue_dma source(%arg20 : memref<104x128xf32, #tpu.memory_space<vmem>>) target(%dma_start3A_73 : memref<104x128xf32, #tpu.memory_space<vmem_shared>>) target_semaphore(%run_scoped3A : memref<!tpu.dma_semaphore, #tpu.memory_space<semaphore_mem>>)
      %dma_wait3A = arith.constant 0 : i32
      %dma_wait3A_74 = tpu.memref_slice %arg22[%add3A_39, %dma_wait3A] : memref<5008x128xf32, #tpu.memory_space<vmem_shared>> -> memref<104x128xf32, #tpu.memory_space<vmem_shared>>
      %dma_wait3A_75 = arith.constant 0 : i32
      %dma_wait3A_76 = tpu.memref_slice %arg22[%add3A_39, %dma_wait3A_75] : memref<5008x128xf32, #tpu.memory_space<vmem_shared>> -> memref<104x128xf32, #tpu.memory_space<vmem_shared>>
      tpu.wait_dma2 semaphore(%run_scoped3A : memref<!tpu.dma_semaphore, #tpu.memory_space<semaphore_mem>>) src(%arg20 : memref<104x128xf32, #tpu.memory_space<vmem>>) dst(%dma_wait3A_76 : memref<104x128xf32, #tpu.memory_space<vmem_shared>>)
      tpu.yield
    }) : () -> ()
    %mul3A_40 = arith.constant 312 : i32
    %mul3A_41 = arith.muli %arg1, %mul3A_40 : i32
    %add3A_42 = arith.constant 104 : i32
    %add3A_43 = arith.addi %mul3A_41, %add3A_42 : i32
    "tpu.region"() ({
      %run_scoped3A = tpu.sem_alloc : memref<!tpu.dma_semaphore, #tpu.memory_space<semaphore_mem>>
      %dma_start3A = arith.constant 0 : i32
      %dma_start3A_71 = tpu.memref_slice %arg22[%add3A_43, %dma_start3A] : memref<5008x128xf32, #tpu.memory_space<vmem_shared>> -> memref<104x128xf32, #tpu.memory_space<vmem_shared>>
      %dma_start3A_72 = arith.constant 0 : i32
      %dma_start3A_73 = tpu.memref_slice %arg22[%add3A_43, %dma_start3A_72] : memref<5008x128xf32, #tpu.memory_space<vmem_shared>> -> memref<104x128xf32, #tpu.memory_space<vmem_shared>>
      tpu.enqueue_dma source(%arg20 : memref<104x128xf32, #tpu.memory_space<vmem>>) target(%dma_start3A_73 : memref<104x128xf32, #tpu.memory_space<vmem_shared>>) target_semaphore(%run_scoped3A : memref<!tpu.dma_semaphore, #tpu.memory_space<semaphore_mem>>)
      %dma_wait3A = arith.constant 0 : i32
      %dma_wait3A_74 = tpu.memref_slice %arg22[%add3A_43, %dma_wait3A] : memref<5008x128xf32, #tpu.memory_space<vmem_shared>> -> memref<104x128xf32, #tpu.memory_space<vmem_shared>>
      %dma_wait3A_75 = arith.constant 0 : i32
      %dma_wait3A_76 = tpu.memref_slice %arg22[%add3A_43, %dma_wait3A_75] : memref<5008x128xf32, #tpu.memory_space<vmem_shared>> -> memref<104x128xf32, #tpu.memory_space<vmem_shared>>
      tpu.wait_dma2 semaphore(%run_scoped3A : memref<!tpu.dma_semaphore, #tpu.memory_space<semaphore_mem>>) src(%arg20 : memref<104x128xf32, #tpu.memory_space<vmem>>) dst(%dma_wait3A_76 : memref<104x128xf32, #tpu.memory_space<vmem_shared>>)
      tpu.yield
    }) : () -> ()
    %mul3A_44 = arith.constant 312 : i32
    %mul3A_45 = arith.muli %arg1, %mul3A_44 : i32
    %add3A_46 = arith.constant 208 : i32
    %add3A_47 = arith.addi %mul3A_45, %add3A_46 : i32
    "tpu.region"() ({
      %run_scoped3A = tpu.sem_alloc : memref<!tpu.dma_semaphore, #tpu.memory_space<semaphore_mem>>
      %dma_start3A = arith.constant 0 : i32
      %dma_start3A_71 = tpu.memref_slice %arg22[%add3A_47, %dma_start3A] : memref<5008x128xf32, #tpu.memory_space<vmem_shared>> -> memref<104x128xf32, #tpu.memory_space<vmem_shared>>
      %dma_start3A_72 = arith.constant 0 : i32
      %dma_start3A_73 = tpu.memref_slice %arg22[%add3A_47, %dma_start3A_72] : memref<5008x128xf32, #tpu.memory_space<vmem_shared>> -> memref<104x128xf32, #tpu.memory_space<vmem_shared>>
      tpu.enqueue_dma source(%arg20 : memref<104x128xf32, #tpu.memory_space<vmem>>) target(%dma_start3A_73 : memref<104x128xf32, #tpu.memory_space<vmem_shared>>) target_semaphore(%run_scoped3A : memref<!tpu.dma_semaphore, #tpu.memory_space<semaphore_mem>>)
      %dma_wait3A = arith.constant 0 : i32
      %dma_wait3A_74 = tpu.memref_slice %arg22[%add3A_47, %dma_wait3A] : memref<5008x128xf32, #tpu.memory_space<vmem_shared>> -> memref<104x128xf32, #tpu.memory_space<vmem_shared>>
      %dma_wait3A_75 = arith.constant 0 : i32
      %dma_wait3A_76 = tpu.memref_slice %arg22[%add3A_47, %dma_wait3A_75] : memref<5008x128xf32, #tpu.memory_space<vmem_shared>> -> memref<104x128xf32, #tpu.memory_space<vmem_shared>>
      tpu.wait_dma2 semaphore(%run_scoped3A : memref<!tpu.dma_semaphore, #tpu.memory_space<semaphore_mem>>) src(%arg20 : memref<104x128xf32, #tpu.memory_space<vmem>>) dst(%dma_wait3A_76 : memref<104x128xf32, #tpu.memory_space<vmem_shared>>)
      tpu.yield
    }) : () -> ()
    %eq3A_48 = arith.constant 15 : i32
    %eq3A_49 = arith.cmpi eq, %arg1, %eq3A_48 : i32
    %convert_element_type3A_50 = arith.extui %eq3A_49 : i1 to i32
    %cond3A_51 = arith.constant 0 : i32
    %cond3A_52 = arith.cmpi ne, %convert_element_type3A_50, %cond3A_51 : i32
    scf.if %cond3A_52 {
      "tpu.region"() ({
        %run_scoped3A = tpu.sem_alloc : memref<!tpu.dma_semaphore, #tpu.memory_space<semaphore_mem>>
        %dma_start3A = arith.constant 0 : i32
        %dma_start3A_71 = arith.constant 0 : i32
        %dma_start3A_72 = tpu.memref_slice %arg20[%dma_start3A, %dma_start3A_71] : memref<104x128xf32, #tpu.memory_space<vmem>> -> memref<16x128xf32, #tpu.memory_space<vmem>>
        %dma_start3A_73 = arith.constant 4992 : i32
        %dma_start3A_74 = arith.constant 0 : i32
        %dma_start3A_75 = tpu.memref_slice %arg22[%dma_start3A_73, %dma_start3A_74] : memref<5008x128xf32, #tpu.memory_space<vmem_shared>> -> memref<16x128xf32, #tpu.memory_space<vmem_shared>>
        %dma_start3A_76 = arith.constant 4992 : i32
        %dma_start3A_77 = arith.constant 0 : i32
        %dma_start3A_78 = tpu.memref_slice %arg22[%dma_start3A_76, %dma_start3A_77] : memref<5008x128xf32, #tpu.memory_space<vmem_shared>> -> memref<16x128xf32, #tpu.memory_space<vmem_shared>>
        %dma_start3A_79 = arith.constant 0 : i32
        %dma_start3A_80 = arith.constant 0 : i32
        %dma_start3A_81 = tpu.memref_slice %arg20[%dma_start3A_79, %dma_start3A_80] : memref<104x128xf32, #tpu.memory_space<vmem>> -> memref<16x128xf32, #tpu.memory_space<vmem>>
        tpu.enqueue_dma source(%dma_start3A_81 : memref<16x128xf32, #tpu.memory_space<vmem>>) target(%dma_start3A_78 : memref<16x128xf32, #tpu.memory_space<vmem_shared>>) target_semaphore(%run_scoped3A : memref<!tpu.dma_semaphore, #tpu.memory_space<semaphore_mem>>)
        %dma_wait3A = arith.constant 0 : i32
        %dma_wait3A_82 = arith.constant 0 : i32
        %dma_wait3A_83 = tpu.memref_slice %arg20[%dma_wait3A, %dma_wait3A_82] : memref<104x128xf32, #tpu.memory_space<vmem>> -> memref<16x128xf32, #tpu.memory_space<vmem>>
        %dma_wait3A_84 = arith.constant 4992 : i32
        %dma_wait3A_85 = arith.constant 0 : i32
        %dma_wait3A_86 = tpu.memref_slice %arg22[%dma_wait3A_84, %dma_wait3A_85] : memref<5008x128xf32, #tpu.memory_space<vmem_shared>> -> memref<16x128xf32, #tpu.memory_space<vmem_shared>>
        %dma_wait3A_87 = arith.constant 4992 : i32
        %dma_wait3A_88 = arith.constant 0 : i32
        %dma_wait3A_89 = tpu.memref_slice %arg22[%dma_wait3A_87, %dma_wait3A_88] : memref<5008x128xf32, #tpu.memory_space<vmem_shared>> -> memref<16x128xf32, #tpu.memory_space<vmem_shared>>
        %dma_wait3A_90 = arith.constant 0 : i32
        %dma_wait3A_91 = arith.constant 0 : i32
        %dma_wait3A_92 = tpu.memref_slice %arg20[%dma_wait3A_90, %dma_wait3A_91] : memref<104x128xf32, #tpu.memory_space<vmem>> -> memref<16x128xf32, #tpu.memory_space<vmem>>
        tpu.wait_dma2 semaphore(%run_scoped3A : memref<!tpu.dma_semaphore, #tpu.memory_space<semaphore_mem>>) src(%dma_wait3A_92 : memref<16x128xf32, #tpu.memory_space<vmem>>) dst(%dma_wait3A_89 : memref<16x128xf32, #tpu.memory_space<vmem_shared>>)
        tpu.yield
      }) : () -> ()
    } else {
    }
    %barrier3A_53 = arith.constant 0 : index
    tpu.barrier barrier_id(%barrier3A_53)
    %scan3A_54 = arith.constant 0 : i32
    %scan3A_55 = arith.constant 0 : i32
    %scan3A_56 = arith.constant 250 : i32
    %scan3A_57 = arith.addi %scan3A_55, %scan3A_56 : i32
    %scan3A_58 = arith.constant 1 : i32
    scf.for %scan3A_71 = %scan3A_55 to %scan3A_57 step %scan3A_58  : i32 {
      %mul3A_72 = arith.constant 20000 : i32
      %mul3A_73 = arith.muli %arg1, %mul3A_72 : i32
      %mul3A_74 = arith.constant 80 : i32
      %mul3A_75 = arith.muli %scan3A_71, %mul3A_74 : i32
      %add3A_76 = arith.addi %mul3A_73, %mul3A_75 : i32
      "tpu.region"() ({
        %run_scoped3A = tpu.sem_alloc : memref<!tpu.dma_semaphore, #tpu.memory_space<semaphore_mem>>
        %dma_start3A = tpu.memref_slice %arg4[%add3A_76] : memref<320000xi32, #tpu.memory_space<hbm>> -> memref<80xi32, #tpu.memory_space<hbm>>
        %dma_start3A_89 = tpu.memref_slice %arg4[%add3A_76] : memref<320000xi32, #tpu.memory_space<hbm>> -> memref<80xi32, #tpu.memory_space<hbm>>
        tpu.enqueue_dma source(%dma_start3A_89 : memref<80xi32, #tpu.memory_space<hbm>>) target(%arg12 : memref<80xi32, #tpu.memory_space<vmem>>) target_semaphore(%run_scoped3A : memref<!tpu.dma_semaphore, #tpu.memory_space<semaphore_mem>>)
        %dma_wait3A = tpu.memref_slice %arg4[%add3A_76] : memref<320000xi32, #tpu.memory_space<hbm>> -> memref<80xi32, #tpu.memory_space<hbm>>
        %dma_wait3A_90 = tpu.memref_slice %arg4[%add3A_76] : memref<320000xi32, #tpu.memory_space<hbm>> -> memref<80xi32, #tpu.memory_space<hbm>>
        tpu.wait_dma2 semaphore(%run_scoped3A : memref<!tpu.dma_semaphore, #tpu.memory_space<semaphore_mem>>) src(%dma_wait3A_90 : memref<80xi32, #tpu.memory_space<hbm>>) dst(%arg12 : memref<80xi32, #tpu.memory_space<vmem>>)
        tpu.yield
      }) : () -> ()
      %scan3A_77 = arith.constant 0 : i32
      %scan3A_78 = arith.constant 0 : i32
      %scan3A_79 = arith.constant 5 : i32
      %scan3A_80 = arith.addi %scan3A_78, %scan3A_79 : i32
      %scan3A_81 = arith.constant 1 : i32
      scf.for %scan3A_89 = %scan3A_78 to %scan3A_80 step %scan3A_81  : i32 {
        %mul3A_90 = arith.constant 16 : i32
        %mul3A_91 = arith.muli %scan3A_89, %mul3A_90 : i32
        %get3A = arith.index_cast %mul3A_91 : i32 to index
        %get3A_92 = tpu.vector_load %arg12[%get3A] {strides = array<i32>} : memref<80xi32, #tpu.memory_space<vmem>>, vector<16xi32>,
        %get3A_93 = vector.shape_cast %get3A_92 : vector<16xi32> to vector<16xi32>
        %ge3A = vector.broadcast %mul3A_0 : i32 to vector<16xi32>
        %ge3A_94 = arith.cmpi sge, %get3A_93, %ge3A : vector<16xi32>
        %add3A_95 = arith.constant 5000 : i32
        %add3A_96 = arith.addi %mul3A_0, %add3A_95 : i32
        %lt3A = vector.broadcast %add3A_96 : i32 to vector<16xi32>
        %lt3A_97 = arith.cmpi slt, %get3A_93, %lt3A : vector<16xi32>
        %and3A = arith.andi %ge3A_94, %lt3A_97 : vector<16xi1>
        %sub3A = vector.broadcast %mul3A_0 : i32 to vector<16xi32>
        %sub3A_98 = arith.subi %get3A_93, %sub3A : vector<16xi32>
        %jit3A = arith.constant 5000 : i32
        %broadcast_in_dim3A = vector.broadcast %jit3A : i32 to vector<16xi32>
        %select_n3A = arith.select %and3A, %sub3A_98, %broadcast_in_dim3A : vector<16xi1>, vector<16xi32>
        %swap3A = arith.index_cast %mul3A_91 : i32 to index
        %swap3A_99 = tpu.vector_load %arg13[%swap3A] {strides = array<i32>} : memref<80xi32, #tpu.memory_space<vmem>>, vector<16xi32>,
        %swap3A_100 = vector.shape_cast %swap3A_99 : vector<16xi32> to vector<16xi32>
        %swap3A_101 = vector.shape_cast %select_n3A : vector<16xi32> to vector<16xi32>
        tpu.vector_store %arg13[%swap3A], %swap3A_101 {strides = array<i32>} : memref<80xi32, #tpu.memory_space<vmem>>, vector<16xi32>,
      }
      %scan3A_82 = arith.constant 5 : i32
      "tpu.region"() ({
        %run_scoped3A = tpu.sem_alloc : memref<!tpu.dma_semaphore, #tpu.memory_space<semaphore_mem>>
        %dma_start3A = arith.constant 0 : i32
        %dma_start3A_89 = tpu.memref_slice %arg8[%add3A_76, %dma_start3A] : memref<320000x128xf32, #tpu.memory_space<hbm>> -> memref<80x128xf32, #tpu.memory_space<hbm>>
        %dma_start3A_90 = arith.constant 0 : i32
        %dma_start3A_91 = tpu.memref_slice %arg8[%add3A_76, %dma_start3A_90] : memref<320000x128xf32, #tpu.memory_space<hbm>> -> memref<80x128xf32, #tpu.memory_space<hbm>>
        tpu.enqueue_dma source(%dma_start3A_91 : memref<80x128xf32, #tpu.memory_space<hbm>>) target(%arg18 : memref<80x128xf32, #tpu.memory_space<vmem>>) target_semaphore(%run_scoped3A : memref<!tpu.dma_semaphore, #tpu.memory_space<semaphore_mem>>)
        %dma_wait3A = arith.constant 0 : i32
        %dma_wait3A_92 = tpu.memref_slice %arg8[%add3A_76, %dma_wait3A] : memref<320000x128xf32, #tpu.memory_space<hbm>> -> memref<80x128xf32, #tpu.memory_space<hbm>>
        %dma_wait3A_93 = arith.constant 0 : i32
        %dma_wait3A_94 = tpu.memref_slice %arg8[%add3A_76, %dma_wait3A_93] : memref<320000x128xf32, #tpu.memory_space<hbm>> -> memref<80x128xf32, #tpu.memory_space<hbm>>
        tpu.wait_dma2 semaphore(%run_scoped3A : memref<!tpu.dma_semaphore, #tpu.memory_space<semaphore_mem>>) src(%dma_wait3A_94 : memref<80x128xf32, #tpu.memory_space<hbm>>) dst(%arg18 : memref<80x128xf32, #tpu.memory_space<vmem>>)
        tpu.yield
      }) : () -> ()
      %scan3A_83 = arith.constant 0 : i32
      %scan3A_84 = arith.constant 0 : i32
      %scan3A_85 = arith.constant 640 : i32
      %scan3A_86 = arith.addi %scan3A_84, %scan3A_85 : i32
      %scan3A_87 = arith.constant 1 : i32
      scf.for %scan3A_89 = %scan3A_84 to %scan3A_86 step %scan3A_87  : i32 {
        %jit3A = arith.constant 8 : i32
        %div3A = arith.divsi %scan3A_89, %jit3A : i32
        %sign3A = arith.constant 0 : i32
        %sign3A_90 = arith.cmpi sgt, %scan3A_89, %sign3A : i32
        %sign3A_91 = arith.extui %sign3A_90 : i1 to i32
        %sign3A_92 = arith.constant 0 : i32
        %sign3A_93 = arith.cmpi slt, %scan3A_89, %sign3A_92 : i32
        %sign3A_94 = arith.extui %sign3A_93 : i1 to i32
        %sign3A_95 = arith.subi %sign3A_91, %sign3A_94 : i32
        %sign3A_96 = arith.constant 0 : i32
        %sign3A_97 = arith.cmpi sgt, %jit3A, %sign3A_96 : i32
        %sign3A_98 = arith.extui %sign3A_97 : i1 to i32
        %sign3A_99 = arith.constant 0 : i32
        %sign3A_100 = arith.cmpi slt, %jit3A, %sign3A_99 : i32
        %sign3A_101 = arith.extui %sign3A_100 : i1 to i32
        %sign3A_102 = arith.subi %sign3A_98, %sign3A_101 : i32
        %ne3A = arith.cmpi ne, %sign3A_95, %sign3A_102 : i32
        %rem3A = arith.remsi %scan3A_89, %jit3A : i32
        %ne3A_103 = arith.constant 0 : i32
        %ne3A_104 = arith.cmpi ne, %rem3A, %ne3A_103 : i32
        %and3A = arith.andi %ne3A, %ne3A_104 : i1
        %sub3A = arith.constant 1 : i32
        %sub3A_105 = arith.subi %div3A, %sub3A : i32
        %select_n3A = arith.select %and3A, %sub3A_105, %div3A : i32
        %jit3A_106 = arith.constant 8 : i32
        %eq3A_107 = arith.constant 0 : i32
        %eq3A_108 = arith.cmpi eq, %jit3A_106, %eq3A_107 : i32
        %jit3A_109 = arith.constant 1 : i32
        %select_n3A_110 = arith.select %eq3A_108, %jit3A_109, %jit3A_106 : i32
        %rem3A_111 = arith.remsi %scan3A_89, %select_n3A_110 : i32
        %ne3A_112 = arith.constant 0 : i32
        %ne3A_113 = arith.cmpi ne, %rem3A_111, %ne3A_112 : i32
        %lt3A = arith.constant 0 : i32
        %lt3A_114 = arith.cmpi slt, %rem3A_111, %lt3A : i32
        %lt3A_115 = arith.constant 0 : i32
        %lt3A_116 = arith.cmpi slt, %select_n3A_110, %lt3A_115 : i32
        %ne3A_117 = arith.xori %lt3A_114, %lt3A_116 : i1
        %and3A_118 = arith.andi %ne3A_117, %ne3A_113 : i1
        %add3A_119 = arith.addi %rem3A_111, %select_n3A_110 : i32
        %select_n3A_120 = arith.select %and3A_118, %add3A_119, %rem3A_111 : i32
        %mul3A_121 = arith.constant 16 : i32
        %mul3A_122 = arith.muli %select_n3A_120, %mul3A_121 : i32
        %get3A = arith.index_cast %select_n3A : i32 to index
        %get3A_123 = arith.index_cast %mul3A_122 : i32 to index
        %get3A_124 = tpu.vector_load %arg18[%get3A, %get3A_123] {strides = array<i32>} : memref<80x128xf32, #tpu.memory_space<vmem>>, vector<1x16xf32>,
        %get3A_125 = vector.shape_cast %get3A_124 : vector<1x16xf32> to vector<16xf32>
        %neg3A = arith.constant 0.000000e+00 : f32
        %neg3A_126 = vector.broadcast %neg3A : f32 to vector<16xf32>
        %neg3A_127 = arith.subf %neg3A_126, %get3A_125 : vector<16xf32>
        %exp3A = math.exp %neg3A_127 : vector<16xf32>
        %add3A_128 = arith.constant 1.000000e+00 : f32
        %add3A_129 = vector.broadcast %add3A_128 : f32 to vector<16xf32>
        %add3A_130 = arith.addf %add3A_129, %exp3A : vector<16xf32>
        %div3A_131 = arith.constant 1.000000e+00 : f32
        %div3A_132 = vector.broadcast %div3A_131 : f32 to vector<16xf32>
        %div3A_133 = arith.divf %div3A_132, %add3A_130 : vector<16xf32>
        %swap3A = arith.index_cast %select_n3A : i32 to index
        %swap3A_134 = arith.index_cast %mul3A_122 : i32 to index
        %swap3A_135 = tpu.vector_load %arg19[%swap3A, %swap3A_134] {strides = array<i32>} : memref<80x128xf32, #tpu.memory_space<vmem>>, vector<1x16xf32>,
        %swap3A_136 = vector.shape_cast %swap3A_135 : vector<1x16xf32> to vector<16xf32>
        %swap3A_137 = vector.shape_cast %div3A_133 : vector<16xf32> to vector<1x16xf32>
        tpu.vector_store %arg19[%swap3A, %swap3A_134], %swap3A_137 {strides = array<i32>} : memref<80x128xf32, #tpu.memory_space<vmem>>, vector<1x16xf32>,
      }
      %scan3A_88 = arith.constant 640 : i32
      "tpu.region"() ({
        %run_scoped3A = tpu.sem_alloc : memref<!tpu.dma_semaphore, #tpu.memory_space<semaphore_mem>>
        %dma_start3A = arith.constant 0 : i32
        %dma_start3A_89 = arith.constant 0 : i32
        %dma_start3A_90 = tpu.memref_slice %arg22[%dma_start3A, %dma_start3A_89] : memref<5008x128xf32, #tpu.memory_space<vmem_shared>> -> memref<5008x128xf32, #tpu.memory_space<vmem_shared>>
        tpu.enqueue_indirect_dma source(%arg19 : memref<80x128xf32, #tpu.memory_space<vmem>>) target(%dma_start3A_90 : memref<5008x128xf32, #tpu.memory_space<vmem_shared>>) offsets(%arg13 : memref<80xi32, #tpu.memory_space<vmem>>) semaphore(%run_scoped3A : memref<!tpu.dma_semaphore, #tpu.memory_space<semaphore_mem>>) {add = true}
        %dma_wait3A = arith.constant 0 : i32
        %dma_wait3A_91 = arith.constant 0 : i32
        %dma_wait3A_92 = tpu.memref_slice %arg22[%dma_wait3A, %dma_wait3A_91] : memref<5008x128xf32, #tpu.memory_space<vmem_shared>> -> memref<5008x128xf32, #tpu.memory_space<vmem_shared>>
        tpu.wait_indirect_dma semaphore(%run_scoped3A : memref<!tpu.dma_semaphore, #tpu.memory_space<semaphore_mem>>) src(%arg19 : memref<80x128xf32, #tpu.memory_space<vmem>>) dst(%dma_wait3A_92 : memref<5008x128xf32, #tpu.memory_space<vmem_shared>>)
        tpu.yield
      }) : () -> ()
    }
    %scan3A_59 = arith.constant 250 : i32
    %barrier3A_60 = arith.constant 0 : index
    tpu.barrier barrier_id(%barrier3A_60)
    %mul3A_61 = arith.constant 312 : i32
    %mul3A_62 = arith.muli %arg1, %mul3A_61 : i32
    %mul3A_63 = arith.constant 312 : i32
    %mul3A_64 = arith.muli %arg1, %mul3A_63 : i32
    %add3A_65 = arith.addi %mul3A_0, %mul3A_64 : i32
    "tpu.region"() ({
      %run_scoped3A = tpu.sem_alloc : memref<!tpu.dma_semaphore, #tpu.memory_space<semaphore_mem>>
      %dma_start3A = arith.constant 0 : i32
      %dma_start3A_71 = tpu.memref_slice %arg10[%add3A_65, %dma_start3A] : memref<10000x128xf32, #tpu.memory_space<hbm>> -> memref<312x128xf32, #tpu.memory_space<hbm>>
      %dma_start3A_72 = arith.constant 0 : i32
      %dma_start3A_73 = tpu.memref_slice %arg22[%mul3A_62, %dma_start3A_72] : memref<5008x128xf32, #tpu.memory_space<vmem_shared>> -> memref<312x128xf32, #tpu.memory_space<vmem_shared>>
      tpu.enqueue_dma source(%dma_start3A_73 : memref<312x128xf32, #tpu.memory_space<vmem_shared>>) target(%dma_start3A_71 : memref<312x128xf32, #tpu.memory_space<hbm>>) target_semaphore(%run_scoped3A : memref<!tpu.dma_semaphore, #tpu.memory_space<semaphore_mem>>)
      %dma_wait3A = arith.constant 0 : i32
      %dma_wait3A_74 = tpu.memref_slice %arg10[%add3A_65, %dma_wait3A] : memref<10000x128xf32, #tpu.memory_space<hbm>> -> memref<312x128xf32, #tpu.memory_space<hbm>>
      %dma_wait3A_75 = arith.constant 0 : i32
      %dma_wait3A_76 = tpu.memref_slice %arg22[%mul3A_62, %dma_wait3A_75] : memref<5008x128xf32, #tpu.memory_space<vmem_shared>> -> memref<312x128xf32, #tpu.memory_space<vmem_shared>>
      tpu.wait_dma2 semaphore(%run_scoped3A : memref<!tpu.dma_semaphore, #tpu.memory_space<semaphore_mem>>) src(%dma_wait3A_76 : memref<312x128xf32, #tpu.memory_space<vmem_shared>>) dst(%dma_wait3A_74 : memref<312x128xf32, #tpu.memory_space<hbm>>)
      tpu.yield
    }) : () -> ()
    %eq3A_66 = arith.constant 15 : i32
    %eq3A_67 = arith.cmpi eq, %arg1, %eq3A_66 : i32
    %convert_element_type3A_68 = arith.extui %eq3A_67 : i1 to i32
    %cond3A_69 = arith.constant 0 : i32
    %cond3A_70 = arith.cmpi ne, %convert_element_type3A_68, %cond3A_69 : i32
    scf.if %cond3A_70 {
      %add3A_71 = arith.constant 4992 : i32
      %add3A_72 = arith.addi %mul3A_0, %add3A_71 : i32
      "tpu.region"() ({
        %run_scoped3A = tpu.sem_alloc : memref<!tpu.dma_semaphore, #tpu.memory_space<semaphore_mem>>
        %dma_start3A = arith.constant 0 : i32
        %dma_start3A_73 = tpu.memref_slice %arg10[%add3A_72, %dma_start3A] : memref<10000x128xf32, #tpu.memory_space<hbm>> -> memref<8x128xf32, #tpu.memory_space<hbm>>
        %dma_start3A_74 = arith.constant 4992 : i32
        %dma_start3A_75 = arith.constant 0 : i32
        %dma_start3A_76 = tpu.memref_slice %arg22[%dma_start3A_74, %dma_start3A_75] : memref<5008x128xf32, #tpu.memory_space<vmem_shared>> -> memref<8x128xf32, #tpu.memory_space<vmem_shared>>
        tpu.enqueue_dma source(%dma_start3A_76 : memref<8x128xf32, #tpu.memory_space<vmem_shared>>) target(%dma_start3A_73 : memref<8x128xf32, #tpu.memory_space<hbm>>) target_semaphore(%run_scoped3A : memref<!tpu.dma_semaphore, #tpu.memory_space<semaphore_mem>>)
        %dma_wait3A = arith.constant 0 : i32
        %dma_wait3A_77 = tpu.memref_slice %arg10[%add3A_72, %dma_wait3A] : memref<10000x128xf32, #tpu.memory_space<hbm>> -> memref<8x128xf32, #tpu.memory_space<hbm>>
        %dma_wait3A_78 = arith.constant 4992 : i32
        %dma_wait3A_79 = arith.constant 0 : i32
        %dma_wait3A_80 = tpu.memref_slice %arg22[%dma_wait3A_78, %dma_wait3A_79] : memref<5008x128xf32, #tpu.memory_space<vmem_shared>> -> memref<8x128xf32, #tpu.memory_space<vmem_shared>>
        tpu.wait_dma2 semaphore(%run_scoped3A : memref<!tpu.dma_semaphore, #tpu.memory_space<semaphore_mem>>) src(%dma_wait3A_80 : memref<8x128xf32, #tpu.memory_space<vmem_shared>>) dst(%dma_wait3A_77 : memref<8x128xf32, #tpu.memory_space<hbm>>)
        tpu.yield
      }) : () -> ()
    } else {
    }
    return
  }
}

#map = affine_map<(d0, d1) -> (0, 0)>
#map1 = affine_map<(d0, d1) -> (0)>
module attributes {stable_mosaic.version = 14 : i64} {
  func.func @_edge_body(%arg0: i32, %arg1: i32, %arg2: memref<320000x128xf32, #tpu.memory_space<hbm>>, %arg3: memref<320000xi32, #tpu.memory_space<hbm>>, %arg4: memref<320000xi32, #tpu.memory_space<hbm>>, %arg5: memref<10000x128xf32, #tpu.memory_space<hbm>>, %arg6: memref<10000x128xf32, #tpu.memory_space<hbm>>, %arg7: memref<10000x128xf32, #tpu.memory_space<hbm>>, %arg8: memref<320000x128xf32, #tpu.memory_space<hbm>>, %arg9: memref<10000x128xf32, #tpu.memory_space<hbm>>, %arg10: memref<10000x128xf32, #tpu.memory_space<hbm>>, %arg11: memref<80xi32, #tpu.memory_space<vmem>>, %arg12: memref<80xi32, #tpu.memory_space<vmem>>, %arg13: memref<80xi32, #tpu.memory_space<vmem>>, %arg14: memref<80x128xf32, #tpu.memory_space<vmem>>, %arg15: memref<80x128xf32, #tpu.memory_space<vmem>>, %arg16: memref<80x128xf32, #tpu.memory_space<vmem>>, %arg17: memref<80x128xf32, #tpu.memory_space<vmem>>, %arg18: memref<80x128xf32, #tpu.memory_space<vmem>>, %arg19: memref<80x128xf32, #tpu.memory_space<vmem>>, %arg20: memref<104x128xf32, #tpu.memory_space<vmem>>, %arg21: memref<!tpu.dma_semaphore, #tpu.memory_space<semaphore_mem>>, %arg22: memref<5008x128xf32, #tpu.memory_space<vmem_shared>>) attributes {dimension_semantics = [#tpu.dimension_semantics<core_parallel>, #tpu.dimension_semantics<subcore_parallel>], iteration_bounds = array<i64: 2, 16>, scalar_prefetch = 0 : i64, scratch_operands = 12 : i64, tpu.core_type = #tpu.core_type<sc_vector_subcore>, window_params = [{transform_indices = #map}, {transform_indices = #map1}, {transform_indices = #map1}, {transform_indices = #map}, {transform_indices = #map}, {transform_indices = #map}, {transform_indices = #map}, {transform_indices = #map}, {transform_indices = #map}]} {
    %mul3A = arith.constant 5000 : i32
    %mul3A_0 = arith.muli %arg0, %mul3A : i32
    %scan3A = arith.constant 0 : i32
    %scan3A_1 = arith.constant 0 : i32
    %scan3A_2 = arith.constant 832 : i32
    %scan3A_3 = arith.addi %scan3A_1, %scan3A_2 : i32
    %scan3A_4 = arith.constant 1 : i32
    scf.for %scan3A_71 = %scan3A_1 to %scan3A_3 step %scan3A_4  : i32 {
      %broadcast_in_dim3A = arith.constant 0.000000e+00 : f32
      %broadcast_in_dim3A_72 = vector.broadcast %broadcast_in_dim3A : f32 to vector<16xf32>
      %jit3A = arith.constant 8 : i32
      %div3A = arith.divsi %scan3A_71, %jit3A : i32
      %sign3A = arith.constant 0 : i32
      %sign3A_73 = arith.cmpi sgt, %scan3A_71, %sign3A : i32
      %sign3A_74 = arith.extui %sign3A_73 : i1 to i32
      %sign3A_75 = arith.constant 0 : i32
      %sign3A_76 = arith.cmpi slt, %scan3A_71, %sign3A_75 : i32
      %sign3A_77 = arith.extui %sign3A_76 : i1 to i32
      %sign3A_78 = arith.subi %sign3A_74, %sign3A_77 : i32
      %sign3A_79 = arith.constant 0 : i32
      %sign3A_80 = arith.cmpi sgt, %jit3A, %sign3A_79 : i32
      %sign3A_81 = arith.extui %sign3A_80 : i1 to i32
      %sign3A_82 = arith.constant 0 : i32
      %sign3A_83 = arith.cmpi slt, %jit3A, %sign3A_82 : i32
      %sign3A_84 = arith.extui %sign3A_83 : i1 to i32
      %sign3A_85 = arith.subi %sign3A_81, %sign3A_84 : i32
      %ne3A = arith.cmpi ne, %sign3A_78, %sign3A_85 : i32
      %rem3A = arith.remsi %scan3A_71, %jit3A : i32
      %ne3A_86 = arith.constant 0 : i32
      %ne3A_87 = arith.cmpi ne, %rem3A, %ne3A_86 : i32
      %and3A = arith.andi %ne3A, %ne3A_87 : i1
      %sub3A = arith.constant 1 : i32
      %sub3A_88 = arith.subi %div3A, %sub3A : i32
      %select_n3A = arith.select %and3A, %sub3A_88, %div3A : i32
      %jit3A_89 = arith.constant 8 : i32
      %eq3A_90 = arith.constant 0 : i32
      %eq3A_91 = arith.cmpi eq, %jit3A_89, %eq3A_90 : i32
      %jit3A_92 = arith.constant 1 : i32
      %select_n3A_93 = arith.select %eq3A_91, %jit3A_92, %jit3A_89 : i32
      %rem3A_94 = arith.remsi %scan3A_71, %select_n3A_93 : i32
      %ne3A_95 = arith.constant 0 : i32
      %ne3A_96 = arith.cmpi ne, %rem3A_94, %ne3A_95 : i32
      %lt3A = arith.constant 0 : i32
      %lt3A_97 = arith.cmpi slt, %rem3A_94, %lt3A : i32
      %lt3A_98 = arith.constant 0 : i32
      %lt3A_99 = arith.cmpi slt, %select_n3A_93, %lt3A_98 : i32
      %ne3A_100 = arith.xori %lt3A_97, %lt3A_99 : i1
      %and3A_101 = arith.andi %ne3A_100, %ne3A_96 : i1
      %add3A_102 = arith.addi %rem3A_94, %select_n3A_93 : i32
      %select_n3A_103 = arith.select %and3A_101, %add3A_102, %rem3A_94 : i32
      %mul3A_104 = arith.constant 16 : i32
      %mul3A_105 = arith.muli %select_n3A_103, %mul3A_104 : i32
      %swap3A = arith.index_cast %select_n3A : i32 to index
      %swap3A_106 = arith.index_cast %mul3A_105 : i32 to index
      %swap3A_107 = tpu.vector_load %arg20[%swap3A, %swap3A_106] {strides = array<i32>} : memref<104x128xf32, #tpu.memory_space<vmem>>, vector<1x16xf32>,
      %swap3A_108 = vector.shape_cast %swap3A_107 : vector<1x16xf32> to vector<16xf32>
      %swap3A_109 = vector.shape_cast %broadcast_in_dim3A_72 : vector<16xf32> to vector<1x16xf32>
      tpu.vector_store %arg20[%swap3A, %swap3A_106], %swap3A_109 {strides = array<i32>} : memref<104x128xf32, #tpu.memory_space<vmem>>, vector<1x16xf32>,
    }
    %scan3A_5 = arith.constant 832 : i32
    %mul3A_6 = arith.constant 312 : i32
    %mul3A_7 = arith.muli %arg1, %mul3A_6 : i32
    %add3A = arith.constant 0 : i32
    %add3A_8 = arith.addi %mul3A_7, %add3A : i32
    "tpu.region"() ({
      %run_scoped3A = tpu.sem_alloc : memref<!tpu.dma_semaphore, #tpu.memory_space<semaphore_mem>>
      %dma_start3A = arith.constant 0 : i32
      %dma_start3A_71 = tpu.memref_slice %arg22[%add3A_8, %dma_start3A] : memref<5008x128xf32, #tpu.memory_space<vmem_shared>> -> memref<104x128xf32, #tpu.memory_space<vmem_shared>>
      %dma_start3A_72 = arith.constant 0 : i32
      %dma_start3A_73 = tpu.memref_slice %arg22[%add3A_8, %dma_start3A_72] : memref<5008x128xf32, #tpu.memory_space<vmem_shared>> -> memref<104x128xf32, #tpu.memory_space<vmem_shared>>
      tpu.enqueue_dma source(%arg20 : memref<104x128xf32, #tpu.memory_space<vmem>>) target(%dma_start3A_73 : memref<104x128xf32, #tpu.memory_space<vmem_shared>>) target_semaphore(%run_scoped3A : memref<!tpu.dma_semaphore, #tpu.memory_space<semaphore_mem>>)
      %dma_wait3A = arith.constant 0 : i32
      %dma_wait3A_74 = tpu.memref_slice %arg22[%add3A_8, %dma_wait3A] : memref<5008x128xf32, #tpu.memory_space<vmem_shared>> -> memref<104x128xf32, #tpu.memory_space<vmem_shared>>
      %dma_wait3A_75 = arith.constant 0 : i32
      %dma_wait3A_76 = tpu.memref_slice %arg22[%add3A_8, %dma_wait3A_75] : memref<5008x128xf32, #tpu.memory_space<vmem_shared>> -> memref<104x128xf32, #tpu.memory_space<vmem_shared>>
      tpu.wait_dma2 semaphore(%run_scoped3A : memref<!tpu.dma_semaphore, #tpu.memory_space<semaphore_mem>>) src(%arg20 : memref<104x128xf32, #tpu.memory_space<vmem>>) dst(%dma_wait3A_76 : memref<104x128xf32, #tpu.memory_space<vmem_shared>>)
      tpu.yield
    }) : () -> ()
    %mul3A_9 = arith.constant 312 : i32
    %mul3A_10 = arith.muli %arg1, %mul3A_9 : i32
    %add3A_11 = arith.constant 104 : i32
    %add3A_12 = arith.addi %mul3A_10, %add3A_11 : i32
    "tpu.region"() ({
      %run_scoped3A = tpu.sem_alloc : memref<!tpu.dma_semaphore, #tpu.memory_space<semaphore_mem>>
      %dma_start3A = arith.constant 0 : i32
      %dma_start3A_71 = tpu.memref_slice %arg22[%add3A_12, %dma_start3A] : memref<5008x128xf32, #tpu.memory_space<vmem_shared>> -> memref<104x128xf32, #tpu.memory_space<vmem_shared>>
      %dma_start3A_72 = arith.constant 0 : i32
      %dma_start3A_73 = tpu.memref_slice %arg22[%add3A_12, %dma_start3A_72] : memref<5008x128xf32, #tpu.memory_space<vmem_shared>> -> memref<104x128xf32, #tpu.memory_space<vmem_shared>>
      tpu.enqueue_dma source(%arg20 : memref<104x128xf32, #tpu.memory_space<vmem>>) target(%dma_start3A_73 : memref<104x128xf32, #tpu.memory_space<vmem_shared>>) target_semaphore(%run_scoped3A : memref<!tpu.dma_semaphore, #tpu.memory_space<semaphore_mem>>)
      %dma_wait3A = arith.constant 0 : i32
      %dma_wait3A_74 = tpu.memref_slice %arg22[%add3A_12, %dma_wait3A] : memref<5008x128xf32, #tpu.memory_space<vmem_shared>> -> memref<104x128xf32, #tpu.memory_space<vmem_shared>>
      %dma_wait3A_75 = arith.constant 0 : i32
      %dma_wait3A_76 = tpu.memref_slice %arg22[%add3A_12, %dma_wait3A_75] : memref<5008x128xf32, #tpu.memory_space<vmem_shared>> -> memref<104x128xf32, #tpu.memory_space<vmem_shared>>
      tpu.wait_dma2 semaphore(%run_scoped3A : memref<!tpu.dma_semaphore, #tpu.memory_space<semaphore_mem>>) src(%arg20 : memref<104x128xf32, #tpu.memory_space<vmem>>) dst(%dma_wait3A_76 : memref<104x128xf32, #tpu.memory_space<vmem_shared>>)
      tpu.yield
    }) : () -> ()
    %mul3A_13 = arith.constant 312 : i32
    %mul3A_14 = arith.muli %arg1, %mul3A_13 : i32
    %add3A_15 = arith.constant 208 : i32
    %add3A_16 = arith.addi %mul3A_14, %add3A_15 : i32
    "tpu.region"() ({
      %run_scoped3A = tpu.sem_alloc : memref<!tpu.dma_semaphore, #tpu.memory_space<semaphore_mem>>
      %dma_start3A = arith.constant 0 : i32
      %dma_start3A_71 = tpu.memref_slice %arg22[%add3A_16, %dma_start3A] : memref<5008x128xf32, #tpu.memory_space<vmem_shared>> -> memref<104x128xf32, #tpu.memory_space<vmem_shared>>
      %dma_start3A_72 = arith.constant 0 : i32
      %dma_start3A_73 = tpu.memref_slice %arg22[%add3A_16, %dma_start3A_72] : memref<5008x128xf32, #tpu.memory_space<vmem_shared>> -> memref<104x128xf32, #tpu.memory_space<vmem_shared>>
      tpu.enqueue_dma source(%arg20 : memref<104x128xf32, #tpu.memory_space<vmem>>) target(%dma_start3A_73 : memref<104x128xf32, #tpu.memory_space<vmem_shared>>) target_semaphore(%run_scoped3A : memref<!tpu.dma_semaphore, #tpu.memory_space<semaphore_mem>>)
      %dma_wait3A = arith.constant 0 : i32
      %dma_wait3A_74 = tpu.memref_slice %arg22[%add3A_16, %dma_wait3A] : memref<5008x128xf32, #tpu.memory_space<vmem_shared>> -> memref<104x128xf32, #tpu.memory_space<vmem_shared>>
      %dma_wait3A_75 = arith.constant 0 : i32
      %dma_wait3A_76 = tpu.memref_slice %arg22[%add3A_16, %dma_wait3A_75] : memref<5008x128xf32, #tpu.memory_space<vmem_shared>> -> memref<104x128xf32, #tpu.memory_space<vmem_shared>>
      tpu.wait_dma2 semaphore(%run_scoped3A : memref<!tpu.dma_semaphore, #tpu.memory_space<semaphore_mem>>) src(%arg20 : memref<104x128xf32, #tpu.memory_space<vmem>>) dst(%dma_wait3A_76 : memref<104x128xf32, #tpu.memory_space<vmem_shared>>)
      tpu.yield
    }) : () -> ()
    %eq3A = arith.constant 15 : i32
    %eq3A_17 = arith.cmpi eq, %arg1, %eq3A : i32
    %convert_element_type3A = arith.extui %eq3A_17 : i1 to i32
    %cond3A = arith.constant 0 : i32
    %cond3A_18 = arith.cmpi ne, %convert_element_type3A, %cond3A : i32
    scf.if %cond3A_18 {
      "tpu.region"() ({
        %run_scoped3A = tpu.sem_alloc : memref<!tpu.dma_semaphore, #tpu.memory_space<semaphore_mem>>
        %dma_start3A = arith.constant 0 : i32
        %dma_start3A_71 = arith.constant 0 : i32
        %dma_start3A_72 = tpu.memref_slice %arg20[%dma_start3A, %dma_start3A_71] : memref<104x128xf32, #tpu.memory_space<vmem>> -> memref<16x128xf32, #tpu.memory_space<vmem>>
        %dma_start3A_73 = arith.constant 4992 : i32
        %dma_start3A_74 = arith.constant 0 : i32
        %dma_start3A_75 = tpu.memref_slice %arg22[%dma_start3A_73, %dma_start3A_74] : memref<5008x128xf32, #tpu.memory_space<vmem_shared>> -> memref<16x128xf32, #tpu.memory_space<vmem_shared>>
        %dma_start3A_76 = arith.constant 4992 : i32
        %dma_start3A_77 = arith.constant 0 : i32
        %dma_start3A_78 = tpu.memref_slice %arg22[%dma_start3A_76, %dma_start3A_77] : memref<5008x128xf32, #tpu.memory_space<vmem_shared>> -> memref<16x128xf32, #tpu.memory_space<vmem_shared>>
        %dma_start3A_79 = arith.constant 0 : i32
        %dma_start3A_80 = arith.constant 0 : i32
        %dma_start3A_81 = tpu.memref_slice %arg20[%dma_start3A_79, %dma_start3A_80] : memref<104x128xf32, #tpu.memory_space<vmem>> -> memref<16x128xf32, #tpu.memory_space<vmem>>
        tpu.enqueue_dma source(%dma_start3A_81 : memref<16x128xf32, #tpu.memory_space<vmem>>) target(%dma_start3A_78 : memref<16x128xf32, #tpu.memory_space<vmem_shared>>) target_semaphore(%run_scoped3A : memref<!tpu.dma_semaphore, #tpu.memory_space<semaphore_mem>>)
        %dma_wait3A = arith.constant 0 : i32
        %dma_wait3A_82 = arith.constant 0 : i32
        %dma_wait3A_83 = tpu.memref_slice %arg20[%dma_wait3A, %dma_wait3A_82] : memref<104x128xf32, #tpu.memory_space<vmem>> -> memref<16x128xf32, #tpu.memory_space<vmem>>
        %dma_wait3A_84 = arith.constant 4992 : i32
        %dma_wait3A_85 = arith.constant 0 : i32
        %dma_wait3A_86 = tpu.memref_slice %arg22[%dma_wait3A_84, %dma_wait3A_85] : memref<5008x128xf32, #tpu.memory_space<vmem_shared>> -> memref<16x128xf32, #tpu.memory_space<vmem_shared>>
        %dma_wait3A_87 = arith.constant 4992 : i32
        %dma_wait3A_88 = arith.constant 0 : i32
        %dma_wait3A_89 = tpu.memref_slice %arg22[%dma_wait3A_87, %dma_wait3A_88] : memref<5008x128xf32, #tpu.memory_space<vmem_shared>> -> memref<16x128xf32, #tpu.memory_space<vmem_shared>>
        %dma_wait3A_90 = arith.constant 0 : i32
        %dma_wait3A_91 = arith.constant 0 : i32
        %dma_wait3A_92 = tpu.memref_slice %arg20[%dma_wait3A_90, %dma_wait3A_91] : memref<104x128xf32, #tpu.memory_space<vmem>> -> memref<16x128xf32, #tpu.memory_space<vmem>>
        tpu.wait_dma2 semaphore(%run_scoped3A : memref<!tpu.dma_semaphore, #tpu.memory_space<semaphore_mem>>) src(%dma_wait3A_92 : memref<16x128xf32, #tpu.memory_space<vmem>>) dst(%dma_wait3A_89 : memref<16x128xf32, #tpu.memory_space<vmem_shared>>)
        tpu.yield
      }) : () -> ()
    } else {
    }
    %barrier3A = arith.constant 0 : index
    tpu.barrier barrier_id(%barrier3A)
    %scan3A_19 = arith.constant 0 : i32
    %scan3A_20 = arith.constant 0 : i32
    %scan3A_21 = arith.constant 250 : i32
    %scan3A_22 = arith.addi %scan3A_20, %scan3A_21 : i32
    %scan3A_23 = arith.constant 1 : i32
    scf.for %scan3A_71 = %scan3A_20 to %scan3A_22 step %scan3A_23  : i32 {
      %mul3A_72 = arith.constant 20000 : i32
      %mul3A_73 = arith.muli %arg1, %mul3A_72 : i32
      %mul3A_74 = arith.constant 80 : i32
      %mul3A_75 = arith.muli %scan3A_71, %mul3A_74 : i32
      %add3A_76 = arith.addi %mul3A_73, %mul3A_75 : i32
      "tpu.region"() ({
        %run_scoped3A = tpu.sem_alloc : memref<!tpu.dma_semaphore, #tpu.memory_space<semaphore_mem>>
        %dma_start3A_105 = tpu.memref_slice %arg3[%add3A_76] : memref<320000xi32, #tpu.memory_space<hbm>> -> memref<80xi32, #tpu.memory_space<hbm>>
        %dma_start3A_106 = tpu.memref_slice %arg3[%add3A_76] : memref<320000xi32, #tpu.memory_space<hbm>> -> memref<80xi32, #tpu.memory_space<hbm>>
        tpu.enqueue_dma source(%dma_start3A_106 : memref<80xi32, #tpu.memory_space<hbm>>) target(%arg11 : memref<80xi32, #tpu.memory_space<vmem>>) target_semaphore(%run_scoped3A : memref<!tpu.dma_semaphore, #tpu.memory_space<semaphore_mem>>)
        %dma_wait3A_107 = tpu.memref_slice %arg3[%add3A_76] : memref<320000xi32, #tpu.memory_space<hbm>> -> memref<80xi32, #tpu.memory_space<hbm>>
        %dma_wait3A_108 = tpu.memref_slice %arg3[%add3A_76] : memref<320000xi32, #tpu.memory_space<hbm>> -> memref<80xi32, #tpu.memory_space<hbm>>
        tpu.wait_dma2 semaphore(%run_scoped3A : memref<!tpu.dma_semaphore, #tpu.memory_space<semaphore_mem>>) src(%dma_wait3A_108 : memref<80xi32, #tpu.memory_space<hbm>>) dst(%arg11 : memref<80xi32, #tpu.memory_space<vmem>>)
        tpu.yield
      }) : () -> ()
      "tpu.region"() ({
        %run_scoped3A = tpu.sem_alloc : memref<!tpu.dma_semaphore, #tpu.memory_space<semaphore_mem>>
        %dma_start3A_105 = tpu.memref_slice %arg4[%add3A_76] : memref<320000xi32, #tpu.memory_space<hbm>> -> memref<80xi32, #tpu.memory_space<hbm>>
        %dma_start3A_106 = tpu.memref_slice %arg4[%add3A_76] : memref<320000xi32, #tpu.memory_space<hbm>> -> memref<80xi32, #tpu.memory_space<hbm>>
        tpu.enqueue_dma source(%dma_start3A_106 : memref<80xi32, #tpu.memory_space<hbm>>) target(%arg12 : memref<80xi32, #tpu.memory_space<vmem>>) target_semaphore(%run_scoped3A : memref<!tpu.dma_semaphore, #tpu.memory_space<semaphore_mem>>)
        %dma_wait3A_107 = tpu.memref_slice %arg4[%add3A_76] : memref<320000xi32, #tpu.memory_space<hbm>> -> memref<80xi32, #tpu.memory_space<hbm>>
        %dma_wait3A_108 = tpu.memref_slice %arg4[%add3A_76] : memref<320000xi32, #tpu.memory_space<hbm>> -> memref<80xi32, #tpu.memory_space<hbm>>
        tpu.wait_dma2 semaphore(%run_scoped3A : memref<!tpu.dma_semaphore, #tpu.memory_space<semaphore_mem>>) src(%dma_wait3A_108 : memref<80xi32, #tpu.memory_space<hbm>>) dst(%arg12 : memref<80xi32, #tpu.memory_space<vmem>>)
        tpu.yield
      }) : () -> ()
      %dma_start3A = arith.constant 0 : i32
      %dma_start3A_77 = arith.constant 0 : i32
      %dma_start3A_78 = tpu.memref_slice %arg5[%dma_start3A, %dma_start3A_77] : memref<10000x128xf32, #tpu.memory_space<hbm>> -> memref<10000x128xf32, #tpu.memory_space<hbm>>
      tpu.enqueue_indirect_dma source(%dma_start3A_78 : memref<10000x128xf32, #tpu.memory_space<hbm>>) target(%arg15 : memref<80x128xf32, #tpu.memory_space<vmem>>) offsets(%arg11 : memref<80xi32, #tpu.memory_space<vmem>>) semaphore(%arg21 : memref<!tpu.dma_semaphore, #tpu.memory_space<semaphore_mem>>)
      %dma_start3A_79 = arith.constant 0 : i32
      %dma_start3A_80 = arith.constant 0 : i32
      %dma_start3A_81 = tpu.memref_slice %arg6[%dma_start3A_79, %dma_start3A_80] : memref<10000x128xf32, #tpu.memory_space<hbm>> -> memref<10000x128xf32, #tpu.memory_space<hbm>>
      tpu.enqueue_indirect_dma source(%dma_start3A_81 : memref<10000x128xf32, #tpu.memory_space<hbm>>) target(%arg16 : memref<80x128xf32, #tpu.memory_space<vmem>>) offsets(%arg12 : memref<80xi32, #tpu.memory_space<vmem>>) semaphore(%arg21 : memref<!tpu.dma_semaphore, #tpu.memory_space<semaphore_mem>>)
      %dma_start3A_82 = arith.constant 0 : i32
      %dma_start3A_83 = arith.constant 0 : i32
      %dma_start3A_84 = tpu.memref_slice %arg7[%dma_start3A_82, %dma_start3A_83] : memref<10000x128xf32, #tpu.memory_space<hbm>> -> memref<10000x128xf32, #tpu.memory_space<hbm>>
      tpu.enqueue_indirect_dma source(%dma_start3A_84 : memref<10000x128xf32, #tpu.memory_space<hbm>>) target(%arg17 : memref<80x128xf32, #tpu.memory_space<vmem>>) offsets(%arg11 : memref<80xi32, #tpu.memory_space<vmem>>) semaphore(%arg21 : memref<!tpu.dma_semaphore, #tpu.memory_space<semaphore_mem>>)
      "tpu.region"() ({
        %run_scoped3A = tpu.sem_alloc : memref<!tpu.dma_semaphore, #tpu.memory_space<semaphore_mem>>
        %dma_start3A_105 = arith.constant 0 : i32
        %dma_start3A_106 = tpu.memref_slice %arg2[%add3A_76, %dma_start3A_105] : memref<320000x128xf32, #tpu.memory_space<hbm>> -> memref<80x128xf32, #tpu.memory_space<hbm>>
        %dma_start3A_107 = arith.constant 0 : i32
        %dma_start3A_108 = tpu.memref_slice %arg2[%add3A_76, %dma_start3A_107] : memref<320000x128xf32, #tpu.memory_space<hbm>> -> memref<80x128xf32, #tpu.memory_space<hbm>>
        tpu.enqueue_dma source(%dma_start3A_108 : memref<80x128xf32, #tpu.memory_space<hbm>>) target(%arg14 : memref<80x128xf32, #tpu.memory_space<vmem>>) target_semaphore(%run_scoped3A : memref<!tpu.dma_semaphore, #tpu.memory_space<semaphore_mem>>)
        %dma_wait3A_109 = arith.constant 0 : i32
        %dma_wait3A_110 = tpu.memref_slice %arg2[%add3A_76, %dma_wait3A_109] : memref<320000x128xf32, #tpu.memory_space<hbm>> -> memref<80x128xf32, #tpu.memory_space<hbm>>
        %dma_wait3A_111 = arith.constant 0 : i32
        %dma_wait3A_112 = tpu.memref_slice %arg2[%add3A_76, %dma_wait3A_111] : memref<320000x128xf32, #tpu.memory_space<hbm>> -> memref<80x128xf32, #tpu.memory_space<hbm>>
        tpu.wait_dma2 semaphore(%run_scoped3A : memref<!tpu.dma_semaphore, #tpu.memory_space<semaphore_mem>>) src(%dma_wait3A_112 : memref<80x128xf32, #tpu.memory_space<hbm>>) dst(%arg14 : memref<80x128xf32, #tpu.memory_space<vmem>>)
        tpu.yield
      }) : () -> ()
      %scan3A_85 = arith.constant 0 : i32
      %scan3A_86 = arith.constant 0 : i32
      %scan3A_87 = arith.constant 5 : i32
      %scan3A_88 = arith.addi %scan3A_86, %scan3A_87 : i32
      %scan3A_89 = arith.constant 1 : i32
      scf.for %scan3A_105 = %scan3A_86 to %scan3A_88 step %scan3A_89  : i32 {
        %mul3A_106 = arith.constant 16 : i32
        %mul3A_107 = arith.muli %scan3A_105, %mul3A_106 : i32
        %get3A = arith.index_cast %mul3A_107 : i32 to index
        %get3A_108 = tpu.vector_load %arg12[%get3A] {strides = array<i32>} : memref<80xi32, #tpu.memory_space<vmem>>, vector<16xi32>,
        %get3A_109 = vector.shape_cast %get3A_108 : vector<16xi32> to vector<16xi32>
        %ge3A = vector.broadcast %mul3A_0 : i32 to vector<16xi32>
        %ge3A_110 = arith.cmpi sge, %get3A_109, %ge3A : vector<16xi32>
        %add3A_111 = arith.constant 5000 : i32
        %add3A_112 = arith.addi %mul3A_0, %add3A_111 : i32
        %lt3A = vector.broadcast %add3A_112 : i32 to vector<16xi32>
        %lt3A_113 = arith.cmpi slt, %get3A_109, %lt3A : vector<16xi32>
        %and3A = arith.andi %ge3A_110, %lt3A_113 : vector<16xi1>
        %sub3A = vector.broadcast %mul3A_0 : i32 to vector<16xi32>
        %sub3A_114 = arith.subi %get3A_109, %sub3A : vector<16xi32>
        %jit3A = arith.constant 5000 : i32
        %broadcast_in_dim3A = vector.broadcast %jit3A : i32 to vector<16xi32>
        %select_n3A = arith.select %and3A, %sub3A_114, %broadcast_in_dim3A : vector<16xi1>, vector<16xi32>
        %swap3A = arith.index_cast %mul3A_107 : i32 to index
        %swap3A_115 = tpu.vector_load %arg13[%swap3A] {strides = array<i32>} : memref<80xi32, #tpu.memory_space<vmem>>, vector<16xi32>,
        %swap3A_116 = vector.shape_cast %swap3A_115 : vector<16xi32> to vector<16xi32>
        %swap3A_117 = vector.shape_cast %select_n3A : vector<16xi32> to vector<16xi32>
        tpu.vector_store %arg13[%swap3A], %swap3A_117 {strides = array<i32>} : memref<80xi32, #tpu.memory_space<vmem>>, vector<16xi32>,
      }
      %scan3A_90 = arith.constant 5 : i32
      %dma_wait3A = arith.constant 0 : i32
      %dma_wait3A_91 = arith.constant 0 : i32
      %dma_wait3A_92 = tpu.memref_slice %arg5[%dma_wait3A, %dma_wait3A_91] : memref<10000x128xf32, #tpu.memory_space<hbm>> -> memref<10000x128xf32, #tpu.memory_space<hbm>>
      tpu.wait_indirect_dma semaphore(%arg21 : memref<!tpu.dma_semaphore, #tpu.memory_space<semaphore_mem>>) src(%dma_wait3A_92 : memref<10000x128xf32, #tpu.memory_space<hbm>>) dst(%arg15 : memref<80x128xf32, #tpu.memory_space<vmem>>)
      %dma_wait3A_93 = arith.constant 0 : i32
      %dma_wait3A_94 = arith.constant 0 : i32
      %dma_wait3A_95 = tpu.memref_slice %arg6[%dma_wait3A_93, %dma_wait3A_94] : memref<10000x128xf32, #tpu.memory_space<hbm>> -> memref<10000x128xf32, #tpu.memory_space<hbm>>
      tpu.wait_indirect_dma semaphore(%arg21 : memref<!tpu.dma_semaphore, #tpu.memory_space<semaphore_mem>>) src(%dma_wait3A_95 : memref<10000x128xf32, #tpu.memory_space<hbm>>) dst(%arg16 : memref<80x128xf32, #tpu.memory_space<vmem>>)
      %dma_wait3A_96 = arith.constant 0 : i32
      %dma_wait3A_97 = arith.constant 0 : i32
      %dma_wait3A_98 = tpu.memref_slice %arg7[%dma_wait3A_96, %dma_wait3A_97] : memref<10000x128xf32, #tpu.memory_space<hbm>> -> memref<10000x128xf32, #tpu.memory_space<hbm>>
      tpu.wait_indirect_dma semaphore(%arg21 : memref<!tpu.dma_semaphore, #tpu.memory_space<semaphore_mem>>) src(%dma_wait3A_98 : memref<10000x128xf32, #tpu.memory_space<hbm>>) dst(%arg17 : memref<80x128xf32, #tpu.memory_space<vmem>>)
      %scan3A_99 = arith.constant 0 : i32
      %scan3A_100 = arith.constant 0 : i32
      %scan3A_101 = arith.constant 80 : i32
      %scan3A_102 = arith.addi %scan3A_100, %scan3A_101 : i32
      %scan3A_103 = arith.constant 1 : i32
      scf.for %scan3A_105 = %scan3A_100 to %scan3A_102 step %scan3A_103  : i32 {
        %get3A = arith.index_cast %scan3A_105 : i32 to index
        %get3A_106 = arith.constant 0 : index
        %get3A_107 = tpu.vector_load %arg14[%get3A, %get3A_106] {strides = array<i32>} : memref<80x128xf32, #tpu.memory_space<vmem>>, vector<1x16xf32>,
        %get3A_108 = vector.shape_cast %get3A_107 : vector<1x16xf32> to vector<16xf32>
        %get3A_109 = arith.index_cast %scan3A_105 : i32 to index
        %get3A_110 = arith.constant 0 : index
        %get3A_111 = tpu.vector_load %arg15[%get3A_109, %get3A_110] {strides = array<i32>} : memref<80x128xf32, #tpu.memory_space<vmem>>, vector<1x16xf32>,
        %get3A_112 = vector.shape_cast %get3A_111 : vector<1x16xf32> to vector<16xf32>
        %add3A_113 = arith.addf %get3A_108, %get3A_112 : vector<16xf32>
        %get3A_114 = arith.index_cast %scan3A_105 : i32 to index
        %get3A_115 = arith.constant 0 : index
        %get3A_116 = tpu.vector_load %arg16[%get3A_114, %get3A_115] {strides = array<i32>} : memref<80x128xf32, #tpu.memory_space<vmem>>, vector<1x16xf32>,
        %get3A_117 = vector.shape_cast %get3A_116 : vector<1x16xf32> to vector<16xf32>
        %add3A_118 = arith.addf %add3A_113, %get3A_117 : vector<16xf32>
        %neg3A = arith.constant 0.000000e+00 : f32
        %neg3A_119 = vector.broadcast %neg3A : f32 to vector<16xf32>
        %neg3A_120 = arith.subf %neg3A_119, %add3A_118 : vector<16xf32>
        %exp3A = math.exp %neg3A_120 : vector<16xf32>
        %add3A_121 = arith.constant 1.000000e+00 : f32
        %add3A_122 = vector.broadcast %add3A_121 : f32 to vector<16xf32>
        %add3A_123 = arith.addf %add3A_122, %exp3A : vector<16xf32>
        %div3A = arith.constant 1.000000e+00 : f32
        %div3A_124 = vector.broadcast %div3A : f32 to vector<16xf32>
        %div3A_125 = arith.divf %div3A_124, %add3A_123 : vector<16xf32>
        %swap3A = arith.index_cast %scan3A_105 : i32 to index
        %swap3A_126 = arith.constant 0 : index
        %swap3A_127 = tpu.vector_load %arg18[%swap3A, %swap3A_126] {strides = array<i32>} : memref<80x128xf32, #tpu.memory_space<vmem>>, vector<1x16xf32>,
        %swap3A_128 = vector.shape_cast %swap3A_127 : vector<1x16xf32> to vector<16xf32>
        %swap3A_129 = vector.shape_cast %add3A_118 : vector<16xf32> to vector<1x16xf32>
        tpu.vector_store %arg18[%swap3A, %swap3A_126], %swap3A_129 {strides = array<i32>} : memref<80x128xf32, #tpu.memory_space<vmem>>, vector<1x16xf32>,
        %get3A_130 = arith.index_cast %scan3A_105 : i32 to index
        %get3A_131 = arith.constant 0 : index
        %get3A_132 = tpu.vector_load %arg17[%get3A_130, %get3A_131] {strides = array<i32>} : memref<80x128xf32, #tpu.memory_space<vmem>>, vector<1x16xf32>,
        %get3A_133 = vector.shape_cast %get3A_132 : vector<1x16xf32> to vector<16xf32>
        %mul3A_134 = arith.mulf %div3A_125, %get3A_133 : vector<16xf32>
        %swap3A_135 = arith.index_cast %scan3A_105 : i32 to index
        %swap3A_136 = arith.constant 0 : index
        %swap3A_137 = tpu.vector_load %arg19[%swap3A_135, %swap3A_136] {strides = array<i32>} : memref<80x128xf32, #tpu.memory_space<vmem>>, vector<1x16xf32>,
        %swap3A_138 = vector.shape_cast %swap3A_137 : vector<1x16xf32> to vector<16xf32>
        %swap3A_139 = vector.shape_cast %mul3A_134 : vector<16xf32> to vector<1x16xf32>
        tpu.vector_store %arg19[%swap3A_135, %swap3A_136], %swap3A_139 {strides = array<i32>} : memref<80x128xf32, #tpu.memory_space<vmem>>, vector<1x16xf32>,
        %get3A_140 = arith.index_cast %scan3A_105 : i32 to index
        %get3A_141 = arith.constant 16 : index
        %get3A_142 = tpu.vector_load %arg14[%get3A_140, %get3A_141] {strides = array<i32>} : memref<80x128xf32, #tpu.memory_space<vmem>>, vector<1x16xf32>,
        %get3A_143 = vector.shape_cast %get3A_142 : vector<1x16xf32> to vector<16xf32>
        %get3A_144 = arith.index_cast %scan3A_105 : i32 to index
        %get3A_145 = arith.constant 16 : index
        %get3A_146 = tpu.vector_load %arg15[%get3A_144, %get3A_145] {strides = array<i32>} : memref<80x128xf32, #tpu.memory_space<vmem>>, vector<1x16xf32>,
        %get3A_147 = vector.shape_cast %get3A_146 : vector<1x16xf32> to vector<16xf32>
        %add3A_148 = arith.addf %get3A_143, %get3A_147 : vector<16xf32>
        %get3A_149 = arith.index_cast %scan3A_105 : i32 to index
        %get3A_150 = arith.constant 16 : index
        %get3A_151 = tpu.vector_load %arg16[%get3A_149, %get3A_150] {strides = array<i32>} : memref<80x128xf32, #tpu.memory_space<vmem>>, vector<1x16xf32>,
        %get3A_152 = vector.shape_cast %get3A_151 : vector<1x16xf32> to vector<16xf32>
        %add3A_153 = arith.addf %add3A_148, %get3A_152 : vector<16xf32>
        %neg3A_154 = arith.constant 0.000000e+00 : f32
        %neg3A_155 = vector.broadcast %neg3A_154 : f32 to vector<16xf32>
        %neg3A_156 = arith.subf %neg3A_155, %add3A_153 : vector<16xf32>
        %exp3A_157 = math.exp %neg3A_156 : vector<16xf32>
        %add3A_158 = arith.constant 1.000000e+00 : f32
        %add3A_159 = vector.broadcast %add3A_158 : f32 to vector<16xf32>
        %add3A_160 = arith.addf %add3A_159, %exp3A_157 : vector<16xf32>
        %div3A_161 = arith.constant 1.000000e+00 : f32
        %div3A_162 = vector.broadcast %div3A_161 : f32 to vector<16xf32>
        %div3A_163 = arith.divf %div3A_162, %add3A_160 : vector<16xf32>
        %swap3A_164 = arith.index_cast %scan3A_105 : i32 to index
        %swap3A_165 = arith.constant 16 : index
        %swap3A_166 = tpu.vector_load %arg18[%swap3A_164, %swap3A_165] {strides = array<i32>} : memref<80x128xf32, #tpu.memory_space<vmem>>, vector<1x16xf32>,
        %swap3A_167 = vector.shape_cast %swap3A_166 : vector<1x16xf32> to vector<16xf32>
        %swap3A_168 = vector.shape_cast %add3A_153 : vector<16xf32> to vector<1x16xf32>
        tpu.vector_store %arg18[%swap3A_164, %swap3A_165], %swap3A_168 {strides = array<i32>} : memref<80x128xf32, #tpu.memory_space<vmem>>, vector<1x16xf32>,
        %get3A_169 = arith.index_cast %scan3A_105 : i32 to index
        %get3A_170 = arith.constant 16 : index
        %get3A_171 = tpu.vector_load %arg17[%get3A_169, %get3A_170] {strides = array<i32>} : memref<80x128xf32, #tpu.memory_space<vmem>>, vector<1x16xf32>,
        %get3A_172 = vector.shape_cast %get3A_171 : vector<1x16xf32> to vector<16xf32>
        %mul3A_173 = arith.mulf %div3A_163, %get3A_172 : vector<16xf32>
        %swap3A_174 = arith.index_cast %scan3A_105 : i32 to index
        %swap3A_175 = arith.constant 16 : index
        %swap3A_176 = tpu.vector_load %arg19[%swap3A_174, %swap3A_175] {strides = array<i32>} : memref<80x128xf32, #tpu.memory_space<vmem>>, vector<1x16xf32>,
        %swap3A_177 = vector.shape_cast %swap3A_176 : vector<1x16xf32> to vector<16xf32>
        %swap3A_178 = vector.shape_cast %mul3A_173 : vector<16xf32> to vector<1x16xf32>
        tpu.vector_store %arg19[%swap3A_174, %swap3A_175], %swap3A_178 {strides = array<i32>} : memref<80x128xf32, #tpu.memory_space<vmem>>, vector<1x16xf32>,
        %get3A_179 = arith.index_cast %scan3A_105 : i32 to index
        %get3A_180 = arith.constant 32 : index
        %get3A_181 = tpu.vector_load %arg14[%get3A_179, %get3A_180] {strides = array<i32>} : memref<80x128xf32, #tpu.memory_space<vmem>>, vector<1x16xf32>,
        %get3A_182 = vector.shape_cast %get3A_181 : vector<1x16xf32> to vector<16xf32>
        %get3A_183 = arith.index_cast %scan3A_105 : i32 to index
        %get3A_184 = arith.constant 32 : index
        %get3A_185 = tpu.vector_load %arg15[%get3A_183, %get3A_184] {strides = array<i32>} : memref<80x128xf32, #tpu.memory_space<vmem>>, vector<1x16xf32>,
        %get3A_186 = vector.shape_cast %get3A_185 : vector<1x16xf32> to vector<16xf32>
        %add3A_187 = arith.addf %get3A_182, %get3A_186 : vector<16xf32>
        %get3A_188 = arith.index_cast %scan3A_105 : i32 to index
        %get3A_189 = arith.constant 32 : index
        %get3A_190 = tpu.vector_load %arg16[%get3A_188, %get3A_189] {strides = array<i32>} : memref<80x128xf32, #tpu.memory_space<vmem>>, vector<1x16xf32>,
        %get3A_191 = vector.shape_cast %get3A_190 : vector<1x16xf32> to vector<16xf32>
        %add3A_192 = arith.addf %add3A_187, %get3A_191 : vector<16xf32>
        %neg3A_193 = arith.constant 0.000000e+00 : f32
        %neg3A_194 = vector.broadcast %neg3A_193 : f32 to vector<16xf32>
        %neg3A_195 = arith.subf %neg3A_194, %add3A_192 : vector<16xf32>
        %exp3A_196 = math.exp %neg3A_195 : vector<16xf32>
        %add3A_197 = arith.constant 1.000000e+00 : f32
        %add3A_198 = vector.broadcast %add3A_197 : f32 to vector<16xf32>
        %add3A_199 = arith.addf %add3A_198, %exp3A_196 : vector<16xf32>
        %div3A_200 = arith.constant 1.000000e+00 : f32
        %div3A_201 = vector.broadcast %div3A_200 : f32 to vector<16xf32>
        %div3A_202 = arith.divf %div3A_201, %add3A_199 : vector<16xf32>
        %swap3A_203 = arith.index_cast %scan3A_105 : i32 to index
        %swap3A_204 = arith.constant 32 : index
        %swap3A_205 = tpu.vector_load %arg18[%swap3A_203, %swap3A_204] {strides = array<i32>} : memref<80x128xf32, #tpu.memory_space<vmem>>, vector<1x16xf32>,
        %swap3A_206 = vector.shape_cast %swap3A_205 : vector<1x16xf32> to vector<16xf32>
        %swap3A_207 = vector.shape_cast %add3A_192 : vector<16xf32> to vector<1x16xf32>
        tpu.vector_store %arg18[%swap3A_203, %swap3A_204], %swap3A_207 {strides = array<i32>} : memref<80x128xf32, #tpu.memory_space<vmem>>, vector<1x16xf32>,
        %get3A_208 = arith.index_cast %scan3A_105 : i32 to index
        %get3A_209 = arith.constant 32 : index
        %get3A_210 = tpu.vector_load %arg17[%get3A_208, %get3A_209] {strides = array<i32>} : memref<80x128xf32, #tpu.memory_space<vmem>>, vector<1x16xf32>,
        %get3A_211 = vector.shape_cast %get3A_210 : vector<1x16xf32> to vector<16xf32>
        %mul3A_212 = arith.mulf %div3A_202, %get3A_211 : vector<16xf32>
        %swap3A_213 = arith.index_cast %scan3A_105 : i32 to index
        %swap3A_214 = arith.constant 32 : index
        %swap3A_215 = tpu.vector_load %arg19[%swap3A_213, %swap3A_214] {strides = array<i32>} : memref<80x128xf32, #tpu.memory_space<vmem>>, vector<1x16xf32>,
        %swap3A_216 = vector.shape_cast %swap3A_215 : vector<1x16xf32> to vector<16xf32>
        %swap3A_217 = vector.shape_cast %mul3A_212 : vector<16xf32> to vector<1x16xf32>
        tpu.vector_store %arg19[%swap3A_213, %swap3A_214], %swap3A_217 {strides = array<i32>} : memref<80x128xf32, #tpu.memory_space<vmem>>, vector<1x16xf32>,
        %get3A_218 = arith.index_cast %scan3A_105 : i32 to index
        %get3A_219 = arith.constant 48 : index
        %get3A_220 = tpu.vector_load %arg14[%get3A_218, %get3A_219] {strides = array<i32>} : memref<80x128xf32, #tpu.memory_space<vmem>>, vector<1x16xf32>,
        %get3A_221 = vector.shape_cast %get3A_220 : vector<1x16xf32> to vector<16xf32>
        %get3A_222 = arith.index_cast %scan3A_105 : i32 to index
        %get3A_223 = arith.constant 48 : index
        %get3A_224 = tpu.vector_load %arg15[%get3A_222, %get3A_223] {strides = array<i32>} : memref<80x128xf32, #tpu.memory_space<vmem>>, vector<1x16xf32>,
        %get3A_225 = vector.shape_cast %get3A_224 : vector<1x16xf32> to vector<16xf32>
        %add3A_226 = arith.addf %get3A_221, %get3A_225 : vector<16xf32>
        %get3A_227 = arith.index_cast %scan3A_105 : i32 to index
        %get3A_228 = arith.constant 48 : index
        %get3A_229 = tpu.vector_load %arg16[%get3A_227, %get3A_228] {strides = array<i32>} : memref<80x128xf32, #tpu.memory_space<vmem>>, vector<1x16xf32>,
        %get3A_230 = vector.shape_cast %get3A_229 : vector<1x16xf32> to vector<16xf32>
        %add3A_231 = arith.addf %add3A_226, %get3A_230 : vector<16xf32>
        %neg3A_232 = arith.constant 0.000000e+00 : f32
        %neg3A_233 = vector.broadcast %neg3A_232 : f32 to vector<16xf32>
        %neg3A_234 = arith.subf %neg3A_233, %add3A_231 : vector<16xf32>
        %exp3A_235 = math.exp %neg3A_234 : vector<16xf32>
        %add3A_236 = arith.constant 1.000000e+00 : f32
        %add3A_237 = vector.broadcast %add3A_236 : f32 to vector<16xf32>
        %add3A_238 = arith.addf %add3A_237, %exp3A_235 : vector<16xf32>
        %div3A_239 = arith.constant 1.000000e+00 : f32
        %div3A_240 = vector.broadcast %div3A_239 : f32 to vector<16xf32>
        %div3A_241 = arith.divf %div3A_240, %add3A_238 : vector<16xf32>
        %swap3A_242 = arith.index_cast %scan3A_105 : i32 to index
        %swap3A_243 = arith.constant 48 : index
        %swap3A_244 = tpu.vector_load %arg18[%swap3A_242, %swap3A_243] {strides = array<i32>} : memref<80x128xf32, #tpu.memory_space<vmem>>, vector<1x16xf32>,
        %swap3A_245 = vector.shape_cast %swap3A_244 : vector<1x16xf32> to vector<16xf32>
        %swap3A_246 = vector.shape_cast %add3A_231 : vector<16xf32> to vector<1x16xf32>
        tpu.vector_store %arg18[%swap3A_242, %swap3A_243], %swap3A_246 {strides = array<i32>} : memref<80x128xf32, #tpu.memory_space<vmem>>, vector<1x16xf32>,
        %get3A_247 = arith.index_cast %scan3A_105 : i32 to index
        %get3A_248 = arith.constant 48 : index
        %get3A_249 = tpu.vector_load %arg17[%get3A_247, %get3A_248] {strides = array<i32>} : memref<80x128xf32, #tpu.memory_space<vmem>>, vector<1x16xf32>,
        %get3A_250 = vector.shape_cast %get3A_249 : vector<1x16xf32> to vector<16xf32>
        %mul3A_251 = arith.mulf %div3A_241, %get3A_250 : vector<16xf32>
        %swap3A_252 = arith.index_cast %scan3A_105 : i32 to index
        %swap3A_253 = arith.constant 48 : index
        %swap3A_254 = tpu.vector_load %arg19[%swap3A_252, %swap3A_253] {strides = array<i32>} : memref<80x128xf32, #tpu.memory_space<vmem>>, vector<1x16xf32>,
        %swap3A_255 = vector.shape_cast %swap3A_254 : vector<1x16xf32> to vector<16xf32>
        %swap3A_256 = vector.shape_cast %mul3A_251 : vector<16xf32> to vector<1x16xf32>
        tpu.vector_store %arg19[%swap3A_252, %swap3A_253], %swap3A_256 {strides = array<i32>} : memref<80x128xf32, #tpu.memory_space<vmem>>, vector<1x16xf32>,
        %get3A_257 = arith.index_cast %scan3A_105 : i32 to index
        %get3A_258 = arith.constant 64 : index
        %get3A_259 = tpu.vector_load %arg14[%get3A_257, %get3A_258] {strides = array<i32>} : memref<80x128xf32, #tpu.memory_space<vmem>>, vector<1x16xf32>,
        %get3A_260 = vector.shape_cast %get3A_259 : vector<1x16xf32> to vector<16xf32>
        %get3A_261 = arith.index_cast %scan3A_105 : i32 to index
        %get3A_262 = arith.constant 64 : index
        %get3A_263 = tpu.vector_load %arg15[%get3A_261, %get3A_262] {strides = array<i32>} : memref<80x128xf32, #tpu.memory_space<vmem>>, vector<1x16xf32>,
        %get3A_264 = vector.shape_cast %get3A_263 : vector<1x16xf32> to vector<16xf32>
        %add3A_265 = arith.addf %get3A_260, %get3A_264 : vector<16xf32>
        %get3A_266 = arith.index_cast %scan3A_105 : i32 to index
        %get3A_267 = arith.constant 64 : index
        %get3A_268 = tpu.vector_load %arg16[%get3A_266, %get3A_267] {strides = array<i32>} : memref<80x128xf32, #tpu.memory_space<vmem>>, vector<1x16xf32>,
        %get3A_269 = vector.shape_cast %get3A_268 : vector<1x16xf32> to vector<16xf32>
        %add3A_270 = arith.addf %add3A_265, %get3A_269 : vector<16xf32>
        %neg3A_271 = arith.constant 0.000000e+00 : f32
        %neg3A_272 = vector.broadcast %neg3A_271 : f32 to vector<16xf32>
        %neg3A_273 = arith.subf %neg3A_272, %add3A_270 : vector<16xf32>
        %exp3A_274 = math.exp %neg3A_273 : vector<16xf32>
        %add3A_275 = arith.constant 1.000000e+00 : f32
        %add3A_276 = vector.broadcast %add3A_275 : f32 to vector<16xf32>
        %add3A_277 = arith.addf %add3A_276, %exp3A_274 : vector<16xf32>
        %div3A_278 = arith.constant 1.000000e+00 : f32
        %div3A_279 = vector.broadcast %div3A_278 : f32 to vector<16xf32>
        %div3A_280 = arith.divf %div3A_279, %add3A_277 : vector<16xf32>
        %swap3A_281 = arith.index_cast %scan3A_105 : i32 to index
        %swap3A_282 = arith.constant 64 : index
        %swap3A_283 = tpu.vector_load %arg18[%swap3A_281, %swap3A_282] {strides = array<i32>} : memref<80x128xf32, #tpu.memory_space<vmem>>, vector<1x16xf32>,
        %swap3A_284 = vector.shape_cast %swap3A_283 : vector<1x16xf32> to vector<16xf32>
        %swap3A_285 = vector.shape_cast %add3A_270 : vector<16xf32> to vector<1x16xf32>
        tpu.vector_store %arg18[%swap3A_281, %swap3A_282], %swap3A_285 {strides = array<i32>} : memref<80x128xf32, #tpu.memory_space<vmem>>, vector<1x16xf32>,
        %get3A_286 = arith.index_cast %scan3A_105 : i32 to index
        %get3A_287 = arith.constant 64 : index
        %get3A_288 = tpu.vector_load %arg17[%get3A_286, %get3A_287] {strides = array<i32>} : memref<80x128xf32, #tpu.memory_space<vmem>>, vector<1x16xf32>,
        %get3A_289 = vector.shape_cast %get3A_288 : vector<1x16xf32> to vector<16xf32>
        %mul3A_290 = arith.mulf %div3A_280, %get3A_289 : vector<16xf32>
        %swap3A_291 = arith.index_cast %scan3A_105 : i32 to index
        %swap3A_292 = arith.constant 64 : index
        %swap3A_293 = tpu.vector_load %arg19[%swap3A_291, %swap3A_292] {strides = array<i32>} : memref<80x128xf32, #tpu.memory_space<vmem>>, vector<1x16xf32>,
        %swap3A_294 = vector.shape_cast %swap3A_293 : vector<1x16xf32> to vector<16xf32>
        %swap3A_295 = vector.shape_cast %mul3A_290 : vector<16xf32> to vector<1x16xf32>
        tpu.vector_store %arg19[%swap3A_291, %swap3A_292], %swap3A_295 {strides = array<i32>} : memref<80x128xf32, #tpu.memory_space<vmem>>, vector<1x16xf32>,
        %get3A_296 = arith.index_cast %scan3A_105 : i32 to index
        %get3A_297 = arith.constant 80 : index
        %get3A_298 = tpu.vector_load %arg14[%get3A_296, %get3A_297] {strides = array<i32>} : memref<80x128xf32, #tpu.memory_space<vmem>>, vector<1x16xf32>,
        %get3A_299 = vector.shape_cast %get3A_298 : vector<1x16xf32> to vector<16xf32>
        %get3A_300 = arith.index_cast %scan3A_105 : i32 to index
        %get3A_301 = arith.constant 80 : index
        %get3A_302 = tpu.vector_load %arg15[%get3A_300, %get3A_301] {strides = array<i32>} : memref<80x128xf32, #tpu.memory_space<vmem>>, vector<1x16xf32>,
        %get3A_303 = vector.shape_cast %get3A_302 : vector<1x16xf32> to vector<16xf32>
        %add3A_304 = arith.addf %get3A_299, %get3A_303 : vector<16xf32>
        %get3A_305 = arith.index_cast %scan3A_105 : i32 to index
        %get3A_306 = arith.constant 80 : index
        %get3A_307 = tpu.vector_load %arg16[%get3A_305, %get3A_306] {strides = array<i32>} : memref<80x128xf32, #tpu.memory_space<vmem>>, vector<1x16xf32>,
        %get3A_308 = vector.shape_cast %get3A_307 : vector<1x16xf32> to vector<16xf32>
        %add3A_309 = arith.addf %add3A_304, %get3A_308 : vector<16xf32>
        %neg3A_310 = arith.constant 0.000000e+00 : f32
        %neg3A_311 = vector.broadcast %neg3A_310 : f32 to vector<16xf32>
        %neg3A_312 = arith.subf %neg3A_311, %add3A_309 : vector<16xf32>
        %exp3A_313 = math.exp %neg3A_312 : vector<16xf32>
        %add3A_314 = arith.constant 1.000000e+00 : f32
        %add3A_315 = vector.broadcast %add3A_314 : f32 to vector<16xf32>
        %add3A_316 = arith.addf %add3A_315, %exp3A_313 : vector<16xf32>
        %div3A_317 = arith.constant 1.000000e+00 : f32
        %div3A_318 = vector.broadcast %div3A_317 : f32 to vector<16xf32>
        %div3A_319 = arith.divf %div3A_318, %add3A_316 : vector<16xf32>
        %swap3A_320 = arith.index_cast %scan3A_105 : i32 to index
        %swap3A_321 = arith.constant 80 : index
        %swap3A_322 = tpu.vector_load %arg18[%swap3A_320, %swap3A_321] {strides = array<i32>} : memref<80x128xf32, #tpu.memory_space<vmem>>, vector<1x16xf32>,
        %swap3A_323 = vector.shape_cast %swap3A_322 : vector<1x16xf32> to vector<16xf32>
        %swap3A_324 = vector.shape_cast %add3A_309 : vector<16xf32> to vector<1x16xf32>
        tpu.vector_store %arg18[%swap3A_320, %swap3A_321], %swap3A_324 {strides = array<i32>} : memref<80x128xf32, #tpu.memory_space<vmem>>, vector<1x16xf32>,
        %get3A_325 = arith.index_cast %scan3A_105 : i32 to index
        %get3A_326 = arith.constant 80 : index
        %get3A_327 = tpu.vector_load %arg17[%get3A_325, %get3A_326] {strides = array<i32>} : memref<80x128xf32, #tpu.memory_space<vmem>>, vector<1x16xf32>,
        %get3A_328 = vector.shape_cast %get3A_327 : vector<1x16xf32> to vector<16xf32>
        %mul3A_329 = arith.mulf %div3A_319, %get3A_328 : vector<16xf32>
        %swap3A_330 = arith.index_cast %scan3A_105 : i32 to index
        %swap3A_331 = arith.constant 80 : index
        %swap3A_332 = tpu.vector_load %arg19[%swap3A_330, %swap3A_331] {strides = array<i32>} : memref<80x128xf32, #tpu.memory_space<vmem>>, vector<1x16xf32>,
        %swap3A_333 = vector.shape_cast %swap3A_332 : vector<1x16xf32> to vector<16xf32>
        %swap3A_334 = vector.shape_cast %mul3A_329 : vector<16xf32> to vector<1x16xf32>
        tpu.vector_store %arg19[%swap3A_330, %swap3A_331], %swap3A_334 {strides = array<i32>} : memref<80x128xf32, #tpu.memory_space<vmem>>, vector<1x16xf32>,
        %get3A_335 = arith.index_cast %scan3A_105 : i32 to index
        %get3A_336 = arith.constant 96 : index
        %get3A_337 = tpu.vector_load %arg14[%get3A_335, %get3A_336] {strides = array<i32>} : memref<80x128xf32, #tpu.memory_space<vmem>>, vector<1x16xf32>,
        %get3A_338 = vector.shape_cast %get3A_337 : vector<1x16xf32> to vector<16xf32>
        %get3A_339 = arith.index_cast %scan3A_105 : i32 to index
        %get3A_340 = arith.constant 96 : index
        %get3A_341 = tpu.vector_load %arg15[%get3A_339, %get3A_340] {strides = array<i32>} : memref<80x128xf32, #tpu.memory_space<vmem>>, vector<1x16xf32>,
        %get3A_342 = vector.shape_cast %get3A_341 : vector<1x16xf32> to vector<16xf32>
        %add3A_343 = arith.addf %get3A_338, %get3A_342 : vector<16xf32>
        %get3A_344 = arith.index_cast %scan3A_105 : i32 to index
        %get3A_345 = arith.constant 96 : index
        %get3A_346 = tpu.vector_load %arg16[%get3A_344, %get3A_345] {strides = array<i32>} : memref<80x128xf32, #tpu.memory_space<vmem>>, vector<1x16xf32>,
        %get3A_347 = vector.shape_cast %get3A_346 : vector<1x16xf32> to vector<16xf32>
        %add3A_348 = arith.addf %add3A_343, %get3A_347 : vector<16xf32>
        %neg3A_349 = arith.constant 0.000000e+00 : f32
        %neg3A_350 = vector.broadcast %neg3A_349 : f32 to vector<16xf32>
        %neg3A_351 = arith.subf %neg3A_350, %add3A_348 : vector<16xf32>
        %exp3A_352 = math.exp %neg3A_351 : vector<16xf32>
        %add3A_353 = arith.constant 1.000000e+00 : f32
        %add3A_354 = vector.broadcast %add3A_353 : f32 to vector<16xf32>
        %add3A_355 = arith.addf %add3A_354, %exp3A_352 : vector<16xf32>
        %div3A_356 = arith.constant 1.000000e+00 : f32
        %div3A_357 = vector.broadcast %div3A_356 : f32 to vector<16xf32>
        %div3A_358 = arith.divf %div3A_357, %add3A_355 : vector<16xf32>
        %swap3A_359 = arith.index_cast %scan3A_105 : i32 to index
        %swap3A_360 = arith.constant 96 : index
        %swap3A_361 = tpu.vector_load %arg18[%swap3A_359, %swap3A_360] {strides = array<i32>} : memref<80x128xf32, #tpu.memory_space<vmem>>, vector<1x16xf32>,
        %swap3A_362 = vector.shape_cast %swap3A_361 : vector<1x16xf32> to vector<16xf32>
        %swap3A_363 = vector.shape_cast %add3A_348 : vector<16xf32> to vector<1x16xf32>
        tpu.vector_store %arg18[%swap3A_359, %swap3A_360], %swap3A_363 {strides = array<i32>} : memref<80x128xf32, #tpu.memory_space<vmem>>, vector<1x16xf32>,
        %get3A_364 = arith.index_cast %scan3A_105 : i32 to index
        %get3A_365 = arith.constant 96 : index
        %get3A_366 = tpu.vector_load %arg17[%get3A_364, %get3A_365] {strides = array<i32>} : memref<80x128xf32, #tpu.memory_space<vmem>>, vector<1x16xf32>,
        %get3A_367 = vector.shape_cast %get3A_366 : vector<1x16xf32> to vector<16xf32>
        %mul3A_368 = arith.mulf %div3A_358, %get3A_367 : vector<16xf32>
        %swap3A_369 = arith.index_cast %scan3A_105 : i32 to index
        %swap3A_370 = arith.constant 96 : index
        %swap3A_371 = tpu.vector_load %arg19[%swap3A_369, %swap3A_370] {strides = array<i32>} : memref<80x128xf32, #tpu.memory_space<vmem>>, vector<1x16xf32>,
        %swap3A_372 = vector.shape_cast %swap3A_371 : vector<1x16xf32> to vector<16xf32>
        %swap3A_373 = vector.shape_cast %mul3A_368 : vector<16xf32> to vector<1x16xf32>
        tpu.vector_store %arg19[%swap3A_369, %swap3A_370], %swap3A_373 {strides = array<i32>} : memref<80x128xf32, #tpu.memory_space<vmem>>, vector<1x16xf32>,
        %get3A_374 = arith.index_cast %scan3A_105 : i32 to index
        %get3A_375 = arith.constant 112 : index
        %get3A_376 = tpu.vector_load %arg14[%get3A_374, %get3A_375] {strides = array<i32>} : memref<80x128xf32, #tpu.memory_space<vmem>>, vector<1x16xf32>,
        %get3A_377 = vector.shape_cast %get3A_376 : vector<1x16xf32> to vector<16xf32>
        %get3A_378 = arith.index_cast %scan3A_105 : i32 to index
        %get3A_379 = arith.constant 112 : index
        %get3A_380 = tpu.vector_load %arg15[%get3A_378, %get3A_379] {strides = array<i32>} : memref<80x128xf32, #tpu.memory_space<vmem>>, vector<1x16xf32>,
        %get3A_381 = vector.shape_cast %get3A_380 : vector<1x16xf32> to vector<16xf32>
        %add3A_382 = arith.addf %get3A_377, %get3A_381 : vector<16xf32>
        %get3A_383 = arith.index_cast %scan3A_105 : i32 to index
        %get3A_384 = arith.constant 112 : index
        %get3A_385 = tpu.vector_load %arg16[%get3A_383, %get3A_384] {strides = array<i32>} : memref<80x128xf32, #tpu.memory_space<vmem>>, vector<1x16xf32>,
        %get3A_386 = vector.shape_cast %get3A_385 : vector<1x16xf32> to vector<16xf32>
        %add3A_387 = arith.addf %add3A_382, %get3A_386 : vector<16xf32>
        %neg3A_388 = arith.constant 0.000000e+00 : f32
        %neg3A_389 = vector.broadcast %neg3A_388 : f32 to vector<16xf32>
        %neg3A_390 = arith.subf %neg3A_389, %add3A_387 : vector<16xf32>
        %exp3A_391 = math.exp %neg3A_390 : vector<16xf32>
        %add3A_392 = arith.constant 1.000000e+00 : f32
        %add3A_393 = vector.broadcast %add3A_392 : f32 to vector<16xf32>
        %add3A_394 = arith.addf %add3A_393, %exp3A_391 : vector<16xf32>
        %div3A_395 = arith.constant 1.000000e+00 : f32
        %div3A_396 = vector.broadcast %div3A_395 : f32 to vector<16xf32>
        %div3A_397 = arith.divf %div3A_396, %add3A_394 : vector<16xf32>
        %swap3A_398 = arith.index_cast %scan3A_105 : i32 to index
        %swap3A_399 = arith.constant 112 : index
        %swap3A_400 = tpu.vector_load %arg18[%swap3A_398, %swap3A_399] {strides = array<i32>} : memref<80x128xf32, #tpu.memory_space<vmem>>, vector<1x16xf32>,
        %swap3A_401 = vector.shape_cast %swap3A_400 : vector<1x16xf32> to vector<16xf32>
        %swap3A_402 = vector.shape_cast %add3A_387 : vector<16xf32> to vector<1x16xf32>
        tpu.vector_store %arg18[%swap3A_398, %swap3A_399], %swap3A_402 {strides = array<i32>} : memref<80x128xf32, #tpu.memory_space<vmem>>, vector<1x16xf32>,
        %get3A_403 = arith.index_cast %scan3A_105 : i32 to index
        %get3A_404 = arith.constant 112 : index
        %get3A_405 = tpu.vector_load %arg17[%get3A_403, %get3A_404] {strides = array<i32>} : memref<80x128xf32, #tpu.memory_space<vmem>>, vector<1x16xf32>,
        %get3A_406 = vector.shape_cast %get3A_405 : vector<1x16xf32> to vector<16xf32>
        %mul3A_407 = arith.mulf %div3A_397, %get3A_406 : vector<16xf32>
        %swap3A_408 = arith.index_cast %scan3A_105 : i32 to index
        %swap3A_409 = arith.constant 112 : index
        %swap3A_410 = tpu.vector_load %arg19[%swap3A_408, %swap3A_409] {strides = array<i32>} : memref<80x128xf32, #tpu.memory_space<vmem>>, vector<1x16xf32>,
        %swap3A_411 = vector.shape_cast %swap3A_410 : vector<1x16xf32> to vector<16xf32>
        %swap3A_412 = vector.shape_cast %mul3A_407 : vector<16xf32> to vector<1x16xf32>
        tpu.vector_store %arg19[%swap3A_408, %swap3A_409], %swap3A_412 {strides = array<i32>} : memref<80x128xf32, #tpu.memory_space<vmem>>, vector<1x16xf32>,
      }
      %scan3A_104 = arith.constant 80 : i32
      "tpu.region"() ({
        %run_scoped3A = tpu.sem_alloc : memref<!tpu.dma_semaphore, #tpu.memory_space<semaphore_mem>>
        %dma_start3A_105 = arith.constant 0 : i32
        %dma_start3A_106 = tpu.memref_slice %arg8[%add3A_76, %dma_start3A_105] : memref<320000x128xf32, #tpu.memory_space<hbm>> -> memref<80x128xf32, #tpu.memory_space<hbm>>
        %dma_start3A_107 = arith.constant 0 : i32
        %dma_start3A_108 = tpu.memref_slice %arg8[%add3A_76, %dma_start3A_107] : memref<320000x128xf32, #tpu.memory_space<hbm>> -> memref<80x128xf32, #tpu.memory_space<hbm>>
        tpu.enqueue_dma source(%arg18 : memref<80x128xf32, #tpu.memory_space<vmem>>) target(%dma_start3A_108 : memref<80x128xf32, #tpu.memory_space<hbm>>) target_semaphore(%run_scoped3A : memref<!tpu.dma_semaphore, #tpu.memory_space<semaphore_mem>>)
        %dma_wait3A_109 = arith.constant 0 : i32
        %dma_wait3A_110 = tpu.memref_slice %arg8[%add3A_76, %dma_wait3A_109] : memref<320000x128xf32, #tpu.memory_space<hbm>> -> memref<80x128xf32, #tpu.memory_space<hbm>>
        %dma_wait3A_111 = arith.constant 0 : i32
        %dma_wait3A_112 = tpu.memref_slice %arg8[%add3A_76, %dma_wait3A_111] : memref<320000x128xf32, #tpu.memory_space<hbm>> -> memref<80x128xf32, #tpu.memory_space<hbm>>
        tpu.wait_dma2 semaphore(%run_scoped3A : memref<!tpu.dma_semaphore, #tpu.memory_space<semaphore_mem>>) src(%arg18 : memref<80x128xf32, #tpu.memory_space<vmem>>) dst(%dma_wait3A_112 : memref<80x128xf32, #tpu.memory_space<hbm>>)
        tpu.yield
      }) : () -> ()
      "tpu.region"() ({
        %run_scoped3A = tpu.sem_alloc : memref<!tpu.dma_semaphore, #tpu.memory_space<semaphore_mem>>
        %dma_start3A_105 = arith.constant 0 : i32
        %dma_start3A_106 = arith.constant 0 : i32
        %dma_start3A_107 = tpu.memref_slice %arg22[%dma_start3A_105, %dma_start3A_106] : memref<5008x128xf32, #tpu.memory_space<vmem_shared>> -> memref<5008x128xf32, #tpu.memory_space<vmem_shared>>
        tpu.enqueue_indirect_dma source(%arg19 : memref<80x128xf32, #tpu.memory_space<vmem>>) target(%dma_start3A_107 : memref<5008x128xf32, #tpu.memory_space<vmem_shared>>) offsets(%arg13 : memref<80xi32, #tpu.memory_space<vmem>>) semaphore(%run_scoped3A : memref<!tpu.dma_semaphore, #tpu.memory_space<semaphore_mem>>) {add = true}
        %dma_wait3A_108 = arith.constant 0 : i32
        %dma_wait3A_109 = arith.constant 0 : i32
        %dma_wait3A_110 = tpu.memref_slice %arg22[%dma_wait3A_108, %dma_wait3A_109] : memref<5008x128xf32, #tpu.memory_space<vmem_shared>> -> memref<5008x128xf32, #tpu.memory_space<vmem_shared>>
        tpu.wait_indirect_dma semaphore(%run_scoped3A : memref<!tpu.dma_semaphore, #tpu.memory_space<semaphore_mem>>) src(%arg19 : memref<80x128xf32, #tpu.memory_space<vmem>>) dst(%dma_wait3A_110 : memref<5008x128xf32, #tpu.memory_space<vmem_shared>>)
        tpu.yield
      }) : () -> ()
    }
    %scan3A_24 = arith.constant 250 : i32
    %barrier3A_25 = arith.constant 0 : index
    tpu.barrier barrier_id(%barrier3A_25)
    %mul3A_26 = arith.constant 312 : i32
    %mul3A_27 = arith.muli %arg1, %mul3A_26 : i32
    %mul3A_28 = arith.constant 312 : i32
    %mul3A_29 = arith.muli %arg1, %mul3A_28 : i32
    %add3A_30 = arith.addi %mul3A_0, %mul3A_29 : i32
    "tpu.region"() ({
      %run_scoped3A = tpu.sem_alloc : memref<!tpu.dma_semaphore, #tpu.memory_space<semaphore_mem>>
      %dma_start3A = arith.constant 0 : i32
      %dma_start3A_71 = tpu.memref_slice %arg9[%add3A_30, %dma_start3A] : memref<10000x128xf32, #tpu.memory_space<hbm>> -> memref<312x128xf32, #tpu.memory_space<hbm>>
      %dma_start3A_72 = arith.constant 0 : i32
      %dma_start3A_73 = tpu.memref_slice %arg22[%mul3A_27, %dma_start3A_72] : memref<5008x128xf32, #tpu.memory_space<vmem_shared>> -> memref<312x128xf32, #tpu.memory_space<vmem_shared>>
      tpu.enqueue_dma source(%dma_start3A_73 : memref<312x128xf32, #tpu.memory_space<vmem_shared>>) target(%dma_start3A_71 : memref<312x128xf32, #tpu.memory_space<hbm>>) target_semaphore(%run_scoped3A : memref<!tpu.dma_semaphore, #tpu.memory_space<semaphore_mem>>)
      %dma_wait3A = arith.constant 0 : i32
      %dma_wait3A_74 = tpu.memref_slice %arg9[%add3A_30, %dma_wait3A] : memref<10000x128xf32, #tpu.memory_space<hbm>> -> memref<312x128xf32, #tpu.memory_space<hbm>>
      %dma_wait3A_75 = arith.constant 0 : i32
      %dma_wait3A_76 = tpu.memref_slice %arg22[%mul3A_27, %dma_wait3A_75] : memref<5008x128xf32, #tpu.memory_space<vmem_shared>> -> memref<312x128xf32, #tpu.memory_space<vmem_shared>>
      tpu.wait_dma2 semaphore(%run_scoped3A : memref<!tpu.dma_semaphore, #tpu.memory_space<semaphore_mem>>) src(%dma_wait3A_76 : memref<312x128xf32, #tpu.memory_space<vmem_shared>>) dst(%dma_wait3A_74 : memref<312x128xf32, #tpu.memory_space<hbm>>)
      tpu.yield
    }) : () -> ()
    %eq3A_31 = arith.constant 15 : i32
    %eq3A_32 = arith.cmpi eq, %arg1, %eq3A_31 : i32
    %convert_element_type3A_33 = arith.extui %eq3A_32 : i1 to i32
    %cond3A_34 = arith.constant 0 : i32
    %cond3A_35 = arith.cmpi ne, %convert_element_type3A_33, %cond3A_34 : i32
    scf.if %cond3A_35 {
      %add3A_71 = arith.constant 4992 : i32
      %add3A_72 = arith.addi %mul3A_0, %add3A_71 : i32
      "tpu.region"() ({
        %run_scoped3A = tpu.sem_alloc : memref<!tpu.dma_semaphore, #tpu.memory_space<semaphore_mem>>
        %dma_start3A = arith.constant 0 : i32
        %dma_start3A_73 = tpu.memref_slice %arg9[%add3A_72, %dma_start3A] : memref<10000x128xf32, #tpu.memory_space<hbm>> -> memref<8x128xf32, #tpu.memory_space<hbm>>
        %dma_start3A_74 = arith.constant 4992 : i32
        %dma_start3A_75 = arith.constant 0 : i32
        %dma_start3A_76 = tpu.memref_slice %arg22[%dma_start3A_74, %dma_start3A_75] : memref<5008x128xf32, #tpu.memory_space<vmem_shared>> -> memref<8x128xf32, #tpu.memory_space<vmem_shared>>
        tpu.enqueue_dma source(%dma_start3A_76 : memref<8x128xf32, #tpu.memory_space<vmem_shared>>) target(%dma_start3A_73 : memref<8x128xf32, #tpu.memory_space<hbm>>) target_semaphore(%run_scoped3A : memref<!tpu.dma_semaphore, #tpu.memory_space<semaphore_mem>>)
        %dma_wait3A = arith.constant 0 : i32
        %dma_wait3A_77 = tpu.memref_slice %arg9[%add3A_72, %dma_wait3A] : memref<10000x128xf32, #tpu.memory_space<hbm>> -> memref<8x128xf32, #tpu.memory_space<hbm>>
        %dma_wait3A_78 = arith.constant 4992 : i32
        %dma_wait3A_79 = arith.constant 0 : i32
        %dma_wait3A_80 = tpu.memref_slice %arg22[%dma_wait3A_78, %dma_wait3A_79] : memref<5008x128xf32, #tpu.memory_space<vmem_shared>> -> memref<8x128xf32, #tpu.memory_space<vmem_shared>>
        tpu.wait_dma2 semaphore(%run_scoped3A : memref<!tpu.dma_semaphore, #tpu.memory_space<semaphore_mem>>) src(%dma_wait3A_80 : memref<8x128xf32, #tpu.memory_space<vmem_shared>>) dst(%dma_wait3A_77 : memref<8x128xf32, #tpu.memory_space<hbm>>)
        tpu.yield
      }) : () -> ()
    } else {
    }
    %mul3A_36 = arith.constant 312 : i32
    %mul3A_37 = arith.muli %arg1, %mul3A_36 : i32
    %add3A_38 = arith.constant 0 : i32
    %add3A_39 = arith.addi %mul3A_37, %add3A_38 : i32
    "tpu.region"() ({
      %run_scoped3A = tpu.sem_alloc : memref<!tpu.dma_semaphore, #tpu.memory_space<semaphore_mem>>
      %dma_start3A = arith.constant 0 : i32
      %dma_start3A_71 = tpu.memref_slice %arg22[%add3A_39, %dma_start3A] : memref<5008x128xf32, #tpu.memory_space<vmem_shared>> -> memref<104x128xf32, #tpu.memory_space<vmem_shared>>
      %dma_start3A_72 = arith.constant 0 : i32
      %dma_start3A_73 = tpu.memref_slice %arg22[%add3A_39, %dma_start3A_72] : memref<5008x128xf32, #tpu.memory_space<vmem_shared>> -> memref<104x128xf32, #tpu.memory_space<vmem_shared>>
      tpu.enqueue_dma source(%arg20 : memref<104x128xf32, #tpu.memory_space<vmem>>) target(%dma_start3A_73 : memref<104x128xf32, #tpu.memory_space<vmem_shared>>) target_semaphore(%run_scoped3A : memref<!tpu.dma_semaphore, #tpu.memory_space<semaphore_mem>>)
      %dma_wait3A = arith.constant 0 : i32
      %dma_wait3A_74 = tpu.memref_slice %arg22[%add3A_39, %dma_wait3A] : memref<5008x128xf32, #tpu.memory_space<vmem_shared>> -> memref<104x128xf32, #tpu.memory_space<vmem_shared>>
      %dma_wait3A_75 = arith.constant 0 : i32
      %dma_wait3A_76 = tpu.memref_slice %arg22[%add3A_39, %dma_wait3A_75] : memref<5008x128xf32, #tpu.memory_space<vmem_shared>> -> memref<104x128xf32, #tpu.memory_space<vmem_shared>>
      tpu.wait_dma2 semaphore(%run_scoped3A : memref<!tpu.dma_semaphore, #tpu.memory_space<semaphore_mem>>) src(%arg20 : memref<104x128xf32, #tpu.memory_space<vmem>>) dst(%dma_wait3A_76 : memref<104x128xf32, #tpu.memory_space<vmem_shared>>)
      tpu.yield
    }) : () -> ()
    %mul3A_40 = arith.constant 312 : i32
    %mul3A_41 = arith.muli %arg1, %mul3A_40 : i32
    %add3A_42 = arith.constant 104 : i32
    %add3A_43 = arith.addi %mul3A_41, %add3A_42 : i32
    "tpu.region"() ({
      %run_scoped3A = tpu.sem_alloc : memref<!tpu.dma_semaphore, #tpu.memory_space<semaphore_mem>>
      %dma_start3A = arith.constant 0 : i32
      %dma_start3A_71 = tpu.memref_slice %arg22[%add3A_43, %dma_start3A] : memref<5008x128xf32, #tpu.memory_space<vmem_shared>> -> memref<104x128xf32, #tpu.memory_space<vmem_shared>>
      %dma_start3A_72 = arith.constant 0 : i32
      %dma_start3A_73 = tpu.memref_slice %arg22[%add3A_43, %dma_start3A_72] : memref<5008x128xf32, #tpu.memory_space<vmem_shared>> -> memref<104x128xf32, #tpu.memory_space<vmem_shared>>
      tpu.enqueue_dma source(%arg20 : memref<104x128xf32, #tpu.memory_space<vmem>>) target(%dma_start3A_73 : memref<104x128xf32, #tpu.memory_space<vmem_shared>>) target_semaphore(%run_scoped3A : memref<!tpu.dma_semaphore, #tpu.memory_space<semaphore_mem>>)
      %dma_wait3A = arith.constant 0 : i32
      %dma_wait3A_74 = tpu.memref_slice %arg22[%add3A_43, %dma_wait3A] : memref<5008x128xf32, #tpu.memory_space<vmem_shared>> -> memref<104x128xf32, #tpu.memory_space<vmem_shared>>
      %dma_wait3A_75 = arith.constant 0 : i32
      %dma_wait3A_76 = tpu.memref_slice %arg22[%add3A_43, %dma_wait3A_75] : memref<5008x128xf32, #tpu.memory_space<vmem_shared>> -> memref<104x128xf32, #tpu.memory_space<vmem_shared>>
      tpu.wait_dma2 semaphore(%run_scoped3A : memref<!tpu.dma_semaphore, #tpu.memory_space<semaphore_mem>>) src(%arg20 : memref<104x128xf32, #tpu.memory_space<vmem>>) dst(%dma_wait3A_76 : memref<104x128xf32, #tpu.memory_space<vmem_shared>>)
      tpu.yield
    }) : () -> ()
    %mul3A_44 = arith.constant 312 : i32
    %mul3A_45 = arith.muli %arg1, %mul3A_44 : i32
    %add3A_46 = arith.constant 208 : i32
    %add3A_47 = arith.addi %mul3A_45, %add3A_46 : i32
    "tpu.region"() ({
      %run_scoped3A = tpu.sem_alloc : memref<!tpu.dma_semaphore, #tpu.memory_space<semaphore_mem>>
      %dma_start3A = arith.constant 0 : i32
      %dma_start3A_71 = tpu.memref_slice %arg22[%add3A_47, %dma_start3A] : memref<5008x128xf32, #tpu.memory_space<vmem_shared>> -> memref<104x128xf32, #tpu.memory_space<vmem_shared>>
      %dma_start3A_72 = arith.constant 0 : i32
      %dma_start3A_73 = tpu.memref_slice %arg22[%add3A_47, %dma_start3A_72] : memref<5008x128xf32, #tpu.memory_space<vmem_shared>> -> memref<104x128xf32, #tpu.memory_space<vmem_shared>>
      tpu.enqueue_dma source(%arg20 : memref<104x128xf32, #tpu.memory_space<vmem>>) target(%dma_start3A_73 : memref<104x128xf32, #tpu.memory_space<vmem_shared>>) target_semaphore(%run_scoped3A : memref<!tpu.dma_semaphore, #tpu.memory_space<semaphore_mem>>)
      %dma_wait3A = arith.constant 0 : i32
      %dma_wait3A_74 = tpu.memref_slice %arg22[%add3A_47, %dma_wait3A] : memref<5008x128xf32, #tpu.memory_space<vmem_shared>> -> memref<104x128xf32, #tpu.memory_space<vmem_shared>>
      %dma_wait3A_75 = arith.constant 0 : i32
      %dma_wait3A_76 = tpu.memref_slice %arg22[%add3A_47, %dma_wait3A_75] : memref<5008x128xf32, #tpu.memory_space<vmem_shared>> -> memref<104x128xf32, #tpu.memory_space<vmem_shared>>
      tpu.wait_dma2 semaphore(%run_scoped3A : memref<!tpu.dma_semaphore, #tpu.memory_space<semaphore_mem>>) src(%arg20 : memref<104x128xf32, #tpu.memory_space<vmem>>) dst(%dma_wait3A_76 : memref<104x128xf32, #tpu.memory_space<vmem_shared>>)
      tpu.yield
    }) : () -> ()
    %eq3A_48 = arith.constant 15 : i32
    %eq3A_49 = arith.cmpi eq, %arg1, %eq3A_48 : i32
    %convert_element_type3A_50 = arith.extui %eq3A_49 : i1 to i32
    %cond3A_51 = arith.constant 0 : i32
    %cond3A_52 = arith.cmpi ne, %convert_element_type3A_50, %cond3A_51 : i32
    scf.if %cond3A_52 {
      "tpu.region"() ({
        %run_scoped3A = tpu.sem_alloc : memref<!tpu.dma_semaphore, #tpu.memory_space<semaphore_mem>>
        %dma_start3A = arith.constant 0 : i32
        %dma_start3A_71 = arith.constant 0 : i32
        %dma_start3A_72 = tpu.memref_slice %arg20[%dma_start3A, %dma_start3A_71] : memref<104x128xf32, #tpu.memory_space<vmem>> -> memref<16x128xf32, #tpu.memory_space<vmem>>
        %dma_start3A_73 = arith.constant 4992 : i32
        %dma_start3A_74 = arith.constant 0 : i32
        %dma_start3A_75 = tpu.memref_slice %arg22[%dma_start3A_73, %dma_start3A_74] : memref<5008x128xf32, #tpu.memory_space<vmem_shared>> -> memref<16x128xf32, #tpu.memory_space<vmem_shared>>
        %dma_start3A_76 = arith.constant 4992 : i32
        %dma_start3A_77 = arith.constant 0 : i32
        %dma_start3A_78 = tpu.memref_slice %arg22[%dma_start3A_76, %dma_start3A_77] : memref<5008x128xf32, #tpu.memory_space<vmem_shared>> -> memref<16x128xf32, #tpu.memory_space<vmem_shared>>
        %dma_start3A_79 = arith.constant 0 : i32
        %dma_start3A_80 = arith.constant 0 : i32
        %dma_start3A_81 = tpu.memref_slice %arg20[%dma_start3A_79, %dma_start3A_80] : memref<104x128xf32, #tpu.memory_space<vmem>> -> memref<16x128xf32, #tpu.memory_space<vmem>>
        tpu.enqueue_dma source(%dma_start3A_81 : memref<16x128xf32, #tpu.memory_space<vmem>>) target(%dma_start3A_78 : memref<16x128xf32, #tpu.memory_space<vmem_shared>>) target_semaphore(%run_scoped3A : memref<!tpu.dma_semaphore, #tpu.memory_space<semaphore_mem>>)
        %dma_wait3A = arith.constant 0 : i32
        %dma_wait3A_82 = arith.constant 0 : i32
        %dma_wait3A_83 = tpu.memref_slice %arg20[%dma_wait3A, %dma_wait3A_82] : memref<104x128xf32, #tpu.memory_space<vmem>> -> memref<16x128xf32, #tpu.memory_space<vmem>>
        %dma_wait3A_84 = arith.constant 4992 : i32
        %dma_wait3A_85 = arith.constant 0 : i32
        %dma_wait3A_86 = tpu.memref_slice %arg22[%dma_wait3A_84, %dma_wait3A_85] : memref<5008x128xf32, #tpu.memory_space<vmem_shared>> -> memref<16x128xf32, #tpu.memory_space<vmem_shared>>
        %dma_wait3A_87 = arith.constant 4992 : i32
        %dma_wait3A_88 = arith.constant 0 : i32
        %dma_wait3A_89 = tpu.memref_slice %arg22[%dma_wait3A_87, %dma_wait3A_88] : memref<5008x128xf32, #tpu.memory_space<vmem_shared>> -> memref<16x128xf32, #tpu.memory_space<vmem_shared>>
        %dma_wait3A_90 = arith.constant 0 : i32
        %dma_wait3A_91 = arith.constant 0 : i32
        %dma_wait3A_92 = tpu.memref_slice %arg20[%dma_wait3A_90, %dma_wait3A_91] : memref<104x128xf32, #tpu.memory_space<vmem>> -> memref<16x128xf32, #tpu.memory_space<vmem>>
        tpu.wait_dma2 semaphore(%run_scoped3A : memref<!tpu.dma_semaphore, #tpu.memory_space<semaphore_mem>>) src(%dma_wait3A_92 : memref<16x128xf32, #tpu.memory_space<vmem>>) dst(%dma_wait3A_89 : memref<16x128xf32, #tpu.memory_space<vmem_shared>>)
        tpu.yield
      }) : () -> ()
    } else {
    }
    %barrier3A_53 = arith.constant 0 : index
    tpu.barrier barrier_id(%barrier3A_53)
    %scan3A_54 = arith.constant 0 : i32
    %scan3A_55 = arith.constant 0 : i32
    %scan3A_56 = arith.constant 250 : i32
    %scan3A_57 = arith.addi %scan3A_55, %scan3A_56 : i32
    %scan3A_58 = arith.constant 1 : i32
    scf.for %scan3A_71 = %scan3A_55 to %scan3A_57 step %scan3A_58  : i32 {
      %mul3A_72 = arith.constant 20000 : i32
      %mul3A_73 = arith.muli %arg1, %mul3A_72 : i32
      %mul3A_74 = arith.constant 80 : i32
      %mul3A_75 = arith.muli %scan3A_71, %mul3A_74 : i32
      %add3A_76 = arith.addi %mul3A_73, %mul3A_75 : i32
      "tpu.region"() ({
        %run_scoped3A = tpu.sem_alloc : memref<!tpu.dma_semaphore, #tpu.memory_space<semaphore_mem>>
        %dma_start3A = tpu.memref_slice %arg4[%add3A_76] : memref<320000xi32, #tpu.memory_space<hbm>> -> memref<80xi32, #tpu.memory_space<hbm>>
        %dma_start3A_89 = tpu.memref_slice %arg4[%add3A_76] : memref<320000xi32, #tpu.memory_space<hbm>> -> memref<80xi32, #tpu.memory_space<hbm>>
        tpu.enqueue_dma source(%dma_start3A_89 : memref<80xi32, #tpu.memory_space<hbm>>) target(%arg12 : memref<80xi32, #tpu.memory_space<vmem>>) target_semaphore(%run_scoped3A : memref<!tpu.dma_semaphore, #tpu.memory_space<semaphore_mem>>)
        %dma_wait3A = tpu.memref_slice %arg4[%add3A_76] : memref<320000xi32, #tpu.memory_space<hbm>> -> memref<80xi32, #tpu.memory_space<hbm>>
        %dma_wait3A_90 = tpu.memref_slice %arg4[%add3A_76] : memref<320000xi32, #tpu.memory_space<hbm>> -> memref<80xi32, #tpu.memory_space<hbm>>
        tpu.wait_dma2 semaphore(%run_scoped3A : memref<!tpu.dma_semaphore, #tpu.memory_space<semaphore_mem>>) src(%dma_wait3A_90 : memref<80xi32, #tpu.memory_space<hbm>>) dst(%arg12 : memref<80xi32, #tpu.memory_space<vmem>>)
        tpu.yield
      }) : () -> ()
      %scan3A_77 = arith.constant 0 : i32
      %scan3A_78 = arith.constant 0 : i32
      %scan3A_79 = arith.constant 5 : i32
      %scan3A_80 = arith.addi %scan3A_78, %scan3A_79 : i32
      %scan3A_81 = arith.constant 1 : i32
      scf.for %scan3A_89 = %scan3A_78 to %scan3A_80 step %scan3A_81  : i32 {
        %mul3A_90 = arith.constant 16 : i32
        %mul3A_91 = arith.muli %scan3A_89, %mul3A_90 : i32
        %get3A = arith.index_cast %mul3A_91 : i32 to index
        %get3A_92 = tpu.vector_load %arg12[%get3A] {strides = array<i32>} : memref<80xi32, #tpu.memory_space<vmem>>, vector<16xi32>,
        %get3A_93 = vector.shape_cast %get3A_92 : vector<16xi32> to vector<16xi32>
        %ge3A = vector.broadcast %mul3A_0 : i32 to vector<16xi32>
        %ge3A_94 = arith.cmpi sge, %get3A_93, %ge3A : vector<16xi32>
        %add3A_95 = arith.constant 5000 : i32
        %add3A_96 = arith.addi %mul3A_0, %add3A_95 : i32
        %lt3A = vector.broadcast %add3A_96 : i32 to vector<16xi32>
        %lt3A_97 = arith.cmpi slt, %get3A_93, %lt3A : vector<16xi32>
        %and3A = arith.andi %ge3A_94, %lt3A_97 : vector<16xi1>
        %sub3A = vector.broadcast %mul3A_0 : i32 to vector<16xi32>
        %sub3A_98 = arith.subi %get3A_93, %sub3A : vector<16xi32>
        %jit3A = arith.constant 5000 : i32
        %broadcast_in_dim3A = vector.broadcast %jit3A : i32 to vector<16xi32>
        %select_n3A = arith.select %and3A, %sub3A_98, %broadcast_in_dim3A : vector<16xi1>, vector<16xi32>
        %swap3A = arith.index_cast %mul3A_91 : i32 to index
        %swap3A_99 = tpu.vector_load %arg13[%swap3A] {strides = array<i32>} : memref<80xi32, #tpu.memory_space<vmem>>, vector<16xi32>,
        %swap3A_100 = vector.shape_cast %swap3A_99 : vector<16xi32> to vector<16xi32>
        %swap3A_101 = vector.shape_cast %select_n3A : vector<16xi32> to vector<16xi32>
        tpu.vector_store %arg13[%swap3A], %swap3A_101 {strides = array<i32>} : memref<80xi32, #tpu.memory_space<vmem>>, vector<16xi32>,
      }
      %scan3A_82 = arith.constant 5 : i32
      "tpu.region"() ({
        %run_scoped3A = tpu.sem_alloc : memref<!tpu.dma_semaphore, #tpu.memory_space<semaphore_mem>>
        %dma_start3A = arith.constant 0 : i32
        %dma_start3A_89 = tpu.memref_slice %arg8[%add3A_76, %dma_start3A] : memref<320000x128xf32, #tpu.memory_space<hbm>> -> memref<80x128xf32, #tpu.memory_space<hbm>>
        %dma_start3A_90 = arith.constant 0 : i32
        %dma_start3A_91 = tpu.memref_slice %arg8[%add3A_76, %dma_start3A_90] : memref<320000x128xf32, #tpu.memory_space<hbm>> -> memref<80x128xf32, #tpu.memory_space<hbm>>
        tpu.enqueue_dma source(%dma_start3A_91 : memref<80x128xf32, #tpu.memory_space<hbm>>) target(%arg18 : memref<80x128xf32, #tpu.memory_space<vmem>>) target_semaphore(%run_scoped3A : memref<!tpu.dma_semaphore, #tpu.memory_space<semaphore_mem>>)
        %dma_wait3A = arith.constant 0 : i32
        %dma_wait3A_92 = tpu.memref_slice %arg8[%add3A_76, %dma_wait3A] : memref<320000x128xf32, #tpu.memory_space<hbm>> -> memref<80x128xf32, #tpu.memory_space<hbm>>
        %dma_wait3A_93 = arith.constant 0 : i32
        %dma_wait3A_94 = tpu.memref_slice %arg8[%add3A_76, %dma_wait3A_93] : memref<320000x128xf32, #tpu.memory_space<hbm>> -> memref<80x128xf32, #tpu.memory_space<hbm>>
        tpu.wait_dma2 semaphore(%run_scoped3A : memref<!tpu.dma_semaphore, #tpu.memory_space<semaphore_mem>>) src(%dma_wait3A_94 : memref<80x128xf32, #tpu.memory_space<hbm>>) dst(%arg18 : memref<80x128xf32, #tpu.memory_space<vmem>>)
        tpu.yield
      }) : () -> ()
      %scan3A_83 = arith.constant 0 : i32
      %scan3A_84 = arith.constant 0 : i32
      %scan3A_85 = arith.constant 640 : i32
      %scan3A_86 = arith.addi %scan3A_84, %scan3A_85 : i32
      %scan3A_87 = arith.constant 1 : i32
      scf.for %scan3A_89 = %scan3A_84 to %scan3A_86 step %scan3A_87  : i32 {
        %jit3A = arith.constant 8 : i32
        %div3A = arith.divsi %scan3A_89, %jit3A : i32
        %sign3A = arith.constant 0 : i32
        %sign3A_90 = arith.cmpi sgt, %scan3A_89, %sign3A : i32
        %sign3A_91 = arith.extui %sign3A_90 : i1 to i32
        %sign3A_92 = arith.constant 0 : i32
        %sign3A_93 = arith.cmpi slt, %scan3A_89, %sign3A_92 : i32
        %sign3A_94 = arith.extui %sign3A_93 : i1 to i32
        %sign3A_95 = arith.subi %sign3A_91, %sign3A_94 : i32
        %sign3A_96 = arith.constant 0 : i32
        %sign3A_97 = arith.cmpi sgt, %jit3A, %sign3A_96 : i32
        %sign3A_98 = arith.extui %sign3A_97 : i1 to i32
        %sign3A_99 = arith.constant 0 : i32
        %sign3A_100 = arith.cmpi slt, %jit3A, %sign3A_99 : i32
        %sign3A_101 = arith.extui %sign3A_100 : i1 to i32
        %sign3A_102 = arith.subi %sign3A_98, %sign3A_101 : i32
        %ne3A = arith.cmpi ne, %sign3A_95, %sign3A_102 : i32
        %rem3A = arith.remsi %scan3A_89, %jit3A : i32
        %ne3A_103 = arith.constant 0 : i32
        %ne3A_104 = arith.cmpi ne, %rem3A, %ne3A_103 : i32
        %and3A = arith.andi %ne3A, %ne3A_104 : i1
        %sub3A = arith.constant 1 : i32
        %sub3A_105 = arith.subi %div3A, %sub3A : i32
        %select_n3A = arith.select %and3A, %sub3A_105, %div3A : i32
        %jit3A_106 = arith.constant 8 : i32
        %eq3A_107 = arith.constant 0 : i32
        %eq3A_108 = arith.cmpi eq, %jit3A_106, %eq3A_107 : i32
        %jit3A_109 = arith.constant 1 : i32
        %select_n3A_110 = arith.select %eq3A_108, %jit3A_109, %jit3A_106 : i32
        %rem3A_111 = arith.remsi %scan3A_89, %select_n3A_110 : i32
        %ne3A_112 = arith.constant 0 : i32
        %ne3A_113 = arith.cmpi ne, %rem3A_111, %ne3A_112 : i32
        %lt3A = arith.constant 0 : i32
        %lt3A_114 = arith.cmpi slt, %rem3A_111, %lt3A : i32
        %lt3A_115 = arith.constant 0 : i32
        %lt3A_116 = arith.cmpi slt, %select_n3A_110, %lt3A_115 : i32
        %ne3A_117 = arith.xori %lt3A_114, %lt3A_116 : i1
        %and3A_118 = arith.andi %ne3A_117, %ne3A_113 : i1
        %add3A_119 = arith.addi %rem3A_111, %select_n3A_110 : i32
        %select_n3A_120 = arith.select %and3A_118, %add3A_119, %rem3A_111 : i32
        %mul3A_121 = arith.constant 16 : i32
        %mul3A_122 = arith.muli %select_n3A_120, %mul3A_121 : i32
        %get3A = arith.index_cast %select_n3A : i32 to index
        %get3A_123 = arith.index_cast %mul3A_122 : i32 to index
        %get3A_124 = tpu.vector_load %arg18[%get3A, %get3A_123] {strides = array<i32>} : memref<80x128xf32, #tpu.memory_space<vmem>>, vector<1x16xf32>,
        %get3A_125 = vector.shape_cast %get3A_124 : vector<1x16xf32> to vector<16xf32>
        %neg3A = arith.constant 0.000000e+00 : f32
        %neg3A_126 = vector.broadcast %neg3A : f32 to vector<16xf32>
        %neg3A_127 = arith.subf %neg3A_126, %get3A_125 : vector<16xf32>
        %exp3A = math.exp %neg3A_127 : vector<16xf32>
        %add3A_128 = arith.constant 1.000000e+00 : f32
        %add3A_129 = vector.broadcast %add3A_128 : f32 to vector<16xf32>
        %add3A_130 = arith.addf %add3A_129, %exp3A : vector<16xf32>
        %div3A_131 = arith.constant 1.000000e+00 : f32
        %div3A_132 = vector.broadcast %div3A_131 : f32 to vector<16xf32>
        %div3A_133 = arith.divf %div3A_132, %add3A_130 : vector<16xf32>
        %swap3A = arith.index_cast %select_n3A : i32 to index
        %swap3A_134 = arith.index_cast %mul3A_122 : i32 to index
        %swap3A_135 = tpu.vector_load %arg19[%swap3A, %swap3A_134] {strides = array<i32>} : memref<80x128xf32, #tpu.memory_space<vmem>>, vector<1x16xf32>,
        %swap3A_136 = vector.shape_cast %swap3A_135 : vector<1x16xf32> to vector<16xf32>
        %swap3A_137 = vector.shape_cast %div3A_133 : vector<16xf32> to vector<1x16xf32>
        tpu.vector_store %arg19[%swap3A, %swap3A_134], %swap3A_137 {strides = array<i32>} : memref<80x128xf32, #tpu.memory_space<vmem>>, vector<1x16xf32>,
      }
      %scan3A_88 = arith.constant 640 : i32
      "tpu.region"() ({
        %run_scoped3A = tpu.sem_alloc : memref<!tpu.dma_semaphore, #tpu.memory_space<semaphore_mem>>
        %dma_start3A = arith.constant 0 : i32
        %dma_start3A_89 = arith.constant 0 : i32
        %dma_start3A_90 = tpu.memref_slice %arg22[%dma_start3A, %dma_start3A_89] : memref<5008x128xf32, #tpu.memory_space<vmem_shared>> -> memref<5008x128xf32, #tpu.memory_space<vmem_shared>>
        tpu.enqueue_indirect_dma source(%arg19 : memref<80x128xf32, #tpu.memory_space<vmem>>) target(%dma_start3A_90 : memref<5008x128xf32, #tpu.memory_space<vmem_shared>>) offsets(%arg13 : memref<80xi32, #tpu.memory_space<vmem>>) semaphore(%run_scoped3A : memref<!tpu.dma_semaphore, #tpu.memory_space<semaphore_mem>>) {add = true}
        %dma_wait3A = arith.constant 0 : i32
        %dma_wait3A_91 = arith.constant 0 : i32
        %dma_wait3A_92 = tpu.memref_slice %arg22[%dma_wait3A, %dma_wait3A_91] : memref<5008x128xf32, #tpu.memory_space<vmem_shared>> -> memref<5008x128xf32, #tpu.memory_space<vmem_shared>>
        tpu.wait_indirect_dma semaphore(%run_scoped3A : memref<!tpu.dma_semaphore, #tpu.memory_space<semaphore_mem>>) src(%arg19 : memref<80x128xf32, #tpu.memory_space<vmem>>) dst(%dma_wait3A_92 : memref<5008x128xf32, #tpu.memory_space<vmem_shared>>)
        tpu.yield
      }) : () -> ()
    }
    %scan3A_59 = arith.constant 250 : i32
    %barrier3A_60 = arith.constant 0 : index
    tpu.barrier barrier_id(%barrier3A_60)
    %mul3A_61 = arith.constant 312 : i32
    %mul3A_62 = arith.muli %arg1, %mul3A_61 : i32
    %mul3A_63 = arith.constant 312 : i32
    %mul3A_64 = arith.muli %arg1, %mul3A_63 : i32
    %add3A_65 = arith.addi %mul3A_0, %mul3A_64 : i32
    "tpu.region"() ({
      %run_scoped3A = tpu.sem_alloc : memref<!tpu.dma_semaphore, #tpu.memory_space<semaphore_mem>>
      %dma_start3A = arith.constant 0 : i32
      %dma_start3A_71 = tpu.memref_slice %arg10[%add3A_65, %dma_start3A] : memref<10000x128xf32, #tpu.memory_space<hbm>> -> memref<312x128xf32, #tpu.memory_space<hbm>>
      %dma_start3A_72 = arith.constant 0 : i32
      %dma_start3A_73 = tpu.memref_slice %arg22[%mul3A_62, %dma_start3A_72] : memref<5008x128xf32, #tpu.memory_space<vmem_shared>> -> memref<312x128xf32, #tpu.memory_space<vmem_shared>>
      tpu.enqueue_dma source(%dma_start3A_73 : memref<312x128xf32, #tpu.memory_space<vmem_shared>>) target(%dma_start3A_71 : memref<312x128xf32, #tpu.memory_space<hbm>>) target_semaphore(%run_scoped3A : memref<!tpu.dma_semaphore, #tpu.memory_space<semaphore_mem>>)
      %dma_wait3A = arith.constant 0 : i32
      %dma_wait3A_74 = tpu.memref_slice %arg10[%add3A_65, %dma_wait3A] : memref<10000x128xf32, #tpu.memory_space<hbm>> -> memref<312x128xf32, #tpu.memory_space<hbm>>
      %dma_wait3A_75 = arith.constant 0 : i32
      %dma_wait3A_76 = tpu.memref_slice %arg22[%mul3A_62, %dma_wait3A_75] : memref<5008x128xf32, #tpu.memory_space<vmem_shared>> -> memref<312x128xf32, #tpu.memory_space<vmem_shared>>
      tpu.wait_dma2 semaphore(%run_scoped3A : memref<!tpu.dma_semaphore, #tpu.memory_space<semaphore_mem>>) src(%dma_wait3A_76 : memref<312x128xf32, #tpu.memory_space<vmem_shared>>) dst(%dma_wait3A_74 : memref<312x128xf32, #tpu.memory_space<hbm>>)
      tpu.yield
    }) : () -> ()
    %eq3A_66 = arith.constant 15 : i32
    %eq3A_67 = arith.cmpi eq, %arg1, %eq3A_66 : i32
    %convert_element_type3A_68 = arith.extui %eq3A_67 : i1 to i32
    %cond3A_69 = arith.constant 0 : i32
    %cond3A_70 = arith.cmpi ne, %convert_element_type3A_68, %cond3A_69 : i32
    scf.if %cond3A_70 {
      %add3A_71 = arith.constant 4992 : i32
      %add3A_72 = arith.addi %mul3A_0, %add3A_71 : i32
      "tpu.region"() ({
        %run_scoped3A = tpu.sem_alloc : memref<!tpu.dma_semaphore, #tpu.memory_space<semaphore_mem>>
        %dma_start3A = arith.constant 0 : i32
        %dma_start3A_73 = tpu.memref_slice %arg10[%add3A_72, %dma_start3A] : memref<10000x128xf32, #tpu.memory_space<hbm>> -> memref<8x128xf32, #tpu.memory_space<hbm>>
        %dma_start3A_74 = arith.constant 4992 : i32
        %dma_start3A_75 = arith.constant 0 : i32
        %dma_start3A_76 = tpu.memref_slice %arg22[%dma_start3A_74, %dma_start3A_75] : memref<5008x128xf32, #tpu.memory_space<vmem_shared>> -> memref<8x128xf32, #tpu.memory_space<vmem_shared>>
        tpu.enqueue_dma source(%dma_start3A_76 : memref<8x128xf32, #tpu.memory_space<vmem_shared>>) target(%dma_start3A_73 : memref<8x128xf32, #tpu.memory_space<hbm>>) target_semaphore(%run_scoped3A : memref<!tpu.dma_semaphore, #tpu.memory_space<semaphore_mem>>)
        %dma_wait3A = arith.constant 0 : i32
        %dma_wait3A_77 = tpu.memref_slice %arg10[%add3A_72, %dma_wait3A] : memref<10000x128xf32, #tpu.memory_space<hbm>> -> memref<8x128xf32, #tpu.memory_space<hbm>>
        %dma_wait3A_78 = arith.constant 4992 : i32
        %dma_wait3A_79 = arith.constant 0 : i32
        %dma_wait3A_80 = tpu.memref_slice %arg22[%dma_wait3A_78, %dma_wait3A_79] : memref<5008x128xf32, #tpu.memory_space<vmem_shared>> -> memref<8x128xf32, #tpu.memory_space<vmem_shared>>
        tpu.wait_dma2 semaphore(%run_scoped3A : memref<!tpu.dma_semaphore, #tpu.memory_space<semaphore_mem>>) src(%dma_wait3A_80 : memref<8x128xf32, #tpu.memory_space<vmem_shared>>) dst(%dma_wait3A_77 : memref<8x128xf32, #tpu.memory_space<hbm>>)
        tpu.yield
      }) : () -> ()
    } else {
    }
    return
  }
}

module attributes {stable_mosaic.version = 14 : i64} {
  func.func @body(%arg0: i32, %arg1: memref<2000x128xf32, #tpu.memory_space<vmem>>, %arg2: memref<128x128xf32, #tpu.memory_space<vmem>>, %arg3: memref<1x128xf32, #tpu.memory_space<vmem>>, %arg4: memref<2000x128xf32, #tpu.memory_space<vmem>>) attributes {dimension_semantics = [#tpu.dimension_semantics<arbitrary>], iteration_bounds = array<i64: 5>, scalar_prefetch = 0 : i64, scratch_operands = 0 : i64, tpu.core_type = #tpu.core_type<tc>, window_params = [{transform_indices = @transform_0, window_bounds = array<i64: 2000, 128>}, {pipeline_mode = #tpu.pipeline_mode<synchronous>, transform_indices = @transform_1, window_bounds = array<i64: 128, 128>}, {pipeline_mode = #tpu.pipeline_mode<synchronous>, transform_indices = @transform_2, window_bounds = array<i64: 1, 128>}, {transform_indices = @transform_3, window_bounds = array<i64: 2000, 128>}]} {
    %get3A = arith.constant 0 : index
    %get3A_0 = arith.constant 0 : index
    %get3A_1 = vector.load %arg1[%get3A, %get3A_0] : memref<2000x128xf32, #tpu.memory_space<vmem>>, vector<2000x128xf32>
    %get3A_2 = arith.constant 0 : index
    %get3A_3 = arith.constant 0 : index
    %get3A_4 = vector.load %arg2[%get3A_2, %get3A_3] : memref<128x128xf32, #tpu.memory_space<vmem>>, vector<128x128xf32>
    %dot_general3A = arith.constant dense<0.000000e+00> : vector<2000x128xf32>
    %dot_general3A_5 = tpu.matmul %get3A_1, %get3A_4, %dot_general3A {dimension_numbers = #tpu.dot_dimension_numbers<[1], [0], [0], [1], [0, 0, 1, 1], [], []>, transpose_lhs_hint = false} : vector<2000x128xf32>, vector<128x128xf32>, vector<2000x128xf32> -> vector<2000x128xf32>
    %get3A_6 = arith.constant 0 : index
    %get3A_7 = arith.constant 0 : index
    %get3A_8 = vector.load %arg3[%get3A_6, %get3A_7] : memref<1x128xf32, #tpu.memory_space<vmem>>, vector<1x128xf32>
    %add3A = vector.broadcast %get3A_8 : vector<1x128xf32> to vector<2000x128xf32>
    %add3A_9 = arith.addf %dot_general3A_5, %add3A : vector<2000x128xf32>
    %swap3A = arith.constant 0 : index
    %swap3A_10 = arith.constant 0 : index
    %swap3A_11 = vector.load %arg4[%swap3A, %swap3A_10] : memref<2000x128xf32, #tpu.memory_space<vmem>>, vector<2000x128xf32>
    tpu.vector_store %arg4[%swap3A, %swap3A_10], %add3A_9 {strides = array<i32>} : memref<2000x128xf32, #tpu.memory_space<vmem>>, vector<2000x128xf32>,
    return
  }
  func.func @transform_0(%arg0: i32) -> (i32, i32) {
    %c0_i32 = arith.constant 0 : i32
    %c0_i32_0 = arith.constant 0 : i32
    return %arg0, %c0_i32 : i32, i32
  }
  func.func @transform_1(%arg0: i32) -> (i32, i32) {
    %c0_i32 = arith.constant 0 : i32
    %c0_i32_0 = arith.constant 0 : i32
    %c0_i32_1 = arith.constant 0 : i32
    return %c0_i32, %c0_i32_0 : i32, i32
  }
  func.func @transform_2(%arg0: i32) -> (i32, i32) {
    %c0_i32 = arith.constant 0 : i32
    %c0_i32_0 = arith.constant 0 : i32
    %c0_i32_1 = arith.constant 0 : i32
    return %c0_i32, %c0_i32_0 : i32, i32
  }
  func.func @transform_3(%arg0: i32) -> (i32, i32) {
    %c0_i32 = arith.constant 0 : i32
    %c0_i32_0 = arith.constant 0 : i32
    return %arg0, %c0_i32 : i32, i32
  }
}

module attributes {stable_mosaic.version = 14 : i64} {
  func.func @body(%arg0: i32, %arg1: memref<2000x128xf32, #tpu.memory_space<vmem>>, %arg2: memref<128x512xf32, #tpu.memory_space<vmem>>, %arg3: memref<1x512xf32, #tpu.memory_space<vmem>>, %arg4: memref<2000x128xf32, #tpu.memory_space<vmem>>, %arg5: memref<2000x128xf32, #tpu.memory_space<vmem>>, %arg6: memref<2000x128xf32, #tpu.memory_space<vmem>>, %arg7: memref<2000x128xf32, #tpu.memory_space<vmem>>) attributes {dimension_semantics = [#tpu.dimension_semantics<arbitrary>], iteration_bounds = array<i64: 5>, scalar_prefetch = 0 : i64, scratch_operands = 0 : i64, tpu.core_type = #tpu.core_type<tc>, window_params = [{transform_indices = @transform_0, window_bounds = array<i64: 2000, 128>}, {pipeline_mode = #tpu.pipeline_mode<synchronous>, transform_indices = @transform_1, window_bounds = array<i64: 128, 512>}, {pipeline_mode = #tpu.pipeline_mode<synchronous>, transform_indices = @transform_2, window_bounds = array<i64: 1, 512>}, {transform_indices = @transform_3, window_bounds = array<i64: 2000, 128>}, {transform_indices = @transform_4, window_bounds = array<i64: 2000, 128>}, {transform_indices = @transform_5, window_bounds = array<i64: 2000, 128>}, {transform_indices = @transform_6, window_bounds = array<i64: 2000, 128>}]} {
    %get3A = arith.constant 0 : index
    %get3A_0 = arith.constant 0 : index
    %get3A_1 = vector.load %arg1[%get3A, %get3A_0] : memref<2000x128xf32, #tpu.memory_space<vmem>>, vector<2000x128xf32>
    %get3A_2 = arith.constant 0 : index
    %get3A_3 = arith.constant 0 : index
    %get3A_4 = vector.load %arg2[%get3A_2, %get3A_3] : memref<128x512xf32, #tpu.memory_space<vmem>>, vector<128x512xf32>
    %dot_general3A = arith.constant dense<0.000000e+00> : vector<2000x512xf32>
    %dot_general3A_5 = tpu.matmul %get3A_1, %get3A_4, %dot_general3A {dimension_numbers = #tpu.dot_dimension_numbers<[1], [0], [0], [1], [0, 0, 1, 1], [], []>, transpose_lhs_hint = false} : vector<2000x128xf32>, vector<128x512xf32>, vector<2000x512xf32> -> vector<2000x512xf32>
    %get3A_6 = arith.constant 0 : index
    %get3A_7 = arith.constant 0 : index
    %get3A_8 = vector.load %arg3[%get3A_6, %get3A_7] : memref<1x512xf32, #tpu.memory_space<vmem>>, vector<1x512xf32>
    %add3A = vector.broadcast %get3A_8 : vector<1x512xf32> to vector<2000x512xf32>
    %add3A_9 = arith.addf %dot_general3A_5, %add3A : vector<2000x512xf32>
    %slice3A = vector.extract_strided_slice %add3A_9 {offsets = [0, 0], sizes = [2000, 128], strides = [1, 1]} : vector<2000x512xf32> to vector<2000x128xf32>
    %swap3A = arith.constant 0 : index
    %swap3A_10 = arith.constant 0 : index
    %swap3A_11 = vector.load %arg4[%swap3A, %swap3A_10] : memref<2000x128xf32, #tpu.memory_space<vmem>>, vector<2000x128xf32>
    tpu.vector_store %arg4[%swap3A, %swap3A_10], %slice3A {strides = array<i32>} : memref<2000x128xf32, #tpu.memory_space<vmem>>, vector<2000x128xf32>,
    %slice3A_12 = vector.extract_strided_slice %add3A_9 {offsets = [0, 128], sizes = [2000, 128], strides = [1, 1]} : vector<2000x512xf32> to vector<2000x128xf32>
    %swap3A_13 = arith.constant 0 : index
    %swap3A_14 = arith.constant 0 : index
    %swap3A_15 = vector.load %arg5[%swap3A_13, %swap3A_14] : memref<2000x128xf32, #tpu.memory_space<vmem>>, vector<2000x128xf32>
    tpu.vector_store %arg5[%swap3A_13, %swap3A_14], %slice3A_12 {strides = array<i32>} : memref<2000x128xf32, #tpu.memory_space<vmem>>, vector<2000x128xf32>,
    %slice3A_16 = vector.extract_strided_slice %add3A_9 {offsets = [0, 256], sizes = [2000, 128], strides = [1, 1]} : vector<2000x512xf32> to vector<2000x128xf32>
    %swap3A_17 = arith.constant 0 : index
    %swap3A_18 = arith.constant 0 : index
    %swap3A_19 = vector.load %arg6[%swap3A_17, %swap3A_18] : memref<2000x128xf32, #tpu.memory_space<vmem>>, vector<2000x128xf32>
    tpu.vector_store %arg6[%swap3A_17, %swap3A_18], %slice3A_16 {strides = array<i32>} : memref<2000x128xf32, #tpu.memory_space<vmem>>, vector<2000x128xf32>,
    %slice3A_20 = vector.extract_strided_slice %add3A_9 {offsets = [0, 384], sizes = [2000, 128], strides = [1, 1]} : vector<2000x512xf32> to vector<2000x128xf32>
    %swap3A_21 = arith.constant 0 : index
    %swap3A_22 = arith.constant 0 : index
    %swap3A_23 = vector.load %arg7[%swap3A_21, %swap3A_22] : memref<2000x128xf32, #tpu.memory_space<vmem>>, vector<2000x128xf32>
    tpu.vector_store %arg7[%swap3A_21, %swap3A_22], %slice3A_20 {strides = array<i32>} : memref<2000x128xf32, #tpu.memory_space<vmem>>, vector<2000x128xf32>,
    return
  }
  func.func @transform_0(%arg0: i32) -> (i32, i32) {
    %c0_i32 = arith.constant 0 : i32
    %c0_i32_0 = arith.constant 0 : i32
    return %arg0, %c0_i32 : i32, i32
  }
  func.func @transform_1(%arg0: i32) -> (i32, i32) {
    %c0_i32 = arith.constant 0 : i32
    %c0_i32_0 = arith.constant 0 : i32
    %c0_i32_1 = arith.constant 0 : i32
    return %c0_i32, %c0_i32_0 : i32, i32
  }
  func.func @transform_2(%arg0: i32) -> (i32, i32) {
    %c0_i32 = arith.constant 0 : i32
    %c0_i32_0 = arith.constant 0 : i32
    %c0_i32_1 = arith.constant 0 : i32
    return %c0_i32, %c0_i32_0 : i32, i32
  }
  func.func @transform_3(%arg0: i32) -> (i32, i32) {
    %c0_i32 = arith.constant 0 : i32
    %c0_i32_0 = arith.constant 0 : i32
    return %arg0, %c0_i32 : i32, i32
  }
  func.func @transform_4(%arg0: i32) -> (i32, i32) {
    %c0_i32 = arith.constant 0 : i32
    %c0_i32_0 = arith.constant 0 : i32
    return %arg0, %c0_i32 : i32, i32
  }
  func.func @transform_5(%arg0: i32) -> (i32, i32) {
    %c0_i32 = arith.constant 0 : i32
    %c0_i32_0 = arith.constant 0 : i32
    return %arg0, %c0_i32 : i32, i32
  }
  func.func @transform_6(%arg0: i32) -> (i32, i32) {
    %c0_i32 = arith.constant 0 : i32
    %c0_i32_0 = arith.constant 0 : i32
    return %arg0, %c0_i32 : i32, i32
  }
}

module attributes {stable_mosaic.version = 14 : i64} {
  func.func @body(%arg0: i32, %arg1: memref<3200x128xf32, #tpu.memory_space<vmem>>, %arg2: memref<128x128xf32, #tpu.memory_space<vmem>>, %arg3: memref<1x128xf32, #tpu.memory_space<vmem>>, %arg4: memref<3200x128xf32, #tpu.memory_space<vmem>>) attributes {dimension_semantics = [#tpu.dimension_semantics<arbitrary>], iteration_bounds = array<i64: 100>, scalar_prefetch = 0 : i64, scratch_operands = 0 : i64, tpu.core_type = #tpu.core_type<tc>, window_params = [{transform_indices = @transform_0, window_bounds = array<i64: 3200, 128>}, {pipeline_mode = #tpu.pipeline_mode<synchronous>, transform_indices = @transform_1, window_bounds = array<i64: 128, 128>}, {pipeline_mode = #tpu.pipeline_mode<synchronous>, transform_indices = @transform_2, window_bounds = array<i64: 1, 128>}, {transform_indices = @transform_3, window_bounds = array<i64: 3200, 128>}]} {
    %get3A = arith.constant 0 : index
    %get3A_0 = arith.constant 0 : index
    %get3A_1 = vector.load %arg1[%get3A, %get3A_0] : memref<3200x128xf32, #tpu.memory_space<vmem>>, vector<3200x128xf32>
    %get3A_2 = arith.constant 0 : index
    %get3A_3 = arith.constant 0 : index
    %get3A_4 = vector.load %arg2[%get3A_2, %get3A_3] : memref<128x128xf32, #tpu.memory_space<vmem>>, vector<128x128xf32>
    %dot_general3A = arith.constant dense<0.000000e+00> : vector<3200x128xf32>
    %dot_general3A_5 = tpu.matmul %get3A_1, %get3A_4, %dot_general3A {dimension_numbers = #tpu.dot_dimension_numbers<[1], [0], [0], [1], [0, 0, 1, 1], [], []>, transpose_lhs_hint = false} : vector<3200x128xf32>, vector<128x128xf32>, vector<3200x128xf32> -> vector<3200x128xf32>
    %get3A_6 = arith.constant 0 : index
    %get3A_7 = arith.constant 0 : index
    %get3A_8 = vector.load %arg3[%get3A_6, %get3A_7] : memref<1x128xf32, #tpu.memory_space<vmem>>, vector<1x128xf32>
    %add3A = vector.broadcast %get3A_8 : vector<1x128xf32> to vector<3200x128xf32>
    %add3A_9 = arith.addf %dot_general3A_5, %add3A : vector<3200x128xf32>
    %swap3A = arith.constant 0 : index
    %swap3A_10 = arith.constant 0 : index
    %swap3A_11 = vector.load %arg4[%swap3A, %swap3A_10] : memref<3200x128xf32, #tpu.memory_space<vmem>>, vector<3200x128xf32>
    tpu.vector_store %arg4[%swap3A, %swap3A_10], %add3A_9 {strides = array<i32>} : memref<3200x128xf32, #tpu.memory_space<vmem>>, vector<3200x128xf32>,
    return
  }
  func.func @transform_0(%arg0: i32) -> (i32, i32) {
    %c0_i32 = arith.constant 0 : i32
    %c0_i32_0 = arith.constant 0 : i32
    return %arg0, %c0_i32 : i32, i32
  }
  func.func @transform_1(%arg0: i32) -> (i32, i32) {
    %c0_i32 = arith.constant 0 : i32
    %c0_i32_0 = arith.constant 0 : i32
    %c0_i32_1 = arith.constant 0 : i32
    return %c0_i32, %c0_i32_0 : i32, i32
  }
  func.func @transform_2(%arg0: i32) -> (i32, i32) {
    %c0_i32 = arith.constant 0 : i32
    %c0_i32_0 = arith.constant 0 : i32
    %c0_i32_1 = arith.constant 0 : i32
    return %c0_i32, %c0_i32_0 : i32, i32
  }
  func.func @transform_3(%arg0: i32) -> (i32, i32) {
    %c0_i32 = arith.constant 0 : i32
    %c0_i32_0 = arith.constant 0 : i32
    return %arg0, %c0_i32 : i32, i32
  }
}

module attributes {stable_mosaic.version = 14 : i64} {
  func.func @body(%arg0: i32, %arg1: memref<3200x128xf32, #tpu.memory_space<vmem>>, %arg2: memref<3200x1xf32, #tpu.memory_space<vmem>>, %arg3: memref<1x128xf32, #tpu.memory_space<vmem>>, %arg4: memref<1x128xf32, #tpu.memory_space<vmem>>) attributes {dimension_semantics = [#tpu.dimension_semantics<arbitrary>], iteration_bounds = array<i64: 100>, scalar_prefetch = 0 : i64, scratch_operands = 0 : i64, tpu.core_type = #tpu.core_type<tc>, window_params = [{transform_indices = @transform_0, window_bounds = array<i64: 3200, 128>}, {transform_indices = @transform_1, window_bounds = array<i64: 3200, 1>}, {pipeline_mode = #tpu.pipeline_mode<synchronous>, transform_indices = @transform_2, window_bounds = array<i64: 1, 128>}, {pipeline_mode = #tpu.pipeline_mode<synchronous>, transform_indices = @transform_3, window_bounds = array<i64: 1, 128>}]} {
    %get3A = arith.constant 0 : index
    %get3A_0 = arith.constant 0 : index
    %get3A_1 = vector.load %arg1[%get3A, %get3A_0] : memref<3200x128xf32, #tpu.memory_space<vmem>>, vector<3200x128xf32>
    %get3A_2 = arith.constant 0 : index
    %get3A_3 = arith.constant 0 : index
    %get3A_4 = vector.load %arg2[%get3A_2, %get3A_3] : memref<3200x1xf32, #tpu.memory_space<vmem>>, vector<3200x1xf32>
    %mul3A = vector.broadcast %get3A_4 : vector<3200x1xf32> to vector<3200x128xf32>
    %mul3A_5 = arith.mulf %get3A_1, %mul3A : vector<3200x128xf32>
    %eq3A = arith.constant 0 : i32
    %eq3A_6 = arith.cmpi eq, %arg0, %eq3A : i32
    %convert_element_type3A = arith.extui %eq3A_6 : i1 to i32
    %cond3A = arith.constant 0 : i32
    %cond3A_7 = arith.cmpi ne, %convert_element_type3A, %cond3A : i32
    scf.if %cond3A_7 {
      %broadcast_in_dim3A_25 = arith.constant 0.000000e+00 : f32
      %broadcast_in_dim3A_26 = vector.broadcast %broadcast_in_dim3A_25 : f32 to vector<1x128xf32>
      %swap3A_27 = arith.constant 0 : index
      %swap3A_28 = arith.constant 0 : index
      %swap3A_29 = vector.load %arg3[%swap3A_27, %swap3A_28] : memref<1x128xf32, #tpu.memory_space<vmem>>, vector<1x128xf32>
      tpu.vector_store %arg3[%swap3A_27, %swap3A_28], %broadcast_in_dim3A_26 {strides = array<i32>} : memref<1x128xf32, #tpu.memory_space<vmem>>, vector<1x128xf32>,
      %broadcast_in_dim3A_30 = arith.constant 0.000000e+00 : f32
      %broadcast_in_dim3A_31 = vector.broadcast %broadcast_in_dim3A_30 : f32 to vector<1x128xf32>
      %swap3A_32 = arith.constant 0 : index
      %swap3A_33 = arith.constant 0 : index
      %swap3A_34 = vector.load %arg4[%swap3A_32, %swap3A_33] : memref<1x128xf32, #tpu.memory_space<vmem>>, vector<1x128xf32>
      tpu.vector_store %arg4[%swap3A_32, %swap3A_33], %broadcast_in_dim3A_31 {strides = array<i32>} : memref<1x128xf32, #tpu.memory_space<vmem>>, vector<1x128xf32>,
    } else {
    }
    %get3A_8 = arith.constant 0 : index
    %get3A_9 = arith.constant 0 : index
    %get3A_10 = vector.load %arg3[%get3A_8, %get3A_9] : memref<1x128xf32, #tpu.memory_space<vmem>>, vector<1x128xf32>
    %reduce_sum3A = arith.constant dense<0.000000e+00> : vector<128xf32>
    %reduce_sum3A_11 = vector.multi_reduction <add>, %mul3A_5, %reduce_sum3A [0] : vector<3200x128xf32> to vector<128xf32>
    %broadcast_in_dim3A = vector.shape_cast %reduce_sum3A_11 : vector<128xf32> to vector<1x128xf32>
    %add3A = arith.addf %get3A_10, %broadcast_in_dim3A : vector<1x128xf32>
    %swap3A = arith.constant 0 : index
    %swap3A_12 = arith.constant 0 : index
    %swap3A_13 = vector.load %arg3[%swap3A, %swap3A_12] : memref<1x128xf32, #tpu.memory_space<vmem>>, vector<1x128xf32>
    tpu.vector_store %arg3[%swap3A, %swap3A_12], %add3A {strides = array<i32>} : memref<1x128xf32, #tpu.memory_space<vmem>>, vector<1x128xf32>,
    %get3A_14 = arith.constant 0 : index
    %get3A_15 = arith.constant 0 : index
    %get3A_16 = vector.load %arg4[%get3A_14, %get3A_15] : memref<1x128xf32, #tpu.memory_space<vmem>>, vector<1x128xf32>
    %mul3A_17 = arith.mulf %mul3A_5, %mul3A_5 : vector<3200x128xf32>
    %reduce_sum3A_18 = arith.constant dense<0.000000e+00> : vector<128xf32>
    %reduce_sum3A_19 = vector.multi_reduction <add>, %mul3A_17, %reduce_sum3A_18 [0] : vector<3200x128xf32> to vector<128xf32>
    %broadcast_in_dim3A_20 = vector.shape_cast %reduce_sum3A_19 : vector<128xf32> to vector<1x128xf32>
    %add3A_21 = arith.addf %get3A_16, %broadcast_in_dim3A_20 : vector<1x128xf32>
    %swap3A_22 = arith.constant 0 : index
    %swap3A_23 = arith.constant 0 : index
    %swap3A_24 = vector.load %arg4[%swap3A_22, %swap3A_23] : memref<1x128xf32, #tpu.memory_space<vmem>>, vector<1x128xf32>
    tpu.vector_store %arg4[%swap3A_22, %swap3A_23], %add3A_21 {strides = array<i32>} : memref<1x128xf32, #tpu.memory_space<vmem>>, vector<1x128xf32>,
    return
  }
  func.func @transform_0(%arg0: i32) -> (i32, i32) {
    %c0_i32 = arith.constant 0 : i32
    %c0_i32_0 = arith.constant 0 : i32
    return %arg0, %c0_i32 : i32, i32
  }
  func.func @transform_1(%arg0: i32) -> (i32, i32) {
    %c0_i32 = arith.constant 0 : i32
    %c0_i32_0 = arith.constant 0 : i32
    return %arg0, %c0_i32 : i32, i32
  }
  func.func @transform_2(%arg0: i32) -> (i32, i32) {
    %c0_i32 = arith.constant 0 : i32
    %c0_i32_0 = arith.constant 0 : i32
    %c0_i32_1 = arith.constant 0 : i32
    return %c0_i32, %c0_i32_0 : i32, i32
  }
  func.func @transform_3(%arg0: i32) -> (i32, i32) {
    %c0_i32 = arith.constant 0 : i32
    %c0_i32_0 = arith.constant 0 : i32
    %c0_i32_1 = arith.constant 0 : i32
    return %c0_i32, %c0_i32_0 : i32, i32
  }
}

module attributes {stable_mosaic.version = 14 : i64} {
  func.func @body(%arg0: i32, %arg1: memref<2000x128xf32, #tpu.memory_space<vmem>>, %arg2: memref<2000x128xf32, #tpu.memory_space<vmem>>, %arg3: memref<2000x128xf32, #tpu.memory_space<vmem>>, %arg4: memref<2000x1xf32, #tpu.memory_space<vmem>>, %arg5: memref<2000x128xf32, #tpu.memory_space<vmem>>, %arg6: memref<1x128xf32, #tpu.memory_space<vmem>>, %arg7: memref<1x128xf32, #tpu.memory_space<vmem>>) attributes {dimension_semantics = [#tpu.dimension_semantics<arbitrary>], iteration_bounds = array<i64: 5>, scalar_prefetch = 0 : i64, scratch_operands = 0 : i64, tpu.core_type = #tpu.core_type<tc>, window_params = [{transform_indices = @transform_0, window_bounds = array<i64: 2000, 128>}, {transform_indices = @transform_1, window_bounds = array<i64: 2000, 128>}, {transform_indices = @transform_2, window_bounds = array<i64: 2000, 128>}, {transform_indices = @transform_3, window_bounds = array<i64: 2000, 1>}, {transform_indices = @transform_4, window_bounds = array<i64: 2000, 128>}, {pipeline_mode = #tpu.pipeline_mode<synchronous>, transform_indices = @transform_5, window_bounds = array<i64: 1, 128>}, {pipeline_mode = #tpu.pipeline_mode<synchronous>, transform_indices = @transform_6, window_bounds = array<i64: 1, 128>}]} {
    %get3A = arith.constant 0 : index
    %get3A_0 = arith.constant 0 : index
    %get3A_1 = vector.load %arg1[%get3A, %get3A_0] : memref<2000x128xf32, #tpu.memory_space<vmem>>, vector<2000x128xf32>
    %get3A_2 = arith.constant 0 : index
    %get3A_3 = arith.constant 0 : index
    %get3A_4 = vector.load %arg2[%get3A_2, %get3A_3] : memref<2000x128xf32, #tpu.memory_space<vmem>>, vector<2000x128xf32>
    %get3A_5 = arith.constant 0 : index
    %get3A_6 = arith.constant 0 : index
    %get3A_7 = vector.load %arg3[%get3A_5, %get3A_6] : memref<2000x128xf32, #tpu.memory_space<vmem>>, vector<2000x128xf32>
    %add3A = arith.constant 9.99999997E-7 : f32
    %add3A_8 = vector.broadcast %add3A : f32 to vector<2000x128xf32>
    %add3A_9 = arith.addf %get3A_7, %add3A_8 : vector<2000x128xf32>
    %div3A = arith.divf %get3A_4, %add3A_9 : vector<2000x128xf32>
    %add3A_10 = arith.addf %get3A_1, %div3A : vector<2000x128xf32>
    %get3A_11 = arith.constant 0 : index
    %get3A_12 = arith.constant 0 : index
    %get3A_13 = vector.load %arg4[%get3A_11, %get3A_12] : memref<2000x1xf32, #tpu.memory_space<vmem>>, vector<2000x1xf32>
    %mul3A = vector.broadcast %get3A_13 : vector<2000x1xf32> to vector<2000x128xf32>
    %mul3A_14 = arith.mulf %add3A_10, %mul3A : vector<2000x128xf32>
    %swap3A = arith.constant 0 : index
    %swap3A_15 = arith.constant 0 : index
    %swap3A_16 = vector.load %arg5[%swap3A, %swap3A_15] : memref<2000x128xf32, #tpu.memory_space<vmem>>, vector<2000x128xf32>
    tpu.vector_store %arg5[%swap3A, %swap3A_15], %mul3A_14 {strides = array<i32>} : memref<2000x128xf32, #tpu.memory_space<vmem>>, vector<2000x128xf32>,
    %eq3A = arith.constant 0 : i32
    %eq3A_17 = arith.cmpi eq, %arg0, %eq3A : i32
    %convert_element_type3A = arith.extui %eq3A_17 : i1 to i32
    %cond3A = arith.constant 0 : i32
    %cond3A_18 = arith.cmpi ne, %convert_element_type3A, %cond3A : i32
    scf.if %cond3A_18 {
      %broadcast_in_dim3A_38 = arith.constant 0.000000e+00 : f32
      %broadcast_in_dim3A_39 = vector.broadcast %broadcast_in_dim3A_38 : f32 to vector<1x128xf32>
      %swap3A_40 = arith.constant 0 : index
      %swap3A_41 = arith.constant 0 : index
      %swap3A_42 = vector.load %arg6[%swap3A_40, %swap3A_41] : memref<1x128xf32, #tpu.memory_space<vmem>>, vector<1x128xf32>
      tpu.vector_store %arg6[%swap3A_40, %swap3A_41], %broadcast_in_dim3A_39 {strides = array<i32>} : memref<1x128xf32, #tpu.memory_space<vmem>>, vector<1x128xf32>,
      %broadcast_in_dim3A_43 = arith.constant 0.000000e+00 : f32
      %broadcast_in_dim3A_44 = vector.broadcast %broadcast_in_dim3A_43 : f32 to vector<1x128xf32>
      %swap3A_45 = arith.constant 0 : index
      %swap3A_46 = arith.constant 0 : index
      %swap3A_47 = vector.load %arg7[%swap3A_45, %swap3A_46] : memref<1x128xf32, #tpu.memory_space<vmem>>, vector<1x128xf32>
      tpu.vector_store %arg7[%swap3A_45, %swap3A_46], %broadcast_in_dim3A_44 {strides = array<i32>} : memref<1x128xf32, #tpu.memory_space<vmem>>, vector<1x128xf32>,
    } else {
    }
    %get3A_19 = arith.constant 0 : index
    %get3A_20 = arith.constant 0 : index
    %get3A_21 = vector.load %arg6[%get3A_19, %get3A_20] : memref<1x128xf32, #tpu.memory_space<vmem>>, vector<1x128xf32>
    %reduce_sum3A = arith.constant dense<0.000000e+00> : vector<128xf32>
    %reduce_sum3A_22 = vector.multi_reduction <add>, %mul3A_14, %reduce_sum3A [0] : vector<2000x128xf32> to vector<128xf32>
    %broadcast_in_dim3A = vector.shape_cast %reduce_sum3A_22 : vector<128xf32> to vector<1x128xf32>
    %add3A_23 = arith.addf %get3A_21, %broadcast_in_dim3A : vector<1x128xf32>
    %swap3A_24 = arith.constant 0 : index
    %swap3A_25 = arith.constant 0 : index
    %swap3A_26 = vector.load %arg6[%swap3A_24, %swap3A_25] : memref<1x128xf32, #tpu.memory_space<vmem>>, vector<1x128xf32>
    tpu.vector_store %arg6[%swap3A_24, %swap3A_25], %add3A_23 {strides = array<i32>} : memref<1x128xf32, #tpu.memory_space<vmem>>, vector<1x128xf32>,
    %get3A_27 = arith.constant 0 : index
    %get3A_28 = arith.constant 0 : index
    %get3A_29 = vector.load %arg7[%get3A_27, %get3A_28] : memref<1x128xf32, #tpu.memory_space<vmem>>, vector<1x128xf32>
    %mul3A_30 = arith.mulf %mul3A_14, %mul3A_14 : vector<2000x128xf32>
    %reduce_sum3A_31 = arith.constant dense<0.000000e+00> : vector<128xf32>
    %reduce_sum3A_32 = vector.multi_reduction <add>, %mul3A_30, %reduce_sum3A_31 [0] : vector<2000x128xf32> to vector<128xf32>
    %broadcast_in_dim3A_33 = vector.shape_cast %reduce_sum3A_32 : vector<128xf32> to vector<1x128xf32>
    %add3A_34 = arith.addf %get3A_29, %broadcast_in_dim3A_33 : vector<1x128xf32>
    %swap3A_35 = arith.constant 0 : index
    %swap3A_36 = arith.constant 0 : index
    %swap3A_37 = vector.load %arg7[%swap3A_35, %swap3A_36] : memref<1x128xf32, #tpu.memory_space<vmem>>, vector<1x128xf32>
    tpu.vector_store %arg7[%swap3A_35, %swap3A_36], %add3A_34 {strides = array<i32>} : memref<1x128xf32, #tpu.memory_space<vmem>>, vector<1x128xf32>,
    return
  }
  func.func @transform_0(%arg0: i32) -> (i32, i32) {
    %c0_i32 = arith.constant 0 : i32
    %c0_i32_0 = arith.constant 0 : i32
    return %arg0, %c0_i32 : i32, i32
  }
  func.func @transform_1(%arg0: i32) -> (i32, i32) {
    %c0_i32 = arith.constant 0 : i32
    %c0_i32_0 = arith.constant 0 : i32
    return %arg0, %c0_i32 : i32, i32
  }
  func.func @transform_2(%arg0: i32) -> (i32, i32) {
    %c0_i32 = arith.constant 0 : i32
    %c0_i32_0 = arith.constant 0 : i32
    return %arg0, %c0_i32 : i32, i32
  }
  func.func @transform_3(%arg0: i32) -> (i32, i32) {
    %c0_i32 = arith.constant 0 : i32
    %c0_i32_0 = arith.constant 0 : i32
    return %arg0, %c0_i32 : i32, i32
  }
  func.func @transform_4(%arg0: i32) -> (i32, i32) {
    %c0_i32 = arith.constant 0 : i32
    %c0_i32_0 = arith.constant 0 : i32
    return %arg0, %c0_i32 : i32, i32
  }
  func.func @transform_5(%arg0: i32) -> (i32, i32) {
    %c0_i32 = arith.constant 0 : i32
    %c0_i32_0 = arith.constant 0 : i32
    %c0_i32_1 = arith.constant 0 : i32
    return %c0_i32, %c0_i32_0 : i32, i32
  }
  func.func @transform_6(%arg0: i32) -> (i32, i32) {
    %c0_i32 = arith.constant 0 : i32
    %c0_i32_0 = arith.constant 0 : i32
    %c0_i32_1 = arith.constant 0 : i32
    return %c0_i32, %c0_i32_0 : i32, i32
  }
}

module attributes {stable_mosaic.version = 14 : i64} {
  func.func @body(%arg0: i32, %arg1: memref<2000x128xf32, #tpu.memory_space<vmem>>, %arg2: memref<2000x128xf32, #tpu.memory_space<vmem>>, %arg3: memref<1x128xf32, #tpu.memory_space<vmem>>, %arg4: memref<1x128xf32, #tpu.memory_space<vmem>>, %arg5: memref<1x128xf32, #tpu.memory_space<vmem>>, %arg6: memref<1x128xf32, #tpu.memory_space<vmem>>, %arg7: memref<2000x128xf32, #tpu.memory_space<vmem>>, %arg8: memref<1x128xf32, #tpu.memory_space<vmem>>) attributes {dimension_semantics = [#tpu.dimension_semantics<arbitrary>], iteration_bounds = array<i64: 5>, scalar_prefetch = 0 : i64, scratch_operands = 0 : i64, tpu.core_type = #tpu.core_type<tc>, window_params = [{transform_indices = @transform_0, window_bounds = array<i64: 2000, 128>}, {transform_indices = @transform_1, window_bounds = array<i64: 2000, 128>}, {pipeline_mode = #tpu.pipeline_mode<synchronous>, transform_indices = @transform_2, window_bounds = array<i64: 1, 128>}, {pipeline_mode = #tpu.pipeline_mode<synchronous>, transform_indices = @transform_3, window_bounds = array<i64: 1, 128>}, {pipeline_mode = #tpu.pipeline_mode<synchronous>, transform_indices = @transform_4, window_bounds = array<i64: 1, 128>}, {pipeline_mode = #tpu.pipeline_mode<synchronous>, transform_indices = @transform_5, window_bounds = array<i64: 1, 128>}, {transform_indices = @transform_6, window_bounds = array<i64: 2000, 128>}, {pipeline_mode = #tpu.pipeline_mode<synchronous>, transform_indices = @transform_7, window_bounds = array<i64: 1, 128>}]} {
    %get3A = arith.constant 0 : index
    %get3A_0 = arith.constant 0 : index
    %get3A_1 = vector.load %arg3[%get3A, %get3A_0] : memref<1x128xf32, #tpu.memory_space<vmem>>, vector<1x128xf32>
    %div3A = arith.constant 1.000000e+04 : f32
    %div3A_2 = vector.broadcast %div3A : f32 to vector<1x128xf32>
    %div3A_3 = arith.divf %get3A_1, %div3A_2 : vector<1x128xf32>
    %get3A_4 = arith.constant 0 : index
    %get3A_5 = arith.constant 0 : index
    %get3A_6 = vector.load %arg4[%get3A_4, %get3A_5] : memref<1x128xf32, #tpu.memory_space<vmem>>, vector<1x128xf32>
    %div3A_7 = arith.constant 1.000000e+04 : f32
    %div3A_8 = vector.broadcast %div3A_7 : f32 to vector<1x128xf32>
    %div3A_9 = arith.divf %get3A_6, %div3A_8 : vector<1x128xf32>
    %mul3A = arith.mulf %div3A_3, %div3A_3 : vector<1x128xf32>
    %sub3A = arith.subf %div3A_9, %mul3A : vector<1x128xf32>
    %get3A_10 = arith.constant 0 : index
    %get3A_11 = arith.constant 0 : index
    %get3A_12 = vector.load %arg5[%get3A_10, %get3A_11] : memref<1x128xf32, #tpu.memory_space<vmem>>, vector<1x128xf32>
    %get3A_13 = arith.constant 0 : index
    %get3A_14 = arith.constant 0 : index
    %get3A_15 = vector.load %arg1[%get3A_13, %get3A_14] : memref<2000x128xf32, #tpu.memory_space<vmem>>, vector<2000x128xf32>
    %sub3A_16 = vector.broadcast %div3A_3 : vector<1x128xf32> to vector<2000x128xf32>
    %sub3A_17 = arith.subf %get3A_15, %sub3A_16 : vector<2000x128xf32>
    %mul3A_18 = vector.broadcast %get3A_12 : vector<1x128xf32> to vector<2000x128xf32>
    %mul3A_19 = arith.mulf %mul3A_18, %sub3A_17 : vector<2000x128xf32>
    %add3A = arith.constant 9.99999974E-6 : f32
    %add3A_20 = vector.broadcast %add3A : f32 to vector<1x128xf32>
    %add3A_21 = arith.addf %sub3A, %add3A_20 : vector<1x128xf32>
    %sqrt3A = math.sqrt %add3A_21 : vector<1x128xf32>
    %div3A_22 = vector.broadcast %sqrt3A : vector<1x128xf32> to vector<2000x128xf32>
    %div3A_23 = arith.divf %mul3A_19, %div3A_22 : vector<2000x128xf32>
    %get3A_24 = arith.constant 0 : index
    %get3A_25 = arith.constant 0 : index
    %get3A_26 = vector.load %arg6[%get3A_24, %get3A_25] : memref<1x128xf32, #tpu.memory_space<vmem>>, vector<1x128xf32>
    %add3A_27 = vector.broadcast %get3A_26 : vector<1x128xf32> to vector<2000x128xf32>
    %add3A_28 = arith.addf %div3A_23, %add3A_27 : vector<2000x128xf32>
    %get3A_29 = arith.constant 0 : index
    %get3A_30 = arith.constant 0 : index
    %get3A_31 = vector.load %arg2[%get3A_29, %get3A_30] : memref<2000x128xf32, #tpu.memory_space<vmem>>, vector<2000x128xf32>
    %max3A = arith.constant 0.000000e+00 : f32
    %max3A_32 = vector.broadcast %max3A : f32 to vector<2000x128xf32>
    %max3A_33 = arith.maximumf %add3A_28, %max3A_32 : vector<2000x128xf32>
    %add3A_34 = arith.addf %get3A_31, %max3A_33 : vector<2000x128xf32>
    %swap3A = arith.constant 0 : index
    %swap3A_35 = arith.constant 0 : index
    %swap3A_36 = vector.load %arg7[%swap3A, %swap3A_35] : memref<2000x128xf32, #tpu.memory_space<vmem>>, vector<2000x128xf32>
    tpu.vector_store %arg7[%swap3A, %swap3A_35], %add3A_34 {strides = array<i32>} : memref<2000x128xf32, #tpu.memory_space<vmem>>, vector<2000x128xf32>,
    %eq3A = arith.constant 0 : i32
    %eq3A_37 = arith.cmpi eq, %arg0, %eq3A : i32
    %convert_element_type3A = arith.extui %eq3A_37 : i1 to i32
    %cond3A = arith.constant 0 : i32
    %cond3A_38 = arith.cmpi ne, %convert_element_type3A, %cond3A : i32
    scf.if %cond3A_38 {
      %broadcast_in_dim3A_47 = arith.constant 0.000000e+00 : f32
      %broadcast_in_dim3A_48 = vector.broadcast %broadcast_in_dim3A_47 : f32 to vector<1x128xf32>
      %swap3A_49 = arith.constant 0 : index
      %swap3A_50 = arith.constant 0 : index
      %swap3A_51 = vector.load %arg8[%swap3A_49, %swap3A_50] : memref<1x128xf32, #tpu.memory_space<vmem>>, vector<1x128xf32>
      tpu.vector_store %arg8[%swap3A_49, %swap3A_50], %broadcast_in_dim3A_48 {strides = array<i32>} : memref<1x128xf32, #tpu.memory_space<vmem>>, vector<1x128xf32>,
    } else {
    }
    %get3A_39 = arith.constant 0 : index
    %get3A_40 = arith.constant 0 : index
    %get3A_41 = vector.load %arg8[%get3A_39, %get3A_40] : memref<1x128xf32, #tpu.memory_space<vmem>>, vector<1x128xf32>
    %reduce_sum3A = arith.constant dense<0.000000e+00> : vector<128xf32>
    %reduce_sum3A_42 = vector.multi_reduction <add>, %add3A_34, %reduce_sum3A [0] : vector<2000x128xf32> to vector<128xf32>
    %broadcast_in_dim3A = vector.shape_cast %reduce_sum3A_42 : vector<128xf32> to vector<1x128xf32>
    %add3A_43 = arith.addf %get3A_41, %broadcast_in_dim3A : vector<1x128xf32>
    %swap3A_44 = arith.constant 0 : index
    %swap3A_45 = arith.constant 0 : index
    %swap3A_46 = vector.load %arg8[%swap3A_44, %swap3A_45] : memref<1x128xf32, #tpu.memory_space<vmem>>, vector<1x128xf32>
    tpu.vector_store %arg8[%swap3A_44, %swap3A_45], %add3A_43 {strides = array<i32>} : memref<1x128xf32, #tpu.memory_space<vmem>>, vector<1x128xf32>,
    return
  }
  func.func @transform_0(%arg0: i32) -> (i32, i32) {
    %c0_i32 = arith.constant 0 : i32
    %c0_i32_0 = arith.constant 0 : i32
    return %arg0, %c0_i32 : i32, i32
  }
  func.func @transform_1(%arg0: i32) -> (i32, i32) {
    %c0_i32 = arith.constant 0 : i32
    %c0_i32_0 = arith.constant 0 : i32
    return %arg0, %c0_i32 : i32, i32
  }
  func.func @transform_2(%arg0: i32) -> (i32, i32) {
    %c0_i32 = arith.constant 0 : i32
    %c0_i32_0 = arith.constant 0 : i32
    %c0_i32_1 = arith.constant 0 : i32
    return %c0_i32, %c0_i32_0 : i32, i32
  }
  func.func @transform_3(%arg0: i32) -> (i32, i32) {
    %c0_i32 = arith.constant 0 : i32
    %c0_i32_0 = arith.constant 0 : i32
    %c0_i32_1 = arith.constant 0 : i32
    return %c0_i32, %c0_i32_0 : i32, i32
  }
  func.func @transform_4(%arg0: i32) -> (i32, i32) {
    %c0_i32 = arith.constant 0 : i32
    %c0_i32_0 = arith.constant 0 : i32
    %c0_i32_1 = arith.constant 0 : i32
    return %c0_i32, %c0_i32_0 : i32, i32
  }
  func.func @transform_5(%arg0: i32) -> (i32, i32) {
    %c0_i32 = arith.constant 0 : i32
    %c0_i32_0 = arith.constant 0 : i32
    %c0_i32_1 = arith.constant 0 : i32
    return %c0_i32, %c0_i32_0 : i32, i32
  }
  func.func @transform_6(%arg0: i32) -> (i32, i32) {
    %c0_i32 = arith.constant 0 : i32
    %c0_i32_0 = arith.constant 0 : i32
    return %arg0, %c0_i32 : i32, i32
  }
  func.func @transform_7(%arg0: i32) -> (i32, i32) {
    %c0_i32 = arith.constant 0 : i32
    %c0_i32_0 = arith.constant 0 : i32
    %c0_i32_1 = arith.constant 0 : i32
    return %c0_i32, %c0_i32_0 : i32, i32
  }
}

module attributes {stable_mosaic.version = 14 : i64} {
  func.func @body(%arg0: i32, %arg1: memref<3200x128xf32, #tpu.memory_space<vmem>>, %arg2: memref<3200x1xf32, #tpu.memory_space<vmem>>, %arg3: memref<3200x128xf32, #tpu.memory_space<vmem>>, %arg4: memref<1x128xf32, #tpu.memory_space<vmem>>, %arg5: memref<1x128xf32, #tpu.memory_space<vmem>>, %arg6: memref<1x128xf32, #tpu.memory_space<vmem>>, %arg7: memref<1x128xf32, #tpu.memory_space<vmem>>, %arg8: memref<3200x128xf32, #tpu.memory_space<vmem>>) attributes {dimension_semantics = [#tpu.dimension_semantics<arbitrary>], iteration_bounds = array<i64: 100>, scalar_prefetch = 0 : i64, scratch_operands = 0 : i64, tpu.core_type = #tpu.core_type<tc>, window_params = [{transform_indices = @transform_0, window_bounds = array<i64: 3200, 128>}, {transform_indices = @transform_1, window_bounds = array<i64: 3200, 1>}, {transform_indices = @transform_2, window_bounds = array<i64: 3200, 128>}, {pipeline_mode = #tpu.pipeline_mode<synchronous>, transform_indices = @transform_3, window_bounds = array<i64: 1, 128>}, {pipeline_mode = #tpu.pipeline_mode<synchronous>, transform_indices = @transform_4, window_bounds = array<i64: 1, 128>}, {pipeline_mode = #tpu.pipeline_mode<synchronous>, transform_indices = @transform_5, window_bounds = array<i64: 1, 128>}, {pipeline_mode = #tpu.pipeline_mode<synchronous>, transform_indices = @transform_6, window_bounds = array<i64: 1, 128>}, {transform_indices = @transform_7, window_bounds = array<i64: 3200, 128>}]} {
    %get3A = arith.constant 0 : index
    %get3A_0 = arith.constant 0 : index
    %get3A_1 = vector.load %arg1[%get3A, %get3A_0] : memref<3200x128xf32, #tpu.memory_space<vmem>>, vector<3200x128xf32>
    %get3A_2 = arith.constant 0 : index
    %get3A_3 = arith.constant 0 : index
    %get3A_4 = vector.load %arg2[%get3A_2, %get3A_3] : memref<3200x1xf32, #tpu.memory_space<vmem>>, vector<3200x1xf32>
    %mul3A = vector.broadcast %get3A_4 : vector<3200x1xf32> to vector<3200x128xf32>
    %mul3A_5 = arith.mulf %get3A_1, %mul3A : vector<3200x128xf32>
    %get3A_6 = arith.constant 0 : index
    %get3A_7 = arith.constant 0 : index
    %get3A_8 = vector.load %arg4[%get3A_6, %get3A_7] : memref<1x128xf32, #tpu.memory_space<vmem>>, vector<1x128xf32>
    %div3A = arith.constant 3.200000e+05 : f32
    %div3A_9 = vector.broadcast %div3A : f32 to vector<1x128xf32>
    %div3A_10 = arith.divf %get3A_8, %div3A_9 : vector<1x128xf32>
    %get3A_11 = arith.constant 0 : index
    %get3A_12 = arith.constant 0 : index
    %get3A_13 = vector.load %arg5[%get3A_11, %get3A_12] : memref<1x128xf32, #tpu.memory_space<vmem>>, vector<1x128xf32>
    %div3A_14 = arith.constant 3.200000e+05 : f32
    %div3A_15 = vector.broadcast %div3A_14 : f32 to vector<1x128xf32>
    %div3A_16 = arith.divf %get3A_13, %div3A_15 : vector<1x128xf32>
    %mul3A_17 = arith.mulf %div3A_10, %div3A_10 : vector<1x128xf32>
    %sub3A = arith.subf %div3A_16, %mul3A_17 : vector<1x128xf32>
    %get3A_18 = arith.constant 0 : index
    %get3A_19 = arith.constant 0 : index
    %get3A_20 = vector.load %arg6[%get3A_18, %get3A_19] : memref<1x128xf32, #tpu.memory_space<vmem>>, vector<1x128xf32>
    %sub3A_21 = vector.broadcast %div3A_10 : vector<1x128xf32> to vector<3200x128xf32>
    %sub3A_22 = arith.subf %mul3A_5, %sub3A_21 : vector<3200x128xf32>
    %mul3A_23 = vector.broadcast %get3A_20 : vector<1x128xf32> to vector<3200x128xf32>
    %mul3A_24 = arith.mulf %mul3A_23, %sub3A_22 : vector<3200x128xf32>
    %add3A = arith.constant 9.99999974E-6 : f32
    %add3A_25 = vector.broadcast %add3A : f32 to vector<1x128xf32>
    %add3A_26 = arith.addf %sub3A, %add3A_25 : vector<1x128xf32>
    %sqrt3A = math.sqrt %add3A_26 : vector<1x128xf32>
    %div3A_27 = vector.broadcast %sqrt3A : vector<1x128xf32> to vector<3200x128xf32>
    %div3A_28 = arith.divf %mul3A_24, %div3A_27 : vector<3200x128xf32>
    %get3A_29 = arith.constant 0 : index
    %get3A_30 = arith.constant 0 : index
    %get3A_31 = vector.load %arg7[%get3A_29, %get3A_30] : memref<1x128xf32, #tpu.memory_space<vmem>>, vector<1x128xf32>
    %add3A_32 = vector.broadcast %get3A_31 : vector<1x128xf32> to vector<3200x128xf32>
    %add3A_33 = arith.addf %div3A_28, %add3A_32 : vector<3200x128xf32>
    %get3A_34 = arith.constant 0 : index
    %get3A_35 = arith.constant 0 : index
    %get3A_36 = vector.load %arg3[%get3A_34, %get3A_35] : memref<3200x128xf32, #tpu.memory_space<vmem>>, vector<3200x128xf32>
    %max3A = arith.constant 0.000000e+00 : f32
    %max3A_37 = vector.broadcast %max3A : f32 to vector<3200x128xf32>
    %max3A_38 = arith.maximumf %add3A_33, %max3A_37 : vector<3200x128xf32>
    %add3A_39 = arith.addf %get3A_36, %max3A_38 : vector<3200x128xf32>
    %swap3A = arith.constant 0 : index
    %swap3A_40 = arith.constant 0 : index
    %swap3A_41 = vector.load %arg8[%swap3A, %swap3A_40] : memref<3200x128xf32, #tpu.memory_space<vmem>>, vector<3200x128xf32>
    tpu.vector_store %arg8[%swap3A, %swap3A_40], %add3A_39 {strides = array<i32>} : memref<3200x128xf32, #tpu.memory_space<vmem>>, vector<3200x128xf32>,
    return
  }
  func.func @transform_0(%arg0: i32) -> (i32, i32) {
    %c0_i32 = arith.constant 0 : i32
    %c0_i32_0 = arith.constant 0 : i32
    return %arg0, %c0_i32 : i32, i32
  }
  func.func @transform_1(%arg0: i32) -> (i32, i32) {
    %c0_i32 = arith.constant 0 : i32
    %c0_i32_0 = arith.constant 0 : i32
    return %arg0, %c0_i32 : i32, i32
  }
  func.func @transform_2(%arg0: i32) -> (i32, i32) {
    %c0_i32 = arith.constant 0 : i32
    %c0_i32_0 = arith.constant 0 : i32
    return %arg0, %c0_i32 : i32, i32
  }
  func.func @transform_3(%arg0: i32) -> (i32, i32) {
    %c0_i32 = arith.constant 0 : i32
    %c0_i32_0 = arith.constant 0 : i32
    %c0_i32_1 = arith.constant 0 : i32
    return %c0_i32, %c0_i32_0 : i32, i32
  }
  func.func @transform_4(%arg0: i32) -> (i32, i32) {
    %c0_i32 = arith.constant 0 : i32
    %c0_i32_0 = arith.constant 0 : i32
    %c0_i32_1 = arith.constant 0 : i32
    return %c0_i32, %c0_i32_0 : i32, i32
  }
  func.func @transform_5(%arg0: i32) -> (i32, i32) {
    %c0_i32 = arith.constant 0 : i32
    %c0_i32_0 = arith.constant 0 : i32
    %c0_i32_1 = arith.constant 0 : i32
    return %c0_i32, %c0_i32_0 : i32, i32
  }
  func.func @transform_6(%arg0: i32) -> (i32, i32) {
    %c0_i32 = arith.constant 0 : i32
    %c0_i32_0 = arith.constant 0 : i32
    %c0_i32_1 = arith.constant 0 : i32
    return %c0_i32, %c0_i32_0 : i32, i32
  }
  func.func @transform_7(%arg0: i32) -> (i32, i32) {
    %c0_i32 = arith.constant 0 : i32
    %c0_i32_0 = arith.constant 0 : i32
    return %arg0, %c0_i32 : i32, i32
  }
}

module attributes {stable_mosaic.version = 14 : i64} {
  func.func @body(%arg0: i32, %arg1: memref<2000x128xf32, #tpu.memory_space<vmem>>, %arg2: memref<2000x128xf32, #tpu.memory_space<vmem>>, %arg3: memref<1x128xf32, #tpu.memory_space<vmem>>, %arg4: memref<1x128xf32, #tpu.memory_space<vmem>>, %arg5: memref<1x128xf32, #tpu.memory_space<vmem>>, %arg6: memref<1x128xf32, #tpu.memory_space<vmem>>, %arg7: memref<2000x128xf32, #tpu.memory_space<vmem>>, %arg8: memref<1x128xf32, #tpu.memory_space<vmem>>) attributes {dimension_semantics = [#tpu.dimension_semantics<arbitrary>], iteration_bounds = array<i64: 5>, scalar_prefetch = 0 : i64, scratch_operands = 0 : i64, tpu.core_type = #tpu.core_type<tc>, window_params = [{transform_indices = @transform_0, window_bounds = array<i64: 2000, 128>}, {transform_indices = @transform_1, window_bounds = array<i64: 2000, 128>}, {pipeline_mode = #tpu.pipeline_mode<synchronous>, transform_indices = @transform_2, window_bounds = array<i64: 1, 128>}, {pipeline_mode = #tpu.pipeline_mode<synchronous>, transform_indices = @transform_3, window_bounds = array<i64: 1, 128>}, {pipeline_mode = #tpu.pipeline_mode<synchronous>, transform_indices = @transform_4, window_bounds = array<i64: 1, 128>}, {pipeline_mode = #tpu.pipeline_mode<synchronous>, transform_indices = @transform_5, window_bounds = array<i64: 1, 128>}, {transform_indices = @transform_6, window_bounds = array<i64: 2000, 128>}, {pipeline_mode = #tpu.pipeline_mode<synchronous>, transform_indices = @transform_7, window_bounds = array<i64: 1, 128>}]} {
    %get3A = arith.constant 0 : index
    %get3A_0 = arith.constant 0 : index
    %get3A_1 = vector.load %arg3[%get3A, %get3A_0] : memref<1x128xf32, #tpu.memory_space<vmem>>, vector<1x128xf32>
    %div3A = arith.constant 1.000000e+04 : f32
    %div3A_2 = vector.broadcast %div3A : f32 to vector<1x128xf32>
    %div3A_3 = arith.divf %get3A_1, %div3A_2 : vector<1x128xf32>
    %get3A_4 = arith.constant 0 : index
    %get3A_5 = arith.constant 0 : index
    %get3A_6 = vector.load %arg4[%get3A_4, %get3A_5] : memref<1x128xf32, #tpu.memory_space<vmem>>, vector<1x128xf32>
    %div3A_7 = arith.constant 1.000000e+04 : f32
    %div3A_8 = vector.broadcast %div3A_7 : f32 to vector<1x128xf32>
    %div3A_9 = arith.divf %get3A_6, %div3A_8 : vector<1x128xf32>
    %mul3A = arith.mulf %div3A_3, %div3A_3 : vector<1x128xf32>
    %sub3A = arith.subf %div3A_9, %mul3A : vector<1x128xf32>
    %get3A_10 = arith.constant 0 : index
    %get3A_11 = arith.constant 0 : index
    %get3A_12 = vector.load %arg5[%get3A_10, %get3A_11] : memref<1x128xf32, #tpu.memory_space<vmem>>, vector<1x128xf32>
    %get3A_13 = arith.constant 0 : index
    %get3A_14 = arith.constant 0 : index
    %get3A_15 = vector.load %arg1[%get3A_13, %get3A_14] : memref<2000x128xf32, #tpu.memory_space<vmem>>, vector<2000x128xf32>
    %sub3A_16 = vector.broadcast %div3A_3 : vector<1x128xf32> to vector<2000x128xf32>
    %sub3A_17 = arith.subf %get3A_15, %sub3A_16 : vector<2000x128xf32>
    %mul3A_18 = vector.broadcast %get3A_12 : vector<1x128xf32> to vector<2000x128xf32>
    %mul3A_19 = arith.mulf %mul3A_18, %sub3A_17 : vector<2000x128xf32>
    %add3A = arith.constant 9.99999974E-6 : f32
    %add3A_20 = vector.broadcast %add3A : f32 to vector<1x128xf32>
    %add3A_21 = arith.addf %sub3A, %add3A_20 : vector<1x128xf32>
    %sqrt3A = math.sqrt %add3A_21 : vector<1x128xf32>
    %div3A_22 = vector.broadcast %sqrt3A : vector<1x128xf32> to vector<2000x128xf32>
    %div3A_23 = arith.divf %mul3A_19, %div3A_22 : vector<2000x128xf32>
    %get3A_24 = arith.constant 0 : index
    %get3A_25 = arith.constant 0 : index
    %get3A_26 = vector.load %arg6[%get3A_24, %get3A_25] : memref<1x128xf32, #tpu.memory_space<vmem>>, vector<1x128xf32>
    %add3A_27 = vector.broadcast %get3A_26 : vector<1x128xf32> to vector<2000x128xf32>
    %add3A_28 = arith.addf %div3A_23, %add3A_27 : vector<2000x128xf32>
    %get3A_29 = arith.constant 0 : index
    %get3A_30 = arith.constant 0 : index
    %get3A_31 = vector.load %arg2[%get3A_29, %get3A_30] : memref<2000x128xf32, #tpu.memory_space<vmem>>, vector<2000x128xf32>
    %max3A = arith.constant 0.000000e+00 : f32
    %max3A_32 = vector.broadcast %max3A : f32 to vector<2000x128xf32>
    %max3A_33 = arith.maximumf %add3A_28, %max3A_32 : vector<2000x128xf32>
    %add3A_34 = arith.addf %get3A_31, %max3A_33 : vector<2000x128xf32>
    %swap3A = arith.constant 0 : index
    %swap3A_35 = arith.constant 0 : index
    %swap3A_36 = vector.load %arg7[%swap3A, %swap3A_35] : memref<2000x128xf32, #tpu.memory_space<vmem>>, vector<2000x128xf32>
    tpu.vector_store %arg7[%swap3A, %swap3A_35], %add3A_34 {strides = array<i32>} : memref<2000x128xf32, #tpu.memory_space<vmem>>, vector<2000x128xf32>,
    %eq3A = arith.constant 0 : i32
    %eq3A_37 = arith.cmpi eq, %arg0, %eq3A : i32
    %convert_element_type3A = arith.extui %eq3A_37 : i1 to i32
    %cond3A = arith.constant 0 : i32
    %cond3A_38 = arith.cmpi ne, %convert_element_type3A, %cond3A : i32
    scf.if %cond3A_38 {
      %broadcast_in_dim3A_47 = arith.constant 0.000000e+00 : f32
      %broadcast_in_dim3A_48 = vector.broadcast %broadcast_in_dim3A_47 : f32 to vector<1x128xf32>
      %swap3A_49 = arith.constant 0 : index
      %swap3A_50 = arith.constant 0 : index
      %swap3A_51 = vector.load %arg8[%swap3A_49, %swap3A_50] : memref<1x128xf32, #tpu.memory_space<vmem>>, vector<1x128xf32>
      tpu.vector_store %arg8[%swap3A_49, %swap3A_50], %broadcast_in_dim3A_48 {strides = array<i32>} : memref<1x128xf32, #tpu.memory_space<vmem>>, vector<1x128xf32>,
    } else {
    }
    %get3A_39 = arith.constant 0 : index
    %get3A_40 = arith.constant 0 : index
    %get3A_41 = vector.load %arg8[%get3A_39, %get3A_40] : memref<1x128xf32, #tpu.memory_space<vmem>>, vector<1x128xf32>
    %reduce_sum3A = arith.constant dense<0.000000e+00> : vector<128xf32>
    %reduce_sum3A_42 = vector.multi_reduction <add>, %add3A_34, %reduce_sum3A [0] : vector<2000x128xf32> to vector<128xf32>
    %broadcast_in_dim3A = vector.shape_cast %reduce_sum3A_42 : vector<128xf32> to vector<1x128xf32>
    %add3A_43 = arith.addf %get3A_41, %broadcast_in_dim3A : vector<1x128xf32>
    %swap3A_44 = arith.constant 0 : index
    %swap3A_45 = arith.constant 0 : index
    %swap3A_46 = vector.load %arg8[%swap3A_44, %swap3A_45] : memref<1x128xf32, #tpu.memory_space<vmem>>, vector<1x128xf32>
    tpu.vector_store %arg8[%swap3A_44, %swap3A_45], %add3A_43 {strides = array<i32>} : memref<1x128xf32, #tpu.memory_space<vmem>>, vector<1x128xf32>,
    return
  }
  func.func @transform_0(%arg0: i32) -> (i32, i32) {
    %c0_i32 = arith.constant 0 : i32
    %c0_i32_0 = arith.constant 0 : i32
    return %arg0, %c0_i32 : i32, i32
  }
  func.func @transform_1(%arg0: i32) -> (i32, i32) {
    %c0_i32 = arith.constant 0 : i32
    %c0_i32_0 = arith.constant 0 : i32
    return %arg0, %c0_i32 : i32, i32
  }
  func.func @transform_2(%arg0: i32) -> (i32, i32) {
    %c0_i32 = arith.constant 0 : i32
    %c0_i32_0 = arith.constant 0 : i32
    %c0_i32_1 = arith.constant 0 : i32
    return %c0_i32, %c0_i32_0 : i32, i32
  }
  func.func @transform_3(%arg0: i32) -> (i32, i32) {
    %c0_i32 = arith.constant 0 : i32
    %c0_i32_0 = arith.constant 0 : i32
    %c0_i32_1 = arith.constant 0 : i32
    return %c0_i32, %c0_i32_0 : i32, i32
  }
  func.func @transform_4(%arg0: i32) -> (i32, i32) {
    %c0_i32 = arith.constant 0 : i32
    %c0_i32_0 = arith.constant 0 : i32
    %c0_i32_1 = arith.constant 0 : i32
    return %c0_i32, %c0_i32_0 : i32, i32
  }
  func.func @transform_5(%arg0: i32) -> (i32, i32) {
    %c0_i32 = arith.constant 0 : i32
    %c0_i32_0 = arith.constant 0 : i32
    %c0_i32_1 = arith.constant 0 : i32
    return %c0_i32, %c0_i32_0 : i32, i32
  }
  func.func @transform_6(%arg0: i32) -> (i32, i32) {
    %c0_i32 = arith.constant 0 : i32
    %c0_i32_0 = arith.constant 0 : i32
    return %arg0, %c0_i32 : i32, i32
  }
  func.func @transform_7(%arg0: i32) -> (i32, i32) {
    %c0_i32 = arith.constant 0 : i32
    %c0_i32_0 = arith.constant 0 : i32
    %c0_i32_1 = arith.constant 0 : i32
    return %c0_i32, %c0_i32_0 : i32, i32
  }
}

module attributes {stable_mosaic.version = 14 : i64} {
  func.func @body(%arg0: memref<1x128xf32, #tpu.memory_space<vmem>>, %arg1: memref<128x10xf32, #tpu.memory_space<vmem>>, %arg2: memref<1x10xf32, #tpu.memory_space<vmem>>, %arg3: memref<1x10xf32, #tpu.memory_space<vmem>>) attributes {dimension_semantics = [], scalar_prefetch = 0 : i64, scratch_operands = 0 : i64, tpu.core_type = #tpu.core_type<tc>} {
    %get3A = arith.constant 0 : index
    %get3A_0 = arith.constant 0 : index
    %get3A_1 = vector.load %arg0[%get3A, %get3A_0] : memref<1x128xf32, #tpu.memory_space<vmem>>, vector<1x128xf32>
    %div3A = arith.constant 1.000000e+04 : f32
    %div3A_2 = vector.broadcast %div3A : f32 to vector<1x128xf32>
    %div3A_3 = arith.divf %get3A_1, %div3A_2 : vector<1x128xf32>
    %get3A_4 = arith.constant 0 : index
    %get3A_5 = arith.constant 0 : index
    %get3A_6 = vector.load %arg1[%get3A_4, %get3A_5] : memref<128x10xf32, #tpu.memory_space<vmem>>, vector<128x10xf32>
    %dot_general3A = arith.constant dense<0.000000e+00> : vector<1x10xf32>
    %dot_general3A_7 = tpu.matmul %div3A_3, %get3A_6, %dot_general3A {dimension_numbers = #tpu.dot_dimension_numbers<[1], [0], [0], [1], [0, 0, 1, 1], [], []>, transpose_lhs_hint = false} : vector<1x128xf32>, vector<128x10xf32>, vector<1x10xf32> -> vector<1x10xf32>
    %get3A_8 = arith.constant 0 : index
    %get3A_9 = arith.constant 0 : index
    %get3A_10 = vector.load %arg2[%get3A_8, %get3A_9] : memref<1x10xf32, #tpu.memory_space<vmem>>, vector<1x10xf32>
    %add3A = arith.addf %dot_general3A_7, %get3A_10 : vector<1x10xf32>
    %swap3A = arith.constant 0 : index
    %swap3A_11 = arith.constant 0 : index
    %swap3A_12 = vector.load %arg3[%swap3A, %swap3A_11] : memref<1x10xf32, #tpu.memory_space<vmem>>, vector<1x10xf32>
    tpu.vector_store %arg3[%swap3A, %swap3A_11], %add3A {strides = array<i32>} : memref<1x10xf32, #tpu.memory_space<vmem>>, vector<1x10xf32>,
    return
  }
}

</mosaic_0001>

<sc_bundles>
// kernel: kernel.17.cloned.1.call-start
scs
__scs_entry_jumppad:
0x0: {  	(pc) =	sbr.rel $0x88, $3  }
0x1: {  	(tag) =	ssettag $0x0;
	lr =	simm.s32 $0x1  }
0x2: {  	[smem:$0x3F6E] =	sst lr;
	_ =	strace $0xD0000000  }
0x3: {  	_ = 	snop  }
0x4: {  	_ = 	snop  }
0x5: {  	_ = 	snop  }
0x6: {  	_ = 	snop  }
0x7: {  	_ = 	snop  }
__scs_overlays_trampoline_lowered:
0x8: {  	[smem:$0x3F7D] =	sst s0  }
0x9: {  	[smem:$0x3F7E] =	sst s1  }
0xa: {  	[smem:$0x3F7F] =	sst s2  }
0xb: {  	[smem:$0x3F80] =	sst s3  }
0xc: {  	[smem:$0x3F81] =	sst s4  }
0xd: {  	[smem:$0x3F82] =	sst s5  }
0xe: {  	[smem:$0x3F83] =	sst s6  }
0xf: {  	[smem:$0x3F84] =	sst s7  }
0x10: {  	[smem:$0x3F85] =	sst s8  }
0x11: {  	[smem:$0x3F86] =	sst s9;
	s0 =	simm.s32 @!p0 $0x0  }
0x12: {  	s1 =	sld [smem:$0x3F6C];
	s0 =	simm.s32 @p0 $0x1  }
0x13: {  	[smem:$0x3F87] =	sst s0;
	s0 =	simm.s32 @!p1 $0x0  }
0x14: {  	s2 =	sld [smem:$0x3F6B];
	s0 =	simm.s32 @p1 $0x1  }
0x15: {  	[smem:$0x3F88] =	sst s0;
	s0 =	simm.s32 @!p2 $0x0  }
0x16: {  	s3 =	sld [smem:$0x3FDB];
	s0 =	simm.s32 @p2 $0x1  }
0x17: {  	s4 =	simm.s32 $0x1BF5;
	[smem:$0x3F8A] =	sst s0  }
0x18: {  	s0 =	sld [smem:$0x3F6D];
	_ =	swait.ge [sflag:s4], $0x0  }
0x19: {  	s7 =	sld [smem:$0x3F6E]  }
0x1a: {  	s8 =	sadd.s32 $0xFFFFE003, lr  }
0x1b: {  	s9 =	sadd.s32 $0xFFFFFEF7, lr;
	s5 =	simm.s32 $0xFFFFFFFF;
	p2 =	slt.u32 s8, $0xFFFFF086  }
0x1c: {  	p1 =	slt.u32 s9, $0xF7A;
	s5 =	simm.s32 @!p2 $0x0  }
0x1d: {  	s5 =	simm.s32 @p1 $0x1;
	p0 =	seq.s32 s7, s2  }
0x1e: {  	s7 =	smul.u32 @!p0 $0xF7A, s2;
	p2 =	seq.s32 @!p0 s5, $0x0  }
0x1f: {  	s9 =	smul.u32 $0xF7A, s1;
	s8 =	simm.s32 @!p0 $0x1BF5;
	p2 =	por !p2, p0  }
0x20: {  	[sflag:s8] =	ssyncset.s32 @!p0 $0xFFFFF086;
	s6 =	sadd.s32 @!p0 s3, s7;
	s7 =	simm.s32 @!p0 $0x108  }
0x21: {  	s3 =	sadd.s32 s3, s9;
	s6 =	sadd.s32 @!p0 $0x88, s6;
	s7 =	simm.s32 @p2 $0x1082  }
0x22: {  	[simem:s7], [sflag:s8] =	dma.local @!p0 [hbm:s6], $0xF7A  }
0x23: {  	s9 =	sor.u32 $0xD0000000, s2;
	s6 =	simm.s32 $0x108;
	_ =	swait.ge @!p0 [sflag:s8], $0x0  }
0x24: {  	s3 =	sadd.s32 $0x88, s3;
	s6 =	simm.s32 @!p1 $0x1082;
	[sflag:s4] =	ssyncset.s32 $0xFFFFF086  }
0x25: {  	[simem:s6], [sflag:s4] =	dma.local [hbm:s3], $0xF7A  }
0x26: {  	[smem:$0x3F6E] =	sst s1;
	(tag) =	ssettag s2;
	_ =	strace s9  }
0x27: {  	s1 =	sld [smem:$0x3F7E]  }
0x28: {  	s2 =	sld [smem:$0x3F7F]  }
0x29: {  	s4 =	sld [smem:$0x3F81]  }
0x2a: {  	p0 =	seq.s32 s5, $0x0;
	s5 =	sld [smem:$0x3F82]  }
0x2b: {  	s6 =	sld [smem:$0x3F83]  }
0x2c: {  	s7 =	sld [smem:$0x3F84]  }
0x2d: {  	s3 =	simm.s32 $0x108;
	s8 =	sld [smem:$0x3F85]  }
0x2e: {  	s3 =	simm.s32 @!p0 $0x1082;
	s9 =	sld [smem:$0x3F86]  }
0x2f: {  	lr =	sadd.s32 s0, s3;
	s0 =	sld [smem:$0x3F7D]  }
0x30: {  	s3 =	sld [smem:$0x3F80]  }
0x31: {  	[smem:$0x3F89] =	sst s10  }
0x32: {  	s10 =	sld [smem:$0x3F87];
	_ =	sdelay $0x3  }
0x33: {  	p0 =	seq.s32 s10, $0x1;
	s10 =	sld [smem:$0x3F89];
	_ =	sdelay $0x3  }
0x34: {  	[smem:$0x3F89] =	sst s10  }
0x35: {  	s10 =	sld [smem:$0x3F88];
	_ =	sdelay $0x3  }
0x36: {  	p1 =	seq.s32 s10, $0x1;
	s10 =	sld [smem:$0x3F89];
	_ =	sdelay $0x3  }
0x37: {  	[smem:$0x3F89] =	sst s10  }
0x38: {  	s10 =	sld [smem:$0x3F8A]  }
0x39: {  	_ = 	snop;
	(pc) =	sbr.ind lr, $3  }
0x3a: {  	_ = 	snop  }
0x3b: {  	_ = 	snop  }
0x3c: {  	p2 =	seq.s32 s10, $0x1;
	s10 =	sld [smem:$0x3F89]  }
0x3d: {  	_ =	shalt  }
0x3e: {  	_ =	shalt  }
0x3f: {  	_ =	shalt  }
0x40: {  	_ =	shalt  }
0x41: {  	_ =	shalt  }
0x42: {  	_ =	shalt  }
0x43: {  	_ =	shalt  }
0x44: {  	_ =	shalt  }
0x45: {  	_ =	shalt  }
0x46: {  	_ =	shalt  }
0x47: {  	_ =	shalt  }
0x48: {  	_ =	shalt  }
0x49: {  	_ =	shalt  }
0x4a: {  	_ =	shalt  }
0x4b: {  	_ =	shalt  }
0x4c: {  	_ =	shalt  }
0x4d: {  	_ =	shalt  }
0x4e: {  	_ =	shalt  }
0x4f: {  	_ =	shalt  }
0x50: {  	_ =	shalt  }
0x51: {  	_ =	shalt  }
0x52: {  	_ =	shalt  }
0x53: {  	_ =	shalt  }
0x54: {  	_ =	shalt  }
0x55: {  	_ =	shalt  }
0x56: {  	_ =	shalt  }
0x57: {  	_ =	shalt  }
0x58: {  	_ =	shalt  }
0x59: {  	_ =	shalt  }
0x5a: {  	_ =	shalt  }
0x5b: {  	_ =	shalt  }
0x5c: {  	_ =	shalt  }
0x5d: {  	_ =	shalt  }
0x5e: {  	_ =	shalt  }
0x5f: {  	_ =	shalt  }
0x60: {  	_ =	shalt  }
0x61: {  	_ =	shalt  }
0x62: {  	_ =	shalt  }
0x63: {  	_ =	shalt  }
0x64: {  	_ =	shalt  }
0x65: {  	_ =	shalt  }
0x66: {  	_ =	shalt  }
0x67: {  	_ =	shalt  }
0x68: {  	_ =	shalt  }
0x69: {  	_ =	shalt  }
0x6a: {  	_ =	shalt  }
0x6b: {  	_ =	shalt  }
0x6c: {  	_ =	shalt  }
0x6d: {  	_ =	shalt  }
0x6e: {  	_ =	shalt  }
0x6f: {  	_ =	shalt  }
0x70: {  	_ =	shalt  }
0x71: {  	_ =	shalt  }
0x72: {  	_ =	shalt  }
0x73: {  	_ =	shalt  }
0x74: {  	_ =	shalt  }
0x75: {  	_ =	shalt  }
0x76: {  	_ =	shalt  }
0x77: {  	_ =	shalt  }
0x78: {  	_ =	shalt  }
0x79: {  	_ =	shalt  }
0x7a: {  	_ =	shalt  }
0x7b: {  	_ =	shalt  }
0x7c: {  	_ =	shalt  }
0x7d: {  	_ =	shalt  }
0x7e: {  	_ =	shalt  }
0x7f: {  	_ =	shalt  }
0x80: {  	_ =	shalt  }
0x81: {  	_ =	shalt  }
0x82: {  	_ =	shalt  }
0x83: {  	_ =	shalt  }
0x84: {  	_ =	shalt  }
0x85: {  	_ =	shalt  }
0x86: {  	_ =	shalt  }
0x87: {  	_ =	shalt  }
.Lfunc_end0:
.L_simem_size_0:
called_computation_lowered:
.L_overlay_start_0:
0x88: {  	s2 =	sld [smem:$0x3FD9]  }
0x89: {  	s3 =	sld [smem:$0x3FFE];
	_ =	sdelay $0x1  }
0x8a: {  	s1 =	srdreg.scid  }
0x8b: {  	s0 =	sand.u32 $0x1, s1  }
0x8c: {  	s16 =	sshll.u32 s0, $0xA;
	s2 =	sadd.s32 s3, s2  }
0x8d: {  	s2 =	sadd.s32 s2, s16  }
0x8e: {  	[smem:$0x3F95] =	sst s2  }
0x8f: {  	_ = 	snop  }
0x90: {  	(tm) =	ssettm $0x1  }
0x91: {  	s17 =	sld [smem:$0x3FFB];
	_ =	sdelay $0x3  }
0x92: {  	_ =	strace s17  }
0x93: {  	s2 =	sld [smem:$0x3FFC];
	_ =	sdelay $0x3  }
0x94: {  	_ =	strace s2  }
0x95: {  	s2 =	sld [smem:$0x3FFD];
	_ =	sdelay $0x3  }
0x96: {  	_ =	strace s2  }
0x97: {  	_ =	strace $0x8FFFFFFF  }
0x98: {  	s18 =	sld [smem:$0x3FDB];
	_ =	sdelay $0x1  }
0x99: {  	s19 =	simm.s32 $_scs_section_size  }
0x9a: {  	s4 =	simm.s32 $_size__tile_overlayer_lowered;
	s5 =	simm.s32 $_tile_overlayer_lowered  }
0x9b: {  	s22 =	simm.s32 $0x1BFF;
	s21 =	sshll.u32 s5, $0x1;
	s2 =	sadd.s32 s19, s18  }
0x9c: {  	s6 =	simm.s32 $0x0;
	s20 =	sshll.u32 s4, $0x1;
	s4 =	sadd.s32 s21, s2  }
0x9d: {  	[timem:s6], [sflag:s22] =	dma.local [hbm:s4], s20  }
0x9e: {  	_ =	swait.ge [sflag:s22], s20  }
0x9f: {  	s3 =	ssub.s32 $0x0, s20;
	[sflag:s22] =	ssyncset.done $0x0  }
0xa0: {  	[sflag:s22] =	ssyncadd.s32 s3;
	_ =	sdelay $0x1  }
0xa1: {  	s23 =	simm.s32 $0x1B8B  }
0xa2: {  	_ =	swait.ge [sflag:s23], $0x1  }
0xa3: {  	[sflag:s23] =	ssyncset.done $0x0  }
0xa4: {  	s25 =	simm.s32 $0x1B8E;
	s24 =	sld [smem:$0x3FFE];
	[sflag:s23] =	ssyncadd.s32 $0xFFFFFFFF  }
0xa5: {  	s26 =	simm.s32 $execute0_lowered;
	[smem:$0x3FD2] =	sst s25  }
0xa6: {  	s4 =	sshll.u32 s26, $0x1;
	_ =	strace $0x80000046;
	[dreg:$0x1] =	wrdreg $0xFFFFFFFF  }
0xa7: {  	s28 =	simm.s32 $_size_execute0_lowered;
	s2 =	sadd.s32 s2, s4;
	[dreg:$0x0] =	wrdreg $0x0  }
0xa8: {  	s4 =	sshll.u32 s28, $0x1;
	[dreg:$0x2] =	wrdreg s2  }
0xa9: {  	[dreg:$0x3] =	wrdreg s4  }
0xaa: {  	[dreg:$0x4] =	wrdreg $0xC0  }
0xab: {  	_ =	task [dreg:s6], $0x5FFFF  }
0xac: {  	[dreg:$0x1] =	wrdreg $0xFFFFFFFF  }
0xad: {  	[dreg:$0x0] =	wrdreg $0x60  }
0xae: {  	[dreg:$0x2] =	wrdreg s24  }
0xaf: {  	[dreg:$0x3] =	wrdreg $0x125800  }
0xb0: {  	[dreg:$0x4] =	wrdreg $0x9  }
0xb1: {  	_ =	task.clear_ibuf [dreg:s6], $0x5FFFF;
	_ =	strace $0x90000046  }
0xb2: {  	s29 =	simm.s32 $0x9;
	_ =	strace $0x80000048  }
0xb3: {  	_ =	swait.ge [sflag:s29], $0x1  }
0xb4: {  	[sflag:s29] =	ssyncadd.s32 $0xFFFFFFFF  }
0xb5: {  	_ =	strace $0x90000048  }
0xb6: {  	_ =	sfence  }
0xb7: {  	s30 =	sld [smem:$0x0];
	_ =	sdelay $0x2  }
0xb8: {  	s31 =	sshll.u32 s1, $0xD;
	s1 =	sshrl.u32 s1, $0x2  }
0xb9: {  	s3 =	sand.u32 $0x4000, s31;
	s1 =	sadd.s32 s1, s30  }
0xba: {  	s0 =	sor.u32 s3, s0;
	s1 =	sshll.u32 s1, $0x11  }
0xbb: {  	s0 =	sor.u32 s1, s0  }
0xbc: {  	s0 =	sadd.s32 $0x8F2B, s0  }
0xbd: {  	[sflag:s0] =	ssyncadd.remote.s32 $0x1  }
0xbe: {  	_ =	sfence.sel $0xFFFF  }
0xbf: {  	[dreg:$0x0] =	wrdreg $0xFFFFFFFF;
	(pc) =	sbr.abs _section_cstart, $3  }
0xc0: {  	[dreg:$0x1] =	wrdreg $0xFFFFFFFF  }
0xc1: {  	_ =	task.clear_ibuf [dreg:s6], $0x2FFFF;
	_ =	strace $0x9FFFFFFF  }
0xc2: {  	(tm) =	ssettm $0x7FFFFFFF  }
0xc3: {  	_ =	shalt  }
tec
execute0_lowered:
.L_overlay_start_1:
0x0: {  	(tag) =	ssettag $0x1  }
0x1: {  	s0 =	rddreg [dreg:$0x0]  }
0x2: {  	s1 =	rddreg [dreg:$0x1]  }
0x3: {  	s2 =	simm.s32 $0x0;
	s17 =	stileid.u32;
	s5 =	srdreg.scid  }
0x4: {  	s22 =	simm.s32 $0x2;
	s23 =	simm.s32 $0x80;
	s28 =	simm.s32 $0x7980  }
0x5: {  	s29 =	simm.s32 $0x180;
	s30 =	simm.s32 $0x1;
	s31 =	simm.s32 $0xA180  }
0x6: {  	[smem:$0x7FF] =	sst s2;
	s3 =	sadd.s32 $0x5C4800, s0;
	s4 =	sadd.s32 $0x15000, s0  }
0x7: {  	s6 =	sadd.s32 $0xB200, s0;
	s7 =	sadd.s32 $0x46000, s0;
	s8 =	sadd.s32 $0x94400, s0  }
0x8: {  	s9 =	sadd.s32 $0x6D200, s0;
	s10 =	sadd.s32 $0xAF4C00, s0;
	s11 =	smul.u32 $0x27000, s17  }
0x9: {  	s12 =	sadd.s32 $0xAA6800, s0;
	s5 =	sand.u32 $0x1, s5;
	s16 =	smul.u32 $0x138, s17  }
0xa: {  	s0 =	sadd.s32 $0xACDA00, s0;
	s18 =	sadd.s32 $0x9C000, s1;
	s14 =	smul.u32 $0x1388, s5  }
0xb: {  	_ =	strace $0x80000047;
	s13 =	ssub.s32 $0x2, s5;
	s5 =	smul.u32 $0x9C400, s5  }
0xc: {  	[dreg:$0x6] =	wrdreg s18;
	s11 =	sshrl.u32 s11, $0x2;
	s15 =	sshrl.u32 s13, $0x1  }
0xd: {  	s21 =	sadd.s32 s11, s1;
	s24 =	ssub.s32 s13, s15;
	s19 =	sadd.s32 s16, s14  }
0xe: {  	s5 =	sshrl.u32 s5, $0x3;
	s26 =	sadd.s32 $0x3400, s21;
	[dreg:$0x3] =	wrdreg s21  }
0xf: {  	s15 =	sadd.s32 $0x6800, s21;
	s13 =	sshll.u32 s19, $0x4;
	[dreg:$0x4] =	wrdreg s26  }
0x10: {  	s5 =	sadd.s32 $0x13800, s5;
	[dreg:$0x5] =	wrdreg s15;
	s18 =	sadd.s32 s12, s13  }
0x11: {  	p0 =	sne.s32 s17, $0xF;
	s12 =	sadd.s32 s12, s5;
	[dreg:$0x7] =	wrdreg s18  }
0x12: {  	s20 =	sadd.s32 $0x1388, s14;
	s25 =	sadd.s32 s0, s13;
	[dreg:$0x8] =	wrdreg s12  }
0x13: {  	s15 =	smul.u32 $0x4E20, s17;
	s0 =	sadd.s32 s0, s5;
	[dreg:$0x9] =	wrdreg s25  }
0x14: {  	s26 =	smax.u32 s24, $0x1;
	s24 =	simm.s32 $0x50;
	[dreg:$0xa] =	wrdreg s0  }
0x15: {  	s5 =	simm.s32 $0xC980;
	s13 =	simm.s32 $0x0;
	[dreg:$0xb] =	wrdreg s26  }
0x16: {  	v2 =	vimm.f32 $0.0e+00;
	v0 =	vmov s14;
	v1 =	vmov s20;
	s25 =	simm.s32 $0x2980;
	s26 =	simm.s32 $0x5180;
	s0 =	simm.s32 $0x100  }
.LBB2_1:
0x17: {  	s11 =	sand.u32 $0xFE00, s2  }
0x18: {  	[dreg:$0xc] =	wrdreg s13;
	s12 =	sand.u32 $0x70, s2;
	s20 =	sshrl.u32 s11, $0x2  }
0x19: {  	s11 =	simm.s32 $0x40;
	s13 =	sor.u32 s12, s20;
	s12 =	simm.s32 $0x0  }
.LBB2_2:
0x1a: {  	p1 =	sne.s32 s11, $0xCFC0  }
0x1b: {  	[tilespmem:s13+$0xF180] =	vst v2;
	s12 =	sadd.s32 $0x10, s12;
	s13 =	smov.u32 s11;
	s11 =	sadd.s32 $0x40, s11  }
.Ltmp0:
0x1c: {  	(pc) =	sbr.rel @p1 .LBB2_2-.Ltmp0, $4  }
0x1d: {  	_ = 	snop  }
0x1e: {  	s13 =	sand.u32 $0xFE00, s13  }
0x1f: {  	s14 =	sand.u32 $0x70, s12;
	s13 =	sshrl.u32 s13, $0x2  }
0x20: {  	s13 =	sor.u32 s14, s13  }
0x21: {  	[tilespmem:s13+$0xF180] =	vst v2;
	s12 =	simm.s32 $0xF180  }
0x22: {  	[spmem:s21] =	stream.linear.scatter [tilespmem:s12], [sflag:$0x2], $0x3400, $0x38;
	[tilespmem:$0x1C200] =	vst v63  }
0x23: {  	_ =	swait.ge [sflag:s22], $0x3400  }
0x24: {  	[sflag:s22] =	ssyncset.done $0x0  }
0x25: {  	s11 =	rddreg [dreg:$0x4];
	[sflag:s22] =	ssyncadd.s32 $0xFFFFCC00  }
0x26: {  	[spmem:s11] =	stream.linear.scatter [tilespmem:s12], [sflag:$0x2], $0x3400, $0x38;
	[tilespmem:$0x1C200] =	vst v63  }
0x27: {  	_ =	swait.ge [sflag:s22], $0x3400  }
0x28: {  	[sflag:s22] =	ssyncset.done $0x0  }
0x29: {  	s20 =	rddreg [dreg:$0x5];
	[sflag:s22] =	ssyncadd.s32 $0xFFFFCC00  }
0x2a: {  	[spmem:s20] =	stream.linear.scatter [tilespmem:s12], [sflag:$0x2], $0x3400, $0x38;
	[tilespmem:$0x1C200] =	vst v63  }
0x2b: {  	_ =	swait.ge [sflag:s22], $0x3400  }
0x2c: {  	[sflag:s22] =	ssyncset.done $0x0  }
0x2d: {  	s11 =	simm.s32 @!p0 $0xF180;
	s12 =	rddreg [dreg:$0x6];
	[sflag:s22] =	ssyncadd.s32 $0xFFFFCC00  }
0x2e: {  	[spmem:s12] =	stream.linear.scatter @!p0 [tilespmem:s11], [sflag:$0x2], $0x800, $0x38;
	[tilespmem:$0x1C200] =	vst v63  }
0x2f: {  	s11 =	simm.s32 @!p0 $0x2  }
0x30: {  	_ =	swait.ge @!p0 [sflag:s11], $0x800  }
0x31: {  	[sflag:s11] =	ssyncset.done @!p0 $0x0  }
0x32: {  	[sflag:s11] =	ssyncadd.s32 @!p0 $0xFFFFF800  }
0x33: {  	s17 =	simm.s32 $0x0;
	s18 =	simm.s32 $0x0;
	[bflag:$0x0] =	sbarrier.arrive $0xFFFF  }
.LBB2_4:
0x34: {  	s11 =	smul.u32 $0x50, s18;
	_ =	sdelay $0x1  }
0x35: {  	s11 =	sadd.s32 s15, s11  }
0x36: {  	s12 =	sshrl.u32 s11, $0x3  }
0x37: {  	s13 =	sadd.s32 s4, s12  }
0x38: {  	[tilespmem:s17], [sflag:$0x2] =	stream.linear.gather [hbm4b:s13+s17], $0x50, $0x38;
	[tilespmem:$0x1C200] =	vst v63  }
0x39: {  	_ =	swait.ge [sflag:s22], $0x50  }
0x3a: {  	[sflag:s22] =	ssyncset.done $0x0  }
0x3b: {  	s12 =	sadd.s32 s6, s12;
	[sflag:s22] =	ssyncadd.s32 $0xFFFFFFB0  }
0x3c: {  	[tilespmem:s23], [sflag:$0x2] =	stream.linear.gather [hbm4b:s12+s17], $0x50, $0x38;
	[tilespmem:$0x1C200] =	vst v63  }
0x3d: {  	_ =	swait.ge [sflag:s22], $0x50  }
0x3e: {  	[sflag:s22] =	ssyncset.done $0x0  }
0x3f: {  	[sflag:s22] =	ssyncadd.s32 $0xFFFFFFB0  }
0x40: {  	[tilespmem:s25], [sflag:$0x1] =	stream.indirect.gather [hbm4b:s7+s24], $0x80, s17, s24, $0xb8;
	[tilespmem:$0x1C200] =	vst v63  }
0x41: {  	_ = 	snop  }
0x42: {  	[tilespmem:s26], [sflag:$0x1] =	stream.indirect.gather [hbm4b:s8+s24], $0x80, s23, s24, $0xb8;
	[tilespmem:$0x1C200] =	vst v63  }
0x43: {  	s19 =	sshll.u32 s11, $0x4  }
0x44: {  	[tilespmem:s28], [sflag:$0x1] =	stream.indirect.gather [hbm4b:s9+s24], $0x80, s17, s24, $0xb8;
	[tilespmem:$0x1C200] =	vst v63  }
0x45: {  	s11 =	sadd.s32 s3, s19  }
0x46: {  	[tilespmem:s29], [sflag:$0x2] =	stream.linear.gather [hbm4b:s11+s17], $0x2800, $0x38;
	[tilespmem:$0x1C200] =	vst v63  }
0x47: {  	_ =	swait.ge [sflag:s22], $0x2800  }
0x48: {  	[sflag:s22] =	ssyncset.done $0x0  }
0x49: {  	[sflag:s22] =	ssyncadd.s32 $0xFFFFD800  }
0x4a: {  	v3 =	vld [tilespmem:$0x80]  }
0x4b: {  	v4 =	vld [tilespmem:$0x90]  }
0x4c: {  	v5 =	vld [tilespmem:$0xA0];
	_ =	sdelay $0x1  }
0x4d: {  	v6 =	vld [tilespmem:$0xB0]  }
0x4e: {  	v7 =	vld [tilespmem:$0xC0]  }
0x4f: {  	vm0 =	vge.s32 v3, v0;
	vm1 =	vlt.s32 v3, v1;
	v3 =	vsub.s32 v3, v0  }
0x50: {  	vm7 =	vge.s32 v4, v0;
	vm8 =	vlt.s32 v4, v1;
	vm2 =	vge.s32 v5, v0  }
0x51: {  	vm3 =	vlt.s32 v5, v1;
	v4 =	vsub.s32 v4, v0;
	v5 =	vsub.s32 v5, v0  }
0x52: {  	vm10 =	vge.s32 v6, v0;
	vm11 =	vlt.s32 v6, v1;
	vm0 =	vmand vm0, vm1  }
0x53: {  	vm13 =	vge.s32 v7, v0;
	v3 =	vnsel vm0, $0x1388, v3;
	vm0 =	vmand vm7, vm8  }
0x54: {  	vm14 =	vlt.s32 v7, v1;
	vm9 =	vmand vm2, vm3;
	v4 =	vnsel vm0, $0x1388, v4;
	[tilespmem:$0x100] =	vst v3  }
0x55: {  	vm12 =	vmand vm10, vm11;
	v3 =	vnsel vm9, $0x1388, v5;
	[tilespmem:$0x110] =	vst v4;
	v4 =	vsub.s32 v6, v0  }
0x56: {  	vm15 =	vmand vm13, vm14;
	[tilespmem:$0x120] =	vst v3;
	v3 =	vsub.s32 v7, v0;
	v4 =	vnsel vm12, $0x1388, v4  }
0x57: {  	v3 =	vnsel vm15, $0x1388, v3;
	[tilespmem:$0x130] =	vst v4  }
0x58: {  	[tilespmem:$0x140] =	vst v3  }
0x59: {  	_ =	swait.ge [sflag:s30], $0x2800  }
0x5a: {  	[sflag:s30] =	ssyncset.done $0x0  }
0x5b: {  	[sflag:s30] =	ssyncadd.s32 $0xFFFFD800  }
0x5c: {  	_ =	swait.ge [sflag:s30], $0x2800  }
0x5d: {  	[sflag:s30] =	ssyncset.done $0x0  }
0x5e: {  	[sflag:s30] =	ssyncadd.s32 $0xFFFFD800  }
0x5f: {  	_ =	swait.ge [sflag:s30], $0x2800  }
0x60: {  	[sflag:s30] =	ssyncset.done $0x0  }
0x61: {  	s12 =	simm.s32 $0x0;
	[sflag:s30] =	ssyncadd.s32 $0xFFFFD800  }
0x62: {  	v3 =	vld [tilespmem:s12+$0x1F0]  }
0x63: {  	v4 =	vld [tilespmem:s12+$0x29F0];
	_ =	sdelay $0x1  }
0x64: {  	v6 =	vld [tilespmem:s12+$0x51F0];
	_ =	sdelay $0x2  }
0x65: {  	v5 =	vld [tilespmem:s12+$0x180];
	v3 =	vadd.f32 v4, v3  }
0x66: {  	v7 =	vld [tilespmem:s12+$0x2980]  }
0x67: {  	v8 =	vld [tilespmem:s12+$0x190];
	v3 =	vadd.f32 v6, v3  }
0x68: {  	v9 =	vld [tilespmem:s12+$0x2990]  }
0x69: {  	v10 =	vld [tilespmem:s12+$0x29A0];
	[tilespmem:s12+$0xA1F0] =	vst v3;
	v3 =	vsub.f32 $0.0e+00, v3  }
0x6a: {  	v11 =	vld [tilespmem:s12+$0x29B0]  }
0x6b: {  	v12 =	vld [tilespmem:s12+$0x1C0];
	v3 =	vmul.f32 $1.442695020e+00, v3  }
0x6c: {  	v13 =	vld [tilespmem:s12+$0x29C0]  }
0x6d: {  	v4 =	vld [tilespmem:s12+$0x1A0];
	(erf) = vpow2.f32 v3  }
0x6e: {  	v14 =	vld [tilespmem:s12+$0x1D0]  }
0x6f: {  	v18 =	vld [tilespmem:s12+$0x5180]  }
0x70: {  	v6 =	vld [tilespmem:s12+$0x1B0]  }
0x71: {  	v20 =	vld [tilespmem:s12+$0x51A0]  }
0x72: {  	v21 =	vld [tilespmem:s12+$0x51B0];
	v4 =	vadd.f32 v10, v4  }
0x73: {  	v15 =	vld [tilespmem:s12+$0x29D0];
	v5 =	vadd.f32 v7, v5  }
0x74: {  	v16 =	vld [tilespmem:s12+$0x1E0]  }
0x75: {  	v19 =	vld [tilespmem:s12+$0x5190];
	v18 =	vadd.f32 v18, v5;
	v5 =	vadd.f32 v11, v6  }
0x76: {  	v17 =	vld [tilespmem:s12+$0x29E0];
	v6 =	vadd.f32 v20, v4;
	v11 =	vadd.f32 v13, v12;
	v4 =	vpop (erf)  }
0x77: {  	v22 =	vld [tilespmem:s12+$0x51C0];
	v12 =	vadd.f32 v21, v5;
	v5 =	vadd.f32 $1.000000000e+00, v4  }
0x78: {  	v7 =	vld [tilespmem:s12+$0x51D0];
	v3 =	vadd.f32 v9, v8  }
0x79: {  	v23 =	vld [tilespmem:s12+$0x51E0];
	(erf) = vrcp.f32 v5  }
0x7a: {  	v24 =	vld [tilespmem:s12+$0x7980];
	[tilespmem:s12+$0xA180] =	vst v18;
	v13 =	vadd.f32 v15, v14;
	v9 =	vadd.f32 v19, v3  }
0x7b: {  	v10 =	vld [tilespmem:s12+$0x79A0];
	v14 =	vadd.f32 v17, v16;
	v15 =	vsub.f32 $0.0e+00, v18;
	[tilespmem:s12+$0xA1A0] =	vst v6  }
0x7c: {  	v8 =	vld [tilespmem:s12+$0x7990];
	v11 =	vadd.f32 v22, v11;
	[tilespmem:s12+$0xA190] =	vst v9;
	v9 =	vsub.f32 $0.0e+00, v9  }
0x7d: {  	v7 =	vadd.f32 v7, v13;
	v13 =	vld [tilespmem:s12+$0x79F0];
	[tilespmem:s12+$0xA1B0] =	vst v12  }
0x7e: {  	s20 =	simm.s32 $0x80;
	v15 =	vmul.f32 $1.442695020e+00, v15;
	v14 =	vadd.f32 v23, v14;
	v19 =	vld [tilespmem:s12+$0x79B0];
	[tilespmem:s12+$0xA1C0] =	vst v11;
	v9 =	vmul.f32 $1.442695020e+00, v9  }
0x7f: {  	v6 =	vsub.f32 $0.0e+00, v6;
	v16 =	vld [tilespmem:s20+$0x1F0];
	[tilespmem:s12+$0xA1D0] =	vst v7  }
0x80: {  	v17 =	vld [tilespmem:s20+$0x29F0];
	[tilespmem:s12+$0xA1E0] =	vst v14;
	(erf) = vpow2.f32 v15  }
0x81: {  	v6 =	vmul.f32 $1.442695020e+00, v6;
	v18 =	vld [tilespmem:s20+$0x51F0]  }
0x82: {  	v12 =	vsub.f32 $0.0e+00, v12;
	v20 =	vld [tilespmem:s20+$0x2980];
	(erf) = vpow2.f32 v9;
	v9 =	vpop (erf)  }
0x83: {  	v11 =	vsub.f32 $0.0e+00, v11;
	v15 =	vld [tilespmem:s20+$0x180];
	(erf) = vpow2.f32 v6;
	v9 =	vmul.f32 v9, v13  }
0x84: {  	v12 =	vmul.f32 $1.442695020e+00, v12;
	v6 =	vld [tilespmem:s20+$0x2990]  }
0x85: {  	v11 =	vmul.f32 $1.442695020e+00, v11;
	v13 =	vld [tilespmem:s20+$0x190];
	[tilespmem:s12+$0xC9F0] =	vst v9;
	v9 =	vsub.f32 $0.0e+00, v14  }
0x86: {  	v3 =	vld [tilespmem:s12+$0x79C0];
	v7 =	vsub.f32 $0.0e+00, v7;
	(erf) = vpow2.f32 v12  }
0x87: {  	v4 =	vld [tilespmem:s12+$0x79D0];
	v9 =	vmul.f32 $1.442695020e+00, v9  }
0x88: {  	v7 =	vmul.f32 $1.442695020e+00, v7;
	v5 =	vld [tilespmem:s12+$0x79E0]  }
0x89: {  	(erf) = vpow2.f32 v11;
	v11 =	vpop (erf);
	v14 =	vadd.f32 v17, v16;
	v16 =	vld [tilespmem:s20+$0x1A0]  }
0x8a: {  	(erf) = vpow2.f32 v7;
	v7 =	vadd.f32 $1.000000000e+00, v11;
	v12 =	vld [tilespmem:s20+$0x29A0]  }
0x8b: {  	v17 =	vld [tilespmem:s20+$0x1B0];
	(erf) = vpow2.f32 v9;
	v9 =	vpop (erf)  }
0x8c: {  	v11 =	vld [tilespmem:s20+$0x29B0];
	(erf) = vrcp.f32 v7;
	v7 =	vadd.f32 $1.000000000e+00, v9;
	v9 =	vpop (erf)  }
0x8d: {  	v21 =	vld [tilespmem:s20+$0x29C0];
	v14 =	vadd.f32 v18, v14;
	v9 =	vadd.f32 $1.000000000e+00, v9  }
0x8e: {  	v22 =	vld [tilespmem:s20+$0x1D0];
	(erf) = vrcp.f32 v7  }
0x8f: {  	v23 =	vld [tilespmem:s20+$0x29D0];
	v25 =	vpop (erf);
	v7 =	vsub.f32 $0.0e+00, v14;
	(erf) = vrcp.f32 v9  }
0x90: {  	v26 =	vld [tilespmem:s20+$0x29E0]  }
0x91: {  	v28 =	vld [tilespmem:s20+$0x5180];
	v7 =	vmul.f32 $1.442695020e+00, v7  }
0x92: {  	v29 =	vld [tilespmem:s20+$0x5190];
	v27 =	vpop (erf)  }
0x93: {  	v31 =	vld [tilespmem:s20+$0x51A0];
	v9 =	vadd.f32 $1.000000000e+00, v25;
	v59 =	vpop (erf)  }
0x94: {  	v32 =	vld [tilespmem:s20+$0x51B0];
	(erf) = vpow2.f32 v7;
	v30 =	vpop (erf)  }
0x95: {  	v60 =	vld [tilespmem:s20+$0x51C0];
	v7 =	vpop (erf)  }
0x96: {  	v33 =	vld [tilespmem:s20+$0x51D0];
	(erf) = vrcp.f32 v9;
	v7 =	vmul.f32 v7, v24  }
0x97: {  	v18 =	vld [tilespmem:s20+$0x1C0];
	[tilespmem:s20+$0xA1F0] =	vst v14;
	v9 =	vpop (erf)  }
0x98: {  	v14 =	vld [tilespmem:s20+$0x1E0];
	[tilespmem:s12+$0xC980] =	vst v7;
	v7 =	vmul.f32 v9, v8;
	v8 =	vadd.f32 v20, v15;
	v15 =	vpop (erf)  }
0x99: {  	v10 =	vmul.f32 v15, v10  }
0x9a: {  	v6 =	vadd.f32 v6, v13;
	v12 =	vadd.f32 v12, v16  }
0x9b: {  	v11 =	vadd.f32 v11, v17;
	v13 =	vadd.f32 $1.000000000e+00, v27;
	v34 =	vld [tilespmem:s20+$0x51E0]  }
0x9c: {  	v17 =	vadd.f32 v21, v18;
	v16 =	vadd.f32 $1.000000000e+00, v59;
	v9 =	vld [tilespmem:s20+$0x7980];
	[tilespmem:s12+$0xC990] =	vst v7  }
0x9d: {  	v12 =	vadd.f32 v31, v12;
	v7 =	vld [tilespmem:s20+$0x7990];
	[tilespmem:s12+$0xC9A0] =	vst v10;
	v10 =	vpop (erf);
	(erf) = vrcp.f32 v13;
	v13 =	vadd.f32 $1.000000000e+00, v30  }
0x9e: {  	v18 =	vadd.f32 v32, v11;
	v17 =	vadd.f32 v60, v17;
	(erf) = vrcp.f32 v16  }
0x9f: {  	v14 =	vadd.f32 v26, v14;
	v15 =	vadd.f32 v28, v8;
	v8 =	vpop (erf);
	(erf) = vrcp.f32 v13  }
0xa0: {  	v20 =	vadd.f32 v29, v6;
	v16 =	vadd.f32 $1.000000000e+00, v10;
	v19 =	vmul.f32 v8, v19  }
0xa1: {  	[tilespmem:s20+$0xA180] =	vst v15;
	v6 =	vld [tilespmem:s20+$0x79B0];
	v15 =	vsub.f32 $0.0e+00, v15;
	v13 =	vadd.f32 v23, v22  }
0xa2: {  	v8 =	vld [tilespmem:s20+$0x79A0];
	v23 =	vadd.f32 v34, v14;
	(erf) = vrcp.f32 v16;
	v16 =	vsub.f32 $0.0e+00, v12;
	[tilespmem:s12+$0xC9B0] =	vst v19  }
0xa3: {  	v15 =	vmul.f32 $1.442695020e+00, v15;
	v19 =	vsub.f32 $0.0e+00, v20;
	v61 =	vadd.f32 v33, v13;
	[tilespmem:s20+$0xA190] =	vst v20  }
0xa4: {  	v10 =	vld [tilespmem:s20+$0x79C0];
	[tilespmem:s20+$0xA1B0] =	vst v18;
	v18 =	vsub.f32 $0.0e+00, v18;
	v20 =	vmul.f32 $1.442695020e+00, v16;
	v16 =	vsub.f32 $0.0e+00, v17  }
0xa5: {  	v11 =	vld [tilespmem:s20+$0x79D0];
	v62 =	vmul.f32 $1.442695020e+00, v19;
	v19 =	vsub.f32 $0.0e+00, v61  }
0xa6: {  	v63 =	vsub.f32 $0.0e+00, v23;
	[tilespmem:s20+$0xA1A0] =	vst v12;
	v12 =	vld [tilespmem:s20+$0x79E0];
	v18 =	vmul.f32 $1.442695020e+00, v18;
	v13 =	vpop (erf);
	(erf) = vpow2.f32 v15  }
0xa7: {  	s13 =	simm.s32 $0x100;
	[tilespmem:s20+$0xA1C0] =	vst v17;
	v22 =	vld [tilespmem:s20+$0x79F0];
	v21 =	vmul.f32 $1.442695020e+00, v16;
	v15 =	vmul.f32 $1.442695020e+00, v19;
	v14 =	vpop (erf)  }
0xa8: {  	s14 =	simm.s32 $0x600;
	v17 =	vld [tilespmem:s13+$0x1F0];
	[tilespmem:s20+$0xA1D0] =	vst v61;
	v19 =	vmul.f32 $1.442695020e+00, v63;
	(erf) = vpow2.f32 v62;
	v16 =	vpop (erf)  }
.LBB2_5:
0xa9: {  	p1 =	sne.s32 s14, $0x9E00;
	v24 =	vld [tilespmem:s13+$0x29F0];
	[tilespmem:s20+$0xA1E0] =	vst v23;
	(erf) = vpow2.f32 v20;
	v13 =	vmul.f32 v13, v3;
	v3 =	vmov v10  }
0xaa: {  	v14 =	vmul.f32 v14, v4;
	v10 =	vld [tilespmem:s13+$0x180];
	(erf) = vpow2.f32 v18;
	v4 =	vmov v11  }
0xab: {  	v11 =	vld [tilespmem:s13+$0x51F0];
	(erf) = vpow2.f32 v21;
	v18 =	vpop (erf);
	[tilespmem:s12+$0xC9C0] =	vst v13;
	v13 =	vmul.f32 v16, v5;
	v5 =	vmov v12  }
0xac: {  	v12 =	vld [tilespmem:s13+$0x2980];
	v16 =	vmul.f32 v18, v22;
	(erf) = vpow2.f32 v15;
	[tilespmem:s12+$0xC9D0] =	vst v14  }
0xad: {  	v14 =	vld [tilespmem:s13+$0x190];
	(erf) = vpow2.f32 v19;
	[tilespmem:s12+$0xC9E0] =	vst v13;
	s12 =	smov.u32 s20;
	s20 =	smov.u32 s13  }
0xae: {  	v13 =	vld [tilespmem:s20+$0x2990];
	v15 =	vadd.f32 v24, v17;
	[tilespmem:s12+$0xC9F0] =	vst v16  }
0xaf: {  	v16 =	vld [tilespmem:s20+$0x1A0];
	v17 =	vpop (erf)  }
0xb0: {  	v18 =	vld [tilespmem:s20+$0x29A0];
	v11 =	vadd.f32 v11, v15;
	v21 =	vadd.f32 $1.000000000e+00, v17  }
0xb1: {  	v10 =	vadd.f32 v12, v10;
	v12 =	vld [tilespmem:s20+$0x1B0];
	v17 =	vpop (erf)  }
0xb2: {  	v19 =	vld [tilespmem:s20+$0x29B0];
	v20 =	vsub.f32 $0.0e+00, v11;
	[tilespmem:s20+$0xA1F0] =	vst v11;
	v22 =	vadd.f32 $1.000000000e+00, v17;
	(erf) = vrcp.f32 v21;
	v15 =	vpop (erf)  }
0xb3: {  	v13 =	vadd.f32 v13, v14;
	v14 =	vld [tilespmem:s20+$0x1C0];
	v23 =	vadd.f32 $1.000000000e+00, v15;
	v17 =	vpop (erf)  }
0xb4: {  	v21 =	vld [tilespmem:s20+$0x29C0];
	v24 =	vmul.f32 $1.442695020e+00, v20;
	v17 =	vadd.f32 $1.000000000e+00, v17;
	(erf) = vrcp.f32 v22;
	v11 =	vpop (erf)  }
0xb5: {  	v16 =	vadd.f32 v18, v16;
	v18 =	vld [tilespmem:s20+$0x1D0];
	v11 =	vadd.f32 $1.000000000e+00, v11;
	(erf) = vrcp.f32 v23;
	v15 =	vpop (erf)  }
0xb6: {  	v22 =	vld [tilespmem:s20+$0x29D0];
	(erf) = vpow2.f32 v24;
	v15 =	vadd.f32 $1.000000000e+00, v15;
	v20 =	vpop (erf)  }
0xb7: {  	v12 =	vadd.f32 v19, v12;
	v19 =	vld [tilespmem:s20+$0x1E0];
	v20 =	vadd.f32 $1.000000000e+00, v20;
	(erf) = vrcp.f32 v17  }
0xb8: {  	v17 =	vld [tilespmem:s20+$0x29E0];
	(erf) = vrcp.f32 v11  }
0xb9: {  	v11 =	vld [tilespmem:s20+$0x5180];
	v14 =	vadd.f32 v21, v14;
	(erf) = vrcp.f32 v15  }
0xba: {  	v15 =	vld [tilespmem:s20+$0x5190];
	(erf) = vrcp.f32 v20  }
0xbb: {  	v20 =	vld [tilespmem:s20+$0x51A0];
	v18 =	vadd.f32 v22, v18;
	v21 =	vpop (erf)  }
0xbc: {  	v22 =	vld [tilespmem:s20+$0x51B0];
	v23 =	vmul.f32 v21, v9  }
0xbd: {  	v21 =	vld [tilespmem:s20+$0x51C0];
	v17 =	vadd.f32 v17, v19;
	v19 =	vpop (erf)  }
0xbe: {  	v10 =	vadd.f32 v11, v10;
	v11 =	vld [tilespmem:s20+$0x51D0];
	[tilespmem:s12+$0xC980] =	vst v23;
	v7 =	vmul.f32 v19, v7;
	v9 =	vpop (erf)  }
0xbf: {  	v15 =	vadd.f32 v15, v13;
	v19 =	vld [tilespmem:s20+$0x51E0];
	v13 =	vpop (erf);
	v8 =	vmul.f32 v9, v8  }
0xc0: {  	v9 =	vld [tilespmem:s20+$0x7980];
	v24 =	vadd.f32 v20, v16;
	v23 =	vadd.f32 $1.000000000e+00, v13;
	[tilespmem:s12+$0xC990] =	vst v7;
	v13 =	vpop (erf)  }
0xc1: {  	v20 =	vsub.f32 $0.0e+00, v10;
	v7 =	vld [tilespmem:s20+$0x7990];
	v12 =	vadd.f32 v22, v12;
	[tilespmem:s12+$0xC9A0] =	vst v8;
	v22 =	vmul.f32 v13, v6;
	v13 =	vpop (erf)  }
0xc2: {  	[tilespmem:s20+$0xA180] =	vst v10;
	v10 =	vsub.f32 $0.0e+00, v15;
	v8 =	vld [tilespmem:s20+$0x79A0];
	v25 =	vadd.f32 v21, v14;
	(erf) = vrcp.f32 v23;
	v14 =	vpop (erf)  }
0xc3: {  	v21 =	vmul.f32 $1.442695020e+00, v20;
	v20 =	vsub.f32 $0.0e+00, v24;
	v6 =	vld [tilespmem:s20+$0x79B0];
	v26 =	vadd.f32 v11, v18;
	[tilespmem:s12+$0xC9B0] =	vst v22;
	v16 =	vpop (erf)  }
.Ltmp1:
0xc4: {  	v27 =	vmul.f32 $1.442695020e+00, v10;
	[tilespmem:s20+$0xA190] =	vst v15;
	v15 =	vsub.f32 $0.0e+00, v12;
	v10 =	vld [tilespmem:s20+$0x79C0];
	v23 =	vadd.f32 v19, v17;
	(pc) =	sbr.rel @p1 .LBB2_5-.Ltmp1, $4  }
0xc5: {  	v20 =	vmul.f32 $1.442695020e+00, v20;
	v17 =	vsub.f32 $0.0e+00, v25;
	[tilespmem:s20+$0xA1A0] =	vst v24;
	v19 =	vsub.f32 $0.0e+00, v26;
	v11 =	vld [tilespmem:s20+$0x79D0]  }
0xc6: {  	v18 =	vmul.f32 $1.442695020e+00, v15;
	[tilespmem:s20+$0xA1B0] =	vst v12;
	v24 =	vsub.f32 $0.0e+00, v23;
	v12 =	vld [tilespmem:s20+$0x79E0];
	(erf) = vpow2.f32 v21  }
0xc7: {  	s13 =	sshra.s32 s14, $0x2;
	v21 =	vmul.f32 $1.442695020e+00, v17;
	[tilespmem:s20+$0xA1C0] =	vst v25;
	v15 =	vmul.f32 $1.442695020e+00, v19;
	v22 =	vld [tilespmem:s20+$0x79F0]  }
0xc8: {  	s14 =	sadd.s32 $0x200, s14;
	v17 =	vld [tilespmem:s13+$0x1F0];
	[tilespmem:s20+$0xA1D0] =	vst v26;
	v19 =	vmul.f32 $1.442695020e+00, v24;
	(erf) = vpow2.f32 v27  }
0xc9: {  	v24 =	vld [tilespmem:s13+$0x29F0];
	[tilespmem:s20+$0xA1E0] =	vst v23;
	v3 =	vmul.f32 v13, v3  }
0xca: {  	v4 =	vmul.f32 v14, v4;
	v32 =	vld [tilespmem:s13+$0x180]  }
0xcb: {  	v5 =	vmul.f32 v16, v5;
	v23 =	vld [tilespmem:s13+$0x51F0];
	[tilespmem:s12+$0xC9C0] =	vst v3;
	v33 =	vpop (erf)  }
0xcc: {  	(erf) = vpow2.f32 v20;
	v3 =	vld [tilespmem:s13+$0x2980];
	[tilespmem:s12+$0xC9D0] =	vst v4;
	v4 =	vmul.f32 v33, v22  }
0xcd: {  	v34 =	vld [tilespmem:s13+$0x190];
	[tilespmem:s12+$0xC9E0] =	vst v5  }
0xce: {  	v5 =	vld [tilespmem:s13+$0x2990];
	[tilespmem:s20+$0xC9F0] =	vst v4  }
0xcf: {  	v36 =	vld [tilespmem:s13+$0x1A0]  }
0xd0: {  	v37 =	vld [tilespmem:s13+$0x29A0]  }
0xd1: {  	v35 =	vadd.f32 v24, v17;
	v39 =	vld [tilespmem:s13+$0x1B0]  }
0xd2: {  	(erf) = vpow2.f32 v18;
	v41 =	vld [tilespmem:s13+$0x29B0]  }
0xd3: {  	(erf) = vpow2.f32 v21;
	v38 =	vpop (erf);
	v44 =	vld [tilespmem:s13+$0x1C0];
	v4 =	vadd.f32 v23, v35  }
0xd4: {  	(erf) = vpow2.f32 v15;
	v45 =	vld [tilespmem:s13+$0x29C0];
	v40 =	vadd.f32 $1.000000000e+00, v38;
	v42 =	vpop (erf)  }
0xd5: {  	v46 =	vld [tilespmem:s13+$0x1D0];
	(erf) = vpow2.f32 v19;
	[tilespmem:s13+$0xA1F0] =	vst v4;
	v4 =	vsub.f32 $0.0e+00, v4;
	v19 =	vadd.f32 $1.000000000e+00, v42;
	v43 =	vpop (erf)  }
0xd6: {  	v47 =	vld [tilespmem:s13+$0x29D0];
	(erf) = vrcp.f32 v40;
	v15 =	vadd.f32 $1.000000000e+00, v43  }
0xd7: {  	v26 =	vld [tilespmem:s13+$0x5180];
	v4 =	vmul.f32 $1.442695020e+00, v4;
	(erf) = vrcp.f32 v19  }
0xd8: {  	v52 =	vld [tilespmem:s13+$0x5190];
	(erf) = vrcp.f32 v15  }
0xd9: {  	v27 =	vld [tilespmem:s13+$0x51A0];
	v3 =	vadd.f32 v3, v32;
	(erf) = vpow2.f32 v4  }
0xda: {  	v28 =	vld [tilespmem:s13+$0x51B0];
	v5 =	vadd.f32 v5, v34;
	v16 =	vadd.f32 v37, v36  }
0xdb: {  	v49 =	vpop (erf);
	v18 =	vadd.f32 v41, v39;
	v21 =	vadd.f32 v45, v44  }
0xdc: {  	v58 =	vadd.f32 v47, v46;
	v3 =	vadd.f32 v26, v3;
	v25 =	vpop (erf)  }
0xdd: {  	v23 =	vadd.f32 $1.000000000e+00, v49;
	v5 =	vadd.f32 v52, v5;
	v51 =	vpop (erf)  }
0xde: {  	v48 =	vld [tilespmem:s13+$0x1E0];
	v25 =	vadd.f32 $1.000000000e+00, v25;
	v16 =	vadd.f32 v27, v16;
	v53 =	vpop (erf)  }
0xdf: {  	v50 =	vld [tilespmem:s13+$0x29E0];
	v62 =	vsub.f32 $0.0e+00, v3;
	v63 =	vadd.f32 v28, v18;
	v54 =	vpop (erf)  }
0xe0: {  	v55 =	vld [tilespmem:s13+$0x51C0];
	(erf) = vrcp.f32 v23;
	v22 =	vsub.f32 $0.0e+00, v5;
	v9 =	vmul.f32 v54, v9;
	v56 =	vpop (erf)  }
0xe1: {  	v57 =	vld [tilespmem:s13+$0x51D0];
	(erf) = vrcp.f32 v25;
	v25 =	vsub.f32 $0.0e+00, v16;
	v13 =	vadd.f32 $1.000000000e+00, v51;
	v59 =	vpop (erf)  }
0xe2: {  	v26 =	vsub.f32 $0.0e+00, v63;
	v18 =	vmul.f32 $1.442695020e+00, v22;
	v17 =	vadd.f32 $1.000000000e+00, v53;
	[tilespmem:s20+$0xC980] =	vst v9;
	v61 =	vpop (erf)  }
0xe3: {  	v27 =	vmul.f32 $1.442695020e+00, v25;
	(erf) = vrcp.f32 v13;
	v60 =	vld [tilespmem:s13+$0x51E0];
	v15 =	vadd.f32 $1.000000000e+00, v61  }
0xe4: {  	v4 =	vadd.f32 v50, v48;
	(erf) = vrcp.f32 v17;
	v9 =	vmul.f32 $1.442695020e+00, v62  }
0xe5: {  	v24 =	vadd.f32 v55, v21;
	v20 =	vmul.f32 $1.442695020e+00, v26;
	(erf) = vrcp.f32 v15  }
0xe6: {  	v13 =	vadd.f32 v57, v58;
	v7 =	vmul.f32 v56, v7;
	(erf) = vpow2.f32 v9  }
0xe7: {  	v28 =	vsub.f32 $0.0e+00, v24;
	v8 =	vmul.f32 v59, v8;
	(erf) = vpow2.f32 v18  }
0xe8: {  	v30 =	vsub.f32 $0.0e+00, v13;
	v29 =	vld [tilespmem:s13+$0x7980];
	[tilespmem:s20+$0xC990] =	vst v7;
	v4 =	vadd.f32 v60, v4;
	(erf) = vpow2.f32 v27  }
0xe9: {  	v34 =	vpop (erf);
	v32 =	vld [tilespmem:s13+$0x7990];
	[tilespmem:s20+$0xC9A0] =	vst v8;
	v15 =	vmul.f32 $1.442695020e+00, v28;
	(erf) = vpow2.f32 v20  }
0xea: {  	v33 =	vmul.f32 $1.442695020e+00, v30;
	[tilespmem:s13+$0xA180] =	vst v3;
	v3 =	vmul.f32 v34, v6;
	v31 =	vsub.f32 $0.0e+00, v4  }
0xeb: {  	v35 =	vpop (erf);
	(erf) = vpow2.f32 v15  }
0xec: {  	v37 =	vpop (erf);
	v7 =	vmul.f32 $1.442695020e+00, v31;
	(erf) = vpow2.f32 v33  }
0xed: {  	v36 =	vld [tilespmem:s13+$0x79A0];
	v38 =	vpop (erf)  }
0xee: {  	v39 =	vld [tilespmem:s13+$0x79B0];
	[tilespmem:s20+$0xC9B0] =	vst v3;
	(erf) = vpow2.f32 v7;
	v3 =	vpop (erf)  }
0xef: {  	v40 =	vpop (erf)  }
0xf0: {  	[tilespmem:s13+$0xA190] =	vst v5;
	v5 =	vadd.f32 $1.000000000e+00, v40;
	v42 =	vpop (erf)  }
0xf1: {  	v43 =	vadd.f32 $1.000000000e+00, v42;
	v44 =	vpop (erf)  }
0xf2: {  	(erf) = vrcp.f32 v5;
	v46 =	vadd.f32 $1.000000000e+00, v44;
	v47 =	vpop (erf)  }
0xf3: {  	v48 =	vadd.f32 $1.000000000e+00, v47;
	(erf) = vrcp.f32 v43  }
0xf4: {  	v49 =	vpop (erf);
	(erf) = vrcp.f32 v46  }
0xf5: {  	[tilespmem:s13+$0xA1A0] =	vst v16;
	v51 =	vpop (erf);
	(erf) = vrcp.f32 v48  }
0xf6: {  	[tilespmem:s13+$0xA1B0] =	vst v63;
	v53 =	vld [tilespmem:s13+$0x79F0];
	v16 =	vadd.f32 $1.000000000e+00, v49  }
0xf7: {  	[tilespmem:s13+$0xA1C0] =	vst v24;
	v5 =	vadd.f32 $1.000000000e+00, v51;
	v52 =	vpop (erf)  }
0xf8: {  	v54 =	vmul.f32 v35, v10;
	v41 =	vld [tilespmem:s13+$0x79C0];
	[tilespmem:s13+$0xA1D0] =	vst v13;
	(erf) = vrcp.f32 v16;
	v19 =	vadd.f32 $1.000000000e+00, v52  }
0xf9: {  	v45 =	vld [tilespmem:s13+$0x79D0];
	v55 =	vmul.f32 v37, v11;
	[tilespmem:s13+$0xA1E0] =	vst v4;
	(erf) = vrcp.f32 v5  }
0xfa: {  	v50 =	vld [tilespmem:s13+$0x79E0];
	v56 =	vmul.f32 v38, v12;
	[tilespmem:s20+$0xC9C0] =	vst v54;
	(erf) = vrcp.f32 v19  }
0xfb: {  	[tilespmem:s20+$0xC9D0] =	vst v55;
	v3 =	vmul.f32 v3, v53;
	v57 =	vpop (erf)  }
0xfc: {  	[tilespmem:s20+$0xC9E0] =	vst v56;
	v58 =	vpop (erf)  }
0xfd: {  	[tilespmem:s13+$0xC9F0] =	vst v3;
	v3 =	vmul.f32 v58, v32;
	v59 =	vpop (erf)  }
0xfe: {  	v61 =	vpop (erf)  }
0xff: {  	v4 =	vmul.f32 v57, v29;
	[tilespmem:s13+$0xC990] =	vst v3;
	v3 =	vmul.f32 v61, v39  }
0x100: {  	v60 =	vmul.f32 v59, v36  }
0x101: {  	[tilespmem:s13+$0xC980] =	vst v4;
	v62 =	vpop (erf)  }
0x102: {  	[tilespmem:s13+$0xC9A0] =	vst v60;
	v63 =	vpop (erf);
	v5 =	vmul.f32 v62, v41  }
0x103: {  	[tilespmem:s13+$0xC9B0] =	vst v3;
	v4 =	vmul.f32 v63, v45;
	v3 =	vpop (erf)  }
0x104: {  	[tilespmem:s13+$0xC9C0] =	vst v5;
	v3 =	vmul.f32 v3, v50  }
0x105: {  	[tilespmem:s13+$0xC9D0] =	vst v4  }
0x106: {  	s11 =	sadd.s32 s10, s19;
	[tilespmem:s13+$0xC9E0] =	vst v3  }
0x107: {  	[hbm4b:s11+s2] =	stream.linear.scatter [tilespmem:s31], [sflag:$0x2], $0x2800, $0x38;
	[tilespmem:$0x1C200] =	vst v63  }
0x108: {  	s18 =	sadd.s32 $0x1, s18;
	_ =	swait.ge [sflag:s22], $0x2800  }
0x109: {  	p1 =	sne.s32 s18, $0xFA;
	[sflag:s22] =	ssyncset.done $0x0  }
.Ltmp2:
0x10a: {  	[sflag:s22] =	ssyncadd.s32 $0xFFFFD800;
	(pc) =	sbr.rel @p1 .LBB2_4-.Ltmp2, $4  }
0x10b: {  	[spmem:s1] =	stream.indirect.scatter.add.f32 [tilespmem:s5], [sflag:$0x2], $0x80, s0, s24, $0xb8;
	[tilespmem:$0x1C200] =	vst v63  }
0x10c: {  	_ =	swait.ge [sflag:s22], $0x2800  }
0x10d: {  	[sflag:s22] =	ssyncset.done $0x0  }
0x10e: {  	[sflag:s22] =	ssyncadd.s32 $0xFFFFD800  }
0x10f: {  	s11 =	stileid.u32;
	[bflag:$0x0] =	sbarrier.arrive $0xFFFF  }
0x110: {  	s13 =	sshrl.u32 s21, $0x3;
	s11 =	sshll.u32 s11, $0x6;
	s19 =	rddreg [dreg:$0x7]  }
0x111: {  	[dreg:$0xd] =	wrdreg s13;
	s12 =	sor.u32 $0x1C02, s11  }
0x112: {  	[hbm:s19], [sflag:s12] =	dma.local [spmem:s13], $0x1380  }
0x113: {  	_ =	swait.ge [sflag:s22], $0x1380  }
0x114: {  	s14 =	rddreg [dreg:$0x6]  }
0x115: {  	[sflag:s22] =	ssyncset.done $0x0;
	s11 =	rddreg [dreg:$0x8];
	s13 =	sshrl.u32 @!p0 s14, $0x3  }
0x116: {  	[sflag:s22] =	ssyncadd.s32 $0xFFFFEC80;
	[dreg:$0xe] =	wrdreg s13  }
0x117: {  	[hbm:s11], [sflag:s12] =	dma.local @!p0 [spmem:s13], $0x80  }
0x118: {  	s11 =	simm.s32 @!p0 $0x2  }
0x119: {  	_ =	swait.ge @!p0 [sflag:s11], $0x80  }
0x11a: {  	[sflag:s11] =	ssyncset.done @!p0 $0x0  }
0x11b: {  	s16 =	simm.s32 $0xF180;
	[sflag:s11] =	ssyncadd.s32 @!p0 $0xFFFFFF80  }
0x11c: {  	[spmem:s21] =	stream.linear.scatter [tilespmem:s16], [sflag:$0x2], $0x3400, $0x38;
	[tilespmem:$0x1C200] =	vst v63  }
0x11d: {  	_ =	swait.ge [sflag:s22], $0x3400  }
0x11e: {  	[sflag:s22] =	ssyncset.done $0x0  }
0x11f: {  	s20 =	rddreg [dreg:$0x4];
	[sflag:s22] =	ssyncadd.s32 $0xFFFFCC00  }
0x120: {  	[spmem:s20] =	stream.linear.scatter [tilespmem:s16], [sflag:$0x2], $0x3400, $0x38;
	[tilespmem:$0x1C200] =	vst v63  }
0x121: {  	_ =	swait.ge [sflag:s22], $0x3400  }
0x122: {  	[sflag:s22] =	ssyncset.done $0x0  }
0x123: {  	s21 =	rddreg [dreg:$0x5];
	[sflag:s22] =	ssyncadd.s32 $0xFFFFCC00  }
0x124: {  	[spmem:s21] =	stream.linear.scatter [tilespmem:s16], [sflag:$0x2], $0x3400, $0x38;
	[tilespmem:$0x1C200] =	vst v63  }
0x125: {  	_ =	swait.ge [sflag:s22], $0x3400  }
0x126: {  	[sflag:s22] =	ssyncset.done $0x0  }
0x127: {  	s13 =	simm.s32 @!p0 $0xF180;
	[sflag:s22] =	ssyncadd.s32 $0xFFFFCC00  }
0x128: {  	[spmem:s14] =	stream.linear.scatter @!p0 [tilespmem:s13], [sflag:$0x2], $0x800, $0x38;
	[tilespmem:$0x1C200] =	vst v63  }
0x129: {  	_ =	swait.ge @!p0 [sflag:s11], $0x800  }
0x12a: {  	[sflag:s11] =	ssyncset.done @!p0 $0x0  }
0x12b: {  	[sflag:s11] =	ssyncadd.s32 @!p0 $0xFFFFF800  }
0x12c: {  	s17 =	simm.s32 $0x0;
	s18 =	simm.s32 $0x0;
	[bflag:$0x0] =	sbarrier.arrive $0xFFFF  }
.LBB2_8:
0x12d: {  	s11 =	smul.u32 $0x50, s18;
	_ =	sdelay $0x1  }
0x12e: {  	s11 =	sadd.s32 s15, s11  }
0x12f: {  	s13 =	sshrl.u32 s11, $0x3  }
0x130: {  	s13 =	sadd.s32 s6, s13  }
0x131: {  	[tilespmem:s23], [sflag:$0x2] =	stream.linear.gather [hbm4b:s13+s17], $0x50, $0x38;
	[tilespmem:$0x1C200] =	vst v63  }
0x132: {  	_ =	swait.ge [sflag:s22], $0x50  }
0x133: {  	[sflag:s22] =	ssyncset.done $0x0  }
0x134: {  	[sflag:s22] =	ssyncadd.s32 $0xFFFFFFB0  }
0x135: {  	v3 =	vld [tilespmem:$0x80]  }
0x136: {  	v4 =	vld [tilespmem:$0x90]  }
0x137: {  	v5 =	vld [tilespmem:$0xA0];
	_ =	sdelay $0x1  }
0x138: {  	v6 =	vld [tilespmem:$0xB0]  }
0x139: {  	v7 =	vld [tilespmem:$0xC0]  }
0x13a: {  	vm0 =	vge.s32 v3, v0;
	vm1 =	vlt.s32 v3, v1;
	v3 =	vsub.s32 v3, v0  }
0x13b: {  	vm7 =	vge.s32 v4, v0;
	vm8 =	vlt.s32 v4, v1;
	vm2 =	vge.s32 v5, v0  }
0x13c: {  	vm3 =	vlt.s32 v5, v1;
	v4 =	vsub.s32 v4, v0;
	v5 =	vsub.s32 v5, v0  }
0x13d: {  	vm10 =	vge.s32 v6, v0;
	vm11 =	vlt.s32 v6, v1;
	vm0 =	vmand vm0, vm1  }
0x13e: {  	vm13 =	vge.s32 v7, v0;
	v3 =	vnsel vm0, $0x1388, v3;
	vm0 =	vmand vm7, vm8  }
0x13f: {  	vm14 =	vlt.s32 v7, v1;
	vm9 =	vmand vm2, vm3;
	v4 =	vnsel vm0, $0x1388, v4;
	[tilespmem:$0x100] =	vst v3  }
0x140: {  	vm12 =	vmand vm10, vm11;
	v3 =	vnsel vm9, $0x1388, v5;
	[tilespmem:$0x110] =	vst v4;
	v4 =	vsub.s32 v6, v0  }
0x141: {  	vm15 =	vmand vm13, vm14;
	[tilespmem:$0x120] =	vst v3;
	v3 =	vsub.s32 v7, v0;
	v4 =	vnsel vm12, $0x1388, v4  }
0x142: {  	s11 =	sshll.u32 s11, $0x4;
	v3 =	vnsel vm15, $0x1388, v3;
	[tilespmem:$0x130] =	vst v4  }
0x143: {  	s11 =	sadd.s32 s10, s11;
	[tilespmem:$0x140] =	vst v3  }
0x144: {  	[tilespmem:s31], [sflag:$0x2] =	stream.linear.gather [hbm4b:s11+s17], $0x2800, $0x38;
	[tilespmem:$0x1C200] =	vst v63  }
0x145: {  	_ =	swait.ge [sflag:s22], $0x2800  }
0x146: {  	[sflag:s22] =	ssyncset.done $0x0  }
0x147: {  	s19 =	simm.s32 $0x0;
	[sflag:s22] =	ssyncadd.s32 $0xFFFFD800  }
0x148: {  	v3 =	vld [tilespmem:s19+$0xA180];
	_ =	sdelay $0x1  }
0x149: {  	s20 =	simm.s32 $0x10  }
0x14a: {  	v4 =	vld [tilespmem:s20+$0xA180];
	_ =	sdelay $0x1  }
0x14b: {  	v3 =	vsub.f32 $0.0e+00, v3;
	_ =	sdelay $0x1  }
0x14c: {  	v3 =	vmul.f32 $1.442695020e+00, v3  }
0x14d: {  	v4 =	vsub.f32 $0.0e+00, v4  }
0x14e: {  	s21 =	simm.s32 $0x20;
	(erf) = vpow2.f32 v3  }
0x14f: {  	v3 =	vmul.f32 $1.442695020e+00, v4;
	v4 =	vld [tilespmem:s21+$0xA180];
	_ =	sdelay $0x1  }
0x150: {  	(erf) = vpow2.f32 v3  }
0x151: {  	s11 =	simm.s32 $0x30  }
0x152: {  	v3 =	vld [tilespmem:s11+$0xA180]  }
0x153: {  	v4 =	vsub.f32 $0.0e+00, v4;
	_ =	sdelay $0x1  }
0x154: {  	v4 =	vmul.f32 $1.442695020e+00, v4  }
0x155: {  	v5 =	vpop (erf)  }
0x156: {  	v3 =	vsub.f32 $0.0e+00, v3;
	v5 =	vadd.f32 $1.000000000e+00, v5  }
0x157: {  	(erf) = vpow2.f32 v4  }
0x158: {  	v3 =	vmul.f32 $1.442695020e+00, v3;
	v4 =	vpop (erf);
	(erf) = vrcp.f32 v5  }
0x159: {  	s16 =	simm.s32 $0x40;
	v4 =	vadd.f32 $1.000000000e+00, v4  }
0x15a: {  	(erf) = vpow2.f32 v3;
	v3 =	vld [tilespmem:s16+$0xA180]  }
0x15b: {  	(erf) = vrcp.f32 v4;
	_ =	sdelay $0x2  }
0x15c: {  	s13 =	simm.s32 $0x140  }
.LBB2_9:
0x15d: {  	s14 =	sshra.s32 s13, $0x2;
	v4 =	vsub.f32 $0.0e+00, v3;
	p1 =	sne.s32 s13, $0x9FC0  }
.Ltmp3:
0x15e: {  	s13 =	sadd.s32 $0x40, s13;
	v3 =	vld [tilespmem:s14+$0xA180];
	v5 =	vpop (erf);
	(pc) =	sbr.rel @p1 .LBB2_9-.Ltmp3, $4  }
0x15f: {  	v4 =	vmul.f32 $1.442695020e+00, v4;
	v6 =	vpop (erf)  }
0x160: {  	v5 =	vadd.f32 $1.000000000e+00, v5;
	[tilespmem:s19+$0xC980] =	vst v6;
	s19 =	smov.u32 s20;
	s20 =	smov.u32 s21;
	s21 =	smov.u32 s11  }
0x161: {  	s11 =	smov.u32 s16;
	s16 =	smov.u32 s14;
	(erf) = vpow2.f32 v4  }
0x162: {  	(erf) = vrcp.f32 v5  }
0x163: {  	v3 =	vsub.f32 $0.0e+00, v3;
	_ =	sdelay $0x1  }
0x164: {  	v3 =	vmul.f32 $1.442695020e+00, v3;
	_ =	sdelay $0x1  }
0x165: {  	(erf) = vpow2.f32 v3;
	_ =	sdelay $0x4  }
0x166: {  	v3 =	vpop (erf)  }
0x167: {  	v4 =	vpop (erf)  }
0x168: {  	v5 =	vpop (erf)  }
0x169: {  	v3 =	vadd.f32 $1.000000000e+00, v3;
	v6 =	vpop (erf)  }
0x16a: {  	v5 =	vadd.f32 $1.000000000e+00, v5;
	v7 =	vpop (erf)  }
0x16b: {  	(erf) = vrcp.f32 v3;
	v3 =	vadd.f32 $1.000000000e+00, v7  }
0x16c: {  	(erf) = vrcp.f32 v5  }
0x16d: {  	(erf) = vrcp.f32 v3;
	_ =	sdelay $0x5  }
0x16e: {  	[tilespmem:s19+$0xC980] =	vst v4  }
0x16f: {  	[tilespmem:s20+$0xC980] =	vst v6;
	v3 =	vpop (erf)  }
0x170: {  	s18 =	sadd.s32 $0x1, s18;
	[tilespmem:s21+$0xC980] =	vst v3;
	v3 =	vpop (erf)  }
0x171: {  	p1 =	sne.s32 s18, $0xFA;
	[tilespmem:s11+$0xC980] =	vst v3;
	v3 =	vpop (erf)  }
.Ltmp4:
0x172: {  	[tilespmem:s16+$0xC980] =	vst v3;
	(pc) =	sbr.rel @p1 .LBB2_8-.Ltmp4, $4  }
0x173: {  	[spmem:s1] =	stream.indirect.scatter.add.f32 [tilespmem:s5], [sflag:$0x2], $0x80, s0, s24, $0xb8;
	[tilespmem:$0x1C200] =	vst v63  }
0x174: {  	_ =	swait.ge [sflag:s22], $0x2800  }
0x175: {  	[sflag:s22] =	ssyncset.done $0x0  }
0x176: {  	[sflag:s22] =	ssyncadd.s32 $0xFFFFD800  }
0x177: {  	[bflag:$0x0] =	sbarrier.arrive $0xFFFF  }
0x178: {  	s11 =	rddreg [dreg:$0x9]  }
0x179: {  	s13 =	rddreg [dreg:$0xd]  }
0x17a: {  	[hbm:s11], [sflag:s12] =	dma.local [spmem:s13], $0x1380  }
0x17b: {  	_ =	swait.ge [sflag:s22], $0x1380  }
0x17c: {  	[sflag:s22] =	ssyncset.done $0x0;
	s11 =	rddreg [dreg:$0xa]  }
0x17d: {  	s13 =	rddreg [dreg:$0xe];
	[sflag:s22] =	ssyncadd.s32 $0xFFFFEC80  }
0x17e: {  	[hbm:s11], [sflag:s12] =	dma.local @!p0 [spmem:s13], $0x80  }
0x17f: {  	s11 =	simm.s32 @!p0 $0x2  }
0x180: {  	_ =	swait.ge @!p0 [sflag:s11], $0x80  }
0x181: {  	s20 =	rddreg [dreg:$0xc]  }
0x182: {  	s21 =	rddreg [dreg:$0xb];
	s13 =	sadd.s32 $0x1, s20  }
0x183: {  	p1 =	sne.s32 s13, s21  }
.Ltmp5:
0x184: {  	_ = 	snop;
	(pc) =	sbr.rel @p1 .LBB2_1-.Ltmp5, $3  }
0x185: {  	_ =	sdelay $0x1  }
0x186: {  	[sflag:s11] =	ssyncset.done @!p0 $0x0  }
0x187: {  	[sflag:s11] =	ssyncadd.s32 @!p0 $0xFFFFFF80;
	s21 =	rddreg [dreg:$0x3]  }
0x188: {  	_ =	sfence.sel $0x180000  }
0x189: {  	[bflag:$0x0] =	sbarrier.arrive $0xFFFF  }
0x18a: {  	_ =	strace $0x90000047  }
0x18b: {  	s0 =	stileid.u32;
	[bflag:$0x2] =	sbarrier.arrive $0xFFFF  }
0x18c: {  	p0 =	sne.s32 s0, $0x0;
	s0 =	rddreg [dreg:$0x2]  }
0x18d: {  	s0 =	sadd.s32 @!p0 $0x100000, s0  }
0x18e: {  	[sflag:s0] =	ssyncadd.tile.s32 @!p0 $0x1;
	_ =	shalt  }
.Lfunc_end2:
_tile_overlayer_lowered:
.L_overlay_start_2:
0x18f: {  	(tag) =	ssettag $0x2  }
0x190: {  	s0 =	rddreg [dreg:$0x0];
	s2 =	stileid.u32  }
0x191: {  	s1 =	rddreg [dreg:$0x1];
	p0 =	sne.s32 s2, $0x0  }
0x192: {  	s3 =	rddreg [dreg:$0x2];
	[bflag:$0x3] =	sbarrier.arrive $0xFFFF;
	s2 =	simm.s32 @!p0 $0x1C02  }
0x193: {  	[timem:s3], [sflag:s2] =	dma.local @!p0 [hbm:s0], s1  }
0x194: {  	s0 =	simm.s32 @!p0 $0x2  }
0x195: {  	_ =	swait.ge @!p0 [sflag:s0], s1  }
0x196: {  	s1 =	ssub.s32 @!p0 $0x0, s1;
	[sflag:s0] =	ssyncset.done @!p0 $0x0  }
0x197: {  	[sflag:s0] =	ssyncadd.s32 @!p0 s1  }
0x198: {  	[bflag:$0x3] =	sbarrier.arrive $0xFFFF  }
0x199: {  	_ =	shalt  }

// kernel: kernel.20.cloned.1.call-start
scs
__scs_entry_jumppad:
0x0: {  	(pc) =	sbr.rel $0x88, $3  }
0x1: {  	(tag) =	ssettag $0x0;
	lr =	simm.s32 $0x1  }
0x2: {  	[smem:$0x3F6E] =	sst lr;
	_ =	strace $0xD0000000  }
0x3: {  	_ = 	snop  }
0x4: {  	_ = 	snop  }
0x5: {  	_ = 	snop  }
0x6: {  	_ = 	snop  }
0x7: {  	_ = 	snop  }
__scs_overlays_trampoline_lowered:
0x8: {  	[smem:$0x3F7D] =	sst s0  }
0x9: {  	[smem:$0x3F7E] =	sst s1  }
0xa: {  	[smem:$0x3F7F] =	sst s2  }
0xb: {  	[smem:$0x3F80] =	sst s3  }
0xc: {  	[smem:$0x3F81] =	sst s4  }
0xd: {  	[smem:$0x3F82] =	sst s5  }
0xe: {  	[smem:$0x3F83] =	sst s6  }
0xf: {  	[smem:$0x3F84] =	sst s7  }
0x10: {  	[smem:$0x3F85] =	sst s8  }
0x11: {  	[smem:$0x3F86] =	sst s9;
	s0 =	simm.s32 @!p0 $0x0  }
0x12: {  	s1 =	sld [smem:$0x3F6C];
	s0 =	simm.s32 @p0 $0x1  }
0x13: {  	[smem:$0x3F87] =	sst s0;
	s0 =	simm.s32 @!p1 $0x0  }
0x14: {  	s2 =	sld [smem:$0x3F6B];
	s0 =	simm.s32 @p1 $0x1  }
0x15: {  	[smem:$0x3F88] =	sst s0;
	s0 =	simm.s32 @!p2 $0x0  }
0x16: {  	s3 =	sld [smem:$0x3FDB];
	s0 =	simm.s32 @p2 $0x1  }
0x17: {  	s4 =	simm.s32 $0x1BF5;
	[smem:$0x3F8A] =	sst s0  }
0x18: {  	s0 =	sld [smem:$0x3F6D];
	_ =	swait.ge [sflag:s4], $0x0  }
0x19: {  	s7 =	sld [smem:$0x3F6E]  }
0x1a: {  	s8 =	sadd.s32 $0xFFFFE003, lr  }
0x1b: {  	s9 =	sadd.s32 $0xFFFFFEF7, lr;
	s5 =	simm.s32 $0xFFFFFFFF;
	p2 =	slt.u32 s8, $0xFFFFF086  }
0x1c: {  	p1 =	slt.u32 s9, $0xF7A;
	s5 =	simm.s32 @!p2 $0x0  }
0x1d: {  	s5 =	simm.s32 @p1 $0x1;
	p0 =	seq.s32 s7, s2  }
0x1e: {  	s7 =	smul.u32 @!p0 $0xF7A, s2;
	p2 =	seq.s32 @!p0 s5, $0x0  }
0x1f: {  	s9 =	smul.u32 $0xF7A, s1;
	s8 =	simm.s32 @!p0 $0x1BF5;
	p2 =	por !p2, p0  }
0x20: {  	[sflag:s8] =	ssyncset.s32 @!p0 $0xFFFFF086;
	s6 =	sadd.s32 @!p0 s3, s7;
	s7 =	simm.s32 @!p0 $0x108  }
0x21: {  	s3 =	sadd.s32 s3, s9;
	s6 =	sadd.s32 @!p0 $0x88, s6;
	s7 =	simm.s32 @p2 $0x1082  }
0x22: {  	[simem:s7], [sflag:s8] =	dma.local @!p0 [hbm:s6], $0xF7A  }
0x23: {  	s9 =	sor.u32 $0xD0000000, s2;
	s6 =	simm.s32 $0x108;
	_ =	swait.ge @!p0 [sflag:s8], $0x0  }
0x24: {  	s3 =	sadd.s32 $0x88, s3;
	s6 =	simm.s32 @!p1 $0x1082;
	[sflag:s4] =	ssyncset.s32 $0xFFFFF086  }
0x25: {  	[simem:s6], [sflag:s4] =	dma.local [hbm:s3], $0xF7A  }
0x26: {  	[smem:$0x3F6E] =	sst s1;
	(tag) =	ssettag s2;
	_ =	strace s9  }
0x27: {  	s1 =	sld [smem:$0x3F7E]  }
0x28: {  	s2 =	sld [smem:$0x3F7F]  }
0x29: {  	s4 =	sld [smem:$0x3F81]  }
0x2a: {  	p0 =	seq.s32 s5, $0x0;
	s5 =	sld [smem:$0x3F82]  }
0x2b: {  	s6 =	sld [smem:$0x3F83]  }
0x2c: {  	s7 =	sld [smem:$0x3F84]  }
0x2d: {  	s3 =	simm.s32 $0x108;
	s8 =	sld [smem:$0x3F85]  }
0x2e: {  	s3 =	simm.s32 @!p0 $0x1082;
	s9 =	sld [smem:$0x3F86]  }
0x2f: {  	lr =	sadd.s32 s0, s3;
	s0 =	sld [smem:$0x3F7D]  }
0x30: {  	s3 =	sld [smem:$0x3F80]  }
0x31: {  	[smem:$0x3F89] =	sst s10  }
0x32: {  	s10 =	sld [smem:$0x3F87];
	_ =	sdelay $0x3  }
0x33: {  	p0 =	seq.s32 s10, $0x1;
	s10 =	sld [smem:$0x3F89];
	_ =	sdelay $0x3  }
0x34: {  	[smem:$0x3F89] =	sst s10  }
0x35: {  	s10 =	sld [smem:$0x3F88];
	_ =	sdelay $0x3  }
0x36: {  	p1 =	seq.s32 s10, $0x1;
	s10 =	sld [smem:$0x3F89];
	_ =	sdelay $0x3  }
0x37: {  	[smem:$0x3F89] =	sst s10  }
0x38: {  	s10 =	sld [smem:$0x3F8A]  }
0x39: {  	_ = 	snop;
	(pc) =	sbr.ind lr, $3  }
0x3a: {  	_ = 	snop  }
0x3b: {  	_ = 	snop  }
0x3c: {  	p2 =	seq.s32 s10, $0x1;
	s10 =	sld [smem:$0x3F89]  }
0x3d: {  	_ =	shalt  }
0x3e: {  	_ =	shalt  }
0x3f: {  	_ =	shalt  }
0x40: {  	_ =	shalt  }
0x41: {  	_ =	shalt  }
0x42: {  	_ =	shalt  }
0x43: {  	_ =	shalt  }
0x44: {  	_ =	shalt  }
0x45: {  	_ =	shalt  }
0x46: {  	_ =	shalt  }
0x47: {  	_ =	shalt  }
0x48: {  	_ =	shalt  }
0x49: {  	_ =	shalt  }
0x4a: {  	_ =	shalt  }
0x4b: {  	_ =	shalt  }
0x4c: {  	_ =	shalt  }
0x4d: {  	_ =	shalt  }
0x4e: {  	_ =	shalt  }
0x4f: {  	_ =	shalt  }
0x50: {  	_ =	shalt  }
0x51: {  	_ =	shalt  }
0x52: {  	_ =	shalt  }
0x53: {  	_ =	shalt  }
0x54: {  	_ =	shalt  }
0x55: {  	_ =	shalt  }
0x56: {  	_ =	shalt  }
0x57: {  	_ =	shalt  }
0x58: {  	_ =	shalt  }
0x59: {  	_ =	shalt  }
0x5a: {  	_ =	shalt  }
0x5b: {  	_ =	shalt  }
0x5c: {  	_ =	shalt  }
0x5d: {  	_ =	shalt  }
0x5e: {  	_ =	shalt  }
0x5f: {  	_ =	shalt  }
0x60: {  	_ =	shalt  }
0x61: {  	_ =	shalt  }
0x62: {  	_ =	shalt  }
0x63: {  	_ =	shalt  }
0x64: {  	_ =	shalt  }
0x65: {  	_ =	shalt  }
0x66: {  	_ =	shalt  }
0x67: {  	_ =	shalt  }
0x68: {  	_ =	shalt  }
0x69: {  	_ =	shalt  }
0x6a: {  	_ =	shalt  }
0x6b: {  	_ =	shalt  }
0x6c: {  	_ =	shalt  }
0x6d: {  	_ =	shalt  }
0x6e: {  	_ =	shalt  }
0x6f: {  	_ =	shalt  }
0x70: {  	_ =	shalt  }
0x71: {  	_ =	shalt  }
0x72: {  	_ =	shalt  }
0x73: {  	_ =	shalt  }
0x74: {  	_ =	shalt  }
0x75: {  	_ =	shalt  }
0x76: {  	_ =	shalt  }
0x77: {  	_ =	shalt  }
0x78: {  	_ =	shalt  }
0x79: {  	_ =	shalt  }
0x7a: {  	_ =	shalt  }
0x7b: {  	_ =	shalt  }
0x7c: {  	_ =	shalt  }
0x7d: {  	_ =	shalt  }
0x7e: {  	_ =	shalt  }
0x7f: {  	_ =	shalt  }
0x80: {  	_ =	shalt  }
0x81: {  	_ =	shalt  }
0x82: {  	_ =	shalt  }
0x83: {  	_ =	shalt  }
0x84: {  	_ =	shalt  }
0x85: {  	_ =	shalt  }
0x86: {  	_ =	shalt  }
0x87: {  	_ =	shalt  }
.Lfunc_end0:
.L_simem_size_0:
called_computation.1_lowered:
.L_overlay_start_0:
0x88: {  	s2 =	sld [smem:$0x3FD9]  }
0x89: {  	s3 =	sld [smem:$0x3FFE];
	_ =	sdelay $0x1  }
0x8a: {  	s1 =	srdreg.scid  }
0x8b: {  	s0 =	sand.u32 $0x1, s1  }
0x8c: {  	s16 =	sshll.u32 s0, $0xA;
	s2 =	sadd.s32 s3, s2  }
0x8d: {  	s2 =	sadd.s32 s2, s16  }
0x8e: {  	[smem:$0x3F95] =	sst s2  }
0x8f: {  	_ = 	snop  }
0x90: {  	(tm) =	ssettm $0x1  }
0x91: {  	s17 =	sld [smem:$0x3FFB];
	_ =	sdelay $0x3  }
0x92: {  	_ =	strace s17  }
0x93: {  	s2 =	sld [smem:$0x3FFC];
	_ =	sdelay $0x3  }
0x94: {  	_ =	strace s2  }
0x95: {  	s2 =	sld [smem:$0x3FFD];
	_ =	sdelay $0x3  }
0x96: {  	_ =	strace s2  }
0x97: {  	_ =	strace $0x8FFFFFFF  }
0x98: {  	s18 =	sld [smem:$0x3FDB];
	_ =	sdelay $0x1  }
0x99: {  	s19 =	simm.s32 $_scs_section_size  }
0x9a: {  	s4 =	simm.s32 $_size__tile_overlayer_lowered;
	s5 =	simm.s32 $_tile_overlayer_lowered  }
0x9b: {  	s22 =	simm.s32 $0x1BFF;
	s21 =	sshll.u32 s5, $0x1;
	s2 =	sadd.s32 s19, s18  }
0x9c: {  	s6 =	simm.s32 $0x0;
	s20 =	sshll.u32 s4, $0x1;
	s4 =	sadd.s32 s21, s2  }
0x9d: {  	[timem:s6], [sflag:s22] =	dma.local [hbm:s4], s20  }
0x9e: {  	_ =	swait.ge [sflag:s22], s20  }
0x9f: {  	s3 =	ssub.s32 $0x0, s20;
	[sflag:s22] =	ssyncset.done $0x0  }
0xa0: {  	[sflag:s22] =	ssyncadd.s32 s3;
	_ =	sdelay $0x1  }
0xa1: {  	s23 =	simm.s32 $0x1B8B  }
0xa2: {  	_ =	swait.ge [sflag:s23], $0x1  }
0xa3: {  	[sflag:s23] =	ssyncset.done $0x0  }
0xa4: {  	s25 =	simm.s32 $0x1B8E;
	s24 =	sld [smem:$0x3FFE];
	[sflag:s23] =	ssyncadd.s32 $0xFFFFFFFF  }
0xa5: {  	s26 =	simm.s32 $execute0_lowered;
	[smem:$0x3FD2] =	sst s25  }
0xa6: {  	s4 =	sshll.u32 s26, $0x1;
	_ =	strace $0x80000049;
	[dreg:$0x1] =	wrdreg $0xFFFFFFFF  }
0xa7: {  	s28 =	simm.s32 $_size_execute0_lowered;
	s2 =	sadd.s32 s2, s4;
	[dreg:$0x0] =	wrdreg $0x0  }
0xa8: {  	s4 =	sshll.u32 s28, $0x1;
	[dreg:$0x2] =	wrdreg s2  }
0xa9: {  	[dreg:$0x3] =	wrdreg s4  }
0xaa: {  	[dreg:$0x4] =	wrdreg $0xC0  }
0xab: {  	_ =	task [dreg:s6], $0x5FFFF  }
0xac: {  	[dreg:$0x1] =	wrdreg $0xFFFFFFFF  }
0xad: {  	[dreg:$0x0] =	wrdreg $0x60  }
0xae: {  	[dreg:$0x2] =	wrdreg s24  }
0xaf: {  	[dreg:$0x3] =	wrdreg $0x125800  }
0xb0: {  	[dreg:$0x4] =	wrdreg $0x9  }
0xb1: {  	_ =	task.clear_ibuf [dreg:s6], $0x5FFFF;
	_ =	strace $0x90000049  }
0xb2: {  	s29 =	simm.s32 $0x9;
	_ =	strace $0x8000004B  }
0xb3: {  	_ =	swait.ge [sflag:s29], $0x1  }
0xb4: {  	[sflag:s29] =	ssyncadd.s32 $0xFFFFFFFF  }
0xb5: {  	_ =	strace $0x9000004B  }
0xb6: {  	_ =	sfence  }
0xb7: {  	s30 =	sld [smem:$0x0];
	_ =	sdelay $0x2  }
0xb8: {  	s31 =	sshll.u32 s1, $0xD;
	s1 =	sshrl.u32 s1, $0x2  }
0xb9: {  	s3 =	sand.u32 $0x4000, s31;
	s1 =	sadd.s32 s1, s30  }
0xba: {  	s0 =	sor.u32 s3, s0;
	s1 =	sshll.u32 s1, $0x11  }
0xbb: {  	s0 =	sor.u32 s1, s0  }
0xbc: {  	s0 =	sadd.s32 $0x8F2B, s0  }
0xbd: {  	[sflag:s0] =	ssyncadd.remote.s32 $0x1  }
0xbe: {  	_ =	sfence.sel $0xFFFF  }
0xbf: {  	[dreg:$0x0] =	wrdreg $0xFFFFFFFF;
	(pc) =	sbr.abs _section_cstart, $3  }
0xc0: {  	[dreg:$0x1] =	wrdreg $0xFFFFFFFF  }
0xc1: {  	_ =	task.clear_ibuf [dreg:s6], $0x2FFFF;
	_ =	strace $0x9FFFFFFF  }
0xc2: {  	(tm) =	ssettm $0x7FFFFFFF  }
0xc3: {  	_ =	shalt  }
tec
execute0_lowered:
.L_overlay_start_1:
0x0: {  	(tag) =	ssettag $0x1  }
0x1: {  	s0 =	rddreg [dreg:$0x0]  }
0x2: {  	s1 =	rddreg [dreg:$0x1]  }
0x3: {  	s2 =	simm.s32 $0x0;
	s17 =	stileid.u32;
	s5 =	srdreg.scid  }
0x4: {  	s22 =	simm.s32 $0x2;
	s23 =	simm.s32 $0x80;
	s28 =	simm.s32 $0x7980  }
0x5: {  	s29 =	simm.s32 $0x180;
	s30 =	simm.s32 $0x1;
	s31 =	simm.s32 $0xA180  }
0x6: {  	[smem:$0x7FF] =	sst s2;
	s3 =	sadd.s32 $0xE2800, s0;
	s4 =	sadd.s32 $0x15000, s0  }
0x7: {  	s6 =	sadd.s32 $0xB200, s0;
	s7 =	sadd.s32 $0x46000, s0;
	s8 =	sadd.s32 $0x94400, s0  }
0x8: {  	s9 =	sadd.s32 $0x6D200, s0;
	s10 =	sadd.s32 $0x5C4800, s0;
	s11 =	smul.u32 $0x27000, s17  }
0x9: {  	s12 =	sadd.s32 $0xAA6800, s0;
	s5 =	sand.u32 $0x1, s5;
	s16 =	smul.u32 $0x138, s17  }
0xa: {  	s0 =	sadd.s32 $0xACDA00, s0;
	s18 =	sadd.s32 $0x9C000, s1;
	s14 =	smul.u32 $0x1388, s5  }
0xb: {  	_ =	strace $0x8000004A;
	s13 =	ssub.s32 $0x2, s5;
	s5 =	smul.u32 $0x9C400, s5  }
0xc: {  	[dreg:$0x6] =	wrdreg s18;
	s11 =	sshrl.u32 s11, $0x2;
	s15 =	sshrl.u32 s13, $0x1  }
0xd: {  	s21 =	sadd.s32 s11, s1;
	s24 =	ssub.s32 s13, s15;
	s19 =	sadd.s32 s16, s14  }
0xe: {  	s5 =	sshrl.u32 s5, $0x3;
	s26 =	sadd.s32 $0x3400, s21;
	[dreg:$0x3] =	wrdreg s21  }
0xf: {  	s15 =	sadd.s32 $0x6800, s21;
	s13 =	sshll.u32 s19, $0x4;
	[dreg:$0x4] =	wrdreg s26  }
0x10: {  	s5 =	sadd.s32 $0x13800, s5;
	[dreg:$0x5] =	wrdreg s15;
	s18 =	sadd.s32 s12, s13  }
0x11: {  	p0 =	sne.s32 s17, $0xF;
	s12 =	sadd.s32 s12, s5;
	[dreg:$0x7] =	wrdreg s18  }
0x12: {  	s20 =	sadd.s32 $0x1388, s14;
	s25 =	sadd.s32 s0, s13;
	[dreg:$0x8] =	wrdreg s12  }
0x13: {  	s15 =	smul.u32 $0x4E20, s17;
	s0 =	sadd.s32 s0, s5;
	[dreg:$0x9] =	wrdreg s25  }
0x14: {  	s26 =	smax.u32 s24, $0x1;
	s24 =	simm.s32 $0x50;
	[dreg:$0xa] =	wrdreg s0  }
0x15: {  	s5 =	simm.s32 $0xC980;
	s13 =	simm.s32 $0x0;
	[dreg:$0xb] =	wrdreg s26  }
0x16: {  	v2 =	vimm.f32 $0.0e+00;
	v0 =	vmov s14;
	v1 =	vmov s20;
	s25 =	simm.s32 $0x2980;
	s26 =	simm.s32 $0x5180;
	s0 =	simm.s32 $0x100  }
.LBB2_1:
0x17: {  	s11 =	sand.u32 $0xFE00, s2  }
0x18: {  	[dreg:$0xc] =	wrdreg s13;
	s12 =	sand.u32 $0x70, s2;
	s20 =	sshrl.u32 s11, $0x2  }
0x19: {  	s11 =	simm.s32 $0x40;
	s13 =	sor.u32 s12, s20;
	s12 =	simm.s32 $0x0  }
.LBB2_2:
0x1a: {  	p1 =	sne.s32 s11, $0xCFC0  }
0x1b: {  	[tilespmem:s13+$0xF180] =	vst v2;
	s12 =	sadd.s32 $0x10, s12;
	s13 =	smov.u32 s11;
	s11 =	sadd.s32 $0x40, s11  }
.Ltmp0:
0x1c: {  	(pc) =	sbr.rel @p1 .LBB2_2-.Ltmp0, $4  }
0x1d: {  	_ = 	snop  }
0x1e: {  	s13 =	sand.u32 $0xFE00, s13  }
0x1f: {  	s14 =	sand.u32 $0x70, s12;
	s13 =	sshrl.u32 s13, $0x2  }
0x20: {  	s13 =	sor.u32 s14, s13  }
0x21: {  	[tilespmem:s13+$0xF180] =	vst v2;
	s12 =	simm.s32 $0xF180  }
0x22: {  	[spmem:s21] =	stream.linear.scatter [tilespmem:s12], [sflag:$0x2], $0x3400, $0x38;
	[tilespmem:$0x1C200] =	vst v63  }
0x23: {  	_ =	swait.ge [sflag:s22], $0x3400  }
0x24: {  	[sflag:s22] =	ssyncset.done $0x0  }
0x25: {  	s11 =	rddreg [dreg:$0x4];
	[sflag:s22] =	ssyncadd.s32 $0xFFFFCC00  }
0x26: {  	[spmem:s11] =	stream.linear.scatter [tilespmem:s12], [sflag:$0x2], $0x3400, $0x38;
	[tilespmem:$0x1C200] =	vst v63  }
0x27: {  	_ =	swait.ge [sflag:s22], $0x3400  }
0x28: {  	[sflag:s22] =	ssyncset.done $0x0  }
0x29: {  	s20 =	rddreg [dreg:$0x5];
	[sflag:s22] =	ssyncadd.s32 $0xFFFFCC00  }
0x2a: {  	[spmem:s20] =	stream.linear.scatter [tilespmem:s12], [sflag:$0x2], $0x3400, $0x38;
	[tilespmem:$0x1C200] =	vst v63  }
0x2b: {  	_ =	swait.ge [sflag:s22], $0x3400  }
0x2c: {  	[sflag:s22] =	ssyncset.done $0x0  }
0x2d: {  	s11 =	simm.s32 @!p0 $0xF180;
	s12 =	rddreg [dreg:$0x6];
	[sflag:s22] =	ssyncadd.s32 $0xFFFFCC00  }
0x2e: {  	[spmem:s12] =	stream.linear.scatter @!p0 [tilespmem:s11], [sflag:$0x2], $0x800, $0x38;
	[tilespmem:$0x1C200] =	vst v63  }
0x2f: {  	s11 =	simm.s32 @!p0 $0x2  }
0x30: {  	_ =	swait.ge @!p0 [sflag:s11], $0x800  }
0x31: {  	[sflag:s11] =	ssyncset.done @!p0 $0x0  }
0x32: {  	[sflag:s11] =	ssyncadd.s32 @!p0 $0xFFFFF800  }
0x33: {  	s17 =	simm.s32 $0x0;
	s18 =	simm.s32 $0x0;
	[bflag:$0x0] =	sbarrier.arrive $0xFFFF  }
.LBB2_4:
0x34: {  	s11 =	smul.u32 $0x50, s18;
	_ =	sdelay $0x1  }
0x35: {  	s11 =	sadd.s32 s15, s11  }
0x36: {  	s12 =	sshrl.u32 s11, $0x3  }
0x37: {  	s13 =	sadd.s32 s4, s12  }
0x38: {  	[tilespmem:s17], [sflag:$0x2] =	stream.linear.gather [hbm4b:s13+s17], $0x50, $0x38;
	[tilespmem:$0x1C200] =	vst v63  }
0x39: {  	_ =	swait.ge [sflag:s22], $0x50  }
0x3a: {  	[sflag:s22] =	ssyncset.done $0x0  }
0x3b: {  	s12 =	sadd.s32 s6, s12;
	[sflag:s22] =	ssyncadd.s32 $0xFFFFFFB0  }
0x3c: {  	[tilespmem:s23], [sflag:$0x2] =	stream.linear.gather [hbm4b:s12+s17], $0x50, $0x38;
	[tilespmem:$0x1C200] =	vst v63  }
0x3d: {  	_ =	swait.ge [sflag:s22], $0x50  }
0x3e: {  	[sflag:s22] =	ssyncset.done $0x0  }
0x3f: {  	[sflag:s22] =	ssyncadd.s32 $0xFFFFFFB0  }
0x40: {  	[tilespmem:s25], [sflag:$0x1] =	stream.indirect.gather [hbm4b:s7+s24], $0x80, s17, s24, $0xb8;
	[tilespmem:$0x1C200] =	vst v63  }
0x41: {  	_ = 	snop  }
0x42: {  	[tilespmem:s26], [sflag:$0x1] =	stream.indirect.gather [hbm4b:s8+s24], $0x80, s23, s24, $0xb8;
	[tilespmem:$0x1C200] =	vst v63  }
0x43: {  	s19 =	sshll.u32 s11, $0x4  }
0x44: {  	[tilespmem:s28], [sflag:$0x1] =	stream.indirect.gather [hbm4b:s9+s24], $0x80, s17, s24, $0xb8;
	[tilespmem:$0x1C200] =	vst v63  }
0x45: {  	s11 =	sadd.s32 s3, s19  }
0x46: {  	[tilespmem:s29], [sflag:$0x2] =	stream.linear.gather [hbm4b:s11+s17], $0x2800, $0x38;
	[tilespmem:$0x1C200] =	vst v63  }
0x47: {  	_ =	swait.ge [sflag:s22], $0x2800  }
0x48: {  	[sflag:s22] =	ssyncset.done $0x0  }
0x49: {  	[sflag:s22] =	ssyncadd.s32 $0xFFFFD800  }
0x4a: {  	v3 =	vld [tilespmem:$0x80]  }
0x4b: {  	v4 =	vld [tilespmem:$0x90]  }
0x4c: {  	v5 =	vld [tilespmem:$0xA0];
	_ =	sdelay $0x1  }
0x4d: {  	v6 =	vld [tilespmem:$0xB0]  }
0x4e: {  	v7 =	vld [tilespmem:$0xC0]  }
0x4f: {  	vm0 =	vge.s32 v3, v0;
	vm1 =	vlt.s32 v3, v1;
	v3 =	vsub.s32 v3, v0  }
0x50: {  	vm7 =	vge.s32 v4, v0;
	vm8 =	vlt.s32 v4, v1;
	vm2 =	vge.s32 v5, v0  }
0x51: {  	vm3 =	vlt.s32 v5, v1;
	v4 =	vsub.s32 v4, v0;
	v5 =	vsub.s32 v5, v0  }
0x52: {  	vm10 =	vge.s32 v6, v0;
	vm11 =	vlt.s32 v6, v1;
	vm0 =	vmand vm0, vm1  }
0x53: {  	vm13 =	vge.s32 v7, v0;
	v3 =	vnsel vm0, $0x1388, v3;
	vm0 =	vmand vm7, vm8  }
0x54: {  	vm14 =	vlt.s32 v7, v1;
	vm9 =	vmand vm2, vm3;
	v4 =	vnsel vm0, $0x1388, v4;
	[tilespmem:$0x100] =	vst v3  }
0x55: {  	vm12 =	vmand vm10, vm11;
	v3 =	vnsel vm9, $0x1388, v5;
	[tilespmem:$0x110] =	vst v4;
	v4 =	vsub.s32 v6, v0  }
0x56: {  	vm15 =	vmand vm13, vm14;
	[tilespmem:$0x120] =	vst v3;
	v3 =	vsub.s32 v7, v0;
	v4 =	vnsel vm12, $0x1388, v4  }
0x57: {  	v3 =	vnsel vm15, $0x1388, v3;
	[tilespmem:$0x130] =	vst v4  }
0x58: {  	[tilespmem:$0x140] =	vst v3  }
0x59: {  	_ =	swait.ge [sflag:s30], $0x2800  }
0x5a: {  	[sflag:s30] =	ssyncset.done $0x0  }
0x5b: {  	[sflag:s30] =	ssyncadd.s32 $0xFFFFD800  }
0x5c: {  	_ =	swait.ge [sflag:s30], $0x2800  }
0x5d: {  	[sflag:s30] =	ssyncset.done $0x0  }
0x5e: {  	[sflag:s30] =	ssyncadd.s32 $0xFFFFD800  }
0x5f: {  	_ =	swait.ge [sflag:s30], $0x2800  }
0x60: {  	[sflag:s30] =	ssyncset.done $0x0  }
0x61: {  	s12 =	simm.s32 $0x0;
	[sflag:s30] =	ssyncadd.s32 $0xFFFFD800  }
0x62: {  	v3 =	vld [tilespmem:s12+$0x1F0]  }
0x63: {  	v4 =	vld [tilespmem:s12+$0x29F0];
	_ =	sdelay $0x1  }
0x64: {  	v6 =	vld [tilespmem:s12+$0x51F0];
	_ =	sdelay $0x2  }
0x65: {  	v5 =	vld [tilespmem:s12+$0x180];
	v3 =	vadd.f32 v4, v3  }
0x66: {  	v7 =	vld [tilespmem:s12+$0x2980]  }
0x67: {  	v8 =	vld [tilespmem:s12+$0x190];
	v3 =	vadd.f32 v6, v3  }
0x68: {  	v9 =	vld [tilespmem:s12+$0x2990]  }
0x69: {  	v10 =	vld [tilespmem:s12+$0x29A0];
	[tilespmem:s12+$0xA1F0] =	vst v3;
	v3 =	vsub.f32 $0.0e+00, v3  }
0x6a: {  	v11 =	vld [tilespmem:s12+$0x29B0]  }
0x6b: {  	v12 =	vld [tilespmem:s12+$0x1C0];
	v3 =	vmul.f32 $1.442695020e+00, v3  }
0x6c: {  	v13 =	vld [tilespmem:s12+$0x29C0]  }
0x6d: {  	v4 =	vld [tilespmem:s12+$0x1A0];
	(erf) = vpow2.f32 v3  }
0x6e: {  	v14 =	vld [tilespmem:s12+$0x1D0]  }
0x6f: {  	v18 =	vld [tilespmem:s12+$0x5180]  }
0x70: {  	v6 =	vld [tilespmem:s12+$0x1B0]  }
0x71: {  	v20 =	vld [tilespmem:s12+$0x51A0]  }
0x72: {  	v21 =	vld [tilespmem:s12+$0x51B0];
	v4 =	vadd.f32 v10, v4  }
0x73: {  	v15 =	vld [tilespmem:s12+$0x29D0];
	v5 =	vadd.f32 v7, v5  }
0x74: {  	v16 =	vld [tilespmem:s12+$0x1E0]  }
0x75: {  	v19 =	vld [tilespmem:s12+$0x5190];
	v18 =	vadd.f32 v18, v5;
	v5 =	vadd.f32 v11, v6  }
0x76: {  	v17 =	vld [tilespmem:s12+$0x29E0];
	v6 =	vadd.f32 v20, v4;
	v11 =	vadd.f32 v13, v12;
	v4 =	vpop (erf)  }
0x77: {  	v22 =	vld [tilespmem:s12+$0x51C0];
	v12 =	vadd.f32 v21, v5;
	v5 =	vadd.f32 $1.000000000e+00, v4  }
0x78: {  	v7 =	vld [tilespmem:s12+$0x51D0];
	v3 =	vadd.f32 v9, v8  }
0x79: {  	v23 =	vld [tilespmem:s12+$0x51E0];
	(erf) = vrcp.f32 v5  }
0x7a: {  	v24 =	vld [tilespmem:s12+$0x7980];
	[tilespmem:s12+$0xA180] =	vst v18;
	v13 =	vadd.f32 v15, v14;
	v9 =	vadd.f32 v19, v3  }
0x7b: {  	v10 =	vld [tilespmem:s12+$0x79A0];
	v14 =	vadd.f32 v17, v16;
	v15 =	vsub.f32 $0.0e+00, v18;
	[tilespmem:s12+$0xA1A0] =	vst v6  }
0x7c: {  	v8 =	vld [tilespmem:s12+$0x7990];
	v11 =	vadd.f32 v22, v11;
	[tilespmem:s12+$0xA190] =	vst v9;
	v9 =	vsub.f32 $0.0e+00, v9  }
0x7d: {  	v7 =	vadd.f32 v7, v13;
	v13 =	vld [tilespmem:s12+$0x79F0];
	[tilespmem:s12+$0xA1B0] =	vst v12  }
0x7e: {  	s20 =	simm.s32 $0x80;
	v15 =	vmul.f32 $1.442695020e+00, v15;
	v14 =	vadd.f32 v23, v14;
	v19 =	vld [tilespmem:s12+$0x79B0];
	[tilespmem:s12+$0xA1C0] =	vst v11;
	v9 =	vmul.f32 $1.442695020e+00, v9  }
0x7f: {  	v6 =	vsub.f32 $0.0e+00, v6;
	v16 =	vld [tilespmem:s20+$0x1F0];
	[tilespmem:s12+$0xA1D0] =	vst v7  }
0x80: {  	v17 =	vld [tilespmem:s20+$0x29F0];
	[tilespmem:s12+$0xA1E0] =	vst v14;
	(erf) = vpow2.f32 v15  }
0x81: {  	v6 =	vmul.f32 $1.442695020e+00, v6;
	v18 =	vld [tilespmem:s20+$0x51F0]  }
0x82: {  	v12 =	vsub.f32 $0.0e+00, v12;
	v20 =	vld [tilespmem:s20+$0x2980];
	(erf) = vpow2.f32 v9;
	v9 =	vpop (erf)  }
0x83: {  	v11 =	vsub.f32 $0.0e+00, v11;
	v15 =	vld [tilespmem:s20+$0x180];
	(erf) = vpow2.f32 v6;
	v9 =	vmul.f32 v9, v13  }
0x84: {  	v12 =	vmul.f32 $1.442695020e+00, v12;
	v6 =	vld [tilespmem:s20+$0x2990]  }
0x85: {  	v11 =	vmul.f32 $1.442695020e+00, v11;
	v13 =	vld [tilespmem:s20+$0x190];
	[tilespmem:s12+$0xC9F0] =	vst v9;
	v9 =	vsub.f32 $0.0e+00, v14  }
0x86: {  	v3 =	vld [tilespmem:s12+$0x79C0];
	v7 =	vsub.f32 $0.0e+00, v7;
	(erf) = vpow2.f32 v12  }
0x87: {  	v4 =	vld [tilespmem:s12+$0x79D0];
	v9 =	vmul.f32 $1.442695020e+00, v9  }
0x88: {  	v7 =	vmul.f32 $1.442695020e+00, v7;
	v5 =	vld [tilespmem:s12+$0x79E0]  }
0x89: {  	(erf) = vpow2.f32 v11;
	v11 =	vpop (erf);
	v14 =	vadd.f32 v17, v16;
	v16 =	vld [tilespmem:s20+$0x1A0]  }
0x8a: {  	(erf) = vpow2.f32 v7;
	v7 =	vadd.f32 $1.000000000e+00, v11;
	v12 =	vld [tilespmem:s20+$0x29A0]  }
0x8b: {  	v17 =	vld [tilespmem:s20+$0x1B0];
	(erf) = vpow2.f32 v9;
	v9 =	vpop (erf)  }
0x8c: {  	v11 =	vld [tilespmem:s20+$0x29B0];
	(erf) = vrcp.f32 v7;
	v7 =	vadd.f32 $1.000000000e+00, v9;
	v9 =	vpop (erf)  }
0x8d: {  	v21 =	vld [tilespmem:s20+$0x29C0];
	v14 =	vadd.f32 v18, v14;
	v9 =	vadd.f32 $1.000000000e+00, v9  }
0x8e: {  	v22 =	vld [tilespmem:s20+$0x1D0];
	(erf) = vrcp.f32 v7  }
0x8f: {  	v23 =	vld [tilespmem:s20+$0x29D0];
	v25 =	vpop (erf);
	v7 =	vsub.f32 $0.0e+00, v14;
	(erf) = vrcp.f32 v9  }
0x90: {  	v26 =	vld [tilespmem:s20+$0x29E0]  }
0x91: {  	v28 =	vld [tilespmem:s20+$0x5180];
	v7 =	vmul.f32 $1.442695020e+00, v7  }
0x92: {  	v29 =	vld [tilespmem:s20+$0x5190];
	v27 =	vpop (erf)  }
0x93: {  	v31 =	vld [tilespmem:s20+$0x51A0];
	v9 =	vadd.f32 $1.000000000e+00, v25;
	v59 =	vpop (erf)  }
0x94: {  	v32 =	vld [tilespmem:s20+$0x51B0];
	(erf) = vpow2.f32 v7;
	v30 =	vpop (erf)  }
0x95: {  	v60 =	vld [tilespmem:s20+$0x51C0];
	v7 =	vpop (erf)  }
0x96: {  	v33 =	vld [tilespmem:s20+$0x51D0];
	(erf) = vrcp.f32 v9;
	v7 =	vmul.f32 v7, v24  }
0x97: {  	v18 =	vld [tilespmem:s20+$0x1C0];
	[tilespmem:s20+$0xA1F0] =	vst v14;
	v9 =	vpop (erf)  }
0x98: {  	v14 =	vld [tilespmem:s20+$0x1E0];
	[tilespmem:s12+$0xC980] =	vst v7;
	v7 =	vmul.f32 v9, v8;
	v8 =	vadd.f32 v20, v15;
	v15 =	vpop (erf)  }
0x99: {  	v10 =	vmul.f32 v15, v10  }
0x9a: {  	v6 =	vadd.f32 v6, v13;
	v12 =	vadd.f32 v12, v16  }
0x9b: {  	v11 =	vadd.f32 v11, v17;
	v13 =	vadd.f32 $1.000000000e+00, v27;
	v34 =	vld [tilespmem:s20+$0x51E0]  }
0x9c: {  	v17 =	vadd.f32 v21, v18;
	v16 =	vadd.f32 $1.000000000e+00, v59;
	v9 =	vld [tilespmem:s20+$0x7980];
	[tilespmem:s12+$0xC990] =	vst v7  }
0x9d: {  	v12 =	vadd.f32 v31, v12;
	v7 =	vld [tilespmem:s20+$0x7990];
	[tilespmem:s12+$0xC9A0] =	vst v10;
	v10 =	vpop (erf);
	(erf) = vrcp.f32 v13;
	v13 =	vadd.f32 $1.000000000e+00, v30  }
0x9e: {  	v18 =	vadd.f32 v32, v11;
	v17 =	vadd.f32 v60, v17;
	(erf) = vrcp.f32 v16  }
0x9f: {  	v14 =	vadd.f32 v26, v14;
	v15 =	vadd.f32 v28, v8;
	v8 =	vpop (erf);
	(erf) = vrcp.f32 v13  }
0xa0: {  	v20 =	vadd.f32 v29, v6;
	v16 =	vadd.f32 $1.000000000e+00, v10;
	v19 =	vmul.f32 v8, v19  }
0xa1: {  	[tilespmem:s20+$0xA180] =	vst v15;
	v6 =	vld [tilespmem:s20+$0x79B0];
	v15 =	vsub.f32 $0.0e+00, v15;
	v13 =	vadd.f32 v23, v22  }
0xa2: {  	v8 =	vld [tilespmem:s20+$0x79A0];
	v23 =	vadd.f32 v34, v14;
	(erf) = vrcp.f32 v16;
	v16 =	vsub.f32 $0.0e+00, v12;
	[tilespmem:s12+$0xC9B0] =	vst v19  }
0xa3: {  	v15 =	vmul.f32 $1.442695020e+00, v15;
	v19 =	vsub.f32 $0.0e+00, v20;
	v61 =	vadd.f32 v33, v13;
	[tilespmem:s20+$0xA190] =	vst v20  }
0xa4: {  	v10 =	vld [tilespmem:s20+$0x79C0];
	[tilespmem:s20+$0xA1B0] =	vst v18;
	v18 =	vsub.f32 $0.0e+00, v18;
	v20 =	vmul.f32 $1.442695020e+00, v16;
	v16 =	vsub.f32 $0.0e+00, v17  }
0xa5: {  	v11 =	vld [tilespmem:s20+$0x79D0];
	v62 =	vmul.f32 $1.442695020e+00, v19;
	v19 =	vsub.f32 $0.0e+00, v61  }
0xa6: {  	v63 =	vsub.f32 $0.0e+00, v23;
	[tilespmem:s20+$0xA1A0] =	vst v12;
	v12 =	vld [tilespmem:s20+$0x79E0];
	v18 =	vmul.f32 $1.442695020e+00, v18;
	v13 =	vpop (erf);
	(erf) = vpow2.f32 v15  }
0xa7: {  	s13 =	simm.s32 $0x100;
	[tilespmem:s20+$0xA1C0] =	vst v17;
	v22 =	vld [tilespmem:s20+$0x79F0];
	v21 =	vmul.f32 $1.442695020e+00, v16;
	v15 =	vmul.f32 $1.442695020e+00, v19;
	v14 =	vpop (erf)  }
0xa8: {  	s14 =	simm.s32 $0x600;
	v17 =	vld [tilespmem:s13+$0x1F0];
	[tilespmem:s20+$0xA1D0] =	vst v61;
	v19 =	vmul.f32 $1.442695020e+00, v63;
	(erf) = vpow2.f32 v62;
	v16 =	vpop (erf)  }
.LBB2_5:
0xa9: {  	p1 =	sne.s32 s14, $0x9E00;
	v24 =	vld [tilespmem:s13+$0x29F0];
	[tilespmem:s20+$0xA1E0] =	vst v23;
	(erf) = vpow2.f32 v20;
	v13 =	vmul.f32 v13, v3;
	v3 =	vmov v10  }
0xaa: {  	v14 =	vmul.f32 v14, v4;
	v10 =	vld [tilespmem:s13+$0x180];
	(erf) = vpow2.f32 v18;
	v4 =	vmov v11  }
0xab: {  	v11 =	vld [tilespmem:s13+$0x51F0];
	(erf) = vpow2.f32 v21;
	v18 =	vpop (erf);
	[tilespmem:s12+$0xC9C0] =	vst v13;
	v13 =	vmul.f32 v16, v5;
	v5 =	vmov v12  }
0xac: {  	v12 =	vld [tilespmem:s13+$0x2980];
	v16 =	vmul.f32 v18, v22;
	(erf) = vpow2.f32 v15;
	[tilespmem:s12+$0xC9D0] =	vst v14  }
0xad: {  	v14 =	vld [tilespmem:s13+$0x190];
	(erf) = vpow2.f32 v19;
	[tilespmem:s12+$0xC9E0] =	vst v13;
	s12 =	smov.u32 s20;
	s20 =	smov.u32 s13  }
0xae: {  	v13 =	vld [tilespmem:s20+$0x2990];
	v15 =	vadd.f32 v24, v17;
	[tilespmem:s12+$0xC9F0] =	vst v16  }
0xaf: {  	v16 =	vld [tilespmem:s20+$0x1A0];
	v17 =	vpop (erf)  }
0xb0: {  	v18 =	vld [tilespmem:s20+$0x29A0];
	v11 =	vadd.f32 v11, v15;
	v21 =	vadd.f32 $1.000000000e+00, v17  }
0xb1: {  	v10 =	vadd.f32 v12, v10;
	v12 =	vld [tilespmem:s20+$0x1B0];
	v17 =	vpop (erf)  }
0xb2: {  	v19 =	vld [tilespmem:s20+$0x29B0];
	v20 =	vsub.f32 $0.0e+00, v11;
	[tilespmem:s20+$0xA1F0] =	vst v11;
	v22 =	vadd.f32 $1.000000000e+00, v17;
	(erf) = vrcp.f32 v21;
	v15 =	vpop (erf)  }
0xb3: {  	v13 =	vadd.f32 v13, v14;
	v14 =	vld [tilespmem:s20+$0x1C0];
	v23 =	vadd.f32 $1.000000000e+00, v15;
	v17 =	vpop (erf)  }
0xb4: {  	v21 =	vld [tilespmem:s20+$0x29C0];
	v24 =	vmul.f32 $1.442695020e+00, v20;
	v17 =	vadd.f32 $1.000000000e+00, v17;
	(erf) = vrcp.f32 v22;
	v11 =	vpop (erf)  }
0xb5: {  	v16 =	vadd.f32 v18, v16;
	v18 =	vld [tilespmem:s20+$0x1D0];
	v11 =	vadd.f32 $1.000000000e+00, v11;
	(erf) = vrcp.f32 v23;
	v15 =	vpop (erf)  }
0xb6: {  	v22 =	vld [tilespmem:s20+$0x29D0];
	(erf) = vpow2.f32 v24;
	v15 =	vadd.f32 $1.000000000e+00, v15;
	v20 =	vpop (erf)  }
0xb7: {  	v12 =	vadd.f32 v19, v12;
	v19 =	vld [tilespmem:s20+$0x1E0];
	v20 =	vadd.f32 $1.000000000e+00, v20;
	(erf) = vrcp.f32 v17  }
0xb8: {  	v17 =	vld [tilespmem:s20+$0x29E0];
	(erf) = vrcp.f32 v11  }
0xb9: {  	v11 =	vld [tilespmem:s20+$0x5180];
	v14 =	vadd.f32 v21, v14;
	(erf) = vrcp.f32 v15  }
0xba: {  	v15 =	vld [tilespmem:s20+$0x5190];
	(erf) = vrcp.f32 v20  }
0xbb: {  	v20 =	vld [tilespmem:s20+$0x51A0];
	v18 =	vadd.f32 v22, v18;
	v21 =	vpop (erf)  }
0xbc: {  	v22 =	vld [tilespmem:s20+$0x51B0];
	v23 =	vmul.f32 v21, v9  }
0xbd: {  	v21 =	vld [tilespmem:s20+$0x51C0];
	v17 =	vadd.f32 v17, v19;
	v19 =	vpop (erf)  }
0xbe: {  	v10 =	vadd.f32 v11, v10;
	v11 =	vld [tilespmem:s20+$0x51D0];
	[tilespmem:s12+$0xC980] =	vst v23;
	v7 =	vmul.f32 v19, v7;
	v9 =	vpop (erf)  }
0xbf: {  	v15 =	vadd.f32 v15, v13;
	v19 =	vld [tilespmem:s20+$0x51E0];
	v13 =	vpop (erf);
	v8 =	vmul.f32 v9, v8  }
0xc0: {  	v9 =	vld [tilespmem:s20+$0x7980];
	v24 =	vadd.f32 v20, v16;
	v23 =	vadd.f32 $1.000000000e+00, v13;
	[tilespmem:s12+$0xC990] =	vst v7;
	v13 =	vpop (erf)  }
0xc1: {  	v20 =	vsub.f32 $0.0e+00, v10;
	v7 =	vld [tilespmem:s20+$0x7990];
	v12 =	vadd.f32 v22, v12;
	[tilespmem:s12+$0xC9A0] =	vst v8;
	v22 =	vmul.f32 v13, v6;
	v13 =	vpop (erf)  }
0xc2: {  	[tilespmem:s20+$0xA180] =	vst v10;
	v10 =	vsub.f32 $0.0e+00, v15;
	v8 =	vld [tilespmem:s20+$0x79A0];
	v25 =	vadd.f32 v21, v14;
	(erf) = vrcp.f32 v23;
	v14 =	vpop (erf)  }
0xc3: {  	v21 =	vmul.f32 $1.442695020e+00, v20;
	v20 =	vsub.f32 $0.0e+00, v24;
	v6 =	vld [tilespmem:s20+$0x79B0];
	v26 =	vadd.f32 v11, v18;
	[tilespmem:s12+$0xC9B0] =	vst v22;
	v16 =	vpop (erf)  }
.Ltmp1:
0xc4: {  	v27 =	vmul.f32 $1.442695020e+00, v10;
	[tilespmem:s20+$0xA190] =	vst v15;
	v15 =	vsub.f32 $0.0e+00, v12;
	v10 =	vld [tilespmem:s20+$0x79C0];
	v23 =	vadd.f32 v19, v17;
	(pc) =	sbr.rel @p1 .LBB2_5-.Ltmp1, $4  }
0xc5: {  	v20 =	vmul.f32 $1.442695020e+00, v20;
	v17 =	vsub.f32 $0.0e+00, v25;
	[tilespmem:s20+$0xA1A0] =	vst v24;
	v19 =	vsub.f32 $0.0e+00, v26;
	v11 =	vld [tilespmem:s20+$0x79D0]  }
0xc6: {  	v18 =	vmul.f32 $1.442695020e+00, v15;
	[tilespmem:s20+$0xA1B0] =	vst v12;
	v24 =	vsub.f32 $0.0e+00, v23;
	v12 =	vld [tilespmem:s20+$0x79E0];
	(erf) = vpow2.f32 v21  }
0xc7: {  	s13 =	sshra.s32 s14, $0x2;
	v21 =	vmul.f32 $1.442695020e+00, v17;
	[tilespmem:s20+$0xA1C0] =	vst v25;
	v15 =	vmul.f32 $1.442695020e+00, v19;
	v22 =	vld [tilespmem:s20+$0x79F0]  }
0xc8: {  	s14 =	sadd.s32 $0x200, s14;
	v17 =	vld [tilespmem:s13+$0x1F0];
	[tilespmem:s20+$0xA1D0] =	vst v26;
	v19 =	vmul.f32 $1.442695020e+00, v24;
	(erf) = vpow2.f32 v27  }
0xc9: {  	v24 =	vld [tilespmem:s13+$0x29F0];
	[tilespmem:s20+$0xA1E0] =	vst v23;
	v3 =	vmul.f32 v13, v3  }
0xca: {  	v4 =	vmul.f32 v14, v4;
	v32 =	vld [tilespmem:s13+$0x180]  }
0xcb: {  	v5 =	vmul.f32 v16, v5;
	v23 =	vld [tilespmem:s13+$0x51F0];
	[tilespmem:s12+$0xC9C0] =	vst v3;
	v33 =	vpop (erf)  }
0xcc: {  	(erf) = vpow2.f32 v20;
	v3 =	vld [tilespmem:s13+$0x2980];
	[tilespmem:s12+$0xC9D0] =	vst v4;
	v4 =	vmul.f32 v33, v22  }
0xcd: {  	v34 =	vld [tilespmem:s13+$0x190];
	[tilespmem:s12+$0xC9E0] =	vst v5  }
0xce: {  	v5 =	vld [tilespmem:s13+$0x2990];
	[tilespmem:s20+$0xC9F0] =	vst v4  }
0xcf: {  	v36 =	vld [tilespmem:s13+$0x1A0]  }
0xd0: {  	v37 =	vld [tilespmem:s13+$0x29A0]  }
0xd1: {  	v35 =	vadd.f32 v24, v17;
	v39 =	vld [tilespmem:s13+$0x1B0]  }
0xd2: {  	(erf) = vpow2.f32 v18;
	v41 =	vld [tilespmem:s13+$0x29B0]  }
0xd3: {  	(erf) = vpow2.f32 v21;
	v38 =	vpop (erf);
	v44 =	vld [tilespmem:s13+$0x1C0];
	v4 =	vadd.f32 v23, v35  }
0xd4: {  	(erf) = vpow2.f32 v15;
	v45 =	vld [tilespmem:s13+$0x29C0];
	v40 =	vadd.f32 $1.000000000e+00, v38;
	v42 =	vpop (erf)  }
0xd5: {  	v46 =	vld [tilespmem:s13+$0x1D0];
	(erf) = vpow2.f32 v19;
	[tilespmem:s13+$0xA1F0] =	vst v4;
	v4 =	vsub.f32 $0.0e+00, v4;
	v19 =	vadd.f32 $1.000000000e+00, v42;
	v43 =	vpop (erf)  }
0xd6: {  	v47 =	vld [tilespmem:s13+$0x29D0];
	(erf) = vrcp.f32 v40;
	v15 =	vadd.f32 $1.000000000e+00, v43  }
0xd7: {  	v26 =	vld [tilespmem:s13+$0x5180];
	v4 =	vmul.f32 $1.442695020e+00, v4;
	(erf) = vrcp.f32 v19  }
0xd8: {  	v52 =	vld [tilespmem:s13+$0x5190];
	(erf) = vrcp.f32 v15  }
0xd9: {  	v27 =	vld [tilespmem:s13+$0x51A0];
	v3 =	vadd.f32 v3, v32;
	(erf) = vpow2.f32 v4  }
0xda: {  	v28 =	vld [tilespmem:s13+$0x51B0];
	v5 =	vadd.f32 v5, v34;
	v16 =	vadd.f32 v37, v36  }
0xdb: {  	v49 =	vpop (erf);
	v18 =	vadd.f32 v41, v39;
	v21 =	vadd.f32 v45, v44  }
0xdc: {  	v58 =	vadd.f32 v47, v46;
	v3 =	vadd.f32 v26, v3;
	v25 =	vpop (erf)  }
0xdd: {  	v23 =	vadd.f32 $1.000000000e+00, v49;
	v5 =	vadd.f32 v52, v5;
	v51 =	vpop (erf)  }
0xde: {  	v48 =	vld [tilespmem:s13+$0x1E0];
	v25 =	vadd.f32 $1.000000000e+00, v25;
	v16 =	vadd.f32 v27, v16;
	v53 =	vpop (erf)  }
0xdf: {  	v50 =	vld [tilespmem:s13+$0x29E0];
	v62 =	vsub.f32 $0.0e+00, v3;
	v63 =	vadd.f32 v28, v18;
	v54 =	vpop (erf)  }
0xe0: {  	v55 =	vld [tilespmem:s13+$0x51C0];
	(erf) = vrcp.f32 v23;
	v22 =	vsub.f32 $0.0e+00, v5;
	v9 =	vmul.f32 v54, v9;
	v56 =	vpop (erf)  }
0xe1: {  	v57 =	vld [tilespmem:s13+$0x51D0];
	(erf) = vrcp.f32 v25;
	v25 =	vsub.f32 $0.0e+00, v16;
	v13 =	vadd.f32 $1.000000000e+00, v51;
	v59 =	vpop (erf)  }
0xe2: {  	v26 =	vsub.f32 $0.0e+00, v63;
	v18 =	vmul.f32 $1.442695020e+00, v22;
	v17 =	vadd.f32 $1.000000000e+00, v53;
	[tilespmem:s20+$0xC980] =	vst v9;
	v61 =	vpop (erf)  }
0xe3: {  	v27 =	vmul.f32 $1.442695020e+00, v25;
	(erf) = vrcp.f32 v13;
	v60 =	vld [tilespmem:s13+$0x51E0];
	v15 =	vadd.f32 $1.000000000e+00, v61  }
0xe4: {  	v4 =	vadd.f32 v50, v48;
	(erf) = vrcp.f32 v17;
	v9 =	vmul.f32 $1.442695020e+00, v62  }
0xe5: {  	v24 =	vadd.f32 v55, v21;
	v20 =	vmul.f32 $1.442695020e+00, v26;
	(erf) = vrcp.f32 v15  }
0xe6: {  	v13 =	vadd.f32 v57, v58;
	v7 =	vmul.f32 v56, v7;
	(erf) = vpow2.f32 v9  }
0xe7: {  	v28 =	vsub.f32 $0.0e+00, v24;
	v8 =	vmul.f32 v59, v8;
	(erf) = vpow2.f32 v18  }
0xe8: {  	v30 =	vsub.f32 $0.0e+00, v13;
	v29 =	vld [tilespmem:s13+$0x7980];
	[tilespmem:s20+$0xC990] =	vst v7;
	v4 =	vadd.f32 v60, v4;
	(erf) = vpow2.f32 v27  }
0xe9: {  	v34 =	vpop (erf);
	v32 =	vld [tilespmem:s13+$0x7990];
	[tilespmem:s20+$0xC9A0] =	vst v8;
	v15 =	vmul.f32 $1.442695020e+00, v28;
	(erf) = vpow2.f32 v20  }
0xea: {  	v33 =	vmul.f32 $1.442695020e+00, v30;
	[tilespmem:s13+$0xA180] =	vst v3;
	v3 =	vmul.f32 v34, v6;
	v31 =	vsub.f32 $0.0e+00, v4  }
0xeb: {  	v35 =	vpop (erf);
	(erf) = vpow2.f32 v15  }
0xec: {  	v37 =	vpop (erf);
	v7 =	vmul.f32 $1.442695020e+00, v31;
	(erf) = vpow2.f32 v33  }
0xed: {  	v36 =	vld [tilespmem:s13+$0x79A0];
	v38 =	vpop (erf)  }
0xee: {  	v39 =	vld [tilespmem:s13+$0x79B0];
	[tilespmem:s20+$0xC9B0] =	vst v3;
	(erf) = vpow2.f32 v7;
	v3 =	vpop (erf)  }
0xef: {  	v40 =	vpop (erf)  }
0xf0: {  	[tilespmem:s13+$0xA190] =	vst v5;
	v5 =	vadd.f32 $1.000000000e+00, v40;
	v42 =	vpop (erf)  }
0xf1: {  	v43 =	vadd.f32 $1.000000000e+00, v42;
	v44 =	vpop (erf)  }
0xf2: {  	(erf) = vrcp.f32 v5;
	v46 =	vadd.f32 $1.000000000e+00, v44;
	v47 =	vpop (erf)  }
0xf3: {  	v48 =	vadd.f32 $1.000000000e+00, v47;
	(erf) = vrcp.f32 v43  }
0xf4: {  	v49 =	vpop (erf);
	(erf) = vrcp.f32 v46  }
0xf5: {  	[tilespmem:s13+$0xA1A0] =	vst v16;
	v51 =	vpop (erf);
	(erf) = vrcp.f32 v48  }
0xf6: {  	[tilespmem:s13+$0xA1B0] =	vst v63;
	v53 =	vld [tilespmem:s13+$0x79F0];
	v16 =	vadd.f32 $1.000000000e+00, v49  }
0xf7: {  	[tilespmem:s13+$0xA1C0] =	vst v24;
	v5 =	vadd.f32 $1.000000000e+00, v51;
	v52 =	vpop (erf)  }
0xf8: {  	v54 =	vmul.f32 v35, v10;
	v41 =	vld [tilespmem:s13+$0x79C0];
	[tilespmem:s13+$0xA1D0] =	vst v13;
	(erf) = vrcp.f32 v16;
	v19 =	vadd.f32 $1.000000000e+00, v52  }
0xf9: {  	v45 =	vld [tilespmem:s13+$0x79D0];
	v55 =	vmul.f32 v37, v11;
	[tilespmem:s13+$0xA1E0] =	vst v4;
	(erf) = vrcp.f32 v5  }
0xfa: {  	v50 =	vld [tilespmem:s13+$0x79E0];
	v56 =	vmul.f32 v38, v12;
	[tilespmem:s20+$0xC9C0] =	vst v54;
	(erf) = vrcp.f32 v19  }
0xfb: {  	[tilespmem:s20+$0xC9D0] =	vst v55;
	v3 =	vmul.f32 v3, v53;
	v57 =	vpop (erf)  }
0xfc: {  	[tilespmem:s20+$0xC9E0] =	vst v56;
	v58 =	vpop (erf)  }
0xfd: {  	[tilespmem:s13+$0xC9F0] =	vst v3;
	v3 =	vmul.f32 v58, v32;
	v59 =	vpop (erf)  }
0xfe: {  	v61 =	vpop (erf)  }
0xff: {  	v4 =	vmul.f32 v57, v29;
	[tilespmem:s13+$0xC990] =	vst v3;
	v3 =	vmul.f32 v61, v39  }
0x100: {  	v60 =	vmul.f32 v59, v36  }
0x101: {  	[tilespmem:s13+$0xC980] =	vst v4;
	v62 =	vpop (erf)  }
0x102: {  	[tilespmem:s13+$0xC9A0] =	vst v60;
	v63 =	vpop (erf);
	v5 =	vmul.f32 v62, v41  }
0x103: {  	[tilespmem:s13+$0xC9B0] =	vst v3;
	v4 =	vmul.f32 v63, v45;
	v3 =	vpop (erf)  }
0x104: {  	[tilespmem:s13+$0xC9C0] =	vst v5;
	v3 =	vmul.f32 v3, v50  }
0x105: {  	[tilespmem:s13+$0xC9D0] =	vst v4  }
0x106: {  	s11 =	sadd.s32 s10, s19;
	[tilespmem:s13+$0xC9E0] =	vst v3  }
0x107: {  	[hbm4b:s11+s2] =	stream.linear.scatter [tilespmem:s31], [sflag:$0x2], $0x2800, $0x38;
	[tilespmem:$0x1C200] =	vst v63  }
0x108: {  	s18 =	sadd.s32 $0x1, s18;
	_ =	swait.ge [sflag:s22], $0x2800  }
0x109: {  	p1 =	sne.s32 s18, $0xFA;
	[sflag:s22] =	ssyncset.done $0x0  }
.Ltmp2:
0x10a: {  	[sflag:s22] =	ssyncadd.s32 $0xFFFFD800;
	(pc) =	sbr.rel @p1 .LBB2_4-.Ltmp2, $4  }
0x10b: {  	[spmem:s1] =	stream.indirect.scatter.add.f32 [tilespmem:s5], [sflag:$0x2], $0x80, s0, s24, $0xb8;
	[tilespmem:$0x1C200] =	vst v63  }
0x10c: {  	_ =	swait.ge [sflag:s22], $0x2800  }
0x10d: {  	[sflag:s22] =	ssyncset.done $0x0  }
0x10e: {  	[sflag:s22] =	ssyncadd.s32 $0xFFFFD800  }
0x10f: {  	s11 =	stileid.u32;
	[bflag:$0x0] =	sbarrier.arrive $0xFFFF  }
0x110: {  	s13 =	sshrl.u32 s21, $0x3;
	s11 =	sshll.u32 s11, $0x6;
	s19 =	rddreg [dreg:$0x7]  }
0x111: {  	[dreg:$0xd] =	wrdreg s13;
	s12 =	sor.u32 $0x1C02, s11  }
0x112: {  	[hbm:s19], [sflag:s12] =	dma.local [spmem:s13], $0x1380  }
0x113: {  	_ =	swait.ge [sflag:s22], $0x1380  }
0x114: {  	s14 =	rddreg [dreg:$0x6]  }
0x115: {  	[sflag:s22] =	ssyncset.done $0x0;
	s11 =	rddreg [dreg:$0x8];
	s13 =	sshrl.u32 @!p0 s14, $0x3  }
0x116: {  	[sflag:s22] =	ssyncadd.s32 $0xFFFFEC80;
	[dreg:$0xe] =	wrdreg s13  }
0x117: {  	[hbm:s11], [sflag:s12] =	dma.local @!p0 [spmem:s13], $0x80  }
0x118: {  	s11 =	simm.s32 @!p0 $0x2  }
0x119: {  	_ =	swait.ge @!p0 [sflag:s11], $0x80  }
0x11a: {  	[sflag:s11] =	ssyncset.done @!p0 $0x0  }
0x11b: {  	s16 =	simm.s32 $0xF180;
	[sflag:s11] =	ssyncadd.s32 @!p0 $0xFFFFFF80  }
0x11c: {  	[spmem:s21] =	stream.linear.scatter [tilespmem:s16], [sflag:$0x2], $0x3400, $0x38;
	[tilespmem:$0x1C200] =	vst v63  }
0x11d: {  	_ =	swait.ge [sflag:s22], $0x3400  }
0x11e: {  	[sflag:s22] =	ssyncset.done $0x0  }
0x11f: {  	s20 =	rddreg [dreg:$0x4];
	[sflag:s22] =	ssyncadd.s32 $0xFFFFCC00  }
0x120: {  	[spmem:s20] =	stream.linear.scatter [tilespmem:s16], [sflag:$0x2], $0x3400, $0x38;
	[tilespmem:$0x1C200] =	vst v63  }
0x121: {  	_ =	swait.ge [sflag:s22], $0x3400  }
0x122: {  	[sflag:s22] =	ssyncset.done $0x0  }
0x123: {  	s21 =	rddreg [dreg:$0x5];
	[sflag:s22] =	ssyncadd.s32 $0xFFFFCC00  }
0x124: {  	[spmem:s21] =	stream.linear.scatter [tilespmem:s16], [sflag:$0x2], $0x3400, $0x38;
	[tilespmem:$0x1C200] =	vst v63  }
0x125: {  	_ =	swait.ge [sflag:s22], $0x3400  }
0x126: {  	[sflag:s22] =	ssyncset.done $0x0  }
0x127: {  	s13 =	simm.s32 @!p0 $0xF180;
	[sflag:s22] =	ssyncadd.s32 $0xFFFFCC00  }
0x128: {  	[spmem:s14] =	stream.linear.scatter @!p0 [tilespmem:s13], [sflag:$0x2], $0x800, $0x38;
	[tilespmem:$0x1C200] =	vst v63  }
0x129: {  	_ =	swait.ge @!p0 [sflag:s11], $0x800  }
0x12a: {  	[sflag:s11] =	ssyncset.done @!p0 $0x0  }
0x12b: {  	[sflag:s11] =	ssyncadd.s32 @!p0 $0xFFFFF800  }
0x12c: {  	s17 =	simm.s32 $0x0;
	s18 =	simm.s32 $0x0;
	[bflag:$0x0] =	sbarrier.arrive $0xFFFF  }
.LBB2_8:
0x12d: {  	s11 =	smul.u32 $0x50, s18;
	_ =	sdelay $0x1  }
0x12e: {  	s11 =	sadd.s32 s15, s11  }
0x12f: {  	s13 =	sshrl.u32 s11, $0x3  }
0x130: {  	s13 =	sadd.s32 s6, s13  }
0x131: {  	[tilespmem:s23], [sflag:$0x2] =	stream.linear.gather [hbm4b:s13+s17], $0x50, $0x38;
	[tilespmem:$0x1C200] =	vst v63  }
0x132: {  	_ =	swait.ge [sflag:s22], $0x50  }
0x133: {  	[sflag:s22] =	ssyncset.done $0x0  }
0x134: {  	[sflag:s22] =	ssyncadd.s32 $0xFFFFFFB0  }
0x135: {  	v3 =	vld [tilespmem:$0x80]  }
0x136: {  	v4 =	vld [tilespmem:$0x90]  }
0x137: {  	v5 =	vld [tilespmem:$0xA0];
	_ =	sdelay $0x1  }
0x138: {  	v6 =	vld [tilespmem:$0xB0]  }
0x139: {  	v7 =	vld [tilespmem:$0xC0]  }
0x13a: {  	vm0 =	vge.s32 v3, v0;
	vm1 =	vlt.s32 v3, v1;
	v3 =	vsub.s32 v3, v0  }
0x13b: {  	vm7 =	vge.s32 v4, v0;
	vm8 =	vlt.s32 v4, v1;
	vm2 =	vge.s32 v5, v0  }
0x13c: {  	vm3 =	vlt.s32 v5, v1;
	v4 =	vsub.s32 v4, v0;
	v5 =	vsub.s32 v5, v0  }
0x13d: {  	vm10 =	vge.s32 v6, v0;
	vm11 =	vlt.s32 v6, v1;
	vm0 =	vmand vm0, vm1  }
0x13e: {  	vm13 =	vge.s32 v7, v0;
	v3 =	vnsel vm0, $0x1388, v3;
	vm0 =	vmand vm7, vm8  }
0x13f: {  	vm14 =	vlt.s32 v7, v1;
	vm9 =	vmand vm2, vm3;
	v4 =	vnsel vm0, $0x1388, v4;
	[tilespmem:$0x100] =	vst v3  }
0x140: {  	vm12 =	vmand vm10, vm11;
	v3 =	vnsel vm9, $0x1388, v5;
	[tilespmem:$0x110] =	vst v4;
	v4 =	vsub.s32 v6, v0  }
0x141: {  	vm15 =	vmand vm13, vm14;
	[tilespmem:$0x120] =	vst v3;
	v3 =	vsub.s32 v7, v0;
	v4 =	vnsel vm12, $0x1388, v4  }
0x142: {  	s11 =	sshll.u32 s11, $0x4;
	v3 =	vnsel vm15, $0x1388, v3;
	[tilespmem:$0x130] =	vst v4  }
0x143: {  	s11 =	sadd.s32 s10, s11;
	[tilespmem:$0x140] =	vst v3  }
0x144: {  	[tilespmem:s31], [sflag:$0x2] =	stream.linear.gather [hbm4b:s11+s17], $0x2800, $0x38;
	[tilespmem:$0x1C200] =	vst v63  }
0x145: {  	_ =	swait.ge [sflag:s22], $0x2800  }
0x146: {  	[sflag:s22] =	ssyncset.done $0x0  }
0x147: {  	s19 =	simm.s32 $0x0;
	[sflag:s22] =	ssyncadd.s32 $0xFFFFD800  }
0x148: {  	v3 =	vld [tilespmem:s19+$0xA180];
	_ =	sdelay $0x1  }
0x149: {  	s20 =	simm.s32 $0x10  }
0x14a: {  	v4 =	vld [tilespmem:s20+$0xA180];
	_ =	sdelay $0x1  }
0x14b: {  	v3 =	vsub.f32 $0.0e+00, v3;
	_ =	sdelay $0x1  }
0x14c: {  	v3 =	vmul.f32 $1.442695020e+00, v3  }
0x14d: {  	v4 =	vsub.f32 $0.0e+00, v4  }
0x14e: {  	s21 =	simm.s32 $0x20;
	(erf) = vpow2.f32 v3  }
0x14f: {  	v3 =	vmul.f32 $1.442695020e+00, v4;
	v4 =	vld [tilespmem:s21+$0xA180];
	_ =	sdelay $0x1  }
0x150: {  	(erf) = vpow2.f32 v3  }
0x151: {  	s11 =	simm.s32 $0x30  }
0x152: {  	v3 =	vld [tilespmem:s11+$0xA180]  }
0x153: {  	v4 =	vsub.f32 $0.0e+00, v4;
	_ =	sdelay $0x1  }
0x154: {  	v4 =	vmul.f32 $1.442695020e+00, v4  }
0x155: {  	v5 =	vpop (erf)  }
0x156: {  	v3 =	vsub.f32 $0.0e+00, v3;
	v5 =	vadd.f32 $1.000000000e+00, v5  }
0x157: {  	(erf) = vpow2.f32 v4  }
0x158: {  	v3 =	vmul.f32 $1.442695020e+00, v3;
	v4 =	vpop (erf);
	(erf) = vrcp.f32 v5  }
0x159: {  	s16 =	simm.s32 $0x40;
	v4 =	vadd.f32 $1.000000000e+00, v4  }
0x15a: {  	(erf) = vpow2.f32 v3;
	v3 =	vld [tilespmem:s16+$0xA180]  }
0x15b: {  	(erf) = vrcp.f32 v4;
	_ =	sdelay $0x2  }
0x15c: {  	s13 =	simm.s32 $0x140  }
.LBB2_9:
0x15d: {  	s14 =	sshra.s32 s13, $0x2;
	v4 =	vsub.f32 $0.0e+00, v3;
	p1 =	sne.s32 s13, $0x9FC0  }
.Ltmp3:
0x15e: {  	s13 =	sadd.s32 $0x40, s13;
	v3 =	vld [tilespmem:s14+$0xA180];
	v5 =	vpop (erf);
	(pc) =	sbr.rel @p1 .LBB2_9-.Ltmp3, $4  }
0x15f: {  	v4 =	vmul.f32 $1.442695020e+00, v4;
	v6 =	vpop (erf)  }
0x160: {  	v5 =	vadd.f32 $1.000000000e+00, v5;
	[tilespmem:s19+$0xC980] =	vst v6;
	s19 =	smov.u32 s20;
	s20 =	smov.u32 s21;
	s21 =	smov.u32 s11  }
0x161: {  	s11 =	smov.u32 s16;
	s16 =	smov.u32 s14;
	(erf) = vpow2.f32 v4  }
0x162: {  	(erf) = vrcp.f32 v5  }
0x163: {  	v3 =	vsub.f32 $0.0e+00, v3;
	_ =	sdelay $0x1  }
0x164: {  	v3 =	vmul.f32 $1.442695020e+00, v3;
	_ =	sdelay $0x1  }
0x165: {  	(erf) = vpow2.f32 v3;
	_ =	sdelay $0x4  }
0x166: {  	v3 =	vpop (erf)  }
0x167: {  	v4 =	vpop (erf)  }
0x168: {  	v5 =	vpop (erf)  }
0x169: {  	v3 =	vadd.f32 $1.000000000e+00, v3;
	v6 =	vpop (erf)  }
0x16a: {  	v5 =	vadd.f32 $1.000000000e+00, v5;
	v7 =	vpop (erf)  }
0x16b: {  	(erf) = vrcp.f32 v3;
	v3 =	vadd.f32 $1.000000000e+00, v7  }
0x16c: {  	(erf) = vrcp.f32 v5  }
0x16d: {  	(erf) = vrcp.f32 v3;
	_ =	sdelay $0x5  }
0x16e: {  	[tilespmem:s19+$0xC980] =	vst v4  }
0x16f: {  	[tilespmem:s20+$0xC980] =	vst v6;
	v3 =	vpop (erf)  }
0x170: {  	s18 =	sadd.s32 $0x1, s18;
	[tilespmem:s21+$0xC980] =	vst v3;
	v3 =	vpop (erf)  }
0x171: {  	p1 =	sne.s32 s18, $0xFA;
	[tilespmem:s11+$0xC980] =	vst v3;
	v3 =	vpop (erf)  }
.Ltmp4:
0x172: {  	[tilespmem:s16+$0xC980] =	vst v3;
	(pc) =	sbr.rel @p1 .LBB2_8-.Ltmp4, $4  }
0x173: {  	[spmem:s1] =	stream.indirect.scatter.add.f32 [tilespmem:s5], [sflag:$0x2], $0x80, s0, s24, $0xb8;
	[tilespmem:$0x1C200] =	vst v63  }
0x174: {  	_ =	swait.ge [sflag:s22], $0x2800  }
0x175: {  	[sflag:s22] =	ssyncset.done $0x0  }
0x176: {  	[sflag:s22] =	ssyncadd.s32 $0xFFFFD800  }
0x177: {  	[bflag:$0x0] =	sbarrier.arrive $0xFFFF  }
0x178: {  	s11 =	rddreg [dreg:$0x9]  }
0x179: {  	s13 =	rddreg [dreg:$0xd]  }
0x17a: {  	[hbm:s11], [sflag:s12] =	dma.local [spmem:s13], $0x1380  }
0x17b: {  	_ =	swait.ge [sflag:s22], $0x1380  }
0x17c: {  	[sflag:s22] =	ssyncset.done $0x0;
	s11 =	rddreg [dreg:$0xa]  }
0x17d: {  	s13 =	rddreg [dreg:$0xe];
	[sflag:s22] =	ssyncadd.s32 $0xFFFFEC80  }
0x17e: {  	[hbm:s11], [sflag:s12] =	dma.local @!p0 [spmem:s13], $0x80  }
0x17f: {  	s11 =	simm.s32 @!p0 $0x2  }
0x180: {  	_ =	swait.ge @!p0 [sflag:s11], $0x80  }
0x181: {  	s20 =	rddreg [dreg:$0xc]  }
0x182: {  	s21 =	rddreg [dreg:$0xb];
	s13 =	sadd.s32 $0x1, s20  }
0x183: {  	p1 =	sne.s32 s13, s21  }
.Ltmp5:
0x184: {  	_ = 	snop;
	(pc) =	sbr.rel @p1 .LBB2_1-.Ltmp5, $3  }
0x185: {  	_ =	sdelay $0x1  }
0x186: {  	[sflag:s11] =	ssyncset.done @!p0 $0x0  }
0x187: {  	[sflag:s11] =	ssyncadd.s32 @!p0 $0xFFFFFF80;
	s21 =	rddreg [dreg:$0x3]  }
0x188: {  	_ =	sfence.sel $0x180000  }
0x189: {  	[bflag:$0x0] =	sbarrier.arrive $0xFFFF  }
0x18a: {  	_ =	strace $0x9000004A  }
0x18b: {  	s0 =	stileid.u32;
	[bflag:$0x2] =	sbarrier.arrive $0xFFFF  }
0x18c: {  	p0 =	sne.s32 s0, $0x0;
	s0 =	rddreg [dreg:$0x2]  }
0x18d: {  	s0 =	sadd.s32 @!p0 $0x100000, s0  }
0x18e: {  	[sflag:s0] =	ssyncadd.tile.s32 @!p0 $0x1;
	_ =	shalt  }
.Lfunc_end2:
_tile_overlayer_lowered:
.L_overlay_start_2:
0x18f: {  	(tag) =	ssettag $0x2  }
0x190: {  	s0 =	rddreg [dreg:$0x0];
	s2 =	stileid.u32  }
0x191: {  	s1 =	rddreg [dreg:$0x1];
	p0 =	sne.s32 s2, $0x0  }
0x192: {  	s3 =	rddreg [dreg:$0x2];
	[bflag:$0x3] =	sbarrier.arrive $0xFFFF;
	s2 =	simm.s32 @!p0 $0x1C02  }
0x193: {  	[timem:s3], [sflag:s2] =	dma.local @!p0 [hbm:s0], s1  }
0x194: {  	s0 =	simm.s32 @!p0 $0x2  }
0x195: {  	_ =	swait.ge @!p0 [sflag:s0], s1  }
0x196: {  	s1 =	ssub.s32 @!p0 $0x0, s1;
	[sflag:s0] =	ssyncset.done @!p0 $0x0  }
0x197: {  	[sflag:s0] =	ssyncadd.s32 @!p0 s1  }
0x198: {  	[bflag:$0x3] =	sbarrier.arrive $0xFFFF  }
0x199: {  	_ =	shalt  }

</sc_bundles>
